<compile_context>
chip_gen: v7x
topology: tpu7x:2x2x1
jax: 0.10.2.dev20260603
libtpu: 0.0.44.dev20260713+nightly
codegen_flags: <defaults>
</compile_context>

<pallas_src>
import functools

import jax
import jax.numpy as jnp
from jax import lax
from jax.experimental import pallas as pl
from jax.experimental.pallas import tpu as pltpu
from jax.experimental.pallas import tpu_sc as plsc

N = 10000
E = 320000
F_IN = 160
H = 2
HID = 256

ROW_BLK = 2000
N_BLKS = N // ROW_BLK

LROW = 21504
EL = E + N
CHUNK = 64
CPT = 324
EPT = CPT * CHUNK
EL_PAD = 16 * EPT
NSC = 5000
NACC = 5120
RPT = NACC // 16
FE = HID + 16


def _lrelu(v):
    return jnp.where(v >= 0, v, 0.2 * v)



def _front_body(x_ref, w_ref, att_ref, xw0_ref, xw1_ref, a_ref):
    xw = jnp.dot(x_ref[:], w_ref[:], preferred_element_type=jnp.float32)
    one = jnp.ones((ROW_BLK, 1), jnp.float32)
    zpad = jnp.zeros((ROW_BLK, FE - HID - 1), jnp.float32)
    xw0_ref[:] = jnp.concatenate([xw[:, :HID], one, zpad], axis=1)
    xw1_ref[:] = jnp.concatenate([xw[:, HID:], one, zpad], axis=1)
    a_ref[:] = jnp.dot(xw, att_ref[:], preferred_element_type=jnp.float32)


def _front(x, W, att_mat):
    return pl.pallas_call(
        _front_body,
        grid=(N_BLKS,),
        in_specs=[
            pl.BlockSpec((ROW_BLK, F_IN), lambda i: (i, 0)),
            pl.BlockSpec((F_IN, H * HID), lambda i: (0, 0)),
            pl.BlockSpec((H * HID, 4), lambda i: (0, 0)),
        ],
        out_specs=[
            pl.BlockSpec((ROW_BLK, FE), lambda i: (i, 0)),
            pl.BlockSpec((ROW_BLK, FE), lambda i: (i, 0)),
            pl.BlockSpec((ROW_BLK, 4), lambda i: (i, 0)),
        ],
        out_shape=[
            jax.ShapeDtypeStruct((N, FE), jnp.float32),
            jax.ShapeDtypeStruct((N, FE), jnp.float32),
            jax.ShapeDtypeStruct((N, 4), jnp.float32),
        ],
    )(x, W, att_mat)



def _edge_sc(srcp, dstp, asrep, adrep, xwef):
    mesh = plsc.VectorSubcoreMesh(core_axis_name="c", subcore_axis_name="s")

    @functools.partial(
        pl.kernel, mesh=mesh,
        compiler_params=pltpu.CompilerParams(needs_layout_passes=False,
                                             use_tc_tiling_on_sc=False),
        out_type=jax.ShapeDtypeStruct((4 * NACC, FE), jnp.float32),
        scratch_types=[
            [pltpu.VMEM((CHUNK,), jnp.int32)] * 2,
            [pltpu.VMEM((CHUNK,), jnp.int32)] * 2,
            [pltpu.VMEM((CHUNK,), jnp.int32)] * 2,
            [pltpu.VMEM((CHUNK,), jnp.int32)] * 2,
            [pltpu.VMEM((CHUNK,), jnp.float32)] * 2,
            [pltpu.VMEM((CHUNK, 16), jnp.float32)] * 2,
            [pltpu.VMEM((CHUNK, 16), jnp.float32)] * 2,
            [pltpu.VMEM((CHUNK, FE), jnp.float32)] * 2,
            pltpu.VMEM((1168,), jnp.int32),
            pltpu.VMEM((576,), jnp.int32),
            pltpu.VMEM((576,), jnp.int32),
            pltpu.HBM((2 * 16 * LROW,), jnp.int32),
            pltpu.VMEM_SHARED((NACC, FE), jnp.float32),
            [pltpu.SemaphoreType.DMA] * 2,
            [pltpu.SemaphoreType.DMA] * 2,
            [pltpu.SemaphoreType.DMA] * 2,
        ],
    )
    def body(srcp_h, dstp_h, asr_h, adr_h, xwe_h, out,
             srcbuf, dstbuf, sidxbuf, locbuf, okbuf, sabuf, dabuf, staging,
             chunkbuf, pbuf_s, pbuf_d, lists, acc, sem, sem2, sem3):
        sc = lax.axis_index("c")
        s = lax.axis_index("s")
        tile_base = s * EPT
        lo = sc * NSC
        lbase = (sc * 16 + s) * LROW

        z16 = jnp.zeros((16,), jnp.float32)
        zi16 = jnp.zeros((16,), jnp.int32)
        i16 = lax.iota(jnp.int32, 16)
        SENT = NACC - 1

        PCH = 576
        def prep_body(k, carry):
            cnt8, f = carry
            off = tile_base + k * PCH
            pltpu.sync_copy(srcp_h.at[pl.ds(off, PCH)], pbuf_s)
            pltpu.sync_copy(dstp_h.at[pl.ds(off, PCH)], pbuf_d)
            lcnt = f
            for g in range(PCH // 16):
                s16 = pbuf_s[pl.ds(16 * g, 16)]
                d16 = pbuf_d[pl.ds(16 * g, 16)]
                eid = off + 16 * g + i16
                m = (eid < EL) & (d16 >= lo) & (d16 < lo + NSC)
                mi = jnp.where(m, 1, 0).astype(jnp.int32)
                pos = lcnt + plsc.cumsum(mi) - mi
                plsc.store_scatter(chunkbuf, [pos],
                                   (s16 << 13) | (d16 - lo), mask=m)
                lcnt = lcnt + jnp.sum(mi)
            flushed = lcnt >= PCH
            @pl.when(flushed)
            def _flush():
                pltpu.sync_copy(
                    chunkbuf.at[pl.ds(0, PCH)],
                    lists.at[pl.ds(pl.multiple_of(lbase + cnt8, 8), PCH)])
                for g in range(PCH // 16):
                    chunkbuf[pl.ds(16 * g, 16)] = (
                        chunkbuf[pl.ds(PCH + 16 * g, 16)])
            cnt8 = jnp.where(flushed, cnt8 + PCH, cnt8)
            f = jnp.where(flushed, lcnt - PCH, lcnt)
            return (cnt8, f)
        cnt8, f = lax.fori_loop(0, EPT // PCH, prep_body,
                                (jnp.int32(0), jnp.int32(0)))
        for g in range(37):
            idx = 16 * g + i16
            cur = chunkbuf[pl.ds(16 * g, 16)]
            chunkbuf[pl.ds(16 * g, 16)] = jnp.where(idx < f, cur, zi16 + SENT)
        tb = pl.multiple_of(lbase + cnt8, 8)
        pltpu.sync_copy(chunkbuf.at[pl.ds(0, 584)], lists.at[pl.ds(tb, 584)])
        for g in range(5):
            chunkbuf[pl.ds(16 * g, 16)] = zi16 + SENT
        pltpu.sync_copy(chunkbuf.at[pl.ds(0, 64)],
                        lists.at[pl.ds(tb + 584, 64)])
        pltpu.sync_copy(chunkbuf.at[pl.ds(0, 64)],
                        lists.at[pl.ds(tb + 648, 64)])
        cnt = cnt8 + f
        nchunks = (cnt + CHUNK - 1) // CHUNK

        def head_body(h, carry0):
            def zrow(r, carry):
                for c in range(FE // 16):
                    staging[0][r, pl.ds(16 * c, 16)] = z16
                return carry
            lax.fori_loop(0, CHUNK, zrow, 0)
            offs = s * RPT
            def zacc(z, carry):
                pltpu.sync_copy(staging[0],
                                acc.at[pl.ds(offs + z * CHUNK, CHUNK)])
                return carry
            lax.fori_loop(0, RPT // CHUNK, zacc, 0)
            plsc.subcore_barrier()

            hN = h * N

            def stage_issue(k, b):
                pltpu.sync_copy(
                    lists.at[pl.ds(pl.multiple_of(lbase + k * CHUNK, 8), CHUNK)],
                    srcbuf[b])
                for g in range(CHUNK // 16):
                    v16 = srcbuf[b][pl.ds(16 * g, 16)]
                    loc16 = v16 & (2 ** 13 - 1)
                    s16 = v16 >> 13
                    ok = loc16 != SENT
                    okbuf[b][pl.ds(16 * g, 16)] = jnp.where(ok, 1.0, 0.0)
                    locbuf[b][pl.ds(16 * g, 16)] = loc16
                    sidxbuf[b][pl.ds(16 * g, 16)] = s16 + hN
                    dstbuf[b][pl.ds(16 * g, 16)] = loc16 + lo + hN
                pltpu.async_copy(xwe_h.at[sidxbuf[b]], staging[b], sem[b])
                pltpu.async_copy(asr_h.at[sidxbuf[b]], sabuf[b], sem2[b])
                pltpu.async_copy(adr_h.at[dstbuf[b]], dabuf[b], sem3[b])

            def wait_gathers(b):
                pltpu.make_async_copy(xwe_h.at[sidxbuf[b]], staging[b], sem[b]).wait()
                pltpu.make_async_copy(asr_h.at[sidxbuf[b]], sabuf[b], sem2[b]).wait()
                pltpu.make_async_copy(adr_h.at[dstbuf[b]], dabuf[b], sem3[b]).wait()

            def scale_scatter(b):
                def srow(r, carry2):
                    lg = sabuf[b][r, pl.ds(0, 16)] + dabuf[b][r, pl.ds(0, 16)]
                    lg = jnp.where(lg >= 0, lg, 0.2 * lg)
                    okspl = plsc.load_gather(
                        okbuf[b], [jnp.zeros((16,), jnp.int32) + r])
                    wspl = jnp.exp(lg) * okspl
                    for c in range(FE // 16):
                        staging[b][r, pl.ds(16 * c, 16)] = (
                            staging[b][r, pl.ds(16 * c, 16)] * wspl)
                    return carry2
                lax.fori_loop(0, CHUNK, srow, 0)
                pltpu.sync_copy(staging[b], acc.at[locbuf[b]], add=True)

            stage_issue(0, 0)

            def pair_body(j, carry):
                k0 = 2 * j
                stage_issue(jnp.minimum(k0 + 1, nchunks), 1)
                wait_gathers(0)
                scale_scatter(0)
                stage_issue(jnp.minimum(k0 + 2, nchunks), 0)
                wait_gathers(1)
                scale_scatter(1)
                return carry
            lax.fori_loop(0, (nchunks + 1) // 2, pair_body, 0)
            wait_gathers(0)
            plsc.subcore_barrier()

            obase = h * 2 * NACC + sc * NACC + offs
            def cpout(z, carry):
                pltpu.sync_copy(acc.at[pl.ds(offs + z * CHUNK, CHUNK)],
                                out.at[pl.ds(obase + z * CHUNK, CHUNK)])
                return carry
            lax.fori_loop(0, RPT // CHUNK, cpout, 0)
            plsc.subcore_barrier()
            return carry0
        lax.fori_loop(0, 2, head_body, 0)

    return body(srcp, dstp, asrep, adrep, xwef)



def _mid_body(s0_ref, s1_ref, den_ref, bias_ref, h_ref, ps_ref, pq_ref):
    den0 = den_ref[:, 0:1]
    den1 = den_ref[:, 1:2]
    h = (s0_ref[:] / (den0 + 1e-16) + s1_ref[:] / (den1 + 1e-16)) * 0.5
    h = h + bias_ref[:]
    h_ref[:] = h
    ps_ref[0, 0, :] = jnp.sum(h, axis=0)
    pq_ref[0, 0, :] = jnp.sum(h * h, axis=0)


def _mid(s0, s1, den, bias):
    return pl.pallas_call(
        _mid_body,
        grid=(N_BLKS,),
        in_specs=[
            pl.BlockSpec((ROW_BLK, HID), lambda i: (i, 0)),
            pl.BlockSpec((ROW_BLK, HID), lambda i: (i, 0)),
            pl.BlockSpec((ROW_BLK, 2), lambda i: (i, 0)),
            pl.BlockSpec((1, HID), lambda i: (0, 0)),
        ],
        out_specs=[
            pl.BlockSpec((ROW_BLK, HID), lambda i: (i, 0)),
            pl.BlockSpec((1, 1, HID), lambda i: (i, 0, 0)),
            pl.BlockSpec((1, 1, HID), lambda i: (i, 0, 0)),
        ],
        out_shape=[
            jax.ShapeDtypeStruct((N, HID), jnp.float32),
            jax.ShapeDtypeStruct((N_BLKS, 1, HID), jnp.float32),
            jax.ShapeDtypeStruct((N_BLKS, 1, HID), jnp.float32),
        ],
    )(s0, s1, den, bias)



def _mlp_body(h_ref, sc_ref, sh_ref, w1_ref, b1_ref, w2_ref, b2_ref,
              w3_ref, b3_ref, w4_ref, b4_ref, o_ref):
    h = _lrelu(h_ref[:] * sc_ref[:] + sh_ref[:])
    h = _lrelu(jnp.dot(h, w1_ref[:], preferred_element_type=jnp.float32) + b1_ref[:])
    h = _lrelu(jnp.dot(h, w2_ref[:], preferred_element_type=jnp.float32) + b2_ref[:])
    h = _lrelu(jnp.dot(h, w3_ref[:], preferred_element_type=jnp.float32) + b3_ref[:])
    h = _lrelu(jnp.dot(h, w4_ref[:], preferred_element_type=jnp.float32) + b4_ref[:])
    o_ref[:] = h


def _mlp(h, scale, shift, w1, b1, w2, b2, w3, b3, w4, b4):
    full = lambda shape: pl.BlockSpec(shape, lambda i: tuple(0 for _ in shape))
    return pl.pallas_call(
        _mlp_body,
        grid=(N_BLKS,),
        in_specs=[
            pl.BlockSpec((ROW_BLK, HID), lambda i: (i, 0)),
            full((1, HID)), full((1, HID)),
            full((HID, HID // 2)), full((1, HID // 2)),
            full((HID // 2, HID // 4)), full((1, HID // 4)),
            full((HID // 4, HID // 4)), full((1, HID // 4)),
            full((HID // 4, 128)), full((1, 128)),
        ],
        out_specs=pl.BlockSpec((ROW_BLK, 128), lambda i: (i, 0)),
        out_shape=jax.ShapeDtypeStruct((N, 128), jnp.float32),
    )(h, scale, shift, w1, b1, w2, b2, w3, b3, w4, b4)



def kernel(normal_features, noise, edge_index, batch, W, att_src, att_dst,
           conv_bias, bn_gamma, bn_beta, w1, b1, w2, b2, w3, b3, w4, b4):
    x = jnp.concatenate([normal_features, noise], axis=1)
    loop = jnp.arange(N, dtype=edge_index.dtype)
    src = jnp.concatenate([edge_index[0], loop])
    dst = jnp.concatenate([edge_index[1], loop])

    z = jnp.zeros((HID,), jnp.float32)
    att_mat = jnp.stack([
        jnp.concatenate([att_src[0], z]),
        jnp.concatenate([z, att_src[1]]),
        jnp.concatenate([att_dst[0], z]),
        jnp.concatenate([z, att_dst[1]]),
    ], axis=1)

    xw0e, xw1e, a = _front(x, W, att_mat)

    m = _lrelu(jnp.max(a[:, 0:2], axis=0) + jnp.max(a[:, 2:4], axis=0))
    xwef = jnp.concatenate([xw0e * jnp.exp(-m[0]), xw1e * jnp.exp(-m[1])])

    pad = jnp.zeros((EL_PAD - EL,), dtype=edge_index.dtype)
    srcp = jnp.concatenate([src, pad])
    dstp = jnp.concatenate([dst, pad])

    asrep = jnp.broadcast_to(a[:, 0:2].T.reshape(2 * N, 1), (2 * N, 16))
    adrep = jnp.broadcast_to(a[:, 2:4].T.reshape(2 * N, 1), (2 * N, 16))
    outf = _edge_sc(srcp, dstp, asrep, adrep, xwef)
    s0e = jnp.concatenate([outf[:NSC], outf[NACC:NACC + NSC]], axis=0)
    s1e = jnp.concatenate([outf[2 * NACC:2 * NACC + NSC],
                           outf[3 * NACC:3 * NACC + NSC]], axis=0)
    s0 = s0e[:, :HID]
    s1 = s1e[:, :HID]
    den = jnp.stack([s0e[:, HID], s1e[:, HID]], axis=1)

    h, ps, pq = _mid(s0, s1, den, conv_bias.reshape(1, HID))
    mu = ps.sum(axis=(0, 1)) / N
    var = pq.sum(axis=(0, 1)) / N - mu * mu
    scale = bn_gamma / jnp.sqrt(var + 1e-5)
    shift = bn_beta - mu * scale

    return _mlp(h, scale.reshape(1, HID), shift.reshape(1, HID),
                w1, b1.reshape(1, -1), w2, b2.reshape(1, -1),
                w3, b3.reshape(1, -1), w4, b4.reshape(1, -1))

# --- scband reference (transcript-rebuilt; emitter-appended) ---
"""Pipeline reference for scband-generator-36945308680830 (READ-ONLY COPY).

The authoritative reference and input builder live on the scoring server;
editing this copy changes nothing except your own understanding.
"""

import jax, jax.numpy as jnp
import numpy as np

N = 10000
E = 320000
F_DIM = 128
NOISE = 32
H = 2
HID = 256


def setup_inputs(seed: int = 0) -> dict:
    key = jax.random.key(seed)
    ks = jax.random.split(key, 20)
    s = 0.05
    inp = {}
    inp['normal_features'] = jax.random.normal(ks[0], (N, F_DIM), dtype=jnp.float32)
    inp['noise'] = jax.random.normal(ks[1], (N, NOISE), dtype=jnp.float32)
    inp['edge_index'] = jax.random.randint(ks[2], (2, E), 0, N, dtype=jnp.int32)
    inp['batch'] = jnp.zeros((N,), dtype=jnp.int32)
    # GATConv params: heads=2, concat=False
    inp['W'] = jax.random.normal(ks[3], (F_DIM + NOISE, H * HID), dtype=jnp.float32) * s
    inp['att_src'] = jax.random.normal(ks[4], (H, HID), dtype=jnp.float32) * s
    inp['att_dst'] = jax.random.normal(ks[5], (H, HID), dtype=jnp.float32) * s
    inp['conv_bias'] = jnp.zeros((HID,), dtype=jnp.float32)
    # BatchNorm params
    inp['bn_gamma'] = jnp.ones((HID,), dtype=jnp.float32)
    inp['bn_beta'] = jnp.zeros((HID,), dtype=jnp.float32)
    # fc layers
    inp['w1'] = jax.random.normal(ks[6], (HID, HID // 2), dtype=jnp.float32) * s
    inp['b1'] = jnp.zeros((HID // 2,), dtype=jnp.float32)
    inp['w2'] = jax.random.normal(ks[7], (HID // 2, HID // 4), dtype=jnp.float32) * s
    inp['b2'] = jnp.zeros((HID // 4,), dtype=jnp.float32)
    inp['w3'] = jax.random.normal(ks[8], (HID // 4, HID // 4), dtype=jnp.float32) * s
    inp['b3'] = jnp.zeros((HID // 4,), dtype=jnp.float32)
    inp['w4'] = jax.random.normal(ks[9], (HID // 4, F_DIM), dtype=jnp.float32) * s
    inp['b4'] = jnp.zeros((F_DIM,), dtype=jnp.float32)
    return inp


def _lrelu(v):
    return jnp.where(v >= 0, v, 0.2 * v)


def reference(normal_features, noise, edge_index, batch, W, att_src, att_dst, conv_bias, bn_gamma, bn_beta, w1, b1, w2, b2, w3, b3, w4, b4):
    x = jnp.concatenate([normal_features, noise], axis=1)
    n = x.shape[0]
    # GATConv with add_self_loops=True (PyG default)
    loop = jnp.arange(n, dtype=edge_index.dtype)
    src = jnp.concatenate([edge_index[0], loop])
    dst = jnp.concatenate([edge_index[1], loop])
    xw = (x @ W).reshape(n, H, HID)
    a_s = (xw * att_src[None, :, :]).sum(-1)  # [N, H]
    a_d = (xw * att_dst[None, :, :]).sum(-1)  # [N, H]
    alpha = _lrelu(a_s[src] + a_d[dst])       # [E+N, H]
    amax = jax.ops.segment_max(alpha, dst, num_segments=n)
    alpha = jnp.exp(alpha - amax[dst])
    denom = jax.ops.segment_sum(alpha, dst, num_segments=n)
    alpha = alpha / (denom[dst] + 1e-16)
    out = jax.ops.segment_sum(xw[src] * alpha[:, :, None], dst, num_segments=n)  # [N, H, HID]
    h = out.mean(axis=1) + conv_bias  # concat=False -> mean over heads
    # BatchNorm (training-mode batch stats)
    mu = h.mean(axis=0)
    var = h.var(axis=0)
    h = (h - mu) / jnp.sqrt(var + 1e-5) * bn_gamma + bn_beta
    h = _lrelu(h)
    # dropout_prob=0.0 -> identity
    h = _lrelu(h @ w1 + b1)
    h = _lrelu(h @ w2 + b2)
    h = _lrelu(h @ w3 + b3)
    h = _lrelu(h @ w4 + b4)
    return h

if __name__ == "__main__":
    import jax
    _d = setup_inputs()
    print(jax.jit(kernel)(*tuple(_d.values())))

</pallas_src>

<mosaic_0001>
#map = affine_map<(d0, d1) -> (0)>
#map1 = affine_map<(d0, d1) -> (0, 0)>
module attributes {stable_mosaic.version = 14 : i64} {
  func.func @body(%arg0: i32, %arg1: i32, %arg2: memref<331776xi32, #tpu.memory_space<hbm>>, %arg3: memref<331776xi32, #tpu.memory_space<hbm>>, %arg4: memref<20000x16xf32, #tpu.memory_space<hbm>>, %arg5: memref<20000x16xf32, #tpu.memory_space<hbm>>, %arg6: memref<20000x272xf32, #tpu.memory_space<hbm>>, %arg7: memref<20480x272xf32, #tpu.memory_space<hbm>>, %arg8: memref<64xi32, #tpu.memory_space<vmem>>, %arg9: memref<64xi32, #tpu.memory_space<vmem>>, %arg10: memref<64xi32, #tpu.memory_space<vmem>>, %arg11: memref<64xi32, #tpu.memory_space<vmem>>, %arg12: memref<64xi32, #tpu.memory_space<vmem>>, %arg13: memref<64xi32, #tpu.memory_space<vmem>>, %arg14: memref<64xi32, #tpu.memory_space<vmem>>, %arg15: memref<64xi32, #tpu.memory_space<vmem>>, %arg16: memref<64xf32, #tpu.memory_space<vmem>>, %arg17: memref<64xf32, #tpu.memory_space<vmem>>, %arg18: memref<64x16xf32, #tpu.memory_space<vmem>>, %arg19: memref<64x16xf32, #tpu.memory_space<vmem>>, %arg20: memref<64x16xf32, #tpu.memory_space<vmem>>, %arg21: memref<64x16xf32, #tpu.memory_space<vmem>>, %arg22: memref<64x272xf32, #tpu.memory_space<vmem>>, %arg23: memref<64x272xf32, #tpu.memory_space<vmem>>, %arg24: memref<1168xi32, #tpu.memory_space<vmem>>, %arg25: memref<576xi32, #tpu.memory_space<vmem>>, %arg26: memref<576xi32, #tpu.memory_space<vmem>>, %arg27: memref<688128xi32, #tpu.memory_space<hbm>>, %arg28: memref<5120x272xf32, #tpu.memory_space<vmem_shared>>, %arg29: memref<!tpu.dma_semaphore, #tpu.memory_space<semaphore_mem>>, %arg30: memref<!tpu.dma_semaphore, #tpu.memory_space<semaphore_mem>>, %arg31: memref<!tpu.dma_semaphore, #tpu.memory_space<semaphore_mem>>, %arg32: memref<!tpu.dma_semaphore, #tpu.memory_space<semaphore_mem>>, %arg33: memref<!tpu.dma_semaphore, #tpu.memory_space<semaphore_mem>>, %arg34: memref<!tpu.dma_semaphore, #tpu.memory_space<semaphore_mem>>) attributes {dimension_semantics = [#tpu.dimension_semantics<core_parallel>, #tpu.dimension_semantics<subcore_parallel>], iteration_bounds = array<i64: 2, 16>, scalar_prefetch = 0 : i64, scratch_operands = 27 : i64, tpu.core_type = #tpu.core_type<sc_vector_subcore>, window_params = [{transform_indices = #map}, {transform_indices = #map}, {transform_indices = #map1}, {transform_indices = #map1}, {transform_indices = #map1}, {transform_indices = #map1}]} {
    %mul3A = arith.constant 20736 : i32
    %mul3A_0 = arith.muli %arg1, %mul3A : i32
    %mul3A_1 = arith.constant 5000 : i32
    %mul3A_2 = arith.muli %arg0, %mul3A_1 : i32
    %mul3A_3 = arith.constant 16 : i32
    %mul3A_4 = arith.muli %arg0, %mul3A_3 : i32
    %add3A = arith.addi %mul3A_4, %arg1 : i32
    %mul3A_5 = arith.constant 21504 : i32
    %mul3A_6 = arith.muli %add3A, %mul3A_5 : i32
    %broadcast_in_dim3A = arith.constant 0.000000e+00 : f32
    %broadcast_in_dim3A_7 = vector.broadcast %broadcast_in_dim3A : f32 to vector<16xf32>
    %broadcast_in_dim3A_8 = arith.constant 0 : i32
    %broadcast_in_dim3A_9 = vector.broadcast %broadcast_in_dim3A_8 : i32 to vector<16xi32>
    %iota3A = tpu.iota {dimensions = array<i32: 0>} : vector<16xi32>
    %scan3A = arith.constant 0 : i32
    %scan3A_10 = arith.constant 0 : i32
    %scan3A_11 = arith.constant 0 : i32
    %scan3A_12 = arith.constant 36 : i32
    %scan3A_13 = arith.addi %scan3A_11, %scan3A_12 : i32
    %scan3A_14 = arith.constant 1 : i32
    %scan3A_15:2 = scf.for %scan3A_552 = %scan3A_11 to %scan3A_13 step %scan3A_14 iter_args(%scan3A_553 = %scan3A, %scan3A_554 = %scan3A_10) -> (i32, i32)  : i32 {
      %mul3A_555 = arith.constant 576 : i32
      %mul3A_556 = arith.muli %scan3A_552, %mul3A_555 : i32
      %add3A_557 = arith.addi %mul3A_0, %mul3A_556 : i32
      "tpu.region"() ({
        %run_scoped3A = tpu.sem_alloc : memref<!tpu.dma_semaphore, #tpu.memory_space<semaphore_mem>>
        %dma_start3A = tpu.memref_slice %arg2[%add3A_557] : memref<331776xi32, #tpu.memory_space<hbm>> -> memref<576xi32, #tpu.memory_space<hbm>>
        %dma_start3A_2038 = tpu.memref_slice %arg2[%add3A_557] : memref<331776xi32, #tpu.memory_space<hbm>> -> memref<576xi32, #tpu.memory_space<hbm>>
        tpu.enqueue_dma source(%dma_start3A_2038 : memref<576xi32, #tpu.memory_space<hbm>>) target(%arg25 : memref<576xi32, #tpu.memory_space<vmem>>) target_semaphore(%run_scoped3A : memref<!tpu.dma_semaphore, #tpu.memory_space<semaphore_mem>>)
        %dma_wait3A = tpu.memref_slice %arg2[%add3A_557] : memref<331776xi32, #tpu.memory_space<hbm>> -> memref<576xi32, #tpu.memory_space<hbm>>
        %dma_wait3A_2039 = tpu.memref_slice %arg2[%add3A_557] : memref<331776xi32, #tpu.memory_space<hbm>> -> memref<576xi32, #tpu.memory_space<hbm>>
        tpu.wait_dma2 semaphore(%run_scoped3A : memref<!tpu.dma_semaphore, #tpu.memory_space<semaphore_mem>>) src(%dma_wait3A_2039 : memref<576xi32, #tpu.memory_space<hbm>>) dst(%arg25 : memref<576xi32, #tpu.memory_space<vmem>>)
        tpu.yield
      }) : () -> ()
      "tpu.region"() ({
        %run_scoped3A = tpu.sem_alloc : memref<!tpu.dma_semaphore, #tpu.memory_space<semaphore_mem>>
        %dma_start3A = tpu.memref_slice %arg3[%add3A_557] : memref<331776xi32, #tpu.memory_space<hbm>> -> memref<576xi32, #tpu.memory_space<hbm>>
        %dma_start3A_2038 = tpu.memref_slice %arg3[%add3A_557] : memref<331776xi32, #tpu.memory_space<hbm>> -> memref<576xi32, #tpu.memory_space<hbm>>
        tpu.enqueue_dma source(%dma_start3A_2038 : memref<576xi32, #tpu.memory_space<hbm>>) target(%arg26 : memref<576xi32, #tpu.memory_space<vmem>>) target_semaphore(%run_scoped3A : memref<!tpu.dma_semaphore, #tpu.memory_space<semaphore_mem>>)
        %dma_wait3A = tpu.memref_slice %arg3[%add3A_557] : memref<331776xi32, #tpu.memory_space<hbm>> -> memref<576xi32, #tpu.memory_space<hbm>>
        %dma_wait3A_2039 = tpu.memref_slice %arg3[%add3A_557] : memref<331776xi32, #tpu.memory_space<hbm>> -> memref<576xi32, #tpu.memory_space<hbm>>
        tpu.wait_dma2 semaphore(%run_scoped3A : memref<!tpu.dma_semaphore, #tpu.memory_space<semaphore_mem>>) src(%dma_wait3A_2039 : memref<576xi32, #tpu.memory_space<hbm>>) dst(%arg26 : memref<576xi32, #tpu.memory_space<vmem>>)
        tpu.yield
      }) : () -> ()
      %get3A_558 = arith.constant 0 : index
      %get3A_559 = tpu.vector_load %arg25[%get3A_558] {strides = array<i32>} : memref<576xi32, #tpu.memory_space<vmem>>, vector<16xi32>,
      %get3A_560 = arith.constant 0 : index
      %get3A_561 = tpu.vector_load %arg26[%get3A_560] {strides = array<i32>} : memref<576xi32, #tpu.memory_space<vmem>>, vector<16xi32>,
      %add3A_562 = arith.constant 0 : i32
      %add3A_563 = arith.addi %add3A_557, %add3A_562 : i32
      %add3A_564 = vector.broadcast %add3A_563 : i32 to vector<16xi32>
      %add3A_565 = arith.addi %add3A_564, %iota3A : vector<16xi32>
      %lt3A_566 = arith.constant 330000 : i32
      %lt3A_567 = vector.broadcast %lt3A_566 : i32 to vector<16xi32>
      %lt3A_568 = arith.cmpi slt, %add3A_565, %lt3A_567 : vector<16xi32>
      %ge3A = vector.broadcast %mul3A_2 : i32 to vector<16xi32>
      %ge3A_569 = arith.cmpi sge, %get3A_561, %ge3A : vector<16xi32>
      %and3A_570 = arith.andi %lt3A_568, %ge3A_569 : vector<16xi1>
      %add3A_571 = arith.constant 5000 : i32
      %add3A_572 = arith.addi %mul3A_2, %add3A_571 : i32
      %lt3A_573 = vector.broadcast %add3A_572 : i32 to vector<16xi32>
      %lt3A_574 = arith.cmpi slt, %get3A_561, %lt3A_573 : vector<16xi32>
      %and3A_575 = arith.andi %and3A_570, %lt3A_574 : vector<16xi1>
      %jit3A_576 = arith.constant 1 : i32
      %jit3A_577 = arith.constant 0 : i32
      %broadcast_in_dim3A_578 = vector.broadcast %jit3A_576 : i32 to vector<16xi32>
      %broadcast_in_dim3A_579 = vector.broadcast %jit3A_577 : i32 to vector<16xi32>
      %select_n3A_580 = arith.select %and3A_575, %broadcast_in_dim3A_578, %broadcast_in_dim3A_579 : vector<16xi1>, vector<16xi32>
      %broadcast_in_dim3A_581 = arith.constant true
      %broadcast_in_dim3A_582 = vector.broadcast %broadcast_in_dim3A_581 : i1 to vector<16xi1>
      %masked_cumsum3A = tpu.scan <sum>, %select_n3A_580 masked %broadcast_in_dim3A_582 : vector<16xi32>, vector<16xi1> -> vector<16xi32>
      %add3A_583 = vector.broadcast %scan3A_554 : i32 to vector<16xi32>
      %add3A_584 = arith.addi %add3A_583, %masked_cumsum3A : vector<16xi32>
      %sub3A_585 = arith.subi %add3A_584, %select_n3A_580 : vector<16xi32>
      %shift_left3A = arith.constant 13 : i32
      %shift_left3A_586 = vector.broadcast %shift_left3A : i32 to vector<16xi32>
      %shift_left3A_587 = arith.shli %get3A_559, %shift_left3A_586 : vector<16xi32>
      %sub3A_588 = vector.broadcast %mul3A_2 : i32 to vector<16xi32>
      %sub3A_589 = arith.subi %get3A_561, %sub3A_588 : vector<16xi32>
      %or3A = arith.ori %shift_left3A_587, %sub3A_589 : vector<16xi32>
      tpu.vector_store_idx %arg24[%sub3A_585], %or3A masked %and3A_575 : memref<1168xi32, #tpu.memory_space<vmem>>[vector<16xi32>], vector<16xi32>, vector<16xi1>
      %reduce_sum3A = arith.constant true
      %reduce_sum3A_590 = vector.broadcast %reduce_sum3A : i1 to vector<16xi1>
      %reduce_sum3A_591 = tpu.scan <sum>, %select_n3A_580 masked %reduce_sum3A_590 : vector<16xi32>, vector<16xi1> -> vector<16xi32>
      %reduce_sum3A_592 = vector.extract %reduce_sum3A_591[15] : i32 from vector<16xi32>
      %add3A_593 = arith.addi %scan3A_554, %reduce_sum3A_592 : i32
      %get3A_594 = arith.constant 16 : index
      %get3A_595 = tpu.vector_load %arg25[%get3A_594] {strides = array<i32>} : memref<576xi32, #tpu.memory_space<vmem>>, vector<16xi32>,
      %get3A_596 = arith.constant 16 : index
      %get3A_597 = tpu.vector_load %arg26[%get3A_596] {strides = array<i32>} : memref<576xi32, #tpu.memory_space<vmem>>, vector<16xi32>,
      %add3A_598 = arith.constant 16 : i32
      %add3A_599 = arith.addi %add3A_557, %add3A_598 : i32
      %add3A_600 = vector.broadcast %add3A_599 : i32 to vector<16xi32>
      %add3A_601 = arith.addi %add3A_600, %iota3A : vector<16xi32>
      %lt3A_602 = arith.constant 330000 : i32
      %lt3A_603 = vector.broadcast %lt3A_602 : i32 to vector<16xi32>
      %lt3A_604 = arith.cmpi slt, %add3A_601, %lt3A_603 : vector<16xi32>
      %ge3A_605 = vector.broadcast %mul3A_2 : i32 to vector<16xi32>
      %ge3A_606 = arith.cmpi sge, %get3A_597, %ge3A_605 : vector<16xi32>
      %and3A_607 = arith.andi %lt3A_604, %ge3A_606 : vector<16xi1>
      %add3A_608 = arith.constant 5000 : i32
      %add3A_609 = arith.addi %mul3A_2, %add3A_608 : i32
      %lt3A_610 = vector.broadcast %add3A_609 : i32 to vector<16xi32>
      %lt3A_611 = arith.cmpi slt, %get3A_597, %lt3A_610 : vector<16xi32>
      %and3A_612 = arith.andi %and3A_607, %lt3A_611 : vector<16xi1>
      %jit3A_613 = arith.constant 1 : i32
      %jit3A_614 = arith.constant 0 : i32
      %broadcast_in_dim3A_615 = vector.broadcast %jit3A_613 : i32 to vector<16xi32>
      %broadcast_in_dim3A_616 = vector.broadcast %jit3A_614 : i32 to vector<16xi32>
      %select_n3A_617 = arith.select %and3A_612, %broadcast_in_dim3A_615, %broadcast_in_dim3A_616 : vector<16xi1>, vector<16xi32>
      %broadcast_in_dim3A_618 = arith.constant true
      %broadcast_in_dim3A_619 = vector.broadcast %broadcast_in_dim3A_618 : i1 to vector<16xi1>
      %masked_cumsum3A_620 = tpu.scan <sum>, %select_n3A_617 masked %broadcast_in_dim3A_619 : vector<16xi32>, vector<16xi1> -> vector<16xi32>
      %add3A_621 = vector.broadcast %add3A_593 : i32 to vector<16xi32>
      %add3A_622 = arith.addi %add3A_621, %masked_cumsum3A_620 : vector<16xi32>
      %sub3A_623 = arith.subi %add3A_622, %select_n3A_617 : vector<16xi32>
      %shift_left3A_624 = arith.constant 13 : i32
      %shift_left3A_625 = vector.broadcast %shift_left3A_624 : i32 to vector<16xi32>
      %shift_left3A_626 = arith.shli %get3A_595, %shift_left3A_625 : vector<16xi32>
      %sub3A_627 = vector.broadcast %mul3A_2 : i32 to vector<16xi32>
      %sub3A_628 = arith.subi %get3A_597, %sub3A_627 : vector<16xi32>
      %or3A_629 = arith.ori %shift_left3A_626, %sub3A_628 : vector<16xi32>
      tpu.vector_store_idx %arg24[%sub3A_623], %or3A_629 masked %and3A_612 : memref<1168xi32, #tpu.memory_space<vmem>>[vector<16xi32>], vector<16xi32>, vector<16xi1>
      %reduce_sum3A_630 = arith.constant true
      %reduce_sum3A_631 = vector.broadcast %reduce_sum3A_630 : i1 to vector<16xi1>
      %reduce_sum3A_632 = tpu.scan <sum>, %select_n3A_617 masked %reduce_sum3A_631 : vector<16xi32>, vector<16xi1> -> vector<16xi32>
      %reduce_sum3A_633 = vector.extract %reduce_sum3A_632[15] : i32 from vector<16xi32>
      %add3A_634 = arith.addi %add3A_593, %reduce_sum3A_633 : i32
      %get3A_635 = arith.constant 32 : index
      %get3A_636 = tpu.vector_load %arg25[%get3A_635] {strides = array<i32>} : memref<576xi32, #tpu.memory_space<vmem>>, vector<16xi32>,
      %get3A_637 = arith.constant 32 : index
      %get3A_638 = tpu.vector_load %arg26[%get3A_637] {strides = array<i32>} : memref<576xi32, #tpu.memory_space<vmem>>, vector<16xi32>,
      %add3A_639 = arith.constant 32 : i32
      %add3A_640 = arith.addi %add3A_557, %add3A_639 : i32
      %add3A_641 = vector.broadcast %add3A_640 : i32 to vector<16xi32>
      %add3A_642 = arith.addi %add3A_641, %iota3A : vector<16xi32>
      %lt3A_643 = arith.constant 330000 : i32
      %lt3A_644 = vector.broadcast %lt3A_643 : i32 to vector<16xi32>
      %lt3A_645 = arith.cmpi slt, %add3A_642, %lt3A_644 : vector<16xi32>
      %ge3A_646 = vector.broadcast %mul3A_2 : i32 to vector<16xi32>
      %ge3A_647 = arith.cmpi sge, %get3A_638, %ge3A_646 : vector<16xi32>
      %and3A_648 = arith.andi %lt3A_645, %ge3A_647 : vector<16xi1>
      %add3A_649 = arith.constant 5000 : i32
      %add3A_650 = arith.addi %mul3A_2, %add3A_649 : i32
      %lt3A_651 = vector.broadcast %add3A_650 : i32 to vector<16xi32>
      %lt3A_652 = arith.cmpi slt, %get3A_638, %lt3A_651 : vector<16xi32>
      %and3A_653 = arith.andi %and3A_648, %lt3A_652 : vector<16xi1>
      %jit3A_654 = arith.constant 1 : i32
      %jit3A_655 = arith.constant 0 : i32
      %broadcast_in_dim3A_656 = vector.broadcast %jit3A_654 : i32 to vector<16xi32>
      %broadcast_in_dim3A_657 = vector.broadcast %jit3A_655 : i32 to vector<16xi32>
      %select_n3A_658 = arith.select %and3A_653, %broadcast_in_dim3A_656, %broadcast_in_dim3A_657 : vector<16xi1>, vector<16xi32>
      %broadcast_in_dim3A_659 = arith.constant true
      %broadcast_in_dim3A_660 = vector.broadcast %broadcast_in_dim3A_659 : i1 to vector<16xi1>
      %masked_cumsum3A_661 = tpu.scan <sum>, %select_n3A_658 masked %broadcast_in_dim3A_660 : vector<16xi32>, vector<16xi1> -> vector<16xi32>
      %add3A_662 = vector.broadcast %add3A_634 : i32 to vector<16xi32>
      %add3A_663 = arith.addi %add3A_662, %masked_cumsum3A_661 : vector<16xi32>
      %sub3A_664 = arith.subi %add3A_663, %select_n3A_658 : vector<16xi32>
      %shift_left3A_665 = arith.constant 13 : i32
      %shift_left3A_666 = vector.broadcast %shift_left3A_665 : i32 to vector<16xi32>
      %shift_left3A_667 = arith.shli %get3A_636, %shift_left3A_666 : vector<16xi32>
      %sub3A_668 = vector.broadcast %mul3A_2 : i32 to vector<16xi32>
      %sub3A_669 = arith.subi %get3A_638, %sub3A_668 : vector<16xi32>
      %or3A_670 = arith.ori %shift_left3A_667, %sub3A_669 : vector<16xi32>
      tpu.vector_store_idx %arg24[%sub3A_664], %or3A_670 masked %and3A_653 : memref<1168xi32, #tpu.memory_space<vmem>>[vector<16xi32>], vector<16xi32>, vector<16xi1>
      %reduce_sum3A_671 = arith.constant true
      %reduce_sum3A_672 = vector.broadcast %reduce_sum3A_671 : i1 to vector<16xi1>
      %reduce_sum3A_673 = tpu.scan <sum>, %select_n3A_658 masked %reduce_sum3A_672 : vector<16xi32>, vector<16xi1> -> vector<16xi32>
      %reduce_sum3A_674 = vector.extract %reduce_sum3A_673[15] : i32 from vector<16xi32>
      %add3A_675 = arith.addi %add3A_634, %reduce_sum3A_674 : i32
      %get3A_676 = arith.constant 48 : index
      %get3A_677 = tpu.vector_load %arg25[%get3A_676] {strides = array<i32>} : memref<576xi32, #tpu.memory_space<vmem>>, vector<16xi32>,
      %get3A_678 = arith.constant 48 : index
      %get3A_679 = tpu.vector_load %arg26[%get3A_678] {strides = array<i32>} : memref<576xi32, #tpu.memory_space<vmem>>, vector<16xi32>,
      %add3A_680 = arith.constant 48 : i32
      %add3A_681 = arith.addi %add3A_557, %add3A_680 : i32
      %add3A_682 = vector.broadcast %add3A_681 : i32 to vector<16xi32>
      %add3A_683 = arith.addi %add3A_682, %iota3A : vector<16xi32>
      %lt3A_684 = arith.constant 330000 : i32
      %lt3A_685 = vector.broadcast %lt3A_684 : i32 to vector<16xi32>
      %lt3A_686 = arith.cmpi slt, %add3A_683, %lt3A_685 : vector<16xi32>
      %ge3A_687 = vector.broadcast %mul3A_2 : i32 to vector<16xi32>
      %ge3A_688 = arith.cmpi sge, %get3A_679, %ge3A_687 : vector<16xi32>
      %and3A_689 = arith.andi %lt3A_686, %ge3A_688 : vector<16xi1>
      %add3A_690 = arith.constant 5000 : i32
      %add3A_691 = arith.addi %mul3A_2, %add3A_690 : i32
      %lt3A_692 = vector.broadcast %add3A_691 : i32 to vector<16xi32>
      %lt3A_693 = arith.cmpi slt, %get3A_679, %lt3A_692 : vector<16xi32>
      %and3A_694 = arith.andi %and3A_689, %lt3A_693 : vector<16xi1>
      %jit3A_695 = arith.constant 1 : i32
      %jit3A_696 = arith.constant 0 : i32
      %broadcast_in_dim3A_697 = vector.broadcast %jit3A_695 : i32 to vector<16xi32>
      %broadcast_in_dim3A_698 = vector.broadcast %jit3A_696 : i32 to vector<16xi32>
      %select_n3A_699 = arith.select %and3A_694, %broadcast_in_dim3A_697, %broadcast_in_dim3A_698 : vector<16xi1>, vector<16xi32>
      %broadcast_in_dim3A_700 = arith.constant true
      %broadcast_in_dim3A_701 = vector.broadcast %broadcast_in_dim3A_700 : i1 to vector<16xi1>
      %masked_cumsum3A_702 = tpu.scan <sum>, %select_n3A_699 masked %broadcast_in_dim3A_701 : vector<16xi32>, vector<16xi1> -> vector<16xi32>
      %add3A_703 = vector.broadcast %add3A_675 : i32 to vector<16xi32>
      %add3A_704 = arith.addi %add3A_703, %masked_cumsum3A_702 : vector<16xi32>
      %sub3A_705 = arith.subi %add3A_704, %select_n3A_699 : vector<16xi32>
      %shift_left3A_706 = arith.constant 13 : i32
      %shift_left3A_707 = vector.broadcast %shift_left3A_706 : i32 to vector<16xi32>
      %shift_left3A_708 = arith.shli %get3A_677, %shift_left3A_707 : vector<16xi32>
      %sub3A_709 = vector.broadcast %mul3A_2 : i32 to vector<16xi32>
      %sub3A_710 = arith.subi %get3A_679, %sub3A_709 : vector<16xi32>
      %or3A_711 = arith.ori %shift_left3A_708, %sub3A_710 : vector<16xi32>
      tpu.vector_store_idx %arg24[%sub3A_705], %or3A_711 masked %and3A_694 : memref<1168xi32, #tpu.memory_space<vmem>>[vector<16xi32>], vector<16xi32>, vector<16xi1>
      %reduce_sum3A_712 = arith.constant true
      %reduce_sum3A_713 = vector.broadcast %reduce_sum3A_712 : i1 to vector<16xi1>
      %reduce_sum3A_714 = tpu.scan <sum>, %select_n3A_699 masked %reduce_sum3A_713 : vector<16xi32>, vector<16xi1> -> vector<16xi32>
      %reduce_sum3A_715 = vector.extract %reduce_sum3A_714[15] : i32 from vector<16xi32>
      %add3A_716 = arith.addi %add3A_675, %reduce_sum3A_715 : i32
      %get3A_717 = arith.constant 64 : index
      %get3A_718 = tpu.vector_load %arg25[%get3A_717] {strides = array<i32>} : memref<576xi32, #tpu.memory_space<vmem>>, vector<16xi32>,
      %get3A_719 = arith.constant 64 : index
      %get3A_720 = tpu.vector_load %arg26[%get3A_719] {strides = array<i32>} : memref<576xi32, #tpu.memory_space<vmem>>, vector<16xi32>,
      %add3A_721 = arith.constant 64 : i32
      %add3A_722 = arith.addi %add3A_557, %add3A_721 : i32
      %add3A_723 = vector.broadcast %add3A_722 : i32 to vector<16xi32>
      %add3A_724 = arith.addi %add3A_723, %iota3A : vector<16xi32>
      %lt3A_725 = arith.constant 330000 : i32
      %lt3A_726 = vector.broadcast %lt3A_725 : i32 to vector<16xi32>
      %lt3A_727 = arith.cmpi slt, %add3A_724, %lt3A_726 : vector<16xi32>
      %ge3A_728 = vector.broadcast %mul3A_2 : i32 to vector<16xi32>
      %ge3A_729 = arith.cmpi sge, %get3A_720, %ge3A_728 : vector<16xi32>
      %and3A_730 = arith.andi %lt3A_727, %ge3A_729 : vector<16xi1>
      %add3A_731 = arith.constant 5000 : i32
      %add3A_732 = arith.addi %mul3A_2, %add3A_731 : i32
      %lt3A_733 = vector.broadcast %add3A_732 : i32 to vector<16xi32>
      %lt3A_734 = arith.cmpi slt, %get3A_720, %lt3A_733 : vector<16xi32>
      %and3A_735 = arith.andi %and3A_730, %lt3A_734 : vector<16xi1>
      %jit3A_736 = arith.constant 1 : i32
      %jit3A_737 = arith.constant 0 : i32
      %broadcast_in_dim3A_738 = vector.broadcast %jit3A_736 : i32 to vector<16xi32>
      %broadcast_in_dim3A_739 = vector.broadcast %jit3A_737 : i32 to vector<16xi32>
      %select_n3A_740 = arith.select %and3A_735, %broadcast_in_dim3A_738, %broadcast_in_dim3A_739 : vector<16xi1>, vector<16xi32>
      %broadcast_in_dim3A_741 = arith.constant true
      %broadcast_in_dim3A_742 = vector.broadcast %broadcast_in_dim3A_741 : i1 to vector<16xi1>
      %masked_cumsum3A_743 = tpu.scan <sum>, %select_n3A_740 masked %broadcast_in_dim3A_742 : vector<16xi32>, vector<16xi1> -> vector<16xi32>
      %add3A_744 = vector.broadcast %add3A_716 : i32 to vector<16xi32>
      %add3A_745 = arith.addi %add3A_744, %masked_cumsum3A_743 : vector<16xi32>
      %sub3A_746 = arith.subi %add3A_745, %select_n3A_740 : vector<16xi32>
      %shift_left3A_747 = arith.constant 13 : i32
      %shift_left3A_748 = vector.broadcast %shift_left3A_747 : i32 to vector<16xi32>
      %shift_left3A_749 = arith.shli %get3A_718, %shift_left3A_748 : vector<16xi32>
      %sub3A_750 = vector.broadcast %mul3A_2 : i32 to vector<16xi32>
      %sub3A_751 = arith.subi %get3A_720, %sub3A_750 : vector<16xi32>
      %or3A_752 = arith.ori %shift_left3A_749, %sub3A_751 : vector<16xi32>
      tpu.vector_store_idx %arg24[%sub3A_746], %or3A_752 masked %and3A_735 : memref<1168xi32, #tpu.memory_space<vmem>>[vector<16xi32>], vector<16xi32>, vector<16xi1>
      %reduce_sum3A_753 = arith.constant true
      %reduce_sum3A_754 = vector.broadcast %reduce_sum3A_753 : i1 to vector<16xi1>
      %reduce_sum3A_755 = tpu.scan <sum>, %select_n3A_740 masked %reduce_sum3A_754 : vector<16xi32>, vector<16xi1> -> vector<16xi32>
      %reduce_sum3A_756 = vector.extract %reduce_sum3A_755[15] : i32 from vector<16xi32>
      %add3A_757 = arith.addi %add3A_716, %reduce_sum3A_756 : i32
      %get3A_758 = arith.constant 80 : index
      %get3A_759 = tpu.vector_load %arg25[%get3A_758] {strides = array<i32>} : memref<576xi32, #tpu.memory_space<vmem>>, vector<16xi32>,
      %get3A_760 = arith.constant 80 : index
      %get3A_761 = tpu.vector_load %arg26[%get3A_760] {strides = array<i32>} : memref<576xi32, #tpu.memory_space<vmem>>, vector<16xi32>,
      %add3A_762 = arith.constant 80 : i32
      %add3A_763 = arith.addi %add3A_557, %add3A_762 : i32
      %add3A_764 = vector.broadcast %add3A_763 : i32 to vector<16xi32>
      %add3A_765 = arith.addi %add3A_764, %iota3A : vector<16xi32>
      %lt3A_766 = arith.constant 330000 : i32
      %lt3A_767 = vector.broadcast %lt3A_766 : i32 to vector<16xi32>
      %lt3A_768 = arith.cmpi slt, %add3A_765, %lt3A_767 : vector<16xi32>
      %ge3A_769 = vector.broadcast %mul3A_2 : i32 to vector<16xi32>
      %ge3A_770 = arith.cmpi sge, %get3A_761, %ge3A_769 : vector<16xi32>
      %and3A_771 = arith.andi %lt3A_768, %ge3A_770 : vector<16xi1>
      %add3A_772 = arith.constant 5000 : i32
      %add3A_773 = arith.addi %mul3A_2, %add3A_772 : i32
      %lt3A_774 = vector.broadcast %add3A_773 : i32 to vector<16xi32>
      %lt3A_775 = arith.cmpi slt, %get3A_761, %lt3A_774 : vector<16xi32>
      %and3A_776 = arith.andi %and3A_771, %lt3A_775 : vector<16xi1>
      %jit3A_777 = arith.constant 1 : i32
      %jit3A_778 = arith.constant 0 : i32
      %broadcast_in_dim3A_779 = vector.broadcast %jit3A_777 : i32 to vector<16xi32>
      %broadcast_in_dim3A_780 = vector.broadcast %jit3A_778 : i32 to vector<16xi32>
      %select_n3A_781 = arith.select %and3A_776, %broadcast_in_dim3A_779, %broadcast_in_dim3A_780 : vector<16xi1>, vector<16xi32>
      %broadcast_in_dim3A_782 = arith.constant true
      %broadcast_in_dim3A_783 = vector.broadcast %broadcast_in_dim3A_782 : i1 to vector<16xi1>
      %masked_cumsum3A_784 = tpu.scan <sum>, %select_n3A_781 masked %broadcast_in_dim3A_783 : vector<16xi32>, vector<16xi1> -> vector<16xi32>
      %add3A_785 = vector.broadcast %add3A_757 : i32 to vector<16xi32>
      %add3A_786 = arith.addi %add3A_785, %masked_cumsum3A_784 : vector<16xi32>
      %sub3A_787 = arith.subi %add3A_786, %select_n3A_781 : vector<16xi32>
      %shift_left3A_788 = arith.constant 13 : i32
      %shift_left3A_789 = vector.broadcast %shift_left3A_788 : i32 to vector<16xi32>
      %shift_left3A_790 = arith.shli %get3A_759, %shift_left3A_789 : vector<16xi32>
      %sub3A_791 = vector.broadcast %mul3A_2 : i32 to vector<16xi32>
      %sub3A_792 = arith.subi %get3A_761, %sub3A_791 : vector<16xi32>
      %or3A_793 = arith.ori %shift_left3A_790, %sub3A_792 : vector<16xi32>
      tpu.vector_store_idx %arg24[%sub3A_787], %or3A_793 masked %and3A_776 : memref<1168xi32, #tpu.memory_space<vmem>>[vector<16xi32>], vector<16xi32>, vector<16xi1>
      %reduce_sum3A_794 = arith.constant true
      %reduce_sum3A_795 = vector.broadcast %reduce_sum3A_794 : i1 to vector<16xi1>
      %reduce_sum3A_796 = tpu.scan <sum>, %select_n3A_781 masked %reduce_sum3A_795 : vector<16xi32>, vector<16xi1> -> vector<16xi32>
      %reduce_sum3A_797 = vector.extract %reduce_sum3A_796[15] : i32 from vector<16xi32>
      %add3A_798 = arith.addi %add3A_757, %reduce_sum3A_797 : i32
      %get3A_799 = arith.constant 96 : index
      %get3A_800 = tpu.vector_load %arg25[%get3A_799] {strides = array<i32>} : memref<576xi32, #tpu.memory_space<vmem>>, vector<16xi32>,
      %get3A_801 = arith.constant 96 : index
      %get3A_802 = tpu.vector_load %arg26[%get3A_801] {strides = array<i32>} : memref<576xi32, #tpu.memory_space<vmem>>, vector<16xi32>,
      %add3A_803 = arith.constant 96 : i32
      %add3A_804 = arith.addi %add3A_557, %add3A_803 : i32
      %add3A_805 = vector.broadcast %add3A_804 : i32 to vector<16xi32>
      %add3A_806 = arith.addi %add3A_805, %iota3A : vector<16xi32>
      %lt3A_807 = arith.constant 330000 : i32
      %lt3A_808 = vector.broadcast %lt3A_807 : i32 to vector<16xi32>
      %lt3A_809 = arith.cmpi slt, %add3A_806, %lt3A_808 : vector<16xi32>
      %ge3A_810 = vector.broadcast %mul3A_2 : i32 to vector<16xi32>
      %ge3A_811 = arith.cmpi sge, %get3A_802, %ge3A_810 : vector<16xi32>
      %and3A_812 = arith.andi %lt3A_809, %ge3A_811 : vector<16xi1>
      %add3A_813 = arith.constant 5000 : i32
      %add3A_814 = arith.addi %mul3A_2, %add3A_813 : i32
      %lt3A_815 = vector.broadcast %add3A_814 : i32 to vector<16xi32>
      %lt3A_816 = arith.cmpi slt, %get3A_802, %lt3A_815 : vector<16xi32>
      %and3A_817 = arith.andi %and3A_812, %lt3A_816 : vector<16xi1>
      %jit3A_818 = arith.constant 1 : i32
      %jit3A_819 = arith.constant 0 : i32
      %broadcast_in_dim3A_820 = vector.broadcast %jit3A_818 : i32 to vector<16xi32>
      %broadcast_in_dim3A_821 = vector.broadcast %jit3A_819 : i32 to vector<16xi32>
      %select_n3A_822 = arith.select %and3A_817, %broadcast_in_dim3A_820, %broadcast_in_dim3A_821 : vector<16xi1>, vector<16xi32>
      %broadcast_in_dim3A_823 = arith.constant true
      %broadcast_in_dim3A_824 = vector.broadcast %broadcast_in_dim3A_823 : i1 to vector<16xi1>
      %masked_cumsum3A_825 = tpu.scan <sum>, %select_n3A_822 masked %broadcast_in_dim3A_824 : vector<16xi32>, vector<16xi1> -> vector<16xi32>
      %add3A_826 = vector.broadcast %add3A_798 : i32 to vector<16xi32>
      %add3A_827 = arith.addi %add3A_826, %masked_cumsum3A_825 : vector<16xi32>
      %sub3A_828 = arith.subi %add3A_827, %select_n3A_822 : vector<16xi32>
      %shift_left3A_829 = arith.constant 13 : i32
      %shift_left3A_830 = vector.broadcast %shift_left3A_829 : i32 to vector<16xi32>
      %shift_left3A_831 = arith.shli %get3A_800, %shift_left3A_830 : vector<16xi32>
      %sub3A_832 = vector.broadcast %mul3A_2 : i32 to vector<16xi32>
      %sub3A_833 = arith.subi %get3A_802, %sub3A_832 : vector<16xi32>
      %or3A_834 = arith.ori %shift_left3A_831, %sub3A_833 : vector<16xi32>
      tpu.vector_store_idx %arg24[%sub3A_828], %or3A_834 masked %and3A_817 : memref<1168xi32, #tpu.memory_space<vmem>>[vector<16xi32>], vector<16xi32>, vector<16xi1>
      %reduce_sum3A_835 = arith.constant true
      %reduce_sum3A_836 = vector.broadcast %reduce_sum3A_835 : i1 to vector<16xi1>
      %reduce_sum3A_837 = tpu.scan <sum>, %select_n3A_822 masked %reduce_sum3A_836 : vector<16xi32>, vector<16xi1> -> vector<16xi32>
      %reduce_sum3A_838 = vector.extract %reduce_sum3A_837[15] : i32 from vector<16xi32>
      %add3A_839 = arith.addi %add3A_798, %reduce_sum3A_838 : i32
      %get3A_840 = arith.constant 112 : index
      %get3A_841 = tpu.vector_load %arg25[%get3A_840] {strides = array<i32>} : memref<576xi32, #tpu.memory_space<vmem>>, vector<16xi32>,
      %get3A_842 = arith.constant 112 : index
      %get3A_843 = tpu.vector_load %arg26[%get3A_842] {strides = array<i32>} : memref<576xi32, #tpu.memory_space<vmem>>, vector<16xi32>,
      %add3A_844 = arith.constant 112 : i32
      %add3A_845 = arith.addi %add3A_557, %add3A_844 : i32
      %add3A_846 = vector.broadcast %add3A_845 : i32 to vector<16xi32>
      %add3A_847 = arith.addi %add3A_846, %iota3A : vector<16xi32>
      %lt3A_848 = arith.constant 330000 : i32
      %lt3A_849 = vector.broadcast %lt3A_848 : i32 to vector<16xi32>
      %lt3A_850 = arith.cmpi slt, %add3A_847, %lt3A_849 : vector<16xi32>
      %ge3A_851 = vector.broadcast %mul3A_2 : i32 to vector<16xi32>
      %ge3A_852 = arith.cmpi sge, %get3A_843, %ge3A_851 : vector<16xi32>
      %and3A_853 = arith.andi %lt3A_850, %ge3A_852 : vector<16xi1>
      %add3A_854 = arith.constant 5000 : i32
      %add3A_855 = arith.addi %mul3A_2, %add3A_854 : i32
      %lt3A_856 = vector.broadcast %add3A_855 : i32 to vector<16xi32>
      %lt3A_857 = arith.cmpi slt, %get3A_843, %lt3A_856 : vector<16xi32>
      %and3A_858 = arith.andi %and3A_853, %lt3A_857 : vector<16xi1>
      %jit3A_859 = arith.constant 1 : i32
      %jit3A_860 = arith.constant 0 : i32
      %broadcast_in_dim3A_861 = vector.broadcast %jit3A_859 : i32 to vector<16xi32>
      %broadcast_in_dim3A_862 = vector.broadcast %jit3A_860 : i32 to vector<16xi32>
      %select_n3A_863 = arith.select %and3A_858, %broadcast_in_dim3A_861, %broadcast_in_dim3A_862 : vector<16xi1>, vector<16xi32>
      %broadcast_in_dim3A_864 = arith.constant true
      %broadcast_in_dim3A_865 = vector.broadcast %broadcast_in_dim3A_864 : i1 to vector<16xi1>
      %masked_cumsum3A_866 = tpu.scan <sum>, %select_n3A_863 masked %broadcast_in_dim3A_865 : vector<16xi32>, vector<16xi1> -> vector<16xi32>
      %add3A_867 = vector.broadcast %add3A_839 : i32 to vector<16xi32>
      %add3A_868 = arith.addi %add3A_867, %masked_cumsum3A_866 : vector<16xi32>
      %sub3A_869 = arith.subi %add3A_868, %select_n3A_863 : vector<16xi32>
      %shift_left3A_870 = arith.constant 13 : i32
      %shift_left3A_871 = vector.broadcast %shift_left3A_870 : i32 to vector<16xi32>
      %shift_left3A_872 = arith.shli %get3A_841, %shift_left3A_871 : vector<16xi32>
      %sub3A_873 = vector.broadcast %mul3A_2 : i32 to vector<16xi32>
      %sub3A_874 = arith.subi %get3A_843, %sub3A_873 : vector<16xi32>
      %or3A_875 = arith.ori %shift_left3A_872, %sub3A_874 : vector<16xi32>
      tpu.vector_store_idx %arg24[%sub3A_869], %or3A_875 masked %and3A_858 : memref<1168xi32, #tpu.memory_space<vmem>>[vector<16xi32>], vector<16xi32>, vector<16xi1>
      %reduce_sum3A_876 = arith.constant true
      %reduce_sum3A_877 = vector.broadcast %reduce_sum3A_876 : i1 to vector<16xi1>
      %reduce_sum3A_878 = tpu.scan <sum>, %select_n3A_863 masked %reduce_sum3A_877 : vector<16xi32>, vector<16xi1> -> vector<16xi32>
      %reduce_sum3A_879 = vector.extract %reduce_sum3A_878[15] : i32 from vector<16xi32>
      %add3A_880 = arith.addi %add3A_839, %reduce_sum3A_879 : i32
      %get3A_881 = arith.constant 128 : index
      %get3A_882 = tpu.vector_load %arg25[%get3A_881] {strides = array<i32>} : memref<576xi32, #tpu.memory_space<vmem>>, vector<16xi32>,
      %get3A_883 = arith.constant 128 : index
      %get3A_884 = tpu.vector_load %arg26[%get3A_883] {strides = array<i32>} : memref<576xi32, #tpu.memory_space<vmem>>, vector<16xi32>,
      %add3A_885 = arith.constant 128 : i32
      %add3A_886 = arith.addi %add3A_557, %add3A_885 : i32
      %add3A_887 = vector.broadcast %add3A_886 : i32 to vector<16xi32>
      %add3A_888 = arith.addi %add3A_887, %iota3A : vector<16xi32>
      %lt3A_889 = arith.constant 330000 : i32
      %lt3A_890 = vector.broadcast %lt3A_889 : i32 to vector<16xi32>
      %lt3A_891 = arith.cmpi slt, %add3A_888, %lt3A_890 : vector<16xi32>
      %ge3A_892 = vector.broadcast %mul3A_2 : i32 to vector<16xi32>
      %ge3A_893 = arith.cmpi sge, %get3A_884, %ge3A_892 : vector<16xi32>
      %and3A_894 = arith.andi %lt3A_891, %ge3A_893 : vector<16xi1>
      %add3A_895 = arith.constant 5000 : i32
      %add3A_896 = arith.addi %mul3A_2, %add3A_895 : i32
      %lt3A_897 = vector.broadcast %add3A_896 : i32 to vector<16xi32>
      %lt3A_898 = arith.cmpi slt, %get3A_884, %lt3A_897 : vector<16xi32>
      %and3A_899 = arith.andi %and3A_894, %lt3A_898 : vector<16xi1>
      %jit3A_900 = arith.constant 1 : i32
      %jit3A_901 = arith.constant 0 : i32
      %broadcast_in_dim3A_902 = vector.broadcast %jit3A_900 : i32 to vector<16xi32>
      %broadcast_in_dim3A_903 = vector.broadcast %jit3A_901 : i32 to vector<16xi32>
      %select_n3A_904 = arith.select %and3A_899, %broadcast_in_dim3A_902, %broadcast_in_dim3A_903 : vector<16xi1>, vector<16xi32>
      %broadcast_in_dim3A_905 = arith.constant true
      %broadcast_in_dim3A_906 = vector.broadcast %broadcast_in_dim3A_905 : i1 to vector<16xi1>
      %masked_cumsum3A_907 = tpu.scan <sum>, %select_n3A_904 masked %broadcast_in_dim3A_906 : vector<16xi32>, vector<16xi1> -> vector<16xi32>
      %add3A_908 = vector.broadcast %add3A_880 : i32 to vector<16xi32>
      %add3A_909 = arith.addi %add3A_908, %masked_cumsum3A_907 : vector<16xi32>
      %sub3A_910 = arith.subi %add3A_909, %select_n3A_904 : vector<16xi32>
      %shift_left3A_911 = arith.constant 13 : i32
      %shift_left3A_912 = vector.broadcast %shift_left3A_911 : i32 to vector<16xi32>
      %shift_left3A_913 = arith.shli %get3A_882, %shift_left3A_912 : vector<16xi32>
      %sub3A_914 = vector.broadcast %mul3A_2 : i32 to vector<16xi32>
      %sub3A_915 = arith.subi %get3A_884, %sub3A_914 : vector<16xi32>
      %or3A_916 = arith.ori %shift_left3A_913, %sub3A_915 : vector<16xi32>
      tpu.vector_store_idx %arg24[%sub3A_910], %or3A_916 masked %and3A_899 : memref<1168xi32, #tpu.memory_space<vmem>>[vector<16xi32>], vector<16xi32>, vector<16xi1>
      %reduce_sum3A_917 = arith.constant true
      %reduce_sum3A_918 = vector.broadcast %reduce_sum3A_917 : i1 to vector<16xi1>
      %reduce_sum3A_919 = tpu.scan <sum>, %select_n3A_904 masked %reduce_sum3A_918 : vector<16xi32>, vector<16xi1> -> vector<16xi32>
      %reduce_sum3A_920 = vector.extract %reduce_sum3A_919[15] : i32 from vector<16xi32>
      %add3A_921 = arith.addi %add3A_880, %reduce_sum3A_920 : i32
      %get3A_922 = arith.constant 144 : index
      %get3A_923 = tpu.vector_load %arg25[%get3A_922] {strides = array<i32>} : memref<576xi32, #tpu.memory_space<vmem>>, vector<16xi32>,
      %get3A_924 = arith.constant 144 : index
      %get3A_925 = tpu.vector_load %arg26[%get3A_924] {strides = array<i32>} : memref<576xi32, #tpu.memory_space<vmem>>, vector<16xi32>,
      %add3A_926 = arith.constant 144 : i32
      %add3A_927 = arith.addi %add3A_557, %add3A_926 : i32
      %add3A_928 = vector.broadcast %add3A_927 : i32 to vector<16xi32>
      %add3A_929 = arith.addi %add3A_928, %iota3A : vector<16xi32>
      %lt3A_930 = arith.constant 330000 : i32
      %lt3A_931 = vector.broadcast %lt3A_930 : i32 to vector<16xi32>
      %lt3A_932 = arith.cmpi slt, %add3A_929, %lt3A_931 : vector<16xi32>
      %ge3A_933 = vector.broadcast %mul3A_2 : i32 to vector<16xi32>
      %ge3A_934 = arith.cmpi sge, %get3A_925, %ge3A_933 : vector<16xi32>
      %and3A_935 = arith.andi %lt3A_932, %ge3A_934 : vector<16xi1>
      %add3A_936 = arith.constant 5000 : i32
      %add3A_937 = arith.addi %mul3A_2, %add3A_936 : i32
      %lt3A_938 = vector.broadcast %add3A_937 : i32 to vector<16xi32>
      %lt3A_939 = arith.cmpi slt, %get3A_925, %lt3A_938 : vector<16xi32>
      %and3A_940 = arith.andi %and3A_935, %lt3A_939 : vector<16xi1>
      %jit3A_941 = arith.constant 1 : i32
      %jit3A_942 = arith.constant 0 : i32
      %broadcast_in_dim3A_943 = vector.broadcast %jit3A_941 : i32 to vector<16xi32>
      %broadcast_in_dim3A_944 = vector.broadcast %jit3A_942 : i32 to vector<16xi32>
      %select_n3A_945 = arith.select %and3A_940, %broadcast_in_dim3A_943, %broadcast_in_dim3A_944 : vector<16xi1>, vector<16xi32>
      %broadcast_in_dim3A_946 = arith.constant true
      %broadcast_in_dim3A_947 = vector.broadcast %broadcast_in_dim3A_946 : i1 to vector<16xi1>
      %masked_cumsum3A_948 = tpu.scan <sum>, %select_n3A_945 masked %broadcast_in_dim3A_947 : vector<16xi32>, vector<16xi1> -> vector<16xi32>
      %add3A_949 = vector.broadcast %add3A_921 : i32 to vector<16xi32>
      %add3A_950 = arith.addi %add3A_949, %masked_cumsum3A_948 : vector<16xi32>
      %sub3A_951 = arith.subi %add3A_950, %select_n3A_945 : vector<16xi32>
      %shift_left3A_952 = arith.constant 13 : i32
      %shift_left3A_953 = vector.broadcast %shift_left3A_952 : i32 to vector<16xi32>
      %shift_left3A_954 = arith.shli %get3A_923, %shift_left3A_953 : vector<16xi32>
      %sub3A_955 = vector.broadcast %mul3A_2 : i32 to vector<16xi32>
      %sub3A_956 = arith.subi %get3A_925, %sub3A_955 : vector<16xi32>
      %or3A_957 = arith.ori %shift_left3A_954, %sub3A_956 : vector<16xi32>
      tpu.vector_store_idx %arg24[%sub3A_951], %or3A_957 masked %and3A_940 : memref<1168xi32, #tpu.memory_space<vmem>>[vector<16xi32>], vector<16xi32>, vector<16xi1>
      %reduce_sum3A_958 = arith.constant true
      %reduce_sum3A_959 = vector.broadcast %reduce_sum3A_958 : i1 to vector<16xi1>
      %reduce_sum3A_960 = tpu.scan <sum>, %select_n3A_945 masked %reduce_sum3A_959 : vector<16xi32>, vector<16xi1> -> vector<16xi32>
      %reduce_sum3A_961 = vector.extract %reduce_sum3A_960[15] : i32 from vector<16xi32>
      %add3A_962 = arith.addi %add3A_921, %reduce_sum3A_961 : i32
      %get3A_963 = arith.constant 160 : index
      %get3A_964 = tpu.vector_load %arg25[%get3A_963] {strides = array<i32>} : memref<576xi32, #tpu.memory_space<vmem>>, vector<16xi32>,
      %get3A_965 = arith.constant 160 : index
      %get3A_966 = tpu.vector_load %arg26[%get3A_965] {strides = array<i32>} : memref<576xi32, #tpu.memory_space<vmem>>, vector<16xi32>,
      %add3A_967 = arith.constant 160 : i32
      %add3A_968 = arith.addi %add3A_557, %add3A_967 : i32
      %add3A_969 = vector.broadcast %add3A_968 : i32 to vector<16xi32>
      %add3A_970 = arith.addi %add3A_969, %iota3A : vector<16xi32>
      %lt3A_971 = arith.constant 330000 : i32
      %lt3A_972 = vector.broadcast %lt3A_971 : i32 to vector<16xi32>
      %lt3A_973 = arith.cmpi slt, %add3A_970, %lt3A_972 : vector<16xi32>
      %ge3A_974 = vector.broadcast %mul3A_2 : i32 to vector<16xi32>
      %ge3A_975 = arith.cmpi sge, %get3A_966, %ge3A_974 : vector<16xi32>
      %and3A_976 = arith.andi %lt3A_973, %ge3A_975 : vector<16xi1>
      %add3A_977 = arith.constant 5000 : i32
      %add3A_978 = arith.addi %mul3A_2, %add3A_977 : i32
      %lt3A_979 = vector.broadcast %add3A_978 : i32 to vector<16xi32>
      %lt3A_980 = arith.cmpi slt, %get3A_966, %lt3A_979 : vector<16xi32>
      %and3A_981 = arith.andi %and3A_976, %lt3A_980 : vector<16xi1>
      %jit3A_982 = arith.constant 1 : i32
      %jit3A_983 = arith.constant 0 : i32
      %broadcast_in_dim3A_984 = vector.broadcast %jit3A_982 : i32 to vector<16xi32>
      %broadcast_in_dim3A_985 = vector.broadcast %jit3A_983 : i32 to vector<16xi32>
      %select_n3A_986 = arith.select %and3A_981, %broadcast_in_dim3A_984, %broadcast_in_dim3A_985 : vector<16xi1>, vector<16xi32>
      %broadcast_in_dim3A_987 = arith.constant true
      %broadcast_in_dim3A_988 = vector.broadcast %broadcast_in_dim3A_987 : i1 to vector<16xi1>
      %masked_cumsum3A_989 = tpu.scan <sum>, %select_n3A_986 masked %broadcast_in_dim3A_988 : vector<16xi32>, vector<16xi1> -> vector<16xi32>
      %add3A_990 = vector.broadcast %add3A_962 : i32 to vector<16xi32>
      %add3A_991 = arith.addi %add3A_990, %masked_cumsum3A_989 : vector<16xi32>
      %sub3A_992 = arith.subi %add3A_991, %select_n3A_986 : vector<16xi32>
      %shift_left3A_993 = arith.constant 13 : i32
      %shift_left3A_994 = vector.broadcast %shift_left3A_993 : i32 to vector<16xi32>
      %shift_left3A_995 = arith.shli %get3A_964, %shift_left3A_994 : vector<16xi32>
      %sub3A_996 = vector.broadcast %mul3A_2 : i32 to vector<16xi32>
      %sub3A_997 = arith.subi %get3A_966, %sub3A_996 : vector<16xi32>
      %or3A_998 = arith.ori %shift_left3A_995, %sub3A_997 : vector<16xi32>
      tpu.vector_store_idx %arg24[%sub3A_992], %or3A_998 masked %and3A_981 : memref<1168xi32, #tpu.memory_space<vmem>>[vector<16xi32>], vector<16xi32>, vector<16xi1>
      %reduce_sum3A_999 = arith.constant true
      %reduce_sum3A_1000 = vector.broadcast %reduce_sum3A_999 : i1 to vector<16xi1>
      %reduce_sum3A_1001 = tpu.scan <sum>, %select_n3A_986 masked %reduce_sum3A_1000 : vector<16xi32>, vector<16xi1> -> vector<16xi32>
      %reduce_sum3A_1002 = vector.extract %reduce_sum3A_1001[15] : i32 from vector<16xi32>
      %add3A_1003 = arith.addi %add3A_962, %reduce_sum3A_1002 : i32
      %get3A_1004 = arith.constant 176 : index
      %get3A_1005 = tpu.vector_load %arg25[%get3A_1004] {strides = array<i32>} : memref<576xi32, #tpu.memory_space<vmem>>, vector<16xi32>,
      %get3A_1006 = arith.constant 176 : index
      %get3A_1007 = tpu.vector_load %arg26[%get3A_1006] {strides = array<i32>} : memref<576xi32, #tpu.memory_space<vmem>>, vector<16xi32>,
      %add3A_1008 = arith.constant 176 : i32
      %add3A_1009 = arith.addi %add3A_557, %add3A_1008 : i32
      %add3A_1010 = vector.broadcast %add3A_1009 : i32 to vector<16xi32>
      %add3A_1011 = arith.addi %add3A_1010, %iota3A : vector<16xi32>
      %lt3A_1012 = arith.constant 330000 : i32
      %lt3A_1013 = vector.broadcast %lt3A_1012 : i32 to vector<16xi32>
      %lt3A_1014 = arith.cmpi slt, %add3A_1011, %lt3A_1013 : vector<16xi32>
      %ge3A_1015 = vector.broadcast %mul3A_2 : i32 to vector<16xi32>
      %ge3A_1016 = arith.cmpi sge, %get3A_1007, %ge3A_1015 : vector<16xi32>
      %and3A_1017 = arith.andi %lt3A_1014, %ge3A_1016 : vector<16xi1>
      %add3A_1018 = arith.constant 5000 : i32
      %add3A_1019 = arith.addi %mul3A_2, %add3A_1018 : i32
      %lt3A_1020 = vector.broadcast %add3A_1019 : i32 to vector<16xi32>
      %lt3A_1021 = arith.cmpi slt, %get3A_1007, %lt3A_1020 : vector<16xi32>
      %and3A_1022 = arith.andi %and3A_1017, %lt3A_1021 : vector<16xi1>
      %jit3A_1023 = arith.constant 1 : i32
      %jit3A_1024 = arith.constant 0 : i32
      %broadcast_in_dim3A_1025 = vector.broadcast %jit3A_1023 : i32 to vector<16xi32>
      %broadcast_in_dim3A_1026 = vector.broadcast %jit3A_1024 : i32 to vector<16xi32>
      %select_n3A_1027 = arith.select %and3A_1022, %broadcast_in_dim3A_1025, %broadcast_in_dim3A_1026 : vector<16xi1>, vector<16xi32>
      %broadcast_in_dim3A_1028 = arith.constant true
      %broadcast_in_dim3A_1029 = vector.broadcast %broadcast_in_dim3A_1028 : i1 to vector<16xi1>
      %masked_cumsum3A_1030 = tpu.scan <sum>, %select_n3A_1027 masked %broadcast_in_dim3A_1029 : vector<16xi32>, vector<16xi1> -> vector<16xi32>
      %add3A_1031 = vector.broadcast %add3A_1003 : i32 to vector<16xi32>
      %add3A_1032 = arith.addi %add3A_1031, %masked_cumsum3A_1030 : vector<16xi32>
      %sub3A_1033 = arith.subi %add3A_1032, %select_n3A_1027 : vector<16xi32>
      %shift_left3A_1034 = arith.constant 13 : i32
      %shift_left3A_1035 = vector.broadcast %shift_left3A_1034 : i32 to vector<16xi32>
      %shift_left3A_1036 = arith.shli %get3A_1005, %shift_left3A_1035 : vector<16xi32>
      %sub3A_1037 = vector.broadcast %mul3A_2 : i32 to vector<16xi32>
      %sub3A_1038 = arith.subi %get3A_1007, %sub3A_1037 : vector<16xi32>
      %or3A_1039 = arith.ori %shift_left3A_1036, %sub3A_1038 : vector<16xi32>
      tpu.vector_store_idx %arg24[%sub3A_1033], %or3A_1039 masked %and3A_1022 : memref<1168xi32, #tpu.memory_space<vmem>>[vector<16xi32>], vector<16xi32>, vector<16xi1>
      %reduce_sum3A_1040 = arith.constant true
      %reduce_sum3A_1041 = vector.broadcast %reduce_sum3A_1040 : i1 to vector<16xi1>
      %reduce_sum3A_1042 = tpu.scan <sum>, %select_n3A_1027 masked %reduce_sum3A_1041 : vector<16xi32>, vector<16xi1> -> vector<16xi32>
      %reduce_sum3A_1043 = vector.extract %reduce_sum3A_1042[15] : i32 from vector<16xi32>
      %add3A_1044 = arith.addi %add3A_1003, %reduce_sum3A_1043 : i32
      %get3A_1045 = arith.constant 192 : index
      %get3A_1046 = tpu.vector_load %arg25[%get3A_1045] {strides = array<i32>} : memref<576xi32, #tpu.memory_space<vmem>>, vector<16xi32>,
      %get3A_1047 = arith.constant 192 : index
      %get3A_1048 = tpu.vector_load %arg26[%get3A_1047] {strides = array<i32>} : memref<576xi32, #tpu.memory_space<vmem>>, vector<16xi32>,
      %add3A_1049 = arith.constant 192 : i32
      %add3A_1050 = arith.addi %add3A_557, %add3A_1049 : i32
      %add3A_1051 = vector.broadcast %add3A_1050 : i32 to vector<16xi32>
      %add3A_1052 = arith.addi %add3A_1051, %iota3A : vector<16xi32>
      %lt3A_1053 = arith.constant 330000 : i32
      %lt3A_1054 = vector.broadcast %lt3A_1053 : i32 to vector<16xi32>
      %lt3A_1055 = arith.cmpi slt, %add3A_1052, %lt3A_1054 : vector<16xi32>
      %ge3A_1056 = vector.broadcast %mul3A_2 : i32 to vector<16xi32>
      %ge3A_1057 = arith.cmpi sge, %get3A_1048, %ge3A_1056 : vector<16xi32>
      %and3A_1058 = arith.andi %lt3A_1055, %ge3A_1057 : vector<16xi1>
      %add3A_1059 = arith.constant 5000 : i32
      %add3A_1060 = arith.addi %mul3A_2, %add3A_1059 : i32
      %lt3A_1061 = vector.broadcast %add3A_1060 : i32 to vector<16xi32>
      %lt3A_1062 = arith.cmpi slt, %get3A_1048, %lt3A_1061 : vector<16xi32>
      %and3A_1063 = arith.andi %and3A_1058, %lt3A_1062 : vector<16xi1>
      %jit3A_1064 = arith.constant 1 : i32
      %jit3A_1065 = arith.constant 0 : i32
      %broadcast_in_dim3A_1066 = vector.broadcast %jit3A_1064 : i32 to vector<16xi32>
      %broadcast_in_dim3A_1067 = vector.broadcast %jit3A_1065 : i32 to vector<16xi32>
      %select_n3A_1068 = arith.select %and3A_1063, %broadcast_in_dim3A_1066, %broadcast_in_dim3A_1067 : vector<16xi1>, vector<16xi32>
      %broadcast_in_dim3A_1069 = arith.constant true
      %broadcast_in_dim3A_1070 = vector.broadcast %broadcast_in_dim3A_1069 : i1 to vector<16xi1>
      %masked_cumsum3A_1071 = tpu.scan <sum>, %select_n3A_1068 masked %broadcast_in_dim3A_1070 : vector<16xi32>, vector<16xi1> -> vector<16xi32>
      %add3A_1072 = vector.broadcast %add3A_1044 : i32 to vector<16xi32>
      %add3A_1073 = arith.addi %add3A_1072, %masked_cumsum3A_1071 : vector<16xi32>
      %sub3A_1074 = arith.subi %add3A_1073, %select_n3A_1068 : vector<16xi32>
      %shift_left3A_1075 = arith.constant 13 : i32
      %shift_left3A_1076 = vector.broadcast %shift_left3A_1075 : i32 to vector<16xi32>
      %shift_left3A_1077 = arith.shli %get3A_1046, %shift_left3A_1076 : vector<16xi32>
      %sub3A_1078 = vector.broadcast %mul3A_2 : i32 to vector<16xi32>
      %sub3A_1079 = arith.subi %get3A_1048, %sub3A_1078 : vector<16xi32>
      %or3A_1080 = arith.ori %shift_left3A_1077, %sub3A_1079 : vector<16xi32>
      tpu.vector_store_idx %arg24[%sub3A_1074], %or3A_1080 masked %and3A_1063 : memref<1168xi32, #tpu.memory_space<vmem>>[vector<16xi32>], vector<16xi32>, vector<16xi1>
      %reduce_sum3A_1081 = arith.constant true
      %reduce_sum3A_1082 = vector.broadcast %reduce_sum3A_1081 : i1 to vector<16xi1>
      %reduce_sum3A_1083 = tpu.scan <sum>, %select_n3A_1068 masked %reduce_sum3A_1082 : vector<16xi32>, vector<16xi1> -> vector<16xi32>
      %reduce_sum3A_1084 = vector.extract %reduce_sum3A_1083[15] : i32 from vector<16xi32>
      %add3A_1085 = arith.addi %add3A_1044, %reduce_sum3A_1084 : i32
      %get3A_1086 = arith.constant 208 : index
      %get3A_1087 = tpu.vector_load %arg25[%get3A_1086] {strides = array<i32>} : memref<576xi32, #tpu.memory_space<vmem>>, vector<16xi32>,
      %get3A_1088 = arith.constant 208 : index
      %get3A_1089 = tpu.vector_load %arg26[%get3A_1088] {strides = array<i32>} : memref<576xi32, #tpu.memory_space<vmem>>, vector<16xi32>,
      %add3A_1090 = arith.constant 208 : i32
      %add3A_1091 = arith.addi %add3A_557, %add3A_1090 : i32
      %add3A_1092 = vector.broadcast %add3A_1091 : i32 to vector<16xi32>
      %add3A_1093 = arith.addi %add3A_1092, %iota3A : vector<16xi32>
      %lt3A_1094 = arith.constant 330000 : i32
      %lt3A_1095 = vector.broadcast %lt3A_1094 : i32 to vector<16xi32>
      %lt3A_1096 = arith.cmpi slt, %add3A_1093, %lt3A_1095 : vector<16xi32>
      %ge3A_1097 = vector.broadcast %mul3A_2 : i32 to vector<16xi32>
      %ge3A_1098 = arith.cmpi sge, %get3A_1089, %ge3A_1097 : vector<16xi32>
      %and3A_1099 = arith.andi %lt3A_1096, %ge3A_1098 : vector<16xi1>
      %add3A_1100 = arith.constant 5000 : i32
      %add3A_1101 = arith.addi %mul3A_2, %add3A_1100 : i32
      %lt3A_1102 = vector.broadcast %add3A_1101 : i32 to vector<16xi32>
      %lt3A_1103 = arith.cmpi slt, %get3A_1089, %lt3A_1102 : vector<16xi32>
      %and3A_1104 = arith.andi %and3A_1099, %lt3A_1103 : vector<16xi1>
      %jit3A_1105 = arith.constant 1 : i32
      %jit3A_1106 = arith.constant 0 : i32
      %broadcast_in_dim3A_1107 = vector.broadcast %jit3A_1105 : i32 to vector<16xi32>
      %broadcast_in_dim3A_1108 = vector.broadcast %jit3A_1106 : i32 to vector<16xi32>
      %select_n3A_1109 = arith.select %and3A_1104, %broadcast_in_dim3A_1107, %broadcast_in_dim3A_1108 : vector<16xi1>, vector<16xi32>
      %broadcast_in_dim3A_1110 = arith.constant true
      %broadcast_in_dim3A_1111 = vector.broadcast %broadcast_in_dim3A_1110 : i1 to vector<16xi1>
      %masked_cumsum3A_1112 = tpu.scan <sum>, %select_n3A_1109 masked %broadcast_in_dim3A_1111 : vector<16xi32>, vector<16xi1> -> vector<16xi32>
      %add3A_1113 = vector.broadcast %add3A_1085 : i32 to vector<16xi32>
      %add3A_1114 = arith.addi %add3A_1113, %masked_cumsum3A_1112 : vector<16xi32>
      %sub3A_1115 = arith.subi %add3A_1114, %select_n3A_1109 : vector<16xi32>
      %shift_left3A_1116 = arith.constant 13 : i32
      %shift_left3A_1117 = vector.broadcast %shift_left3A_1116 : i32 to vector<16xi32>
      %shift_left3A_1118 = arith.shli %get3A_1087, %shift_left3A_1117 : vector<16xi32>
      %sub3A_1119 = vector.broadcast %mul3A_2 : i32 to vector<16xi32>
      %sub3A_1120 = arith.subi %get3A_1089, %sub3A_1119 : vector<16xi32>
      %or3A_1121 = arith.ori %shift_left3A_1118, %sub3A_1120 : vector<16xi32>
      tpu.vector_store_idx %arg24[%sub3A_1115], %or3A_1121 masked %and3A_1104 : memref<1168xi32, #tpu.memory_space<vmem>>[vector<16xi32>], vector<16xi32>, vector<16xi1>
      %reduce_sum3A_1122 = arith.constant true
      %reduce_sum3A_1123 = vector.broadcast %reduce_sum3A_1122 : i1 to vector<16xi1>
      %reduce_sum3A_1124 = tpu.scan <sum>, %select_n3A_1109 masked %reduce_sum3A_1123 : vector<16xi32>, vector<16xi1> -> vector<16xi32>
      %reduce_sum3A_1125 = vector.extract %reduce_sum3A_1124[15] : i32 from vector<16xi32>
      %add3A_1126 = arith.addi %add3A_1085, %reduce_sum3A_1125 : i32
      %get3A_1127 = arith.constant 224 : index
      %get3A_1128 = tpu.vector_load %arg25[%get3A_1127] {strides = array<i32>} : memref<576xi32, #tpu.memory_space<vmem>>, vector<16xi32>,
      %get3A_1129 = arith.constant 224 : index
      %get3A_1130 = tpu.vector_load %arg26[%get3A_1129] {strides = array<i32>} : memref<576xi32, #tpu.memory_space<vmem>>, vector<16xi32>,
      %add3A_1131 = arith.constant 224 : i32
      %add3A_1132 = arith.addi %add3A_557, %add3A_1131 : i32
      %add3A_1133 = vector.broadcast %add3A_1132 : i32 to vector<16xi32>
      %add3A_1134 = arith.addi %add3A_1133, %iota3A : vector<16xi32>
      %lt3A_1135 = arith.constant 330000 : i32
      %lt3A_1136 = vector.broadcast %lt3A_1135 : i32 to vector<16xi32>
      %lt3A_1137 = arith.cmpi slt, %add3A_1134, %lt3A_1136 : vector<16xi32>
      %ge3A_1138 = vector.broadcast %mul3A_2 : i32 to vector<16xi32>
      %ge3A_1139 = arith.cmpi sge, %get3A_1130, %ge3A_1138 : vector<16xi32>
      %and3A_1140 = arith.andi %lt3A_1137, %ge3A_1139 : vector<16xi1>
      %add3A_1141 = arith.constant 5000 : i32
      %add3A_1142 = arith.addi %mul3A_2, %add3A_1141 : i32
      %lt3A_1143 = vector.broadcast %add3A_1142 : i32 to vector<16xi32>
      %lt3A_1144 = arith.cmpi slt, %get3A_1130, %lt3A_1143 : vector<16xi32>
      %and3A_1145 = arith.andi %and3A_1140, %lt3A_1144 : vector<16xi1>
      %jit3A_1146 = arith.constant 1 : i32
      %jit3A_1147 = arith.constant 0 : i32
      %broadcast_in_dim3A_1148 = vector.broadcast %jit3A_1146 : i32 to vector<16xi32>
      %broadcast_in_dim3A_1149 = vector.broadcast %jit3A_1147 : i32 to vector<16xi32>
      %select_n3A_1150 = arith.select %and3A_1145, %broadcast_in_dim3A_1148, %broadcast_in_dim3A_1149 : vector<16xi1>, vector<16xi32>
      %broadcast_in_dim3A_1151 = arith.constant true
      %broadcast_in_dim3A_1152 = vector.broadcast %broadcast_in_dim3A_1151 : i1 to vector<16xi1>
      %masked_cumsum3A_1153 = tpu.scan <sum>, %select_n3A_1150 masked %broadcast_in_dim3A_1152 : vector<16xi32>, vector<16xi1> -> vector<16xi32>
      %add3A_1154 = vector.broadcast %add3A_1126 : i32 to vector<16xi32>
      %add3A_1155 = arith.addi %add3A_1154, %masked_cumsum3A_1153 : vector<16xi32>
      %sub3A_1156 = arith.subi %add3A_1155, %select_n3A_1150 : vector<16xi32>
      %shift_left3A_1157 = arith.constant 13 : i32
      %shift_left3A_1158 = vector.broadcast %shift_left3A_1157 : i32 to vector<16xi32>
      %shift_left3A_1159 = arith.shli %get3A_1128, %shift_left3A_1158 : vector<16xi32>
      %sub3A_1160 = vector.broadcast %mul3A_2 : i32 to vector<16xi32>
      %sub3A_1161 = arith.subi %get3A_1130, %sub3A_1160 : vector<16xi32>
      %or3A_1162 = arith.ori %shift_left3A_1159, %sub3A_1161 : vector<16xi32>
      tpu.vector_store_idx %arg24[%sub3A_1156], %or3A_1162 masked %and3A_1145 : memref<1168xi32, #tpu.memory_space<vmem>>[vector<16xi32>], vector<16xi32>, vector<16xi1>
      %reduce_sum3A_1163 = arith.constant true
      %reduce_sum3A_1164 = vector.broadcast %reduce_sum3A_1163 : i1 to vector<16xi1>
      %reduce_sum3A_1165 = tpu.scan <sum>, %select_n3A_1150 masked %reduce_sum3A_1164 : vector<16xi32>, vector<16xi1> -> vector<16xi32>
      %reduce_sum3A_1166 = vector.extract %reduce_sum3A_1165[15] : i32 from vector<16xi32>
      %add3A_1167 = arith.addi %add3A_1126, %reduce_sum3A_1166 : i32
      %get3A_1168 = arith.constant 240 : index
      %get3A_1169 = tpu.vector_load %arg25[%get3A_1168] {strides = array<i32>} : memref<576xi32, #tpu.memory_space<vmem>>, vector<16xi32>,
      %get3A_1170 = arith.constant 240 : index
      %get3A_1171 = tpu.vector_load %arg26[%get3A_1170] {strides = array<i32>} : memref<576xi32, #tpu.memory_space<vmem>>, vector<16xi32>,
      %add3A_1172 = arith.constant 240 : i32
      %add3A_1173 = arith.addi %add3A_557, %add3A_1172 : i32
      %add3A_1174 = vector.broadcast %add3A_1173 : i32 to vector<16xi32>
      %add3A_1175 = arith.addi %add3A_1174, %iota3A : vector<16xi32>
      %lt3A_1176 = arith.constant 330000 : i32
      %lt3A_1177 = vector.broadcast %lt3A_1176 : i32 to vector<16xi32>
      %lt3A_1178 = arith.cmpi slt, %add3A_1175, %lt3A_1177 : vector<16xi32>
      %ge3A_1179 = vector.broadcast %mul3A_2 : i32 to vector<16xi32>
      %ge3A_1180 = arith.cmpi sge, %get3A_1171, %ge3A_1179 : vector<16xi32>
      %and3A_1181 = arith.andi %lt3A_1178, %ge3A_1180 : vector<16xi1>
      %add3A_1182 = arith.constant 5000 : i32
      %add3A_1183 = arith.addi %mul3A_2, %add3A_1182 : i32
      %lt3A_1184 = vector.broadcast %add3A_1183 : i32 to vector<16xi32>
      %lt3A_1185 = arith.cmpi slt, %get3A_1171, %lt3A_1184 : vector<16xi32>
      %and3A_1186 = arith.andi %and3A_1181, %lt3A_1185 : vector<16xi1>
      %jit3A_1187 = arith.constant 1 : i32
      %jit3A_1188 = arith.constant 0 : i32
      %broadcast_in_dim3A_1189 = vector.broadcast %jit3A_1187 : i32 to vector<16xi32>
      %broadcast_in_dim3A_1190 = vector.broadcast %jit3A_1188 : i32 to vector<16xi32>
      %select_n3A_1191 = arith.select %and3A_1186, %broadcast_in_dim3A_1189, %broadcast_in_dim3A_1190 : vector<16xi1>, vector<16xi32>
      %broadcast_in_dim3A_1192 = arith.constant true
      %broadcast_in_dim3A_1193 = vector.broadcast %broadcast_in_dim3A_1192 : i1 to vector<16xi1>
      %masked_cumsum3A_1194 = tpu.scan <sum>, %select_n3A_1191 masked %broadcast_in_dim3A_1193 : vector<16xi32>, vector<16xi1> -> vector<16xi32>
      %add3A_1195 = vector.broadcast %add3A_1167 : i32 to vector<16xi32>
      %add3A_1196 = arith.addi %add3A_1195, %masked_cumsum3A_1194 : vector<16xi32>
      %sub3A_1197 = arith.subi %add3A_1196, %select_n3A_1191 : vector<16xi32>
      %shift_left3A_1198 = arith.constant 13 : i32
      %shift_left3A_1199 = vector.broadcast %shift_left3A_1198 : i32 to vector<16xi32>
      %shift_left3A_1200 = arith.shli %get3A_1169, %shift_left3A_1199 : vector<16xi32>
      %sub3A_1201 = vector.broadcast %mul3A_2 : i32 to vector<16xi32>
      %sub3A_1202 = arith.subi %get3A_1171, %sub3A_1201 : vector<16xi32>
      %or3A_1203 = arith.ori %shift_left3A_1200, %sub3A_1202 : vector<16xi32>
      tpu.vector_store_idx %arg24[%sub3A_1197], %or3A_1203 masked %and3A_1186 : memref<1168xi32, #tpu.memory_space<vmem>>[vector<16xi32>], vector<16xi32>, vector<16xi1>
      %reduce_sum3A_1204 = arith.constant true
      %reduce_sum3A_1205 = vector.broadcast %reduce_sum3A_1204 : i1 to vector<16xi1>
      %reduce_sum3A_1206 = tpu.scan <sum>, %select_n3A_1191 masked %reduce_sum3A_1205 : vector<16xi32>, vector<16xi1> -> vector<16xi32>
      %reduce_sum3A_1207 = vector.extract %reduce_sum3A_1206[15] : i32 from vector<16xi32>
      %add3A_1208 = arith.addi %add3A_1167, %reduce_sum3A_1207 : i32
      %get3A_1209 = arith.constant 256 : index
      %get3A_1210 = tpu.vector_load %arg25[%get3A_1209] {strides = array<i32>} : memref<576xi32, #tpu.memory_space<vmem>>, vector<16xi32>,
      %get3A_1211 = arith.constant 256 : index
      %get3A_1212 = tpu.vector_load %arg26[%get3A_1211] {strides = array<i32>} : memref<576xi32, #tpu.memory_space<vmem>>, vector<16xi32>,
      %add3A_1213 = arith.constant 256 : i32
      %add3A_1214 = arith.addi %add3A_557, %add3A_1213 : i32
      %add3A_1215 = vector.broadcast %add3A_1214 : i32 to vector<16xi32>
      %add3A_1216 = arith.addi %add3A_1215, %iota3A : vector<16xi32>
      %lt3A_1217 = arith.constant 330000 : i32
      %lt3A_1218 = vector.broadcast %lt3A_1217 : i32 to vector<16xi32>
      %lt3A_1219 = arith.cmpi slt, %add3A_1216, %lt3A_1218 : vector<16xi32>
      %ge3A_1220 = vector.broadcast %mul3A_2 : i32 to vector<16xi32>
      %ge3A_1221 = arith.cmpi sge, %get3A_1212, %ge3A_1220 : vector<16xi32>
      %and3A_1222 = arith.andi %lt3A_1219, %ge3A_1221 : vector<16xi1>
      %add3A_1223 = arith.constant 5000 : i32
      %add3A_1224 = arith.addi %mul3A_2, %add3A_1223 : i32
      %lt3A_1225 = vector.broadcast %add3A_1224 : i32 to vector<16xi32>
      %lt3A_1226 = arith.cmpi slt, %get3A_1212, %lt3A_1225 : vector<16xi32>
      %and3A_1227 = arith.andi %and3A_1222, %lt3A_1226 : vector<16xi1>
      %jit3A_1228 = arith.constant 1 : i32
      %jit3A_1229 = arith.constant 0 : i32
      %broadcast_in_dim3A_1230 = vector.broadcast %jit3A_1228 : i32 to vector<16xi32>
      %broadcast_in_dim3A_1231 = vector.broadcast %jit3A_1229 : i32 to vector<16xi32>
      %select_n3A_1232 = arith.select %and3A_1227, %broadcast_in_dim3A_1230, %broadcast_in_dim3A_1231 : vector<16xi1>, vector<16xi32>
      %broadcast_in_dim3A_1233 = arith.constant true
      %broadcast_in_dim3A_1234 = vector.broadcast %broadcast_in_dim3A_1233 : i1 to vector<16xi1>
      %masked_cumsum3A_1235 = tpu.scan <sum>, %select_n3A_1232 masked %broadcast_in_dim3A_1234 : vector<16xi32>, vector<16xi1> -> vector<16xi32>
      %add3A_1236 = vector.broadcast %add3A_1208 : i32 to vector<16xi32>
      %add3A_1237 = arith.addi %add3A_1236, %masked_cumsum3A_1235 : vector<16xi32>
      %sub3A_1238 = arith.subi %add3A_1237, %select_n3A_1232 : vector<16xi32>
      %shift_left3A_1239 = arith.constant 13 : i32
      %shift_left3A_1240 = vector.broadcast %shift_left3A_1239 : i32 to vector<16xi32>
      %shift_left3A_1241 = arith.shli %get3A_1210, %shift_left3A_1240 : vector<16xi32>
      %sub3A_1242 = vector.broadcast %mul3A_2 : i32 to vector<16xi32>
      %sub3A_1243 = arith.subi %get3A_1212, %sub3A_1242 : vector<16xi32>
      %or3A_1244 = arith.ori %shift_left3A_1241, %sub3A_1243 : vector<16xi32>
      tpu.vector_store_idx %arg24[%sub3A_1238], %or3A_1244 masked %and3A_1227 : memref<1168xi32, #tpu.memory_space<vmem>>[vector<16xi32>], vector<16xi32>, vector<16xi1>
      %reduce_sum3A_1245 = arith.constant true
      %reduce_sum3A_1246 = vector.broadcast %reduce_sum3A_1245 : i1 to vector<16xi1>
      %reduce_sum3A_1247 = tpu.scan <sum>, %select_n3A_1232 masked %reduce_sum3A_1246 : vector<16xi32>, vector<16xi1> -> vector<16xi32>
      %reduce_sum3A_1248 = vector.extract %reduce_sum3A_1247[15] : i32 from vector<16xi32>
      %add3A_1249 = arith.addi %add3A_1208, %reduce_sum3A_1248 : i32
      %get3A_1250 = arith.constant 272 : index
      %get3A_1251 = tpu.vector_load %arg25[%get3A_1250] {strides = array<i32>} : memref<576xi32, #tpu.memory_space<vmem>>, vector<16xi32>,
      %get3A_1252 = arith.constant 272 : index
      %get3A_1253 = tpu.vector_load %arg26[%get3A_1252] {strides = array<i32>} : memref<576xi32, #tpu.memory_space<vmem>>, vector<16xi32>,
      %add3A_1254 = arith.constant 272 : i32
      %add3A_1255 = arith.addi %add3A_557, %add3A_1254 : i32
      %add3A_1256 = vector.broadcast %add3A_1255 : i32 to vector<16xi32>
      %add3A_1257 = arith.addi %add3A_1256, %iota3A : vector<16xi32>
      %lt3A_1258 = arith.constant 330000 : i32
      %lt3A_1259 = vector.broadcast %lt3A_1258 : i32 to vector<16xi32>
      %lt3A_1260 = arith.cmpi slt, %add3A_1257, %lt3A_1259 : vector<16xi32>
      %ge3A_1261 = vector.broadcast %mul3A_2 : i32 to vector<16xi32>
      %ge3A_1262 = arith.cmpi sge, %get3A_1253, %ge3A_1261 : vector<16xi32>
      %and3A_1263 = arith.andi %lt3A_1260, %ge3A_1262 : vector<16xi1>
      %add3A_1264 = arith.constant 5000 : i32
      %add3A_1265 = arith.addi %mul3A_2, %add3A_1264 : i32
      %lt3A_1266 = vector.broadcast %add3A_1265 : i32 to vector<16xi32>
      %lt3A_1267 = arith.cmpi slt, %get3A_1253, %lt3A_1266 : vector<16xi32>
      %and3A_1268 = arith.andi %and3A_1263, %lt3A_1267 : vector<16xi1>
      %jit3A_1269 = arith.constant 1 : i32
      %jit3A_1270 = arith.constant 0 : i32
      %broadcast_in_dim3A_1271 = vector.broadcast %jit3A_1269 : i32 to vector<16xi32>
      %broadcast_in_dim3A_1272 = vector.broadcast %jit3A_1270 : i32 to vector<16xi32>
      %select_n3A_1273 = arith.select %and3A_1268, %broadcast_in_dim3A_1271, %broadcast_in_dim3A_1272 : vector<16xi1>, vector<16xi32>
      %broadcast_in_dim3A_1274 = arith.constant true
      %broadcast_in_dim3A_1275 = vector.broadcast %broadcast_in_dim3A_1274 : i1 to vector<16xi1>
      %masked_cumsum3A_1276 = tpu.scan <sum>, %select_n3A_1273 masked %broadcast_in_dim3A_1275 : vector<16xi32>, vector<16xi1> -> vector<16xi32>
      %add3A_1277 = vector.broadcast %add3A_1249 : i32 to vector<16xi32>
      %add3A_1278 = arith.addi %add3A_1277, %masked_cumsum3A_1276 : vector<16xi32>
      %sub3A_1279 = arith.subi %add3A_1278, %select_n3A_1273 : vector<16xi32>
      %shift_left3A_1280 = arith.constant 13 : i32
      %shift_left3A_1281 = vector.broadcast %shift_left3A_1280 : i32 to vector<16xi32>
      %shift_left3A_1282 = arith.shli %get3A_1251, %shift_left3A_1281 : vector<16xi32>
      %sub3A_1283 = vector.broadcast %mul3A_2 : i32 to vector<16xi32>
      %sub3A_1284 = arith.subi %get3A_1253, %sub3A_1283 : vector<16xi32>
      %or3A_1285 = arith.ori %shift_left3A_1282, %sub3A_1284 : vector<16xi32>
      tpu.vector_store_idx %arg24[%sub3A_1279], %or3A_1285 masked %and3A_1268 : memref<1168xi32, #tpu.memory_space<vmem>>[vector<16xi32>], vector<16xi32>, vector<16xi1>
      %reduce_sum3A_1286 = arith.constant true
      %reduce_sum3A_1287 = vector.broadcast %reduce_sum3A_1286 : i1 to vector<16xi1>
      %reduce_sum3A_1288 = tpu.scan <sum>, %select_n3A_1273 masked %reduce_sum3A_1287 : vector<16xi32>, vector<16xi1> -> vector<16xi32>
      %reduce_sum3A_1289 = vector.extract %reduce_sum3A_1288[15] : i32 from vector<16xi32>
      %add3A_1290 = arith.addi %add3A_1249, %reduce_sum3A_1289 : i32
      %get3A_1291 = arith.constant 288 : index
      %get3A_1292 = tpu.vector_load %arg25[%get3A_1291] {strides = array<i32>} : memref<576xi32, #tpu.memory_space<vmem>>, vector<16xi32>,
      %get3A_1293 = arith.constant 288 : index
      %get3A_1294 = tpu.vector_load %arg26[%get3A_1293] {strides = array<i32>} : memref<576xi32, #tpu.memory_space<vmem>>, vector<16xi32>,
      %add3A_1295 = arith.constant 288 : i32
      %add3A_1296 = arith.addi %add3A_557, %add3A_1295 : i32
      %add3A_1297 = vector.broadcast %add3A_1296 : i32 to vector<16xi32>
      %add3A_1298 = arith.addi %add3A_1297, %iota3A : vector<16xi32>
      %lt3A_1299 = arith.constant 330000 : i32
      %lt3A_1300 = vector.broadcast %lt3A_1299 : i32 to vector<16xi32>
      %lt3A_1301 = arith.cmpi slt, %add3A_1298, %lt3A_1300 : vector<16xi32>
      %ge3A_1302 = vector.broadcast %mul3A_2 : i32 to vector<16xi32>
      %ge3A_1303 = arith.cmpi sge, %get3A_1294, %ge3A_1302 : vector<16xi32>
      %and3A_1304 = arith.andi %lt3A_1301, %ge3A_1303 : vector<16xi1>
      %add3A_1305 = arith.constant 5000 : i32
      %add3A_1306 = arith.addi %mul3A_2, %add3A_1305 : i32
      %lt3A_1307 = vector.broadcast %add3A_1306 : i32 to vector<16xi32>
      %lt3A_1308 = arith.cmpi slt, %get3A_1294, %lt3A_1307 : vector<16xi32>
      %and3A_1309 = arith.andi %and3A_1304, %lt3A_1308 : vector<16xi1>
      %jit3A_1310 = arith.constant 1 : i32
      %jit3A_1311 = arith.constant 0 : i32
      %broadcast_in_dim3A_1312 = vector.broadcast %jit3A_1310 : i32 to vector<16xi32>
      %broadcast_in_dim3A_1313 = vector.broadcast %jit3A_1311 : i32 to vector<16xi32>
      %select_n3A_1314 = arith.select %and3A_1309, %broadcast_in_dim3A_1312, %broadcast_in_dim3A_1313 : vector<16xi1>, vector<16xi32>
      %broadcast_in_dim3A_1315 = arith.constant true
      %broadcast_in_dim3A_1316 = vector.broadcast %broadcast_in_dim3A_1315 : i1 to vector<16xi1>
      %masked_cumsum3A_1317 = tpu.scan <sum>, %select_n3A_1314 masked %broadcast_in_dim3A_1316 : vector<16xi32>, vector<16xi1> -> vector<16xi32>
      %add3A_1318 = vector.broadcast %add3A_1290 : i32 to vector<16xi32>
      %add3A_1319 = arith.addi %add3A_1318, %masked_cumsum3A_1317 : vector<16xi32>
      %sub3A_1320 = arith.subi %add3A_1319, %select_n3A_1314 : vector<16xi32>
      %shift_left3A_1321 = arith.constant 13 : i32
      %shift_left3A_1322 = vector.broadcast %shift_left3A_1321 : i32 to vector<16xi32>
      %shift_left3A_1323 = arith.shli %get3A_1292, %shift_left3A_1322 : vector<16xi32>
      %sub3A_1324 = vector.broadcast %mul3A_2 : i32 to vector<16xi32>
      %sub3A_1325 = arith.subi %get3A_1294, %sub3A_1324 : vector<16xi32>
      %or3A_1326 = arith.ori %shift_left3A_1323, %sub3A_1325 : vector<16xi32>
      tpu.vector_store_idx %arg24[%sub3A_1320], %or3A_1326 masked %and3A_1309 : memref<1168xi32, #tpu.memory_space<vmem>>[vector<16xi32>], vector<16xi32>, vector<16xi1>
      %reduce_sum3A_1327 = arith.constant true
      %reduce_sum3A_1328 = vector.broadcast %reduce_sum3A_1327 : i1 to vector<16xi1>
      %reduce_sum3A_1329 = tpu.scan <sum>, %select_n3A_1314 masked %reduce_sum3A_1328 : vector<16xi32>, vector<16xi1> -> vector<16xi32>
      %reduce_sum3A_1330 = vector.extract %reduce_sum3A_1329[15] : i32 from vector<16xi32>
      %add3A_1331 = arith.addi %add3A_1290, %reduce_sum3A_1330 : i32
      %get3A_1332 = arith.constant 304 : index
      %get3A_1333 = tpu.vector_load %arg25[%get3A_1332] {strides = array<i32>} : memref<576xi32, #tpu.memory_space<vmem>>, vector<16xi32>,
      %get3A_1334 = arith.constant 304 : index
      %get3A_1335 = tpu.vector_load %arg26[%get3A_1334] {strides = array<i32>} : memref<576xi32, #tpu.memory_space<vmem>>, vector<16xi32>,
      %add3A_1336 = arith.constant 304 : i32
      %add3A_1337 = arith.addi %add3A_557, %add3A_1336 : i32
      %add3A_1338 = vector.broadcast %add3A_1337 : i32 to vector<16xi32>
      %add3A_1339 = arith.addi %add3A_1338, %iota3A : vector<16xi32>
      %lt3A_1340 = arith.constant 330000 : i32
      %lt3A_1341 = vector.broadcast %lt3A_1340 : i32 to vector<16xi32>
      %lt3A_1342 = arith.cmpi slt, %add3A_1339, %lt3A_1341 : vector<16xi32>
      %ge3A_1343 = vector.broadcast %mul3A_2 : i32 to vector<16xi32>
      %ge3A_1344 = arith.cmpi sge, %get3A_1335, %ge3A_1343 : vector<16xi32>
      %and3A_1345 = arith.andi %lt3A_1342, %ge3A_1344 : vector<16xi1>
      %add3A_1346 = arith.constant 5000 : i32
      %add3A_1347 = arith.addi %mul3A_2, %add3A_1346 : i32
      %lt3A_1348 = vector.broadcast %add3A_1347 : i32 to vector<16xi32>
      %lt3A_1349 = arith.cmpi slt, %get3A_1335, %lt3A_1348 : vector<16xi32>
      %and3A_1350 = arith.andi %and3A_1345, %lt3A_1349 : vector<16xi1>
      %jit3A_1351 = arith.constant 1 : i32
      %jit3A_1352 = arith.constant 0 : i32
      %broadcast_in_dim3A_1353 = vector.broadcast %jit3A_1351 : i32 to vector<16xi32>
      %broadcast_in_dim3A_1354 = vector.broadcast %jit3A_1352 : i32 to vector<16xi32>
      %select_n3A_1355 = arith.select %and3A_1350, %broadcast_in_dim3A_1353, %broadcast_in_dim3A_1354 : vector<16xi1>, vector<16xi32>
      %broadcast_in_dim3A_1356 = arith.constant true
      %broadcast_in_dim3A_1357 = vector.broadcast %broadcast_in_dim3A_1356 : i1 to vector<16xi1>
      %masked_cumsum3A_1358 = tpu.scan <sum>, %select_n3A_1355 masked %broadcast_in_dim3A_1357 : vector<16xi32>, vector<16xi1> -> vector<16xi32>
      %add3A_1359 = vector.broadcast %add3A_1331 : i32 to vector<16xi32>
      %add3A_1360 = arith.addi %add3A_1359, %masked_cumsum3A_1358 : vector<16xi32>
      %sub3A_1361 = arith.subi %add3A_1360, %select_n3A_1355 : vector<16xi32>
      %shift_left3A_1362 = arith.constant 13 : i32
      %shift_left3A_1363 = vector.broadcast %shift_left3A_1362 : i32 to vector<16xi32>
      %shift_left3A_1364 = arith.shli %get3A_1333, %shift_left3A_1363 : vector<16xi32>
      %sub3A_1365 = vector.broadcast %mul3A_2 : i32 to vector<16xi32>
      %sub3A_1366 = arith.subi %get3A_1335, %sub3A_1365 : vector<16xi32>
      %or3A_1367 = arith.ori %shift_left3A_1364, %sub3A_1366 : vector<16xi32>
      tpu.vector_store_idx %arg24[%sub3A_1361], %or3A_1367 masked %and3A_1350 : memref<1168xi32, #tpu.memory_space<vmem>>[vector<16xi32>], vector<16xi32>, vector<16xi1>
      %reduce_sum3A_1368 = arith.constant true
      %reduce_sum3A_1369 = vector.broadcast %reduce_sum3A_1368 : i1 to vector<16xi1>
      %reduce_sum3A_1370 = tpu.scan <sum>, %select_n3A_1355 masked %reduce_sum3A_1369 : vector<16xi32>, vector<16xi1> -> vector<16xi32>
      %reduce_sum3A_1371 = vector.extract %reduce_sum3A_1370[15] : i32 from vector<16xi32>
      %add3A_1372 = arith.addi %add3A_1331, %reduce_sum3A_1371 : i32
      %get3A_1373 = arith.constant 320 : index
      %get3A_1374 = tpu.vector_load %arg25[%get3A_1373] {strides = array<i32>} : memref<576xi32, #tpu.memory_space<vmem>>, vector<16xi32>,
      %get3A_1375 = arith.constant 320 : index
      %get3A_1376 = tpu.vector_load %arg26[%get3A_1375] {strides = array<i32>} : memref<576xi32, #tpu.memory_space<vmem>>, vector<16xi32>,
      %add3A_1377 = arith.constant 320 : i32
      %add3A_1378 = arith.addi %add3A_557, %add3A_1377 : i32
      %add3A_1379 = vector.broadcast %add3A_1378 : i32 to vector<16xi32>
      %add3A_1380 = arith.addi %add3A_1379, %iota3A : vector<16xi32>
      %lt3A_1381 = arith.constant 330000 : i32
      %lt3A_1382 = vector.broadcast %lt3A_1381 : i32 to vector<16xi32>
      %lt3A_1383 = arith.cmpi slt, %add3A_1380, %lt3A_1382 : vector<16xi32>
      %ge3A_1384 = vector.broadcast %mul3A_2 : i32 to vector<16xi32>
      %ge3A_1385 = arith.cmpi sge, %get3A_1376, %ge3A_1384 : vector<16xi32>
      %and3A_1386 = arith.andi %lt3A_1383, %ge3A_1385 : vector<16xi1>
      %add3A_1387 = arith.constant 5000 : i32
      %add3A_1388 = arith.addi %mul3A_2, %add3A_1387 : i32
      %lt3A_1389 = vector.broadcast %add3A_1388 : i32 to vector<16xi32>
      %lt3A_1390 = arith.cmpi slt, %get3A_1376, %lt3A_1389 : vector<16xi32>
      %and3A_1391 = arith.andi %and3A_1386, %lt3A_1390 : vector<16xi1>
      %jit3A_1392 = arith.constant 1 : i32
      %jit3A_1393 = arith.constant 0 : i32
      %broadcast_in_dim3A_1394 = vector.broadcast %jit3A_1392 : i32 to vector<16xi32>
      %broadcast_in_dim3A_1395 = vector.broadcast %jit3A_1393 : i32 to vector<16xi32>
      %select_n3A_1396 = arith.select %and3A_1391, %broadcast_in_dim3A_1394, %broadcast_in_dim3A_1395 : vector<16xi1>, vector<16xi32>
      %broadcast_in_dim3A_1397 = arith.constant true
      %broadcast_in_dim3A_1398 = vector.broadcast %broadcast_in_dim3A_1397 : i1 to vector<16xi1>
      %masked_cumsum3A_1399 = tpu.scan <sum>, %select_n3A_1396 masked %broadcast_in_dim3A_1398 : vector<16xi32>, vector<16xi1> -> vector<16xi32>
      %add3A_1400 = vector.broadcast %add3A_1372 : i32 to vector<16xi32>
      %add3A_1401 = arith.addi %add3A_1400, %masked_cumsum3A_1399 : vector<16xi32>
      %sub3A_1402 = arith.subi %add3A_1401, %select_n3A_1396 : vector<16xi32>
      %shift_left3A_1403 = arith.constant 13 : i32
      %shift_left3A_1404 = vector.broadcast %shift_left3A_1403 : i32 to vector<16xi32>
      %shift_left3A_1405 = arith.shli %get3A_1374, %shift_left3A_1404 : vector<16xi32>
      %sub3A_1406 = vector.broadcast %mul3A_2 : i32 to vector<16xi32>
      %sub3A_1407 = arith.subi %get3A_1376, %sub3A_1406 : vector<16xi32>
      %or3A_1408 = arith.ori %shift_left3A_1405, %sub3A_1407 : vector<16xi32>
      tpu.vector_store_idx %arg24[%sub3A_1402], %or3A_1408 masked %and3A_1391 : memref<1168xi32, #tpu.memory_space<vmem>>[vector<16xi32>], vector<16xi32>, vector<16xi1>
      %reduce_sum3A_1409 = arith.constant true
      %reduce_sum3A_1410 = vector.broadcast %reduce_sum3A_1409 : i1 to vector<16xi1>
      %reduce_sum3A_1411 = tpu.scan <sum>, %select_n3A_1396 masked %reduce_sum3A_1410 : vector<16xi32>, vector<16xi1> -> vector<16xi32>
      %reduce_sum3A_1412 = vector.extract %reduce_sum3A_1411[15] : i32 from vector<16xi32>
      %add3A_1413 = arith.addi %add3A_1372, %reduce_sum3A_1412 : i32
      %get3A_1414 = arith.constant 336 : index
      %get3A_1415 = tpu.vector_load %arg25[%get3A_1414] {strides = array<i32>} : memref<576xi32, #tpu.memory_space<vmem>>, vector<16xi32>,
      %get3A_1416 = arith.constant 336 : index
      %get3A_1417 = tpu.vector_load %arg26[%get3A_1416] {strides = array<i32>} : memref<576xi32, #tpu.memory_space<vmem>>, vector<16xi32>,
      %add3A_1418 = arith.constant 336 : i32
      %add3A_1419 = arith.addi %add3A_557, %add3A_1418 : i32
      %add3A_1420 = vector.broadcast %add3A_1419 : i32 to vector<16xi32>
      %add3A_1421 = arith.addi %add3A_1420, %iota3A : vector<16xi32>
      %lt3A_1422 = arith.constant 330000 : i32
      %lt3A_1423 = vector.broadcast %lt3A_1422 : i32 to vector<16xi32>
      %lt3A_1424 = arith.cmpi slt, %add3A_1421, %lt3A_1423 : vector<16xi32>
      %ge3A_1425 = vector.broadcast %mul3A_2 : i32 to vector<16xi32>
      %ge3A_1426 = arith.cmpi sge, %get3A_1417, %ge3A_1425 : vector<16xi32>
      %and3A_1427 = arith.andi %lt3A_1424, %ge3A_1426 : vector<16xi1>
      %add3A_1428 = arith.constant 5000 : i32
      %add3A_1429 = arith.addi %mul3A_2, %add3A_1428 : i32
      %lt3A_1430 = vector.broadcast %add3A_1429 : i32 to vector<16xi32>
      %lt3A_1431 = arith.cmpi slt, %get3A_1417, %lt3A_1430 : vector<16xi32>
      %and3A_1432 = arith.andi %and3A_1427, %lt3A_1431 : vector<16xi1>
      %jit3A_1433 = arith.constant 1 : i32
      %jit3A_1434 = arith.constant 0 : i32
      %broadcast_in_dim3A_1435 = vector.broadcast %jit3A_1433 : i32 to vector<16xi32>
      %broadcast_in_dim3A_1436 = vector.broadcast %jit3A_1434 : i32 to vector<16xi32>
      %select_n3A_1437 = arith.select %and3A_1432, %broadcast_in_dim3A_1435, %broadcast_in_dim3A_1436 : vector<16xi1>, vector<16xi32>
      %broadcast_in_dim3A_1438 = arith.constant true
      %broadcast_in_dim3A_1439 = vector.broadcast %broadcast_in_dim3A_1438 : i1 to vector<16xi1>
      %masked_cumsum3A_1440 = tpu.scan <sum>, %select_n3A_1437 masked %broadcast_in_dim3A_1439 : vector<16xi32>, vector<16xi1> -> vector<16xi32>
      %add3A_1441 = vector.broadcast %add3A_1413 : i32 to vector<16xi32>
      %add3A_1442 = arith.addi %add3A_1441, %masked_cumsum3A_1440 : vector<16xi32>
      %sub3A_1443 = arith.subi %add3A_1442, %select_n3A_1437 : vector<16xi32>
      %shift_left3A_1444 = arith.constant 13 : i32
      %shift_left3A_1445 = vector.broadcast %shift_left3A_1444 : i32 to vector<16xi32>
      %shift_left3A_1446 = arith.shli %get3A_1415, %shift_left3A_1445 : vector<16xi32>
      %sub3A_1447 = vector.broadcast %mul3A_2 : i32 to vector<16xi32>
      %sub3A_1448 = arith.subi %get3A_1417, %sub3A_1447 : vector<16xi32>
      %or3A_1449 = arith.ori %shift_left3A_1446, %sub3A_1448 : vector<16xi32>
      tpu.vector_store_idx %arg24[%sub3A_1443], %or3A_1449 masked %and3A_1432 : memref<1168xi32, #tpu.memory_space<vmem>>[vector<16xi32>], vector<16xi32>, vector<16xi1>
      %reduce_sum3A_1450 = arith.constant true
      %reduce_sum3A_1451 = vector.broadcast %reduce_sum3A_1450 : i1 to vector<16xi1>
      %reduce_sum3A_1452 = tpu.scan <sum>, %select_n3A_1437 masked %reduce_sum3A_1451 : vector<16xi32>, vector<16xi1> -> vector<16xi32>
      %reduce_sum3A_1453 = vector.extract %reduce_sum3A_1452[15] : i32 from vector<16xi32>
      %add3A_1454 = arith.addi %add3A_1413, %reduce_sum3A_1453 : i32
      %get3A_1455 = arith.constant 352 : index
      %get3A_1456 = tpu.vector_load %arg25[%get3A_1455] {strides = array<i32>} : memref<576xi32, #tpu.memory_space<vmem>>, vector<16xi32>,
      %get3A_1457 = arith.constant 352 : index
      %get3A_1458 = tpu.vector_load %arg26[%get3A_1457] {strides = array<i32>} : memref<576xi32, #tpu.memory_space<vmem>>, vector<16xi32>,
      %add3A_1459 = arith.constant 352 : i32
      %add3A_1460 = arith.addi %add3A_557, %add3A_1459 : i32
      %add3A_1461 = vector.broadcast %add3A_1460 : i32 to vector<16xi32>
      %add3A_1462 = arith.addi %add3A_1461, %iota3A : vector<16xi32>
      %lt3A_1463 = arith.constant 330000 : i32
      %lt3A_1464 = vector.broadcast %lt3A_1463 : i32 to vector<16xi32>
      %lt3A_1465 = arith.cmpi slt, %add3A_1462, %lt3A_1464 : vector<16xi32>
      %ge3A_1466 = vector.broadcast %mul3A_2 : i32 to vector<16xi32>
      %ge3A_1467 = arith.cmpi sge, %get3A_1458, %ge3A_1466 : vector<16xi32>
      %and3A_1468 = arith.andi %lt3A_1465, %ge3A_1467 : vector<16xi1>
      %add3A_1469 = arith.constant 5000 : i32
      %add3A_1470 = arith.addi %mul3A_2, %add3A_1469 : i32
      %lt3A_1471 = vector.broadcast %add3A_1470 : i32 to vector<16xi32>
      %lt3A_1472 = arith.cmpi slt, %get3A_1458, %lt3A_1471 : vector<16xi32>
      %and3A_1473 = arith.andi %and3A_1468, %lt3A_1472 : vector<16xi1>
      %jit3A_1474 = arith.constant 1 : i32
      %jit3A_1475 = arith.constant 0 : i32
      %broadcast_in_dim3A_1476 = vector.broadcast %jit3A_1474 : i32 to vector<16xi32>
      %broadcast_in_dim3A_1477 = vector.broadcast %jit3A_1475 : i32 to vector<16xi32>
      %select_n3A_1478 = arith.select %and3A_1473, %broadcast_in_dim3A_1476, %broadcast_in_dim3A_1477 : vector<16xi1>, vector<16xi32>
      %broadcast_in_dim3A_1479 = arith.constant true
      %broadcast_in_dim3A_1480 = vector.broadcast %broadcast_in_dim3A_1479 : i1 to vector<16xi1>
      %masked_cumsum3A_1481 = tpu.scan <sum>, %select_n3A_1478 masked %broadcast_in_dim3A_1480 : vector<16xi32>, vector<16xi1> -> vector<16xi32>
      %add3A_1482 = vector.broadcast %add3A_1454 : i32 to vector<16xi32>
      %add3A_1483 = arith.addi %add3A_1482, %masked_cumsum3A_1481 : vector<16xi32>
      %sub3A_1484 = arith.subi %add3A_1483, %select_n3A_1478 : vector<16xi32>
      %shift_left3A_1485 = arith.constant 13 : i32
      %shift_left3A_1486 = vector.broadcast %shift_left3A_1485 : i32 to vector<16xi32>
      %shift_left3A_1487 = arith.shli %get3A_1456, %shift_left3A_1486 : vector<16xi32>
      %sub3A_1488 = vector.broadcast %mul3A_2 : i32 to vector<16xi32>
      %sub3A_1489 = arith.subi %get3A_1458, %sub3A_1488 : vector<16xi32>
      %or3A_1490 = arith.ori %shift_left3A_1487, %sub3A_1489 : vector<16xi32>
      tpu.vector_store_idx %arg24[%sub3A_1484], %or3A_1490 masked %and3A_1473 : memref<1168xi32, #tpu.memory_space<vmem>>[vector<16xi32>], vector<16xi32>, vector<16xi1>
      %reduce_sum3A_1491 = arith.constant true
      %reduce_sum3A_1492 = vector.broadcast %reduce_sum3A_1491 : i1 to vector<16xi1>
      %reduce_sum3A_1493 = tpu.scan <sum>, %select_n3A_1478 masked %reduce_sum3A_1492 : vector<16xi32>, vector<16xi1> -> vector<16xi32>
      %reduce_sum3A_1494 = vector.extract %reduce_sum3A_1493[15] : i32 from vector<16xi32>
      %add3A_1495 = arith.addi %add3A_1454, %reduce_sum3A_1494 : i32
      %get3A_1496 = arith.constant 368 : index
      %get3A_1497 = tpu.vector_load %arg25[%get3A_1496] {strides = array<i32>} : memref<576xi32, #tpu.memory_space<vmem>>, vector<16xi32>,
      %get3A_1498 = arith.constant 368 : index
      %get3A_1499 = tpu.vector_load %arg26[%get3A_1498] {strides = array<i32>} : memref<576xi32, #tpu.memory_space<vmem>>, vector<16xi32>,
      %add3A_1500 = arith.constant 368 : i32
      %add3A_1501 = arith.addi %add3A_557, %add3A_1500 : i32
      %add3A_1502 = vector.broadcast %add3A_1501 : i32 to vector<16xi32>
      %add3A_1503 = arith.addi %add3A_1502, %iota3A : vector<16xi32>
      %lt3A_1504 = arith.constant 330000 : i32
      %lt3A_1505 = vector.broadcast %lt3A_1504 : i32 to vector<16xi32>
      %lt3A_1506 = arith.cmpi slt, %add3A_1503, %lt3A_1505 : vector<16xi32>
      %ge3A_1507 = vector.broadcast %mul3A_2 : i32 to vector<16xi32>
      %ge3A_1508 = arith.cmpi sge, %get3A_1499, %ge3A_1507 : vector<16xi32>
      %and3A_1509 = arith.andi %lt3A_1506, %ge3A_1508 : vector<16xi1>
      %add3A_1510 = arith.constant 5000 : i32
      %add3A_1511 = arith.addi %mul3A_2, %add3A_1510 : i32
      %lt3A_1512 = vector.broadcast %add3A_1511 : i32 to vector<16xi32>
      %lt3A_1513 = arith.cmpi slt, %get3A_1499, %lt3A_1512 : vector<16xi32>
      %and3A_1514 = arith.andi %and3A_1509, %lt3A_1513 : vector<16xi1>
      %jit3A_1515 = arith.constant 1 : i32
      %jit3A_1516 = arith.constant 0 : i32
      %broadcast_in_dim3A_1517 = vector.broadcast %jit3A_1515 : i32 to vector<16xi32>
      %broadcast_in_dim3A_1518 = vector.broadcast %jit3A_1516 : i32 to vector<16xi32>
      %select_n3A_1519 = arith.select %and3A_1514, %broadcast_in_dim3A_1517, %broadcast_in_dim3A_1518 : vector<16xi1>, vector<16xi32>
      %broadcast_in_dim3A_1520 = arith.constant true
      %broadcast_in_dim3A_1521 = vector.broadcast %broadcast_in_dim3A_1520 : i1 to vector<16xi1>
      %masked_cumsum3A_1522 = tpu.scan <sum>, %select_n3A_1519 masked %broadcast_in_dim3A_1521 : vector<16xi32>, vector<16xi1> -> vector<16xi32>
      %add3A_1523 = vector.broadcast %add3A_1495 : i32 to vector<16xi32>
      %add3A_1524 = arith.addi %add3A_1523, %masked_cumsum3A_1522 : vector<16xi32>
      %sub3A_1525 = arith.subi %add3A_1524, %select_n3A_1519 : vector<16xi32>
      %shift_left3A_1526 = arith.constant 13 : i32
      %shift_left3A_1527 = vector.broadcast %shift_left3A_1526 : i32 to vector<16xi32>
      %shift_left3A_1528 = arith.shli %get3A_1497, %shift_left3A_1527 : vector<16xi32>
      %sub3A_1529 = vector.broadcast %mul3A_2 : i32 to vector<16xi32>
      %sub3A_1530 = arith.subi %get3A_1499, %sub3A_1529 : vector<16xi32>
      %or3A_1531 = arith.ori %shift_left3A_1528, %sub3A_1530 : vector<16xi32>
      tpu.vector_store_idx %arg24[%sub3A_1525], %or3A_1531 masked %and3A_1514 : memref<1168xi32, #tpu.memory_space<vmem>>[vector<16xi32>], vector<16xi32>, vector<16xi1>
      %reduce_sum3A_1532 = arith.constant true
      %reduce_sum3A_1533 = vector.broadcast %reduce_sum3A_1532 : i1 to vector<16xi1>
      %reduce_sum3A_1534 = tpu.scan <sum>, %select_n3A_1519 masked %reduce_sum3A_1533 : vector<16xi32>, vector<16xi1> -> vector<16xi32>
      %reduce_sum3A_1535 = vector.extract %reduce_sum3A_1534[15] : i32 from vector<16xi32>
      %add3A_1536 = arith.addi %add3A_1495, %reduce_sum3A_1535 : i32
      %get3A_1537 = arith.constant 384 : index
      %get3A_1538 = tpu.vector_load %arg25[%get3A_1537] {strides = array<i32>} : memref<576xi32, #tpu.memory_space<vmem>>, vector<16xi32>,
      %get3A_1539 = arith.constant 384 : index
      %get3A_1540 = tpu.vector_load %arg26[%get3A_1539] {strides = array<i32>} : memref<576xi32, #tpu.memory_space<vmem>>, vector<16xi32>,
      %add3A_1541 = arith.constant 384 : i32
      %add3A_1542 = arith.addi %add3A_557, %add3A_1541 : i32
      %add3A_1543 = vector.broadcast %add3A_1542 : i32 to vector<16xi32>
      %add3A_1544 = arith.addi %add3A_1543, %iota3A : vector<16xi32>
      %lt3A_1545 = arith.constant 330000 : i32
      %lt3A_1546 = vector.broadcast %lt3A_1545 : i32 to vector<16xi32>
      %lt3A_1547 = arith.cmpi slt, %add3A_1544, %lt3A_1546 : vector<16xi32>
      %ge3A_1548 = vector.broadcast %mul3A_2 : i32 to vector<16xi32>
      %ge3A_1549 = arith.cmpi sge, %get3A_1540, %ge3A_1548 : vector<16xi32>
      %and3A_1550 = arith.andi %lt3A_1547, %ge3A_1549 : vector<16xi1>
      %add3A_1551 = arith.constant 5000 : i32
      %add3A_1552 = arith.addi %mul3A_2, %add3A_1551 : i32
      %lt3A_1553 = vector.broadcast %add3A_1552 : i32 to vector<16xi32>
      %lt3A_1554 = arith.cmpi slt, %get3A_1540, %lt3A_1553 : vector<16xi32>
      %and3A_1555 = arith.andi %and3A_1550, %lt3A_1554 : vector<16xi1>
      %jit3A_1556 = arith.constant 1 : i32
      %jit3A_1557 = arith.constant 0 : i32
      %broadcast_in_dim3A_1558 = vector.broadcast %jit3A_1556 : i32 to vector<16xi32>
      %broadcast_in_dim3A_1559 = vector.broadcast %jit3A_1557 : i32 to vector<16xi32>
      %select_n3A_1560 = arith.select %and3A_1555, %broadcast_in_dim3A_1558, %broadcast_in_dim3A_1559 : vector<16xi1>, vector<16xi32>
      %broadcast_in_dim3A_1561 = arith.constant true
      %broadcast_in_dim3A_1562 = vector.broadcast %broadcast_in_dim3A_1561 : i1 to vector<16xi1>
      %masked_cumsum3A_1563 = tpu.scan <sum>, %select_n3A_1560 masked %broadcast_in_dim3A_1562 : vector<16xi32>, vector<16xi1> -> vector<16xi32>
      %add3A_1564 = vector.broadcast %add3A_1536 : i32 to vector<16xi32>
      %add3A_1565 = arith.addi %add3A_1564, %masked_cumsum3A_1563 : vector<16xi32>
      %sub3A_1566 = arith.subi %add3A_1565, %select_n3A_1560 : vector<16xi32>
      %shift_left3A_1567 = arith.constant 13 : i32
      %shift_left3A_1568 = vector.broadcast %shift_left3A_1567 : i32 to vector<16xi32>
      %shift_left3A_1569 = arith.shli %get3A_1538, %shift_left3A_1568 : vector<16xi32>
      %sub3A_1570 = vector.broadcast %mul3A_2 : i32 to vector<16xi32>
      %sub3A_1571 = arith.subi %get3A_1540, %sub3A_1570 : vector<16xi32>
      %or3A_1572 = arith.ori %shift_left3A_1569, %sub3A_1571 : vector<16xi32>
      tpu.vector_store_idx %arg24[%sub3A_1566], %or3A_1572 masked %and3A_1555 : memref<1168xi32, #tpu.memory_space<vmem>>[vector<16xi32>], vector<16xi32>, vector<16xi1>
      %reduce_sum3A_1573 = arith.constant true
      %reduce_sum3A_1574 = vector.broadcast %reduce_sum3A_1573 : i1 to vector<16xi1>
      %reduce_sum3A_1575 = tpu.scan <sum>, %select_n3A_1560 masked %reduce_sum3A_1574 : vector<16xi32>, vector<16xi1> -> vector<16xi32>
      %reduce_sum3A_1576 = vector.extract %reduce_sum3A_1575[15] : i32 from vector<16xi32>
      %add3A_1577 = arith.addi %add3A_1536, %reduce_sum3A_1576 : i32
      %get3A_1578 = arith.constant 400 : index
      %get3A_1579 = tpu.vector_load %arg25[%get3A_1578] {strides = array<i32>} : memref<576xi32, #tpu.memory_space<vmem>>, vector<16xi32>,
      %get3A_1580 = arith.constant 400 : index
      %get3A_1581 = tpu.vector_load %arg26[%get3A_1580] {strides = array<i32>} : memref<576xi32, #tpu.memory_space<vmem>>, vector<16xi32>,
      %add3A_1582 = arith.constant 400 : i32
      %add3A_1583 = arith.addi %add3A_557, %add3A_1582 : i32
      %add3A_1584 = vector.broadcast %add3A_1583 : i32 to vector<16xi32>
      %add3A_1585 = arith.addi %add3A_1584, %iota3A : vector<16xi32>
      %lt3A_1586 = arith.constant 330000 : i32
      %lt3A_1587 = vector.broadcast %lt3A_1586 : i32 to vector<16xi32>
      %lt3A_1588 = arith.cmpi slt, %add3A_1585, %lt3A_1587 : vector<16xi32>
      %ge3A_1589 = vector.broadcast %mul3A_2 : i32 to vector<16xi32>
      %ge3A_1590 = arith.cmpi sge, %get3A_1581, %ge3A_1589 : vector<16xi32>
      %and3A_1591 = arith.andi %lt3A_1588, %ge3A_1590 : vector<16xi1>
      %add3A_1592 = arith.constant 5000 : i32
      %add3A_1593 = arith.addi %mul3A_2, %add3A_1592 : i32
      %lt3A_1594 = vector.broadcast %add3A_1593 : i32 to vector<16xi32>
      %lt3A_1595 = arith.cmpi slt, %get3A_1581, %lt3A_1594 : vector<16xi32>
      %and3A_1596 = arith.andi %and3A_1591, %lt3A_1595 : vector<16xi1>
      %jit3A_1597 = arith.constant 1 : i32
      %jit3A_1598 = arith.constant 0 : i32
      %broadcast_in_dim3A_1599 = vector.broadcast %jit3A_1597 : i32 to vector<16xi32>
      %broadcast_in_dim3A_1600 = vector.broadcast %jit3A_1598 : i32 to vector<16xi32>
      %select_n3A_1601 = arith.select %and3A_1596, %broadcast_in_dim3A_1599, %broadcast_in_dim3A_1600 : vector<16xi1>, vector<16xi32>
      %broadcast_in_dim3A_1602 = arith.constant true
      %broadcast_in_dim3A_1603 = vector.broadcast %broadcast_in_dim3A_1602 : i1 to vector<16xi1>
      %masked_cumsum3A_1604 = tpu.scan <sum>, %select_n3A_1601 masked %broadcast_in_dim3A_1603 : vector<16xi32>, vector<16xi1> -> vector<16xi32>
      %add3A_1605 = vector.broadcast %add3A_1577 : i32 to vector<16xi32>
      %add3A_1606 = arith.addi %add3A_1605, %masked_cumsum3A_1604 : vector<16xi32>
      %sub3A_1607 = arith.subi %add3A_1606, %select_n3A_1601 : vector<16xi32>
      %shift_left3A_1608 = arith.constant 13 : i32
      %shift_left3A_1609 = vector.broadcast %shift_left3A_1608 : i32 to vector<16xi32>
      %shift_left3A_1610 = arith.shli %get3A_1579, %shift_left3A_1609 : vector<16xi32>
      %sub3A_1611 = vector.broadcast %mul3A_2 : i32 to vector<16xi32>
      %sub3A_1612 = arith.subi %get3A_1581, %sub3A_1611 : vector<16xi32>
      %or3A_1613 = arith.ori %shift_left3A_1610, %sub3A_1612 : vector<16xi32>
      tpu.vector_store_idx %arg24[%sub3A_1607], %or3A_1613 masked %and3A_1596 : memref<1168xi32, #tpu.memory_space<vmem>>[vector<16xi32>], vector<16xi32>, vector<16xi1>
      %reduce_sum3A_1614 = arith.constant true
      %reduce_sum3A_1615 = vector.broadcast %reduce_sum3A_1614 : i1 to vector<16xi1>
      %reduce_sum3A_1616 = tpu.scan <sum>, %select_n3A_1601 masked %reduce_sum3A_1615 : vector<16xi32>, vector<16xi1> -> vector<16xi32>
      %reduce_sum3A_1617 = vector.extract %reduce_sum3A_1616[15] : i32 from vector<16xi32>
      %add3A_1618 = arith.addi %add3A_1577, %reduce_sum3A_1617 : i32
      %get3A_1619 = arith.constant 416 : index
      %get3A_1620 = tpu.vector_load %arg25[%get3A_1619] {strides = array<i32>} : memref<576xi32, #tpu.memory_space<vmem>>, vector<16xi32>,
      %get3A_1621 = arith.constant 416 : index
      %get3A_1622 = tpu.vector_load %arg26[%get3A_1621] {strides = array<i32>} : memref<576xi32, #tpu.memory_space<vmem>>, vector<16xi32>,
      %add3A_1623 = arith.constant 416 : i32
      %add3A_1624 = arith.addi %add3A_557, %add3A_1623 : i32
      %add3A_1625 = vector.broadcast %add3A_1624 : i32 to vector<16xi32>
      %add3A_1626 = arith.addi %add3A_1625, %iota3A : vector<16xi32>
      %lt3A_1627 = arith.constant 330000 : i32
      %lt3A_1628 = vector.broadcast %lt3A_1627 : i32 to vector<16xi32>
      %lt3A_1629 = arith.cmpi slt, %add3A_1626, %lt3A_1628 : vector<16xi32>
      %ge3A_1630 = vector.broadcast %mul3A_2 : i32 to vector<16xi32>
      %ge3A_1631 = arith.cmpi sge, %get3A_1622, %ge3A_1630 : vector<16xi32>
      %and3A_1632 = arith.andi %lt3A_1629, %ge3A_1631 : vector<16xi1>
      %add3A_1633 = arith.constant 5000 : i32
      %add3A_1634 = arith.addi %mul3A_2, %add3A_1633 : i32
      %lt3A_1635 = vector.broadcast %add3A_1634 : i32 to vector<16xi32>
      %lt3A_1636 = arith.cmpi slt, %get3A_1622, %lt3A_1635 : vector<16xi32>
      %and3A_1637 = arith.andi %and3A_1632, %lt3A_1636 : vector<16xi1>
      %jit3A_1638 = arith.constant 1 : i32
      %jit3A_1639 = arith.constant 0 : i32
      %broadcast_in_dim3A_1640 = vector.broadcast %jit3A_1638 : i32 to vector<16xi32>
      %broadcast_in_dim3A_1641 = vector.broadcast %jit3A_1639 : i32 to vector<16xi32>
      %select_n3A_1642 = arith.select %and3A_1637, %broadcast_in_dim3A_1640, %broadcast_in_dim3A_1641 : vector<16xi1>, vector<16xi32>
      %broadcast_in_dim3A_1643 = arith.constant true
      %broadcast_in_dim3A_1644 = vector.broadcast %broadcast_in_dim3A_1643 : i1 to vector<16xi1>
      %masked_cumsum3A_1645 = tpu.scan <sum>, %select_n3A_1642 masked %broadcast_in_dim3A_1644 : vector<16xi32>, vector<16xi1> -> vector<16xi32>
      %add3A_1646 = vector.broadcast %add3A_1618 : i32 to vector<16xi32>
      %add3A_1647 = arith.addi %add3A_1646, %masked_cumsum3A_1645 : vector<16xi32>
      %sub3A_1648 = arith.subi %add3A_1647, %select_n3A_1642 : vector<16xi32>
      %shift_left3A_1649 = arith.constant 13 : i32
      %shift_left3A_1650 = vector.broadcast %shift_left3A_1649 : i32 to vector<16xi32>
      %shift_left3A_1651 = arith.shli %get3A_1620, %shift_left3A_1650 : vector<16xi32>
      %sub3A_1652 = vector.broadcast %mul3A_2 : i32 to vector<16xi32>
      %sub3A_1653 = arith.subi %get3A_1622, %sub3A_1652 : vector<16xi32>
      %or3A_1654 = arith.ori %shift_left3A_1651, %sub3A_1653 : vector<16xi32>
      tpu.vector_store_idx %arg24[%sub3A_1648], %or3A_1654 masked %and3A_1637 : memref<1168xi32, #tpu.memory_space<vmem>>[vector<16xi32>], vector<16xi32>, vector<16xi1>
      %reduce_sum3A_1655 = arith.constant true
      %reduce_sum3A_1656 = vector.broadcast %reduce_sum3A_1655 : i1 to vector<16xi1>
      %reduce_sum3A_1657 = tpu.scan <sum>, %select_n3A_1642 masked %reduce_sum3A_1656 : vector<16xi32>, vector<16xi1> -> vector<16xi32>
      %reduce_sum3A_1658 = vector.extract %reduce_sum3A_1657[15] : i32 from vector<16xi32>
      %add3A_1659 = arith.addi %add3A_1618, %reduce_sum3A_1658 : i32
      %get3A_1660 = arith.constant 432 : index
      %get3A_1661 = tpu.vector_load %arg25[%get3A_1660] {strides = array<i32>} : memref<576xi32, #tpu.memory_space<vmem>>, vector<16xi32>,
      %get3A_1662 = arith.constant 432 : index
      %get3A_1663 = tpu.vector_load %arg26[%get3A_1662] {strides = array<i32>} : memref<576xi32, #tpu.memory_space<vmem>>, vector<16xi32>,
      %add3A_1664 = arith.constant 432 : i32
      %add3A_1665 = arith.addi %add3A_557, %add3A_1664 : i32
      %add3A_1666 = vector.broadcast %add3A_1665 : i32 to vector<16xi32>
      %add3A_1667 = arith.addi %add3A_1666, %iota3A : vector<16xi32>
      %lt3A_1668 = arith.constant 330000 : i32
      %lt3A_1669 = vector.broadcast %lt3A_1668 : i32 to vector<16xi32>
      %lt3A_1670 = arith.cmpi slt, %add3A_1667, %lt3A_1669 : vector<16xi32>
      %ge3A_1671 = vector.broadcast %mul3A_2 : i32 to vector<16xi32>
      %ge3A_1672 = arith.cmpi sge, %get3A_1663, %ge3A_1671 : vector<16xi32>
      %and3A_1673 = arith.andi %lt3A_1670, %ge3A_1672 : vector<16xi1>
      %add3A_1674 = arith.constant 5000 : i32
      %add3A_1675 = arith.addi %mul3A_2, %add3A_1674 : i32
      %lt3A_1676 = vector.broadcast %add3A_1675 : i32 to vector<16xi32>
      %lt3A_1677 = arith.cmpi slt, %get3A_1663, %lt3A_1676 : vector<16xi32>
      %and3A_1678 = arith.andi %and3A_1673, %lt3A_1677 : vector<16xi1>
      %jit3A_1679 = arith.constant 1 : i32
      %jit3A_1680 = arith.constant 0 : i32
      %broadcast_in_dim3A_1681 = vector.broadcast %jit3A_1679 : i32 to vector<16xi32>
      %broadcast_in_dim3A_1682 = vector.broadcast %jit3A_1680 : i32 to vector<16xi32>
      %select_n3A_1683 = arith.select %and3A_1678, %broadcast_in_dim3A_1681, %broadcast_in_dim3A_1682 : vector<16xi1>, vector<16xi32>
      %broadcast_in_dim3A_1684 = arith.constant true
      %broadcast_in_dim3A_1685 = vector.broadcast %broadcast_in_dim3A_1684 : i1 to vector<16xi1>
      %masked_cumsum3A_1686 = tpu.scan <sum>, %select_n3A_1683 masked %broadcast_in_dim3A_1685 : vector<16xi32>, vector<16xi1> -> vector<16xi32>
      %add3A_1687 = vector.broadcast %add3A_1659 : i32 to vector<16xi32>
      %add3A_1688 = arith.addi %add3A_1687, %masked_cumsum3A_1686 : vector<16xi32>
      %sub3A_1689 = arith.subi %add3A_1688, %select_n3A_1683 : vector<16xi32>
      %shift_left3A_1690 = arith.constant 13 : i32
      %shift_left3A_1691 = vector.broadcast %shift_left3A_1690 : i32 to vector<16xi32>
      %shift_left3A_1692 = arith.shli %get3A_1661, %shift_left3A_1691 : vector<16xi32>
      %sub3A_1693 = vector.broadcast %mul3A_2 : i32 to vector<16xi32>
      %sub3A_1694 = arith.subi %get3A_1663, %sub3A_1693 : vector<16xi32>
      %or3A_1695 = arith.ori %shift_left3A_1692, %sub3A_1694 : vector<16xi32>
      tpu.vector_store_idx %arg24[%sub3A_1689], %or3A_1695 masked %and3A_1678 : memref<1168xi32, #tpu.memory_space<vmem>>[vector<16xi32>], vector<16xi32>, vector<16xi1>
      %reduce_sum3A_1696 = arith.constant true
      %reduce_sum3A_1697 = vector.broadcast %reduce_sum3A_1696 : i1 to vector<16xi1>
      %reduce_sum3A_1698 = tpu.scan <sum>, %select_n3A_1683 masked %reduce_sum3A_1697 : vector<16xi32>, vector<16xi1> -> vector<16xi32>
      %reduce_sum3A_1699 = vector.extract %reduce_sum3A_1698[15] : i32 from vector<16xi32>
      %add3A_1700 = arith.addi %add3A_1659, %reduce_sum3A_1699 : i32
      %get3A_1701 = arith.constant 448 : index
      %get3A_1702 = tpu.vector_load %arg25[%get3A_1701] {strides = array<i32>} : memref<576xi32, #tpu.memory_space<vmem>>, vector<16xi32>,
      %get3A_1703 = arith.constant 448 : index
      %get3A_1704 = tpu.vector_load %arg26[%get3A_1703] {strides = array<i32>} : memref<576xi32, #tpu.memory_space<vmem>>, vector<16xi32>,
      %add3A_1705 = arith.constant 448 : i32
      %add3A_1706 = arith.addi %add3A_557, %add3A_1705 : i32
      %add3A_1707 = vector.broadcast %add3A_1706 : i32 to vector<16xi32>
      %add3A_1708 = arith.addi %add3A_1707, %iota3A : vector<16xi32>
      %lt3A_1709 = arith.constant 330000 : i32
      %lt3A_1710 = vector.broadcast %lt3A_1709 : i32 to vector<16xi32>
      %lt3A_1711 = arith.cmpi slt, %add3A_1708, %lt3A_1710 : vector<16xi32>
      %ge3A_1712 = vector.broadcast %mul3A_2 : i32 to vector<16xi32>
      %ge3A_1713 = arith.cmpi sge, %get3A_1704, %ge3A_1712 : vector<16xi32>
      %and3A_1714 = arith.andi %lt3A_1711, %ge3A_1713 : vector<16xi1>
      %add3A_1715 = arith.constant 5000 : i32
      %add3A_1716 = arith.addi %mul3A_2, %add3A_1715 : i32
      %lt3A_1717 = vector.broadcast %add3A_1716 : i32 to vector<16xi32>
      %lt3A_1718 = arith.cmpi slt, %get3A_1704, %lt3A_1717 : vector<16xi32>
      %and3A_1719 = arith.andi %and3A_1714, %lt3A_1718 : vector<16xi1>
      %jit3A_1720 = arith.constant 1 : i32
      %jit3A_1721 = arith.constant 0 : i32
      %broadcast_in_dim3A_1722 = vector.broadcast %jit3A_1720 : i32 to vector<16xi32>
      %broadcast_in_dim3A_1723 = vector.broadcast %jit3A_1721 : i32 to vector<16xi32>
      %select_n3A_1724 = arith.select %and3A_1719, %broadcast_in_dim3A_1722, %broadcast_in_dim3A_1723 : vector<16xi1>, vector<16xi32>
      %broadcast_in_dim3A_1725 = arith.constant true
      %broadcast_in_dim3A_1726 = vector.broadcast %broadcast_in_dim3A_1725 : i1 to vector<16xi1>
      %masked_cumsum3A_1727 = tpu.scan <sum>, %select_n3A_1724 masked %broadcast_in_dim3A_1726 : vector<16xi32>, vector<16xi1> -> vector<16xi32>
      %add3A_1728 = vector.broadcast %add3A_1700 : i32 to vector<16xi32>
      %add3A_1729 = arith.addi %add3A_1728, %masked_cumsum3A_1727 : vector<16xi32>
      %sub3A_1730 = arith.subi %add3A_1729, %select_n3A_1724 : vector<16xi32>
      %shift_left3A_1731 = arith.constant 13 : i32
      %shift_left3A_1732 = vector.broadcast %shift_left3A_1731 : i32 to vector<16xi32>
      %shift_left3A_1733 = arith.shli %get3A_1702, %shift_left3A_1732 : vector<16xi32>
      %sub3A_1734 = vector.broadcast %mul3A_2 : i32 to vector<16xi32>
      %sub3A_1735 = arith.subi %get3A_1704, %sub3A_1734 : vector<16xi32>
      %or3A_1736 = arith.ori %shift_left3A_1733, %sub3A_1735 : vector<16xi32>
      tpu.vector_store_idx %arg24[%sub3A_1730], %or3A_1736 masked %and3A_1719 : memref<1168xi32, #tpu.memory_space<vmem>>[vector<16xi32>], vector<16xi32>, vector<16xi1>
      %reduce_sum3A_1737 = arith.constant true
      %reduce_sum3A_1738 = vector.broadcast %reduce_sum3A_1737 : i1 to vector<16xi1>
      %reduce_sum3A_1739 = tpu.scan <sum>, %select_n3A_1724 masked %reduce_sum3A_1738 : vector<16xi32>, vector<16xi1> -> vector<16xi32>
      %reduce_sum3A_1740 = vector.extract %reduce_sum3A_1739[15] : i32 from vector<16xi32>
      %add3A_1741 = arith.addi %add3A_1700, %reduce_sum3A_1740 : i32
      %get3A_1742 = arith.constant 464 : index
      %get3A_1743 = tpu.vector_load %arg25[%get3A_1742] {strides = array<i32>} : memref<576xi32, #tpu.memory_space<vmem>>, vector<16xi32>,
      %get3A_1744 = arith.constant 464 : index
      %get3A_1745 = tpu.vector_load %arg26[%get3A_1744] {strides = array<i32>} : memref<576xi32, #tpu.memory_space<vmem>>, vector<16xi32>,
      %add3A_1746 = arith.constant 464 : i32
      %add3A_1747 = arith.addi %add3A_557, %add3A_1746 : i32
      %add3A_1748 = vector.broadcast %add3A_1747 : i32 to vector<16xi32>
      %add3A_1749 = arith.addi %add3A_1748, %iota3A : vector<16xi32>
      %lt3A_1750 = arith.constant 330000 : i32
      %lt3A_1751 = vector.broadcast %lt3A_1750 : i32 to vector<16xi32>
      %lt3A_1752 = arith.cmpi slt, %add3A_1749, %lt3A_1751 : vector<16xi32>
      %ge3A_1753 = vector.broadcast %mul3A_2 : i32 to vector<16xi32>
      %ge3A_1754 = arith.cmpi sge, %get3A_1745, %ge3A_1753 : vector<16xi32>
      %and3A_1755 = arith.andi %lt3A_1752, %ge3A_1754 : vector<16xi1>
      %add3A_1756 = arith.constant 5000 : i32
      %add3A_1757 = arith.addi %mul3A_2, %add3A_1756 : i32
      %lt3A_1758 = vector.broadcast %add3A_1757 : i32 to vector<16xi32>
      %lt3A_1759 = arith.cmpi slt, %get3A_1745, %lt3A_1758 : vector<16xi32>
      %and3A_1760 = arith.andi %and3A_1755, %lt3A_1759 : vector<16xi1>
      %jit3A_1761 = arith.constant 1 : i32
      %jit3A_1762 = arith.constant 0 : i32
      %broadcast_in_dim3A_1763 = vector.broadcast %jit3A_1761 : i32 to vector<16xi32>
      %broadcast_in_dim3A_1764 = vector.broadcast %jit3A_1762 : i32 to vector<16xi32>
      %select_n3A_1765 = arith.select %and3A_1760, %broadcast_in_dim3A_1763, %broadcast_in_dim3A_1764 : vector<16xi1>, vector<16xi32>
      %broadcast_in_dim3A_1766 = arith.constant true
      %broadcast_in_dim3A_1767 = vector.broadcast %broadcast_in_dim3A_1766 : i1 to vector<16xi1>
      %masked_cumsum3A_1768 = tpu.scan <sum>, %select_n3A_1765 masked %broadcast_in_dim3A_1767 : vector<16xi32>, vector<16xi1> -> vector<16xi32>
      %add3A_1769 = vector.broadcast %add3A_1741 : i32 to vector<16xi32>
      %add3A_1770 = arith.addi %add3A_1769, %masked_cumsum3A_1768 : vector<16xi32>
      %sub3A_1771 = arith.subi %add3A_1770, %select_n3A_1765 : vector<16xi32>
      %shift_left3A_1772 = arith.constant 13 : i32
      %shift_left3A_1773 = vector.broadcast %shift_left3A_1772 : i32 to vector<16xi32>
      %shift_left3A_1774 = arith.shli %get3A_1743, %shift_left3A_1773 : vector<16xi32>
      %sub3A_1775 = vector.broadcast %mul3A_2 : i32 to vector<16xi32>
      %sub3A_1776 = arith.subi %get3A_1745, %sub3A_1775 : vector<16xi32>
      %or3A_1777 = arith.ori %shift_left3A_1774, %sub3A_1776 : vector<16xi32>
      tpu.vector_store_idx %arg24[%sub3A_1771], %or3A_1777 masked %and3A_1760 : memref<1168xi32, #tpu.memory_space<vmem>>[vector<16xi32>], vector<16xi32>, vector<16xi1>
      %reduce_sum3A_1778 = arith.constant true
      %reduce_sum3A_1779 = vector.broadcast %reduce_sum3A_1778 : i1 to vector<16xi1>
      %reduce_sum3A_1780 = tpu.scan <sum>, %select_n3A_1765 masked %reduce_sum3A_1779 : vector<16xi32>, vector<16xi1> -> vector<16xi32>
      %reduce_sum3A_1781 = vector.extract %reduce_sum3A_1780[15] : i32 from vector<16xi32>
      %add3A_1782 = arith.addi %add3A_1741, %reduce_sum3A_1781 : i32
      %get3A_1783 = arith.constant 480 : index
      %get3A_1784 = tpu.vector_load %arg25[%get3A_1783] {strides = array<i32>} : memref<576xi32, #tpu.memory_space<vmem>>, vector<16xi32>,
      %get3A_1785 = arith.constant 480 : index
      %get3A_1786 = tpu.vector_load %arg26[%get3A_1785] {strides = array<i32>} : memref<576xi32, #tpu.memory_space<vmem>>, vector<16xi32>,
      %add3A_1787 = arith.constant 480 : i32
      %add3A_1788 = arith.addi %add3A_557, %add3A_1787 : i32
      %add3A_1789 = vector.broadcast %add3A_1788 : i32 to vector<16xi32>
      %add3A_1790 = arith.addi %add3A_1789, %iota3A : vector<16xi32>
      %lt3A_1791 = arith.constant 330000 : i32
      %lt3A_1792 = vector.broadcast %lt3A_1791 : i32 to vector<16xi32>
      %lt3A_1793 = arith.cmpi slt, %add3A_1790, %lt3A_1792 : vector<16xi32>
      %ge3A_1794 = vector.broadcast %mul3A_2 : i32 to vector<16xi32>
      %ge3A_1795 = arith.cmpi sge, %get3A_1786, %ge3A_1794 : vector<16xi32>
      %and3A_1796 = arith.andi %lt3A_1793, %ge3A_1795 : vector<16xi1>
      %add3A_1797 = arith.constant 5000 : i32
      %add3A_1798 = arith.addi %mul3A_2, %add3A_1797 : i32
      %lt3A_1799 = vector.broadcast %add3A_1798 : i32 to vector<16xi32>
      %lt3A_1800 = arith.cmpi slt, %get3A_1786, %lt3A_1799 : vector<16xi32>
      %and3A_1801 = arith.andi %and3A_1796, %lt3A_1800 : vector<16xi1>
      %jit3A_1802 = arith.constant 1 : i32
      %jit3A_1803 = arith.constant 0 : i32
      %broadcast_in_dim3A_1804 = vector.broadcast %jit3A_1802 : i32 to vector<16xi32>
      %broadcast_in_dim3A_1805 = vector.broadcast %jit3A_1803 : i32 to vector<16xi32>
      %select_n3A_1806 = arith.select %and3A_1801, %broadcast_in_dim3A_1804, %broadcast_in_dim3A_1805 : vector<16xi1>, vector<16xi32>
      %broadcast_in_dim3A_1807 = arith.constant true
      %broadcast_in_dim3A_1808 = vector.broadcast %broadcast_in_dim3A_1807 : i1 to vector<16xi1>
      %masked_cumsum3A_1809 = tpu.scan <sum>, %select_n3A_1806 masked %broadcast_in_dim3A_1808 : vector<16xi32>, vector<16xi1> -> vector<16xi32>
      %add3A_1810 = vector.broadcast %add3A_1782 : i32 to vector<16xi32>
      %add3A_1811 = arith.addi %add3A_1810, %masked_cumsum3A_1809 : vector<16xi32>
      %sub3A_1812 = arith.subi %add3A_1811, %select_n3A_1806 : vector<16xi32>
      %shift_left3A_1813 = arith.constant 13 : i32
      %shift_left3A_1814 = vector.broadcast %shift_left3A_1813 : i32 to vector<16xi32>
      %shift_left3A_1815 = arith.shli %get3A_1784, %shift_left3A_1814 : vector<16xi32>
      %sub3A_1816 = vector.broadcast %mul3A_2 : i32 to vector<16xi32>
      %sub3A_1817 = arith.subi %get3A_1786, %sub3A_1816 : vector<16xi32>
      %or3A_1818 = arith.ori %shift_left3A_1815, %sub3A_1817 : vector<16xi32>
      tpu.vector_store_idx %arg24[%sub3A_1812], %or3A_1818 masked %and3A_1801 : memref<1168xi32, #tpu.memory_space<vmem>>[vector<16xi32>], vector<16xi32>, vector<16xi1>
      %reduce_sum3A_1819 = arith.constant true
      %reduce_sum3A_1820 = vector.broadcast %reduce_sum3A_1819 : i1 to vector<16xi1>
      %reduce_sum3A_1821 = tpu.scan <sum>, %select_n3A_1806 masked %reduce_sum3A_1820 : vector<16xi32>, vector<16xi1> -> vector<16xi32>
      %reduce_sum3A_1822 = vector.extract %reduce_sum3A_1821[15] : i32 from vector<16xi32>
      %add3A_1823 = arith.addi %add3A_1782, %reduce_sum3A_1822 : i32
      %get3A_1824 = arith.constant 496 : index
      %get3A_1825 = tpu.vector_load %arg25[%get3A_1824] {strides = array<i32>} : memref<576xi32, #tpu.memory_space<vmem>>, vector<16xi32>,
      %get3A_1826 = arith.constant 496 : index
      %get3A_1827 = tpu.vector_load %arg26[%get3A_1826] {strides = array<i32>} : memref<576xi32, #tpu.memory_space<vmem>>, vector<16xi32>,
      %add3A_1828 = arith.constant 496 : i32
      %add3A_1829 = arith.addi %add3A_557, %add3A_1828 : i32
      %add3A_1830 = vector.broadcast %add3A_1829 : i32 to vector<16xi32>
      %add3A_1831 = arith.addi %add3A_1830, %iota3A : vector<16xi32>
      %lt3A_1832 = arith.constant 330000 : i32
      %lt3A_1833 = vector.broadcast %lt3A_1832 : i32 to vector<16xi32>
      %lt3A_1834 = arith.cmpi slt, %add3A_1831, %lt3A_1833 : vector<16xi32>
      %ge3A_1835 = vector.broadcast %mul3A_2 : i32 to vector<16xi32>
      %ge3A_1836 = arith.cmpi sge, %get3A_1827, %ge3A_1835 : vector<16xi32>
      %and3A_1837 = arith.andi %lt3A_1834, %ge3A_1836 : vector<16xi1>
      %add3A_1838 = arith.constant 5000 : i32
      %add3A_1839 = arith.addi %mul3A_2, %add3A_1838 : i32
      %lt3A_1840 = vector.broadcast %add3A_1839 : i32 to vector<16xi32>
      %lt3A_1841 = arith.cmpi slt, %get3A_1827, %lt3A_1840 : vector<16xi32>
      %and3A_1842 = arith.andi %and3A_1837, %lt3A_1841 : vector<16xi1>
      %jit3A_1843 = arith.constant 1 : i32
      %jit3A_1844 = arith.constant 0 : i32
      %broadcast_in_dim3A_1845 = vector.broadcast %jit3A_1843 : i32 to vector<16xi32>
      %broadcast_in_dim3A_1846 = vector.broadcast %jit3A_1844 : i32 to vector<16xi32>
      %select_n3A_1847 = arith.select %and3A_1842, %broadcast_in_dim3A_1845, %broadcast_in_dim3A_1846 : vector<16xi1>, vector<16xi32>
      %broadcast_in_dim3A_1848 = arith.constant true
      %broadcast_in_dim3A_1849 = vector.broadcast %broadcast_in_dim3A_1848 : i1 to vector<16xi1>
      %masked_cumsum3A_1850 = tpu.scan <sum>, %select_n3A_1847 masked %broadcast_in_dim3A_1849 : vector<16xi32>, vector<16xi1> -> vector<16xi32>
      %add3A_1851 = vector.broadcast %add3A_1823 : i32 to vector<16xi32>
      %add3A_1852 = arith.addi %add3A_1851, %masked_cumsum3A_1850 : vector<16xi32>
      %sub3A_1853 = arith.subi %add3A_1852, %select_n3A_1847 : vector<16xi32>
      %shift_left3A_1854 = arith.constant 13 : i32
      %shift_left3A_1855 = vector.broadcast %shift_left3A_1854 : i32 to vector<16xi32>
      %shift_left3A_1856 = arith.shli %get3A_1825, %shift_left3A_1855 : vector<16xi32>
      %sub3A_1857 = vector.broadcast %mul3A_2 : i32 to vector<16xi32>
      %sub3A_1858 = arith.subi %get3A_1827, %sub3A_1857 : vector<16xi32>
      %or3A_1859 = arith.ori %shift_left3A_1856, %sub3A_1858 : vector<16xi32>
      tpu.vector_store_idx %arg24[%sub3A_1853], %or3A_1859 masked %and3A_1842 : memref<1168xi32, #tpu.memory_space<vmem>>[vector<16xi32>], vector<16xi32>, vector<16xi1>
      %reduce_sum3A_1860 = arith.constant true
      %reduce_sum3A_1861 = vector.broadcast %reduce_sum3A_1860 : i1 to vector<16xi1>
      %reduce_sum3A_1862 = tpu.scan <sum>, %select_n3A_1847 masked %reduce_sum3A_1861 : vector<16xi32>, vector<16xi1> -> vector<16xi32>
      %reduce_sum3A_1863 = vector.extract %reduce_sum3A_1862[15] : i32 from vector<16xi32>
      %add3A_1864 = arith.addi %add3A_1823, %reduce_sum3A_1863 : i32
      %get3A_1865 = arith.constant 512 : index
      %get3A_1866 = tpu.vector_load %arg25[%get3A_1865] {strides = array<i32>} : memref<576xi32, #tpu.memory_space<vmem>>, vector<16xi32>,
      %get3A_1867 = arith.constant 512 : index
      %get3A_1868 = tpu.vector_load %arg26[%get3A_1867] {strides = array<i32>} : memref<576xi32, #tpu.memory_space<vmem>>, vector<16xi32>,
      %add3A_1869 = arith.constant 512 : i32
      %add3A_1870 = arith.addi %add3A_557, %add3A_1869 : i32
      %add3A_1871 = vector.broadcast %add3A_1870 : i32 to vector<16xi32>
      %add3A_1872 = arith.addi %add3A_1871, %iota3A : vector<16xi32>
      %lt3A_1873 = arith.constant 330000 : i32
      %lt3A_1874 = vector.broadcast %lt3A_1873 : i32 to vector<16xi32>
      %lt3A_1875 = arith.cmpi slt, %add3A_1872, %lt3A_1874 : vector<16xi32>
      %ge3A_1876 = vector.broadcast %mul3A_2 : i32 to vector<16xi32>
      %ge3A_1877 = arith.cmpi sge, %get3A_1868, %ge3A_1876 : vector<16xi32>
      %and3A_1878 = arith.andi %lt3A_1875, %ge3A_1877 : vector<16xi1>
      %add3A_1879 = arith.constant 5000 : i32
      %add3A_1880 = arith.addi %mul3A_2, %add3A_1879 : i32
      %lt3A_1881 = vector.broadcast %add3A_1880 : i32 to vector<16xi32>
      %lt3A_1882 = arith.cmpi slt, %get3A_1868, %lt3A_1881 : vector<16xi32>
      %and3A_1883 = arith.andi %and3A_1878, %lt3A_1882 : vector<16xi1>
      %jit3A_1884 = arith.constant 1 : i32
      %jit3A_1885 = arith.constant 0 : i32
      %broadcast_in_dim3A_1886 = vector.broadcast %jit3A_1884 : i32 to vector<16xi32>
      %broadcast_in_dim3A_1887 = vector.broadcast %jit3A_1885 : i32 to vector<16xi32>
      %select_n3A_1888 = arith.select %and3A_1883, %broadcast_in_dim3A_1886, %broadcast_in_dim3A_1887 : vector<16xi1>, vector<16xi32>
      %broadcast_in_dim3A_1889 = arith.constant true
      %broadcast_in_dim3A_1890 = vector.broadcast %broadcast_in_dim3A_1889 : i1 to vector<16xi1>
      %masked_cumsum3A_1891 = tpu.scan <sum>, %select_n3A_1888 masked %broadcast_in_dim3A_1890 : vector<16xi32>, vector<16xi1> -> vector<16xi32>
      %add3A_1892 = vector.broadcast %add3A_1864 : i32 to vector<16xi32>
      %add3A_1893 = arith.addi %add3A_1892, %masked_cumsum3A_1891 : vector<16xi32>
      %sub3A_1894 = arith.subi %add3A_1893, %select_n3A_1888 : vector<16xi32>
      %shift_left3A_1895 = arith.constant 13 : i32
      %shift_left3A_1896 = vector.broadcast %shift_left3A_1895 : i32 to vector<16xi32>
      %shift_left3A_1897 = arith.shli %get3A_1866, %shift_left3A_1896 : vector<16xi32>
      %sub3A_1898 = vector.broadcast %mul3A_2 : i32 to vector<16xi32>
      %sub3A_1899 = arith.subi %get3A_1868, %sub3A_1898 : vector<16xi32>
      %or3A_1900 = arith.ori %shift_left3A_1897, %sub3A_1899 : vector<16xi32>
      tpu.vector_store_idx %arg24[%sub3A_1894], %or3A_1900 masked %and3A_1883 : memref<1168xi32, #tpu.memory_space<vmem>>[vector<16xi32>], vector<16xi32>, vector<16xi1>
      %reduce_sum3A_1901 = arith.constant true
      %reduce_sum3A_1902 = vector.broadcast %reduce_sum3A_1901 : i1 to vector<16xi1>
      %reduce_sum3A_1903 = tpu.scan <sum>, %select_n3A_1888 masked %reduce_sum3A_1902 : vector<16xi32>, vector<16xi1> -> vector<16xi32>
      %reduce_sum3A_1904 = vector.extract %reduce_sum3A_1903[15] : i32 from vector<16xi32>
      %add3A_1905 = arith.addi %add3A_1864, %reduce_sum3A_1904 : i32
      %get3A_1906 = arith.constant 528 : index
      %get3A_1907 = tpu.vector_load %arg25[%get3A_1906] {strides = array<i32>} : memref<576xi32, #tpu.memory_space<vmem>>, vector<16xi32>,
      %get3A_1908 = arith.constant 528 : index
      %get3A_1909 = tpu.vector_load %arg26[%get3A_1908] {strides = array<i32>} : memref<576xi32, #tpu.memory_space<vmem>>, vector<16xi32>,
      %add3A_1910 = arith.constant 528 : i32
      %add3A_1911 = arith.addi %add3A_557, %add3A_1910 : i32
      %add3A_1912 = vector.broadcast %add3A_1911 : i32 to vector<16xi32>
      %add3A_1913 = arith.addi %add3A_1912, %iota3A : vector<16xi32>
      %lt3A_1914 = arith.constant 330000 : i32
      %lt3A_1915 = vector.broadcast %lt3A_1914 : i32 to vector<16xi32>
      %lt3A_1916 = arith.cmpi slt, %add3A_1913, %lt3A_1915 : vector<16xi32>
      %ge3A_1917 = vector.broadcast %mul3A_2 : i32 to vector<16xi32>
      %ge3A_1918 = arith.cmpi sge, %get3A_1909, %ge3A_1917 : vector<16xi32>
      %and3A_1919 = arith.andi %lt3A_1916, %ge3A_1918 : vector<16xi1>
      %add3A_1920 = arith.constant 5000 : i32
      %add3A_1921 = arith.addi %mul3A_2, %add3A_1920 : i32
      %lt3A_1922 = vector.broadcast %add3A_1921 : i32 to vector<16xi32>
      %lt3A_1923 = arith.cmpi slt, %get3A_1909, %lt3A_1922 : vector<16xi32>
      %and3A_1924 = arith.andi %and3A_1919, %lt3A_1923 : vector<16xi1>
      %jit3A_1925 = arith.constant 1 : i32
      %jit3A_1926 = arith.constant 0 : i32
      %broadcast_in_dim3A_1927 = vector.broadcast %jit3A_1925 : i32 to vector<16xi32>
      %broadcast_in_dim3A_1928 = vector.broadcast %jit3A_1926 : i32 to vector<16xi32>
      %select_n3A_1929 = arith.select %and3A_1924, %broadcast_in_dim3A_1927, %broadcast_in_dim3A_1928 : vector<16xi1>, vector<16xi32>
      %broadcast_in_dim3A_1930 = arith.constant true
      %broadcast_in_dim3A_1931 = vector.broadcast %broadcast_in_dim3A_1930 : i1 to vector<16xi1>
      %masked_cumsum3A_1932 = tpu.scan <sum>, %select_n3A_1929 masked %broadcast_in_dim3A_1931 : vector<16xi32>, vector<16xi1> -> vector<16xi32>
      %add3A_1933 = vector.broadcast %add3A_1905 : i32 to vector<16xi32>
      %add3A_1934 = arith.addi %add3A_1933, %masked_cumsum3A_1932 : vector<16xi32>
      %sub3A_1935 = arith.subi %add3A_1934, %select_n3A_1929 : vector<16xi32>
      %shift_left3A_1936 = arith.constant 13 : i32
      %shift_left3A_1937 = vector.broadcast %shift_left3A_1936 : i32 to vector<16xi32>
      %shift_left3A_1938 = arith.shli %get3A_1907, %shift_left3A_1937 : vector<16xi32>
      %sub3A_1939 = vector.broadcast %mul3A_2 : i32 to vector<16xi32>
      %sub3A_1940 = arith.subi %get3A_1909, %sub3A_1939 : vector<16xi32>
      %or3A_1941 = arith.ori %shift_left3A_1938, %sub3A_1940 : vector<16xi32>
      tpu.vector_store_idx %arg24[%sub3A_1935], %or3A_1941 masked %and3A_1924 : memref<1168xi32, #tpu.memory_space<vmem>>[vector<16xi32>], vector<16xi32>, vector<16xi1>
      %reduce_sum3A_1942 = arith.constant true
      %reduce_sum3A_1943 = vector.broadcast %reduce_sum3A_1942 : i1 to vector<16xi1>
      %reduce_sum3A_1944 = tpu.scan <sum>, %select_n3A_1929 masked %reduce_sum3A_1943 : vector<16xi32>, vector<16xi1> -> vector<16xi32>
      %reduce_sum3A_1945 = vector.extract %reduce_sum3A_1944[15] : i32 from vector<16xi32>
      %add3A_1946 = arith.addi %add3A_1905, %reduce_sum3A_1945 : i32
      %get3A_1947 = arith.constant 544 : index
      %get3A_1948 = tpu.vector_load %arg25[%get3A_1947] {strides = array<i32>} : memref<576xi32, #tpu.memory_space<vmem>>, vector<16xi32>,
      %get3A_1949 = arith.constant 544 : index
      %get3A_1950 = tpu.vector_load %arg26[%get3A_1949] {strides = array<i32>} : memref<576xi32, #tpu.memory_space<vmem>>, vector<16xi32>,
      %add3A_1951 = arith.constant 544 : i32
      %add3A_1952 = arith.addi %add3A_557, %add3A_1951 : i32
      %add3A_1953 = vector.broadcast %add3A_1952 : i32 to vector<16xi32>
      %add3A_1954 = arith.addi %add3A_1953, %iota3A : vector<16xi32>
      %lt3A_1955 = arith.constant 330000 : i32
      %lt3A_1956 = vector.broadcast %lt3A_1955 : i32 to vector<16xi32>
      %lt3A_1957 = arith.cmpi slt, %add3A_1954, %lt3A_1956 : vector<16xi32>
      %ge3A_1958 = vector.broadcast %mul3A_2 : i32 to vector<16xi32>
      %ge3A_1959 = arith.cmpi sge, %get3A_1950, %ge3A_1958 : vector<16xi32>
      %and3A_1960 = arith.andi %lt3A_1957, %ge3A_1959 : vector<16xi1>
      %add3A_1961 = arith.constant 5000 : i32
      %add3A_1962 = arith.addi %mul3A_2, %add3A_1961 : i32
      %lt3A_1963 = vector.broadcast %add3A_1962 : i32 to vector<16xi32>
      %lt3A_1964 = arith.cmpi slt, %get3A_1950, %lt3A_1963 : vector<16xi32>
      %and3A_1965 = arith.andi %and3A_1960, %lt3A_1964 : vector<16xi1>
      %jit3A_1966 = arith.constant 1 : i32
      %jit3A_1967 = arith.constant 0 : i32
      %broadcast_in_dim3A_1968 = vector.broadcast %jit3A_1966 : i32 to vector<16xi32>
      %broadcast_in_dim3A_1969 = vector.broadcast %jit3A_1967 : i32 to vector<16xi32>
      %select_n3A_1970 = arith.select %and3A_1965, %broadcast_in_dim3A_1968, %broadcast_in_dim3A_1969 : vector<16xi1>, vector<16xi32>
      %broadcast_in_dim3A_1971 = arith.constant true
      %broadcast_in_dim3A_1972 = vector.broadcast %broadcast_in_dim3A_1971 : i1 to vector<16xi1>
      %masked_cumsum3A_1973 = tpu.scan <sum>, %select_n3A_1970 masked %broadcast_in_dim3A_1972 : vector<16xi32>, vector<16xi1> -> vector<16xi32>
      %add3A_1974 = vector.broadcast %add3A_1946 : i32 to vector<16xi32>
      %add3A_1975 = arith.addi %add3A_1974, %masked_cumsum3A_1973 : vector<16xi32>
      %sub3A_1976 = arith.subi %add3A_1975, %select_n3A_1970 : vector<16xi32>
      %shift_left3A_1977 = arith.constant 13 : i32
      %shift_left3A_1978 = vector.broadcast %shift_left3A_1977 : i32 to vector<16xi32>
      %shift_left3A_1979 = arith.shli %get3A_1948, %shift_left3A_1978 : vector<16xi32>
      %sub3A_1980 = vector.broadcast %mul3A_2 : i32 to vector<16xi32>
      %sub3A_1981 = arith.subi %get3A_1950, %sub3A_1980 : vector<16xi32>
      %or3A_1982 = arith.ori %shift_left3A_1979, %sub3A_1981 : vector<16xi32>
      tpu.vector_store_idx %arg24[%sub3A_1976], %or3A_1982 masked %and3A_1965 : memref<1168xi32, #tpu.memory_space<vmem>>[vector<16xi32>], vector<16xi32>, vector<16xi1>
      %reduce_sum3A_1983 = arith.constant true
      %reduce_sum3A_1984 = vector.broadcast %reduce_sum3A_1983 : i1 to vector<16xi1>
      %reduce_sum3A_1985 = tpu.scan <sum>, %select_n3A_1970 masked %reduce_sum3A_1984 : vector<16xi32>, vector<16xi1> -> vector<16xi32>
      %reduce_sum3A_1986 = vector.extract %reduce_sum3A_1985[15] : i32 from vector<16xi32>
      %add3A_1987 = arith.addi %add3A_1946, %reduce_sum3A_1986 : i32
      %get3A_1988 = arith.constant 560 : index
      %get3A_1989 = tpu.vector_load %arg25[%get3A_1988] {strides = array<i32>} : memref<576xi32, #tpu.memory_space<vmem>>, vector<16xi32>,
      %get3A_1990 = arith.constant 560 : index
      %get3A_1991 = tpu.vector_load %arg26[%get3A_1990] {strides = array<i32>} : memref<576xi32, #tpu.memory_space<vmem>>, vector<16xi32>,
      %add3A_1992 = arith.constant 560 : i32
      %add3A_1993 = arith.addi %add3A_557, %add3A_1992 : i32
      %add3A_1994 = vector.broadcast %add3A_1993 : i32 to vector<16xi32>
      %add3A_1995 = arith.addi %add3A_1994, %iota3A : vector<16xi32>
      %lt3A_1996 = arith.constant 330000 : i32
      %lt3A_1997 = vector.broadcast %lt3A_1996 : i32 to vector<16xi32>
      %lt3A_1998 = arith.cmpi slt, %add3A_1995, %lt3A_1997 : vector<16xi32>
      %ge3A_1999 = vector.broadcast %mul3A_2 : i32 to vector<16xi32>
      %ge3A_2000 = arith.cmpi sge, %get3A_1991, %ge3A_1999 : vector<16xi32>
      %and3A_2001 = arith.andi %lt3A_1998, %ge3A_2000 : vector<16xi1>
      %add3A_2002 = arith.constant 5000 : i32
      %add3A_2003 = arith.addi %mul3A_2, %add3A_2002 : i32
      %lt3A_2004 = vector.broadcast %add3A_2003 : i32 to vector<16xi32>
      %lt3A_2005 = arith.cmpi slt, %get3A_1991, %lt3A_2004 : vector<16xi32>
      %and3A_2006 = arith.andi %and3A_2001, %lt3A_2005 : vector<16xi1>
      %jit3A_2007 = arith.constant 1 : i32
      %jit3A_2008 = arith.constant 0 : i32
      %broadcast_in_dim3A_2009 = vector.broadcast %jit3A_2007 : i32 to vector<16xi32>
      %broadcast_in_dim3A_2010 = vector.broadcast %jit3A_2008 : i32 to vector<16xi32>
      %select_n3A_2011 = arith.select %and3A_2006, %broadcast_in_dim3A_2009, %broadcast_in_dim3A_2010 : vector<16xi1>, vector<16xi32>
      %broadcast_in_dim3A_2012 = arith.constant true
      %broadcast_in_dim3A_2013 = vector.broadcast %broadcast_in_dim3A_2012 : i1 to vector<16xi1>
      %masked_cumsum3A_2014 = tpu.scan <sum>, %select_n3A_2011 masked %broadcast_in_dim3A_2013 : vector<16xi32>, vector<16xi1> -> vector<16xi32>
      %add3A_2015 = vector.broadcast %add3A_1987 : i32 to vector<16xi32>
      %add3A_2016 = arith.addi %add3A_2015, %masked_cumsum3A_2014 : vector<16xi32>
      %sub3A_2017 = arith.subi %add3A_2016, %select_n3A_2011 : vector<16xi32>
      %shift_left3A_2018 = arith.constant 13 : i32
      %shift_left3A_2019 = vector.broadcast %shift_left3A_2018 : i32 to vector<16xi32>
      %shift_left3A_2020 = arith.shli %get3A_1989, %shift_left3A_2019 : vector<16xi32>
      %sub3A_2021 = vector.broadcast %mul3A_2 : i32 to vector<16xi32>
      %sub3A_2022 = arith.subi %get3A_1991, %sub3A_2021 : vector<16xi32>
      %or3A_2023 = arith.ori %shift_left3A_2020, %sub3A_2022 : vector<16xi32>
      tpu.vector_store_idx %arg24[%sub3A_2017], %or3A_2023 masked %and3A_2006 : memref<1168xi32, #tpu.memory_space<vmem>>[vector<16xi32>], vector<16xi32>, vector<16xi1>
      %reduce_sum3A_2024 = arith.constant true
      %reduce_sum3A_2025 = vector.broadcast %reduce_sum3A_2024 : i1 to vector<16xi1>
      %reduce_sum3A_2026 = tpu.scan <sum>, %select_n3A_2011 masked %reduce_sum3A_2025 : vector<16xi32>, vector<16xi1> -> vector<16xi32>
      %reduce_sum3A_2027 = vector.extract %reduce_sum3A_2026[15] : i32 from vector<16xi32>
      %add3A_2028 = arith.addi %add3A_1987, %reduce_sum3A_2027 : i32
      %ge3A_2029 = arith.constant 576 : i32
      %ge3A_2030 = arith.cmpi sge, %add3A_2028, %ge3A_2029 : i32
      %convert_element_type3A = arith.extui %ge3A_2030 : i1 to i32
      %cond3A = arith.constant 0 : i32
      %cond3A_2031 = arith.cmpi ne, %convert_element_type3A, %cond3A : i32
      scf.if %cond3A_2031 {
        %add3A_2038 = arith.addi %mul3A_6, %scan3A_553 : i32
        %multiple_of3A_2039 = tpu.assume_multiple %add3A_2038, 8 : i32
        "tpu.region"() ({
          %run_scoped3A = tpu.sem_alloc : memref<!tpu.dma_semaphore, #tpu.memory_space<semaphore_mem>>
          %dma_start3A = arith.constant 0 : i32
          %dma_start3A_2184 = tpu.memref_slice %arg24[%dma_start3A] : memref<1168xi32, #tpu.memory_space<vmem>> -> memref<576xi32, #tpu.memory_space<vmem>>
          %dma_start3A_2185 = tpu.memref_slice %arg27[%multiple_of3A_2039] : memref<688128xi32, #tpu.memory_space<hbm>> -> memref<576xi32, #tpu.memory_space<hbm>>
          %dma_start3A_2186 = tpu.memref_slice %arg27[%multiple_of3A_2039] : memref<688128xi32, #tpu.memory_space<hbm>> -> memref<576xi32, #tpu.memory_space<hbm>>
          %dma_start3A_2187 = arith.constant 0 : i32
          %dma_start3A_2188 = tpu.memref_slice %arg24[%dma_start3A_2187] : memref<1168xi32, #tpu.memory_space<vmem>> -> memref<576xi32, #tpu.memory_space<vmem>>
          tpu.enqueue_dma source(%dma_start3A_2188 : memref<576xi32, #tpu.memory_space<vmem>>) target(%dma_start3A_2186 : memref<576xi32, #tpu.memory_space<hbm>>) target_semaphore(%run_scoped3A : memref<!tpu.dma_semaphore, #tpu.memory_space<semaphore_mem>>)
          %dma_wait3A = arith.constant 0 : i32
          %dma_wait3A_2189 = tpu.memref_slice %arg24[%dma_wait3A] : memref<1168xi32, #tpu.memory_space<vmem>> -> memref<576xi32, #tpu.memory_space<vmem>>
          %dma_wait3A_2190 = tpu.memref_slice %arg27[%multiple_of3A_2039] : memref<688128xi32, #tpu.memory_space<hbm>> -> memref<576xi32, #tpu.memory_space<hbm>>
          %dma_wait3A_2191 = tpu.memref_slice %arg27[%multiple_of3A_2039] : memref<688128xi32, #tpu.memory_space<hbm>> -> memref<576xi32, #tpu.memory_space<hbm>>
          %dma_wait3A_2192 = arith.constant 0 : i32
          %dma_wait3A_2193 = tpu.memref_slice %arg24[%dma_wait3A_2192] : memref<1168xi32, #tpu.memory_space<vmem>> -> memref<576xi32, #tpu.memory_space<vmem>>
          tpu.wait_dma2 semaphore(%run_scoped3A : memref<!tpu.dma_semaphore, #tpu.memory_space<semaphore_mem>>) src(%dma_wait3A_2193 : memref<576xi32, #tpu.memory_space<vmem>>) dst(%dma_wait3A_2191 : memref<576xi32, #tpu.memory_space<hbm>>)
          tpu.yield
        }) : () -> ()
        %get3A_2040 = arith.constant 576 : index
        %get3A_2041 = tpu.vector_load %arg24[%get3A_2040] {strides = array<i32>} : memref<1168xi32, #tpu.memory_space<vmem>>, vector<16xi32>,
        %swap3A_2042 = arith.constant 0 : index
        %swap3A_2043 = tpu.vector_load %arg24[%swap3A_2042] {strides = array<i32>} : memref<1168xi32, #tpu.memory_space<vmem>>, vector<16xi32>,
        tpu.vector_store %arg24[%swap3A_2042], %get3A_2041 {strides = array<i32>} : memref<1168xi32, #tpu.memory_space<vmem>>, vector<16xi32>,
        %get3A_2044 = arith.constant 592 : index
        %get3A_2045 = tpu.vector_load %arg24[%get3A_2044] {strides = array<i32>} : memref<1168xi32, #tpu.memory_space<vmem>>, vector<16xi32>,
        %swap3A_2046 = arith.constant 16 : index
        %swap3A_2047 = tpu.vector_load %arg24[%swap3A_2046] {strides = array<i32>} : memref<1168xi32, #tpu.memory_space<vmem>>, vector<16xi32>,
        tpu.vector_store %arg24[%swap3A_2046], %get3A_2045 {strides = array<i32>} : memref<1168xi32, #tpu.memory_space<vmem>>, vector<16xi32>,
        %get3A_2048 = arith.constant 608 : index
        %get3A_2049 = tpu.vector_load %arg24[%get3A_2048] {strides = array<i32>} : memref<1168xi32, #tpu.memory_space<vmem>>, vector<16xi32>,
        %swap3A_2050 = arith.constant 32 : index
        %swap3A_2051 = tpu.vector_load %arg24[%swap3A_2050] {strides = array<i32>} : memref<1168xi32, #tpu.memory_space<vmem>>, vector<16xi32>,
        tpu.vector_store %arg24[%swap3A_2050], %get3A_2049 {strides = array<i32>} : memref<1168xi32, #tpu.memory_space<vmem>>, vector<16xi32>,
        %get3A_2052 = arith.constant 624 : index
        %get3A_2053 = tpu.vector_load %arg24[%get3A_2052] {strides = array<i32>} : memref<1168xi32, #tpu.memory_space<vmem>>, vector<16xi32>,
        %swap3A_2054 = arith.constant 48 : index
        %swap3A_2055 = tpu.vector_load %arg24[%swap3A_2054] {strides = array<i32>} : memref<1168xi32, #tpu.memory_space<vmem>>, vector<16xi32>,
        tpu.vector_store %arg24[%swap3A_2054], %get3A_2053 {strides = array<i32>} : memref<1168xi32, #tpu.memory_space<vmem>>, vector<16xi32>,
        %get3A_2056 = arith.constant 640 : index
        %get3A_2057 = tpu.vector_load %arg24[%get3A_2056] {strides = array<i32>} : memref<1168xi32, #tpu.memory_space<vmem>>, vector<16xi32>,
        %swap3A_2058 = arith.constant 64 : index
        %swap3A_2059 = tpu.vector_load %arg24[%swap3A_2058] {strides = array<i32>} : memref<1168xi32, #tpu.memory_space<vmem>>, vector<16xi32>,
        tpu.vector_store %arg24[%swap3A_2058], %get3A_2057 {strides = array<i32>} : memref<1168xi32, #tpu.memory_space<vmem>>, vector<16xi32>,
        %get3A_2060 = arith.constant 656 : index
        %get3A_2061 = tpu.vector_load %arg24[%get3A_2060] {strides = array<i32>} : memref<1168xi32, #tpu.memory_space<vmem>>, vector<16xi32>,
        %swap3A_2062 = arith.constant 80 : index
        %swap3A_2063 = tpu.vector_load %arg24[%swap3A_2062] {strides = array<i32>} : memref<1168xi32, #tpu.memory_space<vmem>>, vector<16xi32>,
        tpu.vector_store %arg24[%swap3A_2062], %get3A_2061 {strides = array<i32>} : memref<1168xi32, #tpu.memory_space<vmem>>, vector<16xi32>,
        %get3A_2064 = arith.constant 672 : index
        %get3A_2065 = tpu.vector_load %arg24[%get3A_2064] {strides = array<i32>} : memref<1168xi32, #tpu.memory_space<vmem>>, vector<16xi32>,
        %swap3A_2066 = arith.constant 96 : index
        %swap3A_2067 = tpu.vector_load %arg24[%swap3A_2066] {strides = array<i32>} : memref<1168xi32, #tpu.memory_space<vmem>>, vector<16xi32>,
        tpu.vector_store %arg24[%swap3A_2066], %get3A_2065 {strides = array<i32>} : memref<1168xi32, #tpu.memory_space<vmem>>, vector<16xi32>,
        %get3A_2068 = arith.constant 688 : index
        %get3A_2069 = tpu.vector_load %arg24[%get3A_2068] {strides = array<i32>} : memref<1168xi32, #tpu.memory_space<vmem>>, vector<16xi32>,
        %swap3A_2070 = arith.constant 112 : index
        %swap3A_2071 = tpu.vector_load %arg24[%swap3A_2070] {strides = array<i32>} : memref<1168xi32, #tpu.memory_space<vmem>>, vector<16xi32>,
        tpu.vector_store %arg24[%swap3A_2070], %get3A_2069 {strides = array<i32>} : memref<1168xi32, #tpu.memory_space<vmem>>, vector<16xi32>,
        %get3A_2072 = arith.constant 704 : index
        %get3A_2073 = tpu.vector_load %arg24[%get3A_2072] {strides = array<i32>} : memref<1168xi32, #tpu.memory_space<vmem>>, vector<16xi32>,
        %swap3A_2074 = arith.constant 128 : index
        %swap3A_2075 = tpu.vector_load %arg24[%swap3A_2074] {strides = array<i32>} : memref<1168xi32, #tpu.memory_space<vmem>>, vector<16xi32>,
        tpu.vector_store %arg24[%swap3A_2074], %get3A_2073 {strides = array<i32>} : memref<1168xi32, #tpu.memory_space<vmem>>, vector<16xi32>,
        %get3A_2076 = arith.constant 720 : index
        %get3A_2077 = tpu.vector_load %arg24[%get3A_2076] {strides = array<i32>} : memref<1168xi32, #tpu.memory_space<vmem>>, vector<16xi32>,
        %swap3A_2078 = arith.constant 144 : index
        %swap3A_2079 = tpu.vector_load %arg24[%swap3A_2078] {strides = array<i32>} : memref<1168xi32, #tpu.memory_space<vmem>>, vector<16xi32>,
        tpu.vector_store %arg24[%swap3A_2078], %get3A_2077 {strides = array<i32>} : memref<1168xi32, #tpu.memory_space<vmem>>, vector<16xi32>,
        %get3A_2080 = arith.constant 736 : index
        %get3A_2081 = tpu.vector_load %arg24[%get3A_2080] {strides = array<i32>} : memref<1168xi32, #tpu.memory_space<vmem>>, vector<16xi32>,
        %swap3A_2082 = arith.constant 160 : index
        %swap3A_2083 = tpu.vector_load %arg24[%swap3A_2082] {strides = array<i32>} : memref<1168xi32, #tpu.memory_space<vmem>>, vector<16xi32>,
        tpu.vector_store %arg24[%swap3A_2082], %get3A_2081 {strides = array<i32>} : memref<1168xi32, #tpu.memory_space<vmem>>, vector<16xi32>,
        %get3A_2084 = arith.constant 752 : index
        %get3A_2085 = tpu.vector_load %arg24[%get3A_2084] {strides = array<i32>} : memref<1168xi32, #tpu.memory_space<vmem>>, vector<16xi32>,
        %swap3A_2086 = arith.constant 176 : index
        %swap3A_2087 = tpu.vector_load %arg24[%swap3A_2086] {strides = array<i32>} : memref<1168xi32, #tpu.memory_space<vmem>>, vector<16xi32>,
        tpu.vector_store %arg24[%swap3A_2086], %get3A_2085 {strides = array<i32>} : memref<1168xi32, #tpu.memory_space<vmem>>, vector<16xi32>,
        %get3A_2088 = arith.constant 768 : index
        %get3A_2089 = tpu.vector_load %arg24[%get3A_2088] {strides = array<i32>} : memref<1168xi32, #tpu.memory_space<vmem>>, vector<16xi32>,
        %swap3A_2090 = arith.constant 192 : index
        %swap3A_2091 = tpu.vector_load %arg24[%swap3A_2090] {strides = array<i32>} : memref<1168xi32, #tpu.memory_space<vmem>>, vector<16xi32>,
        tpu.vector_store %arg24[%swap3A_2090], %get3A_2089 {strides = array<i32>} : memref<1168xi32, #tpu.memory_space<vmem>>, vector<16xi32>,
        %get3A_2092 = arith.constant 784 : index
        %get3A_2093 = tpu.vector_load %arg24[%get3A_2092] {strides = array<i32>} : memref<1168xi32, #tpu.memory_space<vmem>>, vector<16xi32>,
        %swap3A_2094 = arith.constant 208 : index
        %swap3A_2095 = tpu.vector_load %arg24[%swap3A_2094] {strides = array<i32>} : memref<1168xi32, #tpu.memory_space<vmem>>, vector<16xi32>,
        tpu.vector_store %arg24[%swap3A_2094], %get3A_2093 {strides = array<i32>} : memref<1168xi32, #tpu.memory_space<vmem>>, vector<16xi32>,
        %get3A_2096 = arith.constant 800 : index
        %get3A_2097 = tpu.vector_load %arg24[%get3A_2096] {strides = array<i32>} : memref<1168xi32, #tpu.memory_space<vmem>>, vector<16xi32>,
        %swap3A_2098 = arith.constant 224 : index
        %swap3A_2099 = tpu.vector_load %arg24[%swap3A_2098] {strides = array<i32>} : memref<1168xi32, #tpu.memory_space<vmem>>, vector<16xi32>,
        tpu.vector_store %arg24[%swap3A_2098], %get3A_2097 {strides = array<i32>} : memref<1168xi32, #tpu.memory_space<vmem>>, vector<16xi32>,
        %get3A_2100 = arith.constant 816 : index
        %get3A_2101 = tpu.vector_load %arg24[%get3A_2100] {strides = array<i32>} : memref<1168xi32, #tpu.memory_space<vmem>>, vector<16xi32>,
        %swap3A_2102 = arith.constant 240 : index
        %swap3A_2103 = tpu.vector_load %arg24[%swap3A_2102] {strides = array<i32>} : memref<1168xi32, #tpu.memory_space<vmem>>, vector<16xi32>,
        tpu.vector_store %arg24[%swap3A_2102], %get3A_2101 {strides = array<i32>} : memref<1168xi32, #tpu.memory_space<vmem>>, vector<16xi32>,
        %get3A_2104 = arith.constant 832 : index
        %get3A_2105 = tpu.vector_load %arg24[%get3A_2104] {strides = array<i32>} : memref<1168xi32, #tpu.memory_space<vmem>>, vector<16xi32>,
        %swap3A_2106 = arith.constant 256 : index
        %swap3A_2107 = tpu.vector_load %arg24[%swap3A_2106] {strides = array<i32>} : memref<1168xi32, #tpu.memory_space<vmem>>, vector<16xi32>,
        tpu.vector_store %arg24[%swap3A_2106], %get3A_2105 {strides = array<i32>} : memref<1168xi32, #tpu.memory_space<vmem>>, vector<16xi32>,
        %get3A_2108 = arith.constant 848 : index
        %get3A_2109 = tpu.vector_load %arg24[%get3A_2108] {strides = array<i32>} : memref<1168xi32, #tpu.memory_space<vmem>>, vector<16xi32>,
        %swap3A_2110 = arith.constant 272 : index
        %swap3A_2111 = tpu.vector_load %arg24[%swap3A_2110] {strides = array<i32>} : memref<1168xi32, #tpu.memory_space<vmem>>, vector<16xi32>,
        tpu.vector_store %arg24[%swap3A_2110], %get3A_2109 {strides = array<i32>} : memref<1168xi32, #tpu.memory_space<vmem>>, vector<16xi32>,
        %get3A_2112 = arith.constant 864 : index
        %get3A_2113 = tpu.vector_load %arg24[%get3A_2112] {strides = array<i32>} : memref<1168xi32, #tpu.memory_space<vmem>>, vector<16xi32>,
        %swap3A_2114 = arith.constant 288 : index
        %swap3A_2115 = tpu.vector_load %arg24[%swap3A_2114] {strides = array<i32>} : memref<1168xi32, #tpu.memory_space<vmem>>, vector<16xi32>,
        tpu.vector_store %arg24[%swap3A_2114], %get3A_2113 {strides = array<i32>} : memref<1168xi32, #tpu.memory_space<vmem>>, vector<16xi32>,
        %get3A_2116 = arith.constant 880 : index
        %get3A_2117 = tpu.vector_load %arg24[%get3A_2116] {strides = array<i32>} : memref<1168xi32, #tpu.memory_space<vmem>>, vector<16xi32>,
        %swap3A_2118 = arith.constant 304 : index
        %swap3A_2119 = tpu.vector_load %arg24[%swap3A_2118] {strides = array<i32>} : memref<1168xi32, #tpu.memory_space<vmem>>, vector<16xi32>,
        tpu.vector_store %arg24[%swap3A_2118], %get3A_2117 {strides = array<i32>} : memref<1168xi32, #tpu.memory_space<vmem>>, vector<16xi32>,
        %get3A_2120 = arith.constant 896 : index
        %get3A_2121 = tpu.vector_load %arg24[%get3A_2120] {strides = array<i32>} : memref<1168xi32, #tpu.memory_space<vmem>>, vector<16xi32>,
        %swap3A_2122 = arith.constant 320 : index
        %swap3A_2123 = tpu.vector_load %arg24[%swap3A_2122] {strides = array<i32>} : memref<1168xi32, #tpu.memory_space<vmem>>, vector<16xi32>,
        tpu.vector_store %arg24[%swap3A_2122], %get3A_2121 {strides = array<i32>} : memref<1168xi32, #tpu.memory_space<vmem>>, vector<16xi32>,
        %get3A_2124 = arith.constant 912 : index
        %get3A_2125 = tpu.vector_load %arg24[%get3A_2124] {strides = array<i32>} : memref<1168xi32, #tpu.memory_space<vmem>>, vector<16xi32>,
        %swap3A_2126 = arith.constant 336 : index
        %swap3A_2127 = tpu.vector_load %arg24[%swap3A_2126] {strides = array<i32>} : memref<1168xi32, #tpu.memory_space<vmem>>, vector<16xi32>,
        tpu.vector_store %arg24[%swap3A_2126], %get3A_2125 {strides = array<i32>} : memref<1168xi32, #tpu.memory_space<vmem>>, vector<16xi32>,
        %get3A_2128 = arith.constant 928 : index
        %get3A_2129 = tpu.vector_load %arg24[%get3A_2128] {strides = array<i32>} : memref<1168xi32, #tpu.memory_space<vmem>>, vector<16xi32>,
        %swap3A_2130 = arith.constant 352 : index
        %swap3A_2131 = tpu.vector_load %arg24[%swap3A_2130] {strides = array<i32>} : memref<1168xi32, #tpu.memory_space<vmem>>, vector<16xi32>,
        tpu.vector_store %arg24[%swap3A_2130], %get3A_2129 {strides = array<i32>} : memref<1168xi32, #tpu.memory_space<vmem>>, vector<16xi32>,
        %get3A_2132 = arith.constant 944 : index
        %get3A_2133 = tpu.vector_load %arg24[%get3A_2132] {strides = array<i32>} : memref<1168xi32, #tpu.memory_space<vmem>>, vector<16xi32>,
        %swap3A_2134 = arith.constant 368 : index
        %swap3A_2135 = tpu.vector_load %arg24[%swap3A_2134] {strides = array<i32>} : memref<1168xi32, #tpu.memory_space<vmem>>, vector<16xi32>,
        tpu.vector_store %arg24[%swap3A_2134], %get3A_2133 {strides = array<i32>} : memref<1168xi32, #tpu.memory_space<vmem>>, vector<16xi32>,
        %get3A_2136 = arith.constant 960 : index
        %get3A_2137 = tpu.vector_load %arg24[%get3A_2136] {strides = array<i32>} : memref<1168xi32, #tpu.memory_space<vmem>>, vector<16xi32>,
        %swap3A_2138 = arith.constant 384 : index
        %swap3A_2139 = tpu.vector_load %arg24[%swap3A_2138] {strides = array<i32>} : memref<1168xi32, #tpu.memory_space<vmem>>, vector<16xi32>,
        tpu.vector_store %arg24[%swap3A_2138], %get3A_2137 {strides = array<i32>} : memref<1168xi32, #tpu.memory_space<vmem>>, vector<16xi32>,
        %get3A_2140 = arith.constant 976 : index
        %get3A_2141 = tpu.vector_load %arg24[%get3A_2140] {strides = array<i32>} : memref<1168xi32, #tpu.memory_space<vmem>>, vector<16xi32>,
        %swap3A_2142 = arith.constant 400 : index
        %swap3A_2143 = tpu.vector_load %arg24[%swap3A_2142] {strides = array<i32>} : memref<1168xi32, #tpu.memory_space<vmem>>, vector<16xi32>,
        tpu.vector_store %arg24[%swap3A_2142], %get3A_2141 {strides = array<i32>} : memref<1168xi32, #tpu.memory_space<vmem>>, vector<16xi32>,
        %get3A_2144 = arith.constant 992 : index
        %get3A_2145 = tpu.vector_load %arg24[%get3A_2144] {strides = array<i32>} : memref<1168xi32, #tpu.memory_space<vmem>>, vector<16xi32>,
        %swap3A_2146 = arith.constant 416 : index
        %swap3A_2147 = tpu.vector_load %arg24[%swap3A_2146] {strides = array<i32>} : memref<1168xi32, #tpu.memory_space<vmem>>, vector<16xi32>,
        tpu.vector_store %arg24[%swap3A_2146], %get3A_2145 {strides = array<i32>} : memref<1168xi32, #tpu.memory_space<vmem>>, vector<16xi32>,
        %get3A_2148 = arith.constant 1008 : index
        %get3A_2149 = tpu.vector_load %arg24[%get3A_2148] {strides = array<i32>} : memref<1168xi32, #tpu.memory_space<vmem>>, vector<16xi32>,
        %swap3A_2150 = arith.constant 432 : index
        %swap3A_2151 = tpu.vector_load %arg24[%swap3A_2150] {strides = array<i32>} : memref<1168xi32, #tpu.memory_space<vmem>>, vector<16xi32>,
        tpu.vector_store %arg24[%swap3A_2150], %get3A_2149 {strides = array<i32>} : memref<1168xi32, #tpu.memory_space<vmem>>, vector<16xi32>,
        %get3A_2152 = arith.constant 1024 : index
        %get3A_2153 = tpu.vector_load %arg24[%get3A_2152] {strides = array<i32>} : memref<1168xi32, #tpu.memory_space<vmem>>, vector<16xi32>,
        %swap3A_2154 = arith.constant 448 : index
        %swap3A_2155 = tpu.vector_load %arg24[%swap3A_2154] {strides = array<i32>} : memref<1168xi32, #tpu.memory_space<vmem>>, vector<16xi32>,
        tpu.vector_store %arg24[%swap3A_2154], %get3A_2153 {strides = array<i32>} : memref<1168xi32, #tpu.memory_space<vmem>>, vector<16xi32>,
        %get3A_2156 = arith.constant 1040 : index
        %get3A_2157 = tpu.vector_load %arg24[%get3A_2156] {strides = array<i32>} : memref<1168xi32, #tpu.memory_space<vmem>>, vector<16xi32>,
        %swap3A_2158 = arith.constant 464 : index
        %swap3A_2159 = tpu.vector_load %arg24[%swap3A_2158] {strides = array<i32>} : memref<1168xi32, #tpu.memory_space<vmem>>, vector<16xi32>,
        tpu.vector_store %arg24[%swap3A_2158], %get3A_2157 {strides = array<i32>} : memref<1168xi32, #tpu.memory_space<vmem>>, vector<16xi32>,
        %get3A_2160 = arith.constant 1056 : index
        %get3A_2161 = tpu.vector_load %arg24[%get3A_2160] {strides = array<i32>} : memref<1168xi32, #tpu.memory_space<vmem>>, vector<16xi32>,
        %swap3A_2162 = arith.constant 480 : index
        %swap3A_2163 = tpu.vector_load %arg24[%swap3A_2162] {strides = array<i32>} : memref<1168xi32, #tpu.memory_space<vmem>>, vector<16xi32>,
        tpu.vector_store %arg24[%swap3A_2162], %get3A_2161 {strides = array<i32>} : memref<1168xi32, #tpu.memory_space<vmem>>, vector<16xi32>,
        %get3A_2164 = arith.constant 1072 : index
        %get3A_2165 = tpu.vector_load %arg24[%get3A_2164] {strides = array<i32>} : memref<1168xi32, #tpu.memory_space<vmem>>, vector<16xi32>,
        %swap3A_2166 = arith.constant 496 : index
        %swap3A_2167 = tpu.vector_load %arg24[%swap3A_2166] {strides = array<i32>} : memref<1168xi32, #tpu.memory_space<vmem>>, vector<16xi32>,
        tpu.vector_store %arg24[%swap3A_2166], %get3A_2165 {strides = array<i32>} : memref<1168xi32, #tpu.memory_space<vmem>>, vector<16xi32>,
        %get3A_2168 = arith.constant 1088 : index
        %get3A_2169 = tpu.vector_load %arg24[%get3A_2168] {strides = array<i32>} : memref<1168xi32, #tpu.memory_space<vmem>>, vector<16xi32>,
        %swap3A_2170 = arith.constant 512 : index
        %swap3A_2171 = tpu.vector_load %arg24[%swap3A_2170] {strides = array<i32>} : memref<1168xi32, #tpu.memory_space<vmem>>, vector<16xi32>,
        tpu.vector_store %arg24[%swap3A_2170], %get3A_2169 {strides = array<i32>} : memref<1168xi32, #tpu.memory_space<vmem>>, vector<16xi32>,
        %get3A_2172 = arith.constant 1104 : index
        %get3A_2173 = tpu.vector_load %arg24[%get3A_2172] {strides = array<i32>} : memref<1168xi32, #tpu.memory_space<vmem>>, vector<16xi32>,
        %swap3A_2174 = arith.constant 528 : index
        %swap3A_2175 = tpu.vector_load %arg24[%swap3A_2174] {strides = array<i32>} : memref<1168xi32, #tpu.memory_space<vmem>>, vector<16xi32>,
        tpu.vector_store %arg24[%swap3A_2174], %get3A_2173 {strides = array<i32>} : memref<1168xi32, #tpu.memory_space<vmem>>, vector<16xi32>,
        %get3A_2176 = arith.constant 1120 : index
        %get3A_2177 = tpu.vector_load %arg24[%get3A_2176] {strides = array<i32>} : memref<1168xi32, #tpu.memory_space<vmem>>, vector<16xi32>,
        %swap3A_2178 = arith.constant 544 : index
        %swap3A_2179 = tpu.vector_load %arg24[%swap3A_2178] {strides = array<i32>} : memref<1168xi32, #tpu.memory_space<vmem>>, vector<16xi32>,
        tpu.vector_store %arg24[%swap3A_2178], %get3A_2177 {strides = array<i32>} : memref<1168xi32, #tpu.memory_space<vmem>>, vector<16xi32>,
        %get3A_2180 = arith.constant 1136 : index
        %get3A_2181 = tpu.vector_load %arg24[%get3A_2180] {strides = array<i32>} : memref<1168xi32, #tpu.memory_space<vmem>>, vector<16xi32>,
        %swap3A_2182 = arith.constant 560 : index
        %swap3A_2183 = tpu.vector_load %arg24[%swap3A_2182] {strides = array<i32>} : memref<1168xi32, #tpu.memory_space<vmem>>, vector<16xi32>,
        tpu.vector_store %arg24[%swap3A_2182], %get3A_2181 {strides = array<i32>} : memref<1168xi32, #tpu.memory_space<vmem>>, vector<16xi32>,
      } else {
      }
      %add3A_2032 = arith.constant 576 : i32
      %add3A_2033 = arith.addi %scan3A_553, %add3A_2032 : i32
      %select_n3A_2034 = arith.select %ge3A_2030, %add3A_2033, %scan3A_553 : i32
      %sub3A_2035 = arith.constant 576 : i32
      %sub3A_2036 = arith.subi %add3A_2028, %sub3A_2035 : i32
      %select_n3A_2037 = arith.select %ge3A_2030, %sub3A_2036, %add3A_2028 : i32
      scf.yield %select_n3A_2034, %select_n3A_2037 : i32, i32
    }
    %scan3A_16 = arith.constant 36 : i32
    %add3A_17 = arith.constant 0 : i32
    %add3A_18 = vector.broadcast %add3A_17 : i32 to vector<16xi32>
    %add3A_19 = arith.addi %add3A_18, %iota3A : vector<16xi32>
    %get3A = arith.constant 0 : index
    %get3A_20 = tpu.vector_load %arg24[%get3A] {strides = array<i32>} : memref<1168xi32, #tpu.memory_space<vmem>>, vector<16xi32>,
    %lt3A = vector.broadcast %scan3A_15#1 : i32 to vector<16xi32>
    %lt3A_21 = arith.cmpi slt, %add3A_19, %lt3A : vector<16xi32>
    %add3A_22 = arith.constant 5119 : i32
    %add3A_23 = vector.broadcast %add3A_22 : i32 to vector<16xi32>
    %add3A_24 = arith.addi %broadcast_in_dim3A_9, %add3A_23 : vector<16xi32>
    %select_n3A = arith.select %lt3A_21, %get3A_20, %add3A_24 : vector<16xi1>, vector<16xi32>
    %swap3A = arith.constant 0 : index
    %swap3A_25 = tpu.vector_load %arg24[%swap3A] {strides = array<i32>} : memref<1168xi32, #tpu.memory_space<vmem>>, vector<16xi32>,
    tpu.vector_store %arg24[%swap3A], %select_n3A {strides = array<i32>} : memref<1168xi32, #tpu.memory_space<vmem>>, vector<16xi32>,
    %add3A_26 = arith.constant 16 : i32
    %add3A_27 = vector.broadcast %add3A_26 : i32 to vector<16xi32>
    %add3A_28 = arith.addi %add3A_27, %iota3A : vector<16xi32>
    %get3A_29 = arith.constant 16 : index
    %get3A_30 = tpu.vector_load %arg24[%get3A_29] {strides = array<i32>} : memref<1168xi32, #tpu.memory_space<vmem>>, vector<16xi32>,
    %lt3A_31 = vector.broadcast %scan3A_15#1 : i32 to vector<16xi32>
    %lt3A_32 = arith.cmpi slt, %add3A_28, %lt3A_31 : vector<16xi32>
    %add3A_33 = arith.constant 5119 : i32
    %add3A_34 = vector.broadcast %add3A_33 : i32 to vector<16xi32>
    %add3A_35 = arith.addi %broadcast_in_dim3A_9, %add3A_34 : vector<16xi32>
    %select_n3A_36 = arith.select %lt3A_32, %get3A_30, %add3A_35 : vector<16xi1>, vector<16xi32>
    %swap3A_37 = arith.constant 16 : index
    %swap3A_38 = tpu.vector_load %arg24[%swap3A_37] {strides = array<i32>} : memref<1168xi32, #tpu.memory_space<vmem>>, vector<16xi32>,
    tpu.vector_store %arg24[%swap3A_37], %select_n3A_36 {strides = array<i32>} : memref<1168xi32, #tpu.memory_space<vmem>>, vector<16xi32>,
    %add3A_39 = arith.constant 32 : i32
    %add3A_40 = vector.broadcast %add3A_39 : i32 to vector<16xi32>
    %add3A_41 = arith.addi %add3A_40, %iota3A : vector<16xi32>
    %get3A_42 = arith.constant 32 : index
    %get3A_43 = tpu.vector_load %arg24[%get3A_42] {strides = array<i32>} : memref<1168xi32, #tpu.memory_space<vmem>>, vector<16xi32>,
    %lt3A_44 = vector.broadcast %scan3A_15#1 : i32 to vector<16xi32>
    %lt3A_45 = arith.cmpi slt, %add3A_41, %lt3A_44 : vector<16xi32>
    %add3A_46 = arith.constant 5119 : i32
    %add3A_47 = vector.broadcast %add3A_46 : i32 to vector<16xi32>
    %add3A_48 = arith.addi %broadcast_in_dim3A_9, %add3A_47 : vector<16xi32>
    %select_n3A_49 = arith.select %lt3A_45, %get3A_43, %add3A_48 : vector<16xi1>, vector<16xi32>
    %swap3A_50 = arith.constant 32 : index
    %swap3A_51 = tpu.vector_load %arg24[%swap3A_50] {strides = array<i32>} : memref<1168xi32, #tpu.memory_space<vmem>>, vector<16xi32>,
    tpu.vector_store %arg24[%swap3A_50], %select_n3A_49 {strides = array<i32>} : memref<1168xi32, #tpu.memory_space<vmem>>, vector<16xi32>,
    %add3A_52 = arith.constant 48 : i32
    %add3A_53 = vector.broadcast %add3A_52 : i32 to vector<16xi32>
    %add3A_54 = arith.addi %add3A_53, %iota3A : vector<16xi32>
    %get3A_55 = arith.constant 48 : index
    %get3A_56 = tpu.vector_load %arg24[%get3A_55] {strides = array<i32>} : memref<1168xi32, #tpu.memory_space<vmem>>, vector<16xi32>,
    %lt3A_57 = vector.broadcast %scan3A_15#1 : i32 to vector<16xi32>
    %lt3A_58 = arith.cmpi slt, %add3A_54, %lt3A_57 : vector<16xi32>
    %add3A_59 = arith.constant 5119 : i32
    %add3A_60 = vector.broadcast %add3A_59 : i32 to vector<16xi32>
    %add3A_61 = arith.addi %broadcast_in_dim3A_9, %add3A_60 : vector<16xi32>
    %select_n3A_62 = arith.select %lt3A_58, %get3A_56, %add3A_61 : vector<16xi1>, vector<16xi32>
    %swap3A_63 = arith.constant 48 : index
    %swap3A_64 = tpu.vector_load %arg24[%swap3A_63] {strides = array<i32>} : memref<1168xi32, #tpu.memory_space<vmem>>, vector<16xi32>,
    tpu.vector_store %arg24[%swap3A_63], %select_n3A_62 {strides = array<i32>} : memref<1168xi32, #tpu.memory_space<vmem>>, vector<16xi32>,
    %add3A_65 = arith.constant 64 : i32
    %add3A_66 = vector.broadcast %add3A_65 : i32 to vector<16xi32>
    %add3A_67 = arith.addi %add3A_66, %iota3A : vector<16xi32>
    %get3A_68 = arith.constant 64 : index
    %get3A_69 = tpu.vector_load %arg24[%get3A_68] {strides = array<i32>} : memref<1168xi32, #tpu.memory_space<vmem>>, vector<16xi32>,
    %lt3A_70 = vector.broadcast %scan3A_15#1 : i32 to vector<16xi32>
    %lt3A_71 = arith.cmpi slt, %add3A_67, %lt3A_70 : vector<16xi32>
    %add3A_72 = arith.constant 5119 : i32
    %add3A_73 = vector.broadcast %add3A_72 : i32 to vector<16xi32>
    %add3A_74 = arith.addi %broadcast_in_dim3A_9, %add3A_73 : vector<16xi32>
    %select_n3A_75 = arith.select %lt3A_71, %get3A_69, %add3A_74 : vector<16xi1>, vector<16xi32>
    %swap3A_76 = arith.constant 64 : index
    %swap3A_77 = tpu.vector_load %arg24[%swap3A_76] {strides = array<i32>} : memref<1168xi32, #tpu.memory_space<vmem>>, vector<16xi32>,
    tpu.vector_store %arg24[%swap3A_76], %select_n3A_75 {strides = array<i32>} : memref<1168xi32, #tpu.memory_space<vmem>>, vector<16xi32>,
    %add3A_78 = arith.constant 80 : i32
    %add3A_79 = vector.broadcast %add3A_78 : i32 to vector<16xi32>
    %add3A_80 = arith.addi %add3A_79, %iota3A : vector<16xi32>
    %get3A_81 = arith.constant 80 : index
    %get3A_82 = tpu.vector_load %arg24[%get3A_81] {strides = array<i32>} : memref<1168xi32, #tpu.memory_space<vmem>>, vector<16xi32>,
    %lt3A_83 = vector.broadcast %scan3A_15#1 : i32 to vector<16xi32>
    %lt3A_84 = arith.cmpi slt, %add3A_80, %lt3A_83 : vector<16xi32>
    %add3A_85 = arith.constant 5119 : i32
    %add3A_86 = vector.broadcast %add3A_85 : i32 to vector<16xi32>
    %add3A_87 = arith.addi %broadcast_in_dim3A_9, %add3A_86 : vector<16xi32>
    %select_n3A_88 = arith.select %lt3A_84, %get3A_82, %add3A_87 : vector<16xi1>, vector<16xi32>
    %swap3A_89 = arith.constant 80 : index
    %swap3A_90 = tpu.vector_load %arg24[%swap3A_89] {strides = array<i32>} : memref<1168xi32, #tpu.memory_space<vmem>>, vector<16xi32>,
    tpu.vector_store %arg24[%swap3A_89], %select_n3A_88 {strides = array<i32>} : memref<1168xi32, #tpu.memory_space<vmem>>, vector<16xi32>,
    %add3A_91 = arith.constant 96 : i32
    %add3A_92 = vector.broadcast %add3A_91 : i32 to vector<16xi32>
    %add3A_93 = arith.addi %add3A_92, %iota3A : vector<16xi32>
    %get3A_94 = arith.constant 96 : index
    %get3A_95 = tpu.vector_load %arg24[%get3A_94] {strides = array<i32>} : memref<1168xi32, #tpu.memory_space<vmem>>, vector<16xi32>,
    %lt3A_96 = vector.broadcast %scan3A_15#1 : i32 to vector<16xi32>
    %lt3A_97 = arith.cmpi slt, %add3A_93, %lt3A_96 : vector<16xi32>
    %add3A_98 = arith.constant 5119 : i32
    %add3A_99 = vector.broadcast %add3A_98 : i32 to vector<16xi32>
    %add3A_100 = arith.addi %broadcast_in_dim3A_9, %add3A_99 : vector<16xi32>
    %select_n3A_101 = arith.select %lt3A_97, %get3A_95, %add3A_100 : vector<16xi1>, vector<16xi32>
    %swap3A_102 = arith.constant 96 : index
    %swap3A_103 = tpu.vector_load %arg24[%swap3A_102] {strides = array<i32>} : memref<1168xi32, #tpu.memory_space<vmem>>, vector<16xi32>,
    tpu.vector_store %arg24[%swap3A_102], %select_n3A_101 {strides = array<i32>} : memref<1168xi32, #tpu.memory_space<vmem>>, vector<16xi32>,
    %add3A_104 = arith.constant 112 : i32
    %add3A_105 = vector.broadcast %add3A_104 : i32 to vector<16xi32>
    %add3A_106 = arith.addi %add3A_105, %iota3A : vector<16xi32>
    %get3A_107 = arith.constant 112 : index
    %get3A_108 = tpu.vector_load %arg24[%get3A_107] {strides = array<i32>} : memref<1168xi32, #tpu.memory_space<vmem>>, vector<16xi32>,
    %lt3A_109 = vector.broadcast %scan3A_15#1 : i32 to vector<16xi32>
    %lt3A_110 = arith.cmpi slt, %add3A_106, %lt3A_109 : vector<16xi32>
    %add3A_111 = arith.constant 5119 : i32
    %add3A_112 = vector.broadcast %add3A_111 : i32 to vector<16xi32>
    %add3A_113 = arith.addi %broadcast_in_dim3A_9, %add3A_112 : vector<16xi32>
    %select_n3A_114 = arith.select %lt3A_110, %get3A_108, %add3A_113 : vector<16xi1>, vector<16xi32>
    %swap3A_115 = arith.constant 112 : index
    %swap3A_116 = tpu.vector_load %arg24[%swap3A_115] {strides = array<i32>} : memref<1168xi32, #tpu.memory_space<vmem>>, vector<16xi32>,
    tpu.vector_store %arg24[%swap3A_115], %select_n3A_114 {strides = array<i32>} : memref<1168xi32, #tpu.memory_space<vmem>>, vector<16xi32>,
    %add3A_117 = arith.constant 128 : i32
    %add3A_118 = vector.broadcast %add3A_117 : i32 to vector<16xi32>
    %add3A_119 = arith.addi %add3A_118, %iota3A : vector<16xi32>
    %get3A_120 = arith.constant 128 : index
    %get3A_121 = tpu.vector_load %arg24[%get3A_120] {strides = array<i32>} : memref<1168xi32, #tpu.memory_space<vmem>>, vector<16xi32>,
    %lt3A_122 = vector.broadcast %scan3A_15#1 : i32 to vector<16xi32>
    %lt3A_123 = arith.cmpi slt, %add3A_119, %lt3A_122 : vector<16xi32>
    %add3A_124 = arith.constant 5119 : i32
    %add3A_125 = vector.broadcast %add3A_124 : i32 to vector<16xi32>
    %add3A_126 = arith.addi %broadcast_in_dim3A_9, %add3A_125 : vector<16xi32>
    %select_n3A_127 = arith.select %lt3A_123, %get3A_121, %add3A_126 : vector<16xi1>, vector<16xi32>
    %swap3A_128 = arith.constant 128 : index
    %swap3A_129 = tpu.vector_load %arg24[%swap3A_128] {strides = array<i32>} : memref<1168xi32, #tpu.memory_space<vmem>>, vector<16xi32>,
    tpu.vector_store %arg24[%swap3A_128], %select_n3A_127 {strides = array<i32>} : memref<1168xi32, #tpu.memory_space<vmem>>, vector<16xi32>,
    %add3A_130 = arith.constant 144 : i32
    %add3A_131 = vector.broadcast %add3A_130 : i32 to vector<16xi32>
    %add3A_132 = arith.addi %add3A_131, %iota3A : vector<16xi32>
    %get3A_133 = arith.constant 144 : index
    %get3A_134 = tpu.vector_load %arg24[%get3A_133] {strides = array<i32>} : memref<1168xi32, #tpu.memory_space<vmem>>, vector<16xi32>,
    %lt3A_135 = vector.broadcast %scan3A_15#1 : i32 to vector<16xi32>
    %lt3A_136 = arith.cmpi slt, %add3A_132, %lt3A_135 : vector<16xi32>
    %add3A_137 = arith.constant 5119 : i32
    %add3A_138 = vector.broadcast %add3A_137 : i32 to vector<16xi32>
    %add3A_139 = arith.addi %broadcast_in_dim3A_9, %add3A_138 : vector<16xi32>
    %select_n3A_140 = arith.select %lt3A_136, %get3A_134, %add3A_139 : vector<16xi1>, vector<16xi32>
    %swap3A_141 = arith.constant 144 : index
    %swap3A_142 = tpu.vector_load %arg24[%swap3A_141] {strides = array<i32>} : memref<1168xi32, #tpu.memory_space<vmem>>, vector<16xi32>,
    tpu.vector_store %arg24[%swap3A_141], %select_n3A_140 {strides = array<i32>} : memref<1168xi32, #tpu.memory_space<vmem>>, vector<16xi32>,
    %add3A_143 = arith.constant 160 : i32
    %add3A_144 = vector.broadcast %add3A_143 : i32 to vector<16xi32>
    %add3A_145 = arith.addi %add3A_144, %iota3A : vector<16xi32>
    %get3A_146 = arith.constant 160 : index
    %get3A_147 = tpu.vector_load %arg24[%get3A_146] {strides = array<i32>} : memref<1168xi32, #tpu.memory_space<vmem>>, vector<16xi32>,
    %lt3A_148 = vector.broadcast %scan3A_15#1 : i32 to vector<16xi32>
    %lt3A_149 = arith.cmpi slt, %add3A_145, %lt3A_148 : vector<16xi32>
    %add3A_150 = arith.constant 5119 : i32
    %add3A_151 = vector.broadcast %add3A_150 : i32 to vector<16xi32>
    %add3A_152 = arith.addi %broadcast_in_dim3A_9, %add3A_151 : vector<16xi32>
    %select_n3A_153 = arith.select %lt3A_149, %get3A_147, %add3A_152 : vector<16xi1>, vector<16xi32>
    %swap3A_154 = arith.constant 160 : index
    %swap3A_155 = tpu.vector_load %arg24[%swap3A_154] {strides = array<i32>} : memref<1168xi32, #tpu.memory_space<vmem>>, vector<16xi32>,
    tpu.vector_store %arg24[%swap3A_154], %select_n3A_153 {strides = array<i32>} : memref<1168xi32, #tpu.memory_space<vmem>>, vector<16xi32>,
    %add3A_156 = arith.constant 176 : i32
    %add3A_157 = vector.broadcast %add3A_156 : i32 to vector<16xi32>
    %add3A_158 = arith.addi %add3A_157, %iota3A : vector<16xi32>
    %get3A_159 = arith.constant 176 : index
    %get3A_160 = tpu.vector_load %arg24[%get3A_159] {strides = array<i32>} : memref<1168xi32, #tpu.memory_space<vmem>>, vector<16xi32>,
    %lt3A_161 = vector.broadcast %scan3A_15#1 : i32 to vector<16xi32>
    %lt3A_162 = arith.cmpi slt, %add3A_158, %lt3A_161 : vector<16xi32>
    %add3A_163 = arith.constant 5119 : i32
    %add3A_164 = vector.broadcast %add3A_163 : i32 to vector<16xi32>
    %add3A_165 = arith.addi %broadcast_in_dim3A_9, %add3A_164 : vector<16xi32>
    %select_n3A_166 = arith.select %lt3A_162, %get3A_160, %add3A_165 : vector<16xi1>, vector<16xi32>
    %swap3A_167 = arith.constant 176 : index
    %swap3A_168 = tpu.vector_load %arg24[%swap3A_167] {strides = array<i32>} : memref<1168xi32, #tpu.memory_space<vmem>>, vector<16xi32>,
    tpu.vector_store %arg24[%swap3A_167], %select_n3A_166 {strides = array<i32>} : memref<1168xi32, #tpu.memory_space<vmem>>, vector<16xi32>,
    %add3A_169 = arith.constant 192 : i32
    %add3A_170 = vector.broadcast %add3A_169 : i32 to vector<16xi32>
    %add3A_171 = arith.addi %add3A_170, %iota3A : vector<16xi32>
    %get3A_172 = arith.constant 192 : index
    %get3A_173 = tpu.vector_load %arg24[%get3A_172] {strides = array<i32>} : memref<1168xi32, #tpu.memory_space<vmem>>, vector<16xi32>,
    %lt3A_174 = vector.broadcast %scan3A_15#1 : i32 to vector<16xi32>
    %lt3A_175 = arith.cmpi slt, %add3A_171, %lt3A_174 : vector<16xi32>
    %add3A_176 = arith.constant 5119 : i32
    %add3A_177 = vector.broadcast %add3A_176 : i32 to vector<16xi32>
    %add3A_178 = arith.addi %broadcast_in_dim3A_9, %add3A_177 : vector<16xi32>
    %select_n3A_179 = arith.select %lt3A_175, %get3A_173, %add3A_178 : vector<16xi1>, vector<16xi32>
    %swap3A_180 = arith.constant 192 : index
    %swap3A_181 = tpu.vector_load %arg24[%swap3A_180] {strides = array<i32>} : memref<1168xi32, #tpu.memory_space<vmem>>, vector<16xi32>,
    tpu.vector_store %arg24[%swap3A_180], %select_n3A_179 {strides = array<i32>} : memref<1168xi32, #tpu.memory_space<vmem>>, vector<16xi32>,
    %add3A_182 = arith.constant 208 : i32
    %add3A_183 = vector.broadcast %add3A_182 : i32 to vector<16xi32>
    %add3A_184 = arith.addi %add3A_183, %iota3A : vector<16xi32>
    %get3A_185 = arith.constant 208 : index
    %get3A_186 = tpu.vector_load %arg24[%get3A_185] {strides = array<i32>} : memref<1168xi32, #tpu.memory_space<vmem>>, vector<16xi32>,
    %lt3A_187 = vector.broadcast %scan3A_15#1 : i32 to vector<16xi32>
    %lt3A_188 = arith.cmpi slt, %add3A_184, %lt3A_187 : vector<16xi32>
    %add3A_189 = arith.constant 5119 : i32
    %add3A_190 = vector.broadcast %add3A_189 : i32 to vector<16xi32>
    %add3A_191 = arith.addi %broadcast_in_dim3A_9, %add3A_190 : vector<16xi32>
    %select_n3A_192 = arith.select %lt3A_188, %get3A_186, %add3A_191 : vector<16xi1>, vector<16xi32>
    %swap3A_193 = arith.constant 208 : index
    %swap3A_194 = tpu.vector_load %arg24[%swap3A_193] {strides = array<i32>} : memref<1168xi32, #tpu.memory_space<vmem>>, vector<16xi32>,
    tpu.vector_store %arg24[%swap3A_193], %select_n3A_192 {strides = array<i32>} : memref<1168xi32, #tpu.memory_space<vmem>>, vector<16xi32>,
    %add3A_195 = arith.constant 224 : i32
    %add3A_196 = vector.broadcast %add3A_195 : i32 to vector<16xi32>
    %add3A_197 = arith.addi %add3A_196, %iota3A : vector<16xi32>
    %get3A_198 = arith.constant 224 : index
    %get3A_199 = tpu.vector_load %arg24[%get3A_198] {strides = array<i32>} : memref<1168xi32, #tpu.memory_space<vmem>>, vector<16xi32>,
    %lt3A_200 = vector.broadcast %scan3A_15#1 : i32 to vector<16xi32>
    %lt3A_201 = arith.cmpi slt, %add3A_197, %lt3A_200 : vector<16xi32>
    %add3A_202 = arith.constant 5119 : i32
    %add3A_203 = vector.broadcast %add3A_202 : i32 to vector<16xi32>
    %add3A_204 = arith.addi %broadcast_in_dim3A_9, %add3A_203 : vector<16xi32>
    %select_n3A_205 = arith.select %lt3A_201, %get3A_199, %add3A_204 : vector<16xi1>, vector<16xi32>
    %swap3A_206 = arith.constant 224 : index
    %swap3A_207 = tpu.vector_load %arg24[%swap3A_206] {strides = array<i32>} : memref<1168xi32, #tpu.memory_space<vmem>>, vector<16xi32>,
    tpu.vector_store %arg24[%swap3A_206], %select_n3A_205 {strides = array<i32>} : memref<1168xi32, #tpu.memory_space<vmem>>, vector<16xi32>,
    %add3A_208 = arith.constant 240 : i32
    %add3A_209 = vector.broadcast %add3A_208 : i32 to vector<16xi32>
    %add3A_210 = arith.addi %add3A_209, %iota3A : vector<16xi32>
    %get3A_211 = arith.constant 240 : index
    %get3A_212 = tpu.vector_load %arg24[%get3A_211] {strides = array<i32>} : memref<1168xi32, #tpu.memory_space<vmem>>, vector<16xi32>,
    %lt3A_213 = vector.broadcast %scan3A_15#1 : i32 to vector<16xi32>
    %lt3A_214 = arith.cmpi slt, %add3A_210, %lt3A_213 : vector<16xi32>
    %add3A_215 = arith.constant 5119 : i32
    %add3A_216 = vector.broadcast %add3A_215 : i32 to vector<16xi32>
    %add3A_217 = arith.addi %broadcast_in_dim3A_9, %add3A_216 : vector<16xi32>
    %select_n3A_218 = arith.select %lt3A_214, %get3A_212, %add3A_217 : vector<16xi1>, vector<16xi32>
    %swap3A_219 = arith.constant 240 : index
    %swap3A_220 = tpu.vector_load %arg24[%swap3A_219] {strides = array<i32>} : memref<1168xi32, #tpu.memory_space<vmem>>, vector<16xi32>,
    tpu.vector_store %arg24[%swap3A_219], %select_n3A_218 {strides = array<i32>} : memref<1168xi32, #tpu.memory_space<vmem>>, vector<16xi32>,
    %add3A_221 = arith.constant 256 : i32
    %add3A_222 = vector.broadcast %add3A_221 : i32 to vector<16xi32>
    %add3A_223 = arith.addi %add3A_222, %iota3A : vector<16xi32>
    %get3A_224 = arith.constant 256 : index
    %get3A_225 = tpu.vector_load %arg24[%get3A_224] {strides = array<i32>} : memref<1168xi32, #tpu.memory_space<vmem>>, vector<16xi32>,
    %lt3A_226 = vector.broadcast %scan3A_15#1 : i32 to vector<16xi32>
    %lt3A_227 = arith.cmpi slt, %add3A_223, %lt3A_226 : vector<16xi32>
    %add3A_228 = arith.constant 5119 : i32
    %add3A_229 = vector.broadcast %add3A_228 : i32 to vector<16xi32>
    %add3A_230 = arith.addi %broadcast_in_dim3A_9, %add3A_229 : vector<16xi32>
    %select_n3A_231 = arith.select %lt3A_227, %get3A_225, %add3A_230 : vector<16xi1>, vector<16xi32>
    %swap3A_232 = arith.constant 256 : index
    %swap3A_233 = tpu.vector_load %arg24[%swap3A_232] {strides = array<i32>} : memref<1168xi32, #tpu.memory_space<vmem>>, vector<16xi32>,
    tpu.vector_store %arg24[%swap3A_232], %select_n3A_231 {strides = array<i32>} : memref<1168xi32, #tpu.memory_space<vmem>>, vector<16xi32>,
    %add3A_234 = arith.constant 272 : i32
    %add3A_235 = vector.broadcast %add3A_234 : i32 to vector<16xi32>
    %add3A_236 = arith.addi %add3A_235, %iota3A : vector<16xi32>
    %get3A_237 = arith.constant 272 : index
    %get3A_238 = tpu.vector_load %arg24[%get3A_237] {strides = array<i32>} : memref<1168xi32, #tpu.memory_space<vmem>>, vector<16xi32>,
    %lt3A_239 = vector.broadcast %scan3A_15#1 : i32 to vector<16xi32>
    %lt3A_240 = arith.cmpi slt, %add3A_236, %lt3A_239 : vector<16xi32>
    %add3A_241 = arith.constant 5119 : i32
    %add3A_242 = vector.broadcast %add3A_241 : i32 to vector<16xi32>
    %add3A_243 = arith.addi %broadcast_in_dim3A_9, %add3A_242 : vector<16xi32>
    %select_n3A_244 = arith.select %lt3A_240, %get3A_238, %add3A_243 : vector<16xi1>, vector<16xi32>
    %swap3A_245 = arith.constant 272 : index
    %swap3A_246 = tpu.vector_load %arg24[%swap3A_245] {strides = array<i32>} : memref<1168xi32, #tpu.memory_space<vmem>>, vector<16xi32>,
    tpu.vector_store %arg24[%swap3A_245], %select_n3A_244 {strides = array<i32>} : memref<1168xi32, #tpu.memory_space<vmem>>, vector<16xi32>,
    %add3A_247 = arith.constant 288 : i32
    %add3A_248 = vector.broadcast %add3A_247 : i32 to vector<16xi32>
    %add3A_249 = arith.addi %add3A_248, %iota3A : vector<16xi32>
    %get3A_250 = arith.constant 288 : index
    %get3A_251 = tpu.vector_load %arg24[%get3A_250] {strides = array<i32>} : memref<1168xi32, #tpu.memory_space<vmem>>, vector<16xi32>,
    %lt3A_252 = vector.broadcast %scan3A_15#1 : i32 to vector<16xi32>
    %lt3A_253 = arith.cmpi slt, %add3A_249, %lt3A_252 : vector<16xi32>
    %add3A_254 = arith.constant 5119 : i32
    %add3A_255 = vector.broadcast %add3A_254 : i32 to vector<16xi32>
    %add3A_256 = arith.addi %broadcast_in_dim3A_9, %add3A_255 : vector<16xi32>
    %select_n3A_257 = arith.select %lt3A_253, %get3A_251, %add3A_256 : vector<16xi1>, vector<16xi32>
    %swap3A_258 = arith.constant 288 : index
    %swap3A_259 = tpu.vector_load %arg24[%swap3A_258] {strides = array<i32>} : memref<1168xi32, #tpu.memory_space<vmem>>, vector<16xi32>,
    tpu.vector_store %arg24[%swap3A_258], %select_n3A_257 {strides = array<i32>} : memref<1168xi32, #tpu.memory_space<vmem>>, vector<16xi32>,
    %add3A_260 = arith.constant 304 : i32
    %add3A_261 = vector.broadcast %add3A_260 : i32 to vector<16xi32>
    %add3A_262 = arith.addi %add3A_261, %iota3A : vector<16xi32>
    %get3A_263 = arith.constant 304 : index
    %get3A_264 = tpu.vector_load %arg24[%get3A_263] {strides = array<i32>} : memref<1168xi32, #tpu.memory_space<vmem>>, vector<16xi32>,
    %lt3A_265 = vector.broadcast %scan3A_15#1 : i32 to vector<16xi32>
    %lt3A_266 = arith.cmpi slt, %add3A_262, %lt3A_265 : vector<16xi32>
    %add3A_267 = arith.constant 5119 : i32
    %add3A_268 = vector.broadcast %add3A_267 : i32 to vector<16xi32>
    %add3A_269 = arith.addi %broadcast_in_dim3A_9, %add3A_268 : vector<16xi32>
    %select_n3A_270 = arith.select %lt3A_266, %get3A_264, %add3A_269 : vector<16xi1>, vector<16xi32>
    %swap3A_271 = arith.constant 304 : index
    %swap3A_272 = tpu.vector_load %arg24[%swap3A_271] {strides = array<i32>} : memref<1168xi32, #tpu.memory_space<vmem>>, vector<16xi32>,
    tpu.vector_store %arg24[%swap3A_271], %select_n3A_270 {strides = array<i32>} : memref<1168xi32, #tpu.memory_space<vmem>>, vector<16xi32>,
    %add3A_273 = arith.constant 320 : i32
    %add3A_274 = vector.broadcast %add3A_273 : i32 to vector<16xi32>
    %add3A_275 = arith.addi %add3A_274, %iota3A : vector<16xi32>
    %get3A_276 = arith.constant 320 : index
    %get3A_277 = tpu.vector_load %arg24[%get3A_276] {strides = array<i32>} : memref<1168xi32, #tpu.memory_space<vmem>>, vector<16xi32>,
    %lt3A_278 = vector.broadcast %scan3A_15#1 : i32 to vector<16xi32>
    %lt3A_279 = arith.cmpi slt, %add3A_275, %lt3A_278 : vector<16xi32>
    %add3A_280 = arith.constant 5119 : i32
    %add3A_281 = vector.broadcast %add3A_280 : i32 to vector<16xi32>
    %add3A_282 = arith.addi %broadcast_in_dim3A_9, %add3A_281 : vector<16xi32>
    %select_n3A_283 = arith.select %lt3A_279, %get3A_277, %add3A_282 : vector<16xi1>, vector<16xi32>
    %swap3A_284 = arith.constant 320 : index
    %swap3A_285 = tpu.vector_load %arg24[%swap3A_284] {strides = array<i32>} : memref<1168xi32, #tpu.memory_space<vmem>>, vector<16xi32>,
    tpu.vector_store %arg24[%swap3A_284], %select_n3A_283 {strides = array<i32>} : memref<1168xi32, #tpu.memory_space<vmem>>, vector<16xi32>,
    %add3A_286 = arith.constant 336 : i32
    %add3A_287 = vector.broadcast %add3A_286 : i32 to vector<16xi32>
    %add3A_288 = arith.addi %add3A_287, %iota3A : vector<16xi32>
    %get3A_289 = arith.constant 336 : index
    %get3A_290 = tpu.vector_load %arg24[%get3A_289] {strides = array<i32>} : memref<1168xi32, #tpu.memory_space<vmem>>, vector<16xi32>,
    %lt3A_291 = vector.broadcast %scan3A_15#1 : i32 to vector<16xi32>
    %lt3A_292 = arith.cmpi slt, %add3A_288, %lt3A_291 : vector<16xi32>
    %add3A_293 = arith.constant 5119 : i32
    %add3A_294 = vector.broadcast %add3A_293 : i32 to vector<16xi32>
    %add3A_295 = arith.addi %broadcast_in_dim3A_9, %add3A_294 : vector<16xi32>
    %select_n3A_296 = arith.select %lt3A_292, %get3A_290, %add3A_295 : vector<16xi1>, vector<16xi32>
    %swap3A_297 = arith.constant 336 : index
    %swap3A_298 = tpu.vector_load %arg24[%swap3A_297] {strides = array<i32>} : memref<1168xi32, #tpu.memory_space<vmem>>, vector<16xi32>,
    tpu.vector_store %arg24[%swap3A_297], %select_n3A_296 {strides = array<i32>} : memref<1168xi32, #tpu.memory_space<vmem>>, vector<16xi32>,
    %add3A_299 = arith.constant 352 : i32
    %add3A_300 = vector.broadcast %add3A_299 : i32 to vector<16xi32>
    %add3A_301 = arith.addi %add3A_300, %iota3A : vector<16xi32>
    %get3A_302 = arith.constant 352 : index
    %get3A_303 = tpu.vector_load %arg24[%get3A_302] {strides = array<i32>} : memref<1168xi32, #tpu.memory_space<vmem>>, vector<16xi32>,
    %lt3A_304 = vector.broadcast %scan3A_15#1 : i32 to vector<16xi32>
    %lt3A_305 = arith.cmpi slt, %add3A_301, %lt3A_304 : vector<16xi32>
    %add3A_306 = arith.constant 5119 : i32
    %add3A_307 = vector.broadcast %add3A_306 : i32 to vector<16xi32>
    %add3A_308 = arith.addi %broadcast_in_dim3A_9, %add3A_307 : vector<16xi32>
    %select_n3A_309 = arith.select %lt3A_305, %get3A_303, %add3A_308 : vector<16xi1>, vector<16xi32>
    %swap3A_310 = arith.constant 352 : index
    %swap3A_311 = tpu.vector_load %arg24[%swap3A_310] {strides = array<i32>} : memref<1168xi32, #tpu.memory_space<vmem>>, vector<16xi32>,
    tpu.vector_store %arg24[%swap3A_310], %select_n3A_309 {strides = array<i32>} : memref<1168xi32, #tpu.memory_space<vmem>>, vector<16xi32>,
    %add3A_312 = arith.constant 368 : i32
    %add3A_313 = vector.broadcast %add3A_312 : i32 to vector<16xi32>
    %add3A_314 = arith.addi %add3A_313, %iota3A : vector<16xi32>
    %get3A_315 = arith.constant 368 : index
    %get3A_316 = tpu.vector_load %arg24[%get3A_315] {strides = array<i32>} : memref<1168xi32, #tpu.memory_space<vmem>>, vector<16xi32>,
    %lt3A_317 = vector.broadcast %scan3A_15#1 : i32 to vector<16xi32>
    %lt3A_318 = arith.cmpi slt, %add3A_314, %lt3A_317 : vector<16xi32>
    %add3A_319 = arith.constant 5119 : i32
    %add3A_320 = vector.broadcast %add3A_319 : i32 to vector<16xi32>
    %add3A_321 = arith.addi %broadcast_in_dim3A_9, %add3A_320 : vector<16xi32>
    %select_n3A_322 = arith.select %lt3A_318, %get3A_316, %add3A_321 : vector<16xi1>, vector<16xi32>
    %swap3A_323 = arith.constant 368 : index
    %swap3A_324 = tpu.vector_load %arg24[%swap3A_323] {strides = array<i32>} : memref<1168xi32, #tpu.memory_space<vmem>>, vector<16xi32>,
    tpu.vector_store %arg24[%swap3A_323], %select_n3A_322 {strides = array<i32>} : memref<1168xi32, #tpu.memory_space<vmem>>, vector<16xi32>,
    %add3A_325 = arith.constant 384 : i32
    %add3A_326 = vector.broadcast %add3A_325 : i32 to vector<16xi32>
    %add3A_327 = arith.addi %add3A_326, %iota3A : vector<16xi32>
    %get3A_328 = arith.constant 384 : index
    %get3A_329 = tpu.vector_load %arg24[%get3A_328] {strides = array<i32>} : memref<1168xi32, #tpu.memory_space<vmem>>, vector<16xi32>,
    %lt3A_330 = vector.broadcast %scan3A_15#1 : i32 to vector<16xi32>
    %lt3A_331 = arith.cmpi slt, %add3A_327, %lt3A_330 : vector<16xi32>
    %add3A_332 = arith.constant 5119 : i32
    %add3A_333 = vector.broadcast %add3A_332 : i32 to vector<16xi32>
    %add3A_334 = arith.addi %broadcast_in_dim3A_9, %add3A_333 : vector<16xi32>
    %select_n3A_335 = arith.select %lt3A_331, %get3A_329, %add3A_334 : vector<16xi1>, vector<16xi32>
    %swap3A_336 = arith.constant 384 : index
    %swap3A_337 = tpu.vector_load %arg24[%swap3A_336] {strides = array<i32>} : memref<1168xi32, #tpu.memory_space<vmem>>, vector<16xi32>,
    tpu.vector_store %arg24[%swap3A_336], %select_n3A_335 {strides = array<i32>} : memref<1168xi32, #tpu.memory_space<vmem>>, vector<16xi32>,
    %add3A_338 = arith.constant 400 : i32
    %add3A_339 = vector.broadcast %add3A_338 : i32 to vector<16xi32>
    %add3A_340 = arith.addi %add3A_339, %iota3A : vector<16xi32>
    %get3A_341 = arith.constant 400 : index
    %get3A_342 = tpu.vector_load %arg24[%get3A_341] {strides = array<i32>} : memref<1168xi32, #tpu.memory_space<vmem>>, vector<16xi32>,
    %lt3A_343 = vector.broadcast %scan3A_15#1 : i32 to vector<16xi32>
    %lt3A_344 = arith.cmpi slt, %add3A_340, %lt3A_343 : vector<16xi32>
    %add3A_345 = arith.constant 5119 : i32
    %add3A_346 = vector.broadcast %add3A_345 : i32 to vector<16xi32>
    %add3A_347 = arith.addi %broadcast_in_dim3A_9, %add3A_346 : vector<16xi32>
    %select_n3A_348 = arith.select %lt3A_344, %get3A_342, %add3A_347 : vector<16xi1>, vector<16xi32>
    %swap3A_349 = arith.constant 400 : index
    %swap3A_350 = tpu.vector_load %arg24[%swap3A_349] {strides = array<i32>} : memref<1168xi32, #tpu.memory_space<vmem>>, vector<16xi32>,
    tpu.vector_store %arg24[%swap3A_349], %select_n3A_348 {strides = array<i32>} : memref<1168xi32, #tpu.memory_space<vmem>>, vector<16xi32>,
    %add3A_351 = arith.constant 416 : i32
    %add3A_352 = vector.broadcast %add3A_351 : i32 to vector<16xi32>
    %add3A_353 = arith.addi %add3A_352, %iota3A : vector<16xi32>
    %get3A_354 = arith.constant 416 : index
    %get3A_355 = tpu.vector_load %arg24[%get3A_354] {strides = array<i32>} : memref<1168xi32, #tpu.memory_space<vmem>>, vector<16xi32>,
    %lt3A_356 = vector.broadcast %scan3A_15#1 : i32 to vector<16xi32>
    %lt3A_357 = arith.cmpi slt, %add3A_353, %lt3A_356 : vector<16xi32>
    %add3A_358 = arith.constant 5119 : i32
    %add3A_359 = vector.broadcast %add3A_358 : i32 to vector<16xi32>
    %add3A_360 = arith.addi %broadcast_in_dim3A_9, %add3A_359 : vector<16xi32>
    %select_n3A_361 = arith.select %lt3A_357, %get3A_355, %add3A_360 : vector<16xi1>, vector<16xi32>
    %swap3A_362 = arith.constant 416 : index
    %swap3A_363 = tpu.vector_load %arg24[%swap3A_362] {strides = array<i32>} : memref<1168xi32, #tpu.memory_space<vmem>>, vector<16xi32>,
    tpu.vector_store %arg24[%swap3A_362], %select_n3A_361 {strides = array<i32>} : memref<1168xi32, #tpu.memory_space<vmem>>, vector<16xi32>,
    %add3A_364 = arith.constant 432 : i32
    %add3A_365 = vector.broadcast %add3A_364 : i32 to vector<16xi32>
    %add3A_366 = arith.addi %add3A_365, %iota3A : vector<16xi32>
    %get3A_367 = arith.constant 432 : index
    %get3A_368 = tpu.vector_load %arg24[%get3A_367] {strides = array<i32>} : memref<1168xi32, #tpu.memory_space<vmem>>, vector<16xi32>,
    %lt3A_369 = vector.broadcast %scan3A_15#1 : i32 to vector<16xi32>
    %lt3A_370 = arith.cmpi slt, %add3A_366, %lt3A_369 : vector<16xi32>
    %add3A_371 = arith.constant 5119 : i32
    %add3A_372 = vector.broadcast %add3A_371 : i32 to vector<16xi32>
    %add3A_373 = arith.addi %broadcast_in_dim3A_9, %add3A_372 : vector<16xi32>
    %select_n3A_374 = arith.select %lt3A_370, %get3A_368, %add3A_373 : vector<16xi1>, vector<16xi32>
    %swap3A_375 = arith.constant 432 : index
    %swap3A_376 = tpu.vector_load %arg24[%swap3A_375] {strides = array<i32>} : memref<1168xi32, #tpu.memory_space<vmem>>, vector<16xi32>,
    tpu.vector_store %arg24[%swap3A_375], %select_n3A_374 {strides = array<i32>} : memref<1168xi32, #tpu.memory_space<vmem>>, vector<16xi32>,
    %add3A_377 = arith.constant 448 : i32
    %add3A_378 = vector.broadcast %add3A_377 : i32 to vector<16xi32>
    %add3A_379 = arith.addi %add3A_378, %iota3A : vector<16xi32>
    %get3A_380 = arith.constant 448 : index
    %get3A_381 = tpu.vector_load %arg24[%get3A_380] {strides = array<i32>} : memref<1168xi32, #tpu.memory_space<vmem>>, vector<16xi32>,
    %lt3A_382 = vector.broadcast %scan3A_15#1 : i32 to vector<16xi32>
    %lt3A_383 = arith.cmpi slt, %add3A_379, %lt3A_382 : vector<16xi32>
    %add3A_384 = arith.constant 5119 : i32
    %add3A_385 = vector.broadcast %add3A_384 : i32 to vector<16xi32>
    %add3A_386 = arith.addi %broadcast_in_dim3A_9, %add3A_385 : vector<16xi32>
    %select_n3A_387 = arith.select %lt3A_383, %get3A_381, %add3A_386 : vector<16xi1>, vector<16xi32>
    %swap3A_388 = arith.constant 448 : index
    %swap3A_389 = tpu.vector_load %arg24[%swap3A_388] {strides = array<i32>} : memref<1168xi32, #tpu.memory_space<vmem>>, vector<16xi32>,
    tpu.vector_store %arg24[%swap3A_388], %select_n3A_387 {strides = array<i32>} : memref<1168xi32, #tpu.memory_space<vmem>>, vector<16xi32>,
    %add3A_390 = arith.constant 464 : i32
    %add3A_391 = vector.broadcast %add3A_390 : i32 to vector<16xi32>
    %add3A_392 = arith.addi %add3A_391, %iota3A : vector<16xi32>
    %get3A_393 = arith.constant 464 : index
    %get3A_394 = tpu.vector_load %arg24[%get3A_393] {strides = array<i32>} : memref<1168xi32, #tpu.memory_space<vmem>>, vector<16xi32>,
    %lt3A_395 = vector.broadcast %scan3A_15#1 : i32 to vector<16xi32>
    %lt3A_396 = arith.cmpi slt, %add3A_392, %lt3A_395 : vector<16xi32>
    %add3A_397 = arith.constant 5119 : i32
    %add3A_398 = vector.broadcast %add3A_397 : i32 to vector<16xi32>
    %add3A_399 = arith.addi %broadcast_in_dim3A_9, %add3A_398 : vector<16xi32>
    %select_n3A_400 = arith.select %lt3A_396, %get3A_394, %add3A_399 : vector<16xi1>, vector<16xi32>
    %swap3A_401 = arith.constant 464 : index
    %swap3A_402 = tpu.vector_load %arg24[%swap3A_401] {strides = array<i32>} : memref<1168xi32, #tpu.memory_space<vmem>>, vector<16xi32>,
    tpu.vector_store %arg24[%swap3A_401], %select_n3A_400 {strides = array<i32>} : memref<1168xi32, #tpu.memory_space<vmem>>, vector<16xi32>,
    %add3A_403 = arith.constant 480 : i32
    %add3A_404 = vector.broadcast %add3A_403 : i32 to vector<16xi32>
    %add3A_405 = arith.addi %add3A_404, %iota3A : vector<16xi32>
    %get3A_406 = arith.constant 480 : index
    %get3A_407 = tpu.vector_load %arg24[%get3A_406] {strides = array<i32>} : memref<1168xi32, #tpu.memory_space<vmem>>, vector<16xi32>,
    %lt3A_408 = vector.broadcast %scan3A_15#1 : i32 to vector<16xi32>
    %lt3A_409 = arith.cmpi slt, %add3A_405, %lt3A_408 : vector<16xi32>
    %add3A_410 = arith.constant 5119 : i32
    %add3A_411 = vector.broadcast %add3A_410 : i32 to vector<16xi32>
    %add3A_412 = arith.addi %broadcast_in_dim3A_9, %add3A_411 : vector<16xi32>
    %select_n3A_413 = arith.select %lt3A_409, %get3A_407, %add3A_412 : vector<16xi1>, vector<16xi32>
    %swap3A_414 = arith.constant 480 : index
    %swap3A_415 = tpu.vector_load %arg24[%swap3A_414] {strides = array<i32>} : memref<1168xi32, #tpu.memory_space<vmem>>, vector<16xi32>,
    tpu.vector_store %arg24[%swap3A_414], %select_n3A_413 {strides = array<i32>} : memref<1168xi32, #tpu.memory_space<vmem>>, vector<16xi32>,
    %add3A_416 = arith.constant 496 : i32
    %add3A_417 = vector.broadcast %add3A_416 : i32 to vector<16xi32>
    %add3A_418 = arith.addi %add3A_417, %iota3A : vector<16xi32>
    %get3A_419 = arith.constant 496 : index
    %get3A_420 = tpu.vector_load %arg24[%get3A_419] {strides = array<i32>} : memref<1168xi32, #tpu.memory_space<vmem>>, vector<16xi32>,
    %lt3A_421 = vector.broadcast %scan3A_15#1 : i32 to vector<16xi32>
    %lt3A_422 = arith.cmpi slt, %add3A_418, %lt3A_421 : vector<16xi32>
    %add3A_423 = arith.constant 5119 : i32
    %add3A_424 = vector.broadcast %add3A_423 : i32 to vector<16xi32>
    %add3A_425 = arith.addi %broadcast_in_dim3A_9, %add3A_424 : vector<16xi32>
    %select_n3A_426 = arith.select %lt3A_422, %get3A_420, %add3A_425 : vector<16xi1>, vector<16xi32>
    %swap3A_427 = arith.constant 496 : index
    %swap3A_428 = tpu.vector_load %arg24[%swap3A_427] {strides = array<i32>} : memref<1168xi32, #tpu.memory_space<vmem>>, vector<16xi32>,
    tpu.vector_store %arg24[%swap3A_427], %select_n3A_426 {strides = array<i32>} : memref<1168xi32, #tpu.memory_space<vmem>>, vector<16xi32>,
    %add3A_429 = arith.constant 512 : i32
    %add3A_430 = vector.broadcast %add3A_429 : i32 to vector<16xi32>
    %add3A_431 = arith.addi %add3A_430, %iota3A : vector<16xi32>
    %get3A_432 = arith.constant 512 : index
    %get3A_433 = tpu.vector_load %arg24[%get3A_432] {strides = array<i32>} : memref<1168xi32, #tpu.memory_space<vmem>>, vector<16xi32>,
    %lt3A_434 = vector.broadcast %scan3A_15#1 : i32 to vector<16xi32>
    %lt3A_435 = arith.cmpi slt, %add3A_431, %lt3A_434 : vector<16xi32>
    %add3A_436 = arith.constant 5119 : i32
    %add3A_437 = vector.broadcast %add3A_436 : i32 to vector<16xi32>
    %add3A_438 = arith.addi %broadcast_in_dim3A_9, %add3A_437 : vector<16xi32>
    %select_n3A_439 = arith.select %lt3A_435, %get3A_433, %add3A_438 : vector<16xi1>, vector<16xi32>
    %swap3A_440 = arith.constant 512 : index
    %swap3A_441 = tpu.vector_load %arg24[%swap3A_440] {strides = array<i32>} : memref<1168xi32, #tpu.memory_space<vmem>>, vector<16xi32>,
    tpu.vector_store %arg24[%swap3A_440], %select_n3A_439 {strides = array<i32>} : memref<1168xi32, #tpu.memory_space<vmem>>, vector<16xi32>,
    %add3A_442 = arith.constant 528 : i32
    %add3A_443 = vector.broadcast %add3A_442 : i32 to vector<16xi32>
    %add3A_444 = arith.addi %add3A_443, %iota3A : vector<16xi32>
    %get3A_445 = arith.constant 528 : index
    %get3A_446 = tpu.vector_load %arg24[%get3A_445] {strides = array<i32>} : memref<1168xi32, #tpu.memory_space<vmem>>, vector<16xi32>,
    %lt3A_447 = vector.broadcast %scan3A_15#1 : i32 to vector<16xi32>
    %lt3A_448 = arith.cmpi slt, %add3A_444, %lt3A_447 : vector<16xi32>
    %add3A_449 = arith.constant 5119 : i32
    %add3A_450 = vector.broadcast %add3A_449 : i32 to vector<16xi32>
    %add3A_451 = arith.addi %broadcast_in_dim3A_9, %add3A_450 : vector<16xi32>
    %select_n3A_452 = arith.select %lt3A_448, %get3A_446, %add3A_451 : vector<16xi1>, vector<16xi32>
    %swap3A_453 = arith.constant 528 : index
    %swap3A_454 = tpu.vector_load %arg24[%swap3A_453] {strides = array<i32>} : memref<1168xi32, #tpu.memory_space<vmem>>, vector<16xi32>,
    tpu.vector_store %arg24[%swap3A_453], %select_n3A_452 {strides = array<i32>} : memref<1168xi32, #tpu.memory_space<vmem>>, vector<16xi32>,
    %add3A_455 = arith.constant 544 : i32
    %add3A_456 = vector.broadcast %add3A_455 : i32 to vector<16xi32>
    %add3A_457 = arith.addi %add3A_456, %iota3A : vector<16xi32>
    %get3A_458 = arith.constant 544 : index
    %get3A_459 = tpu.vector_load %arg24[%get3A_458] {strides = array<i32>} : memref<1168xi32, #tpu.memory_space<vmem>>, vector<16xi32>,
    %lt3A_460 = vector.broadcast %scan3A_15#1 : i32 to vector<16xi32>
    %lt3A_461 = arith.cmpi slt, %add3A_457, %lt3A_460 : vector<16xi32>
    %add3A_462 = arith.constant 5119 : i32
    %add3A_463 = vector.broadcast %add3A_462 : i32 to vector<16xi32>
    %add3A_464 = arith.addi %broadcast_in_dim3A_9, %add3A_463 : vector<16xi32>
    %select_n3A_465 = arith.select %lt3A_461, %get3A_459, %add3A_464 : vector<16xi1>, vector<16xi32>
    %swap3A_466 = arith.constant 544 : index
    %swap3A_467 = tpu.vector_load %arg24[%swap3A_466] {strides = array<i32>} : memref<1168xi32, #tpu.memory_space<vmem>>, vector<16xi32>,
    tpu.vector_store %arg24[%swap3A_466], %select_n3A_465 {strides = array<i32>} : memref<1168xi32, #tpu.memory_space<vmem>>, vector<16xi32>,
    %add3A_468 = arith.constant 560 : i32
    %add3A_469 = vector.broadcast %add3A_468 : i32 to vector<16xi32>
    %add3A_470 = arith.addi %add3A_469, %iota3A : vector<16xi32>
    %get3A_471 = arith.constant 560 : index
    %get3A_472 = tpu.vector_load %arg24[%get3A_471] {strides = array<i32>} : memref<1168xi32, #tpu.memory_space<vmem>>, vector<16xi32>,
    %lt3A_473 = vector.broadcast %scan3A_15#1 : i32 to vector<16xi32>
    %lt3A_474 = arith.cmpi slt, %add3A_470, %lt3A_473 : vector<16xi32>
    %add3A_475 = arith.constant 5119 : i32
    %add3A_476 = vector.broadcast %add3A_475 : i32 to vector<16xi32>
    %add3A_477 = arith.addi %broadcast_in_dim3A_9, %add3A_476 : vector<16xi32>
    %select_n3A_478 = arith.select %lt3A_474, %get3A_472, %add3A_477 : vector<16xi1>, vector<16xi32>
    %swap3A_479 = arith.constant 560 : index
    %swap3A_480 = tpu.vector_load %arg24[%swap3A_479] {strides = array<i32>} : memref<1168xi32, #tpu.memory_space<vmem>>, vector<16xi32>,
    tpu.vector_store %arg24[%swap3A_479], %select_n3A_478 {strides = array<i32>} : memref<1168xi32, #tpu.memory_space<vmem>>, vector<16xi32>,
    %add3A_481 = arith.constant 576 : i32
    %add3A_482 = vector.broadcast %add3A_481 : i32 to vector<16xi32>
    %add3A_483 = arith.addi %add3A_482, %iota3A : vector<16xi32>
    %get3A_484 = arith.constant 576 : index
    %get3A_485 = tpu.vector_load %arg24[%get3A_484] {strides = array<i32>} : memref<1168xi32, #tpu.memory_space<vmem>>, vector<16xi32>,
    %lt3A_486 = vector.broadcast %scan3A_15#1 : i32 to vector<16xi32>
    %lt3A_487 = arith.cmpi slt, %add3A_483, %lt3A_486 : vector<16xi32>
    %add3A_488 = arith.constant 5119 : i32
    %add3A_489 = vector.broadcast %add3A_488 : i32 to vector<16xi32>
    %add3A_490 = arith.addi %broadcast_in_dim3A_9, %add3A_489 : vector<16xi32>
    %select_n3A_491 = arith.select %lt3A_487, %get3A_485, %add3A_490 : vector<16xi1>, vector<16xi32>
    %swap3A_492 = arith.constant 576 : index
    %swap3A_493 = tpu.vector_load %arg24[%swap3A_492] {strides = array<i32>} : memref<1168xi32, #tpu.memory_space<vmem>>, vector<16xi32>,
    tpu.vector_store %arg24[%swap3A_492], %select_n3A_491 {strides = array<i32>} : memref<1168xi32, #tpu.memory_space<vmem>>, vector<16xi32>,
    %add3A_494 = arith.addi %mul3A_6, %scan3A_15#0 : i32
    %multiple_of3A = tpu.assume_multiple %add3A_494, 8 : i32
    "tpu.region"() ({
      %run_scoped3A = tpu.sem_alloc : memref<!tpu.dma_semaphore, #tpu.memory_space<semaphore_mem>>
      %dma_start3A = arith.constant 0 : i32
      %dma_start3A_552 = tpu.memref_slice %arg24[%dma_start3A] : memref<1168xi32, #tpu.memory_space<vmem>> -> memref<584xi32, #tpu.memory_space<vmem>>
      %dma_start3A_553 = tpu.memref_slice %arg27[%multiple_of3A] : memref<688128xi32, #tpu.memory_space<hbm>> -> memref<584xi32, #tpu.memory_space<hbm>>
      %dma_start3A_554 = tpu.memref_slice %arg27[%multiple_of3A] : memref<688128xi32, #tpu.memory_space<hbm>> -> memref<584xi32, #tpu.memory_space<hbm>>
      %dma_start3A_555 = arith.constant 0 : i32
      %dma_start3A_556 = tpu.memref_slice %arg24[%dma_start3A_555] : memref<1168xi32, #tpu.memory_space<vmem>> -> memref<584xi32, #tpu.memory_space<vmem>>
      tpu.enqueue_dma source(%dma_start3A_556 : memref<584xi32, #tpu.memory_space<vmem>>) target(%dma_start3A_554 : memref<584xi32, #tpu.memory_space<hbm>>) target_semaphore(%run_scoped3A : memref<!tpu.dma_semaphore, #tpu.memory_space<semaphore_mem>>)
      %dma_wait3A = arith.constant 0 : i32
      %dma_wait3A_557 = tpu.memref_slice %arg24[%dma_wait3A] : memref<1168xi32, #tpu.memory_space<vmem>> -> memref<584xi32, #tpu.memory_space<vmem>>
      %dma_wait3A_558 = tpu.memref_slice %arg27[%multiple_of3A] : memref<688128xi32, #tpu.memory_space<hbm>> -> memref<584xi32, #tpu.memory_space<hbm>>
      %dma_wait3A_559 = tpu.memref_slice %arg27[%multiple_of3A] : memref<688128xi32, #tpu.memory_space<hbm>> -> memref<584xi32, #tpu.memory_space<hbm>>
      %dma_wait3A_560 = arith.constant 0 : i32
      %dma_wait3A_561 = tpu.memref_slice %arg24[%dma_wait3A_560] : memref<1168xi32, #tpu.memory_space<vmem>> -> memref<584xi32, #tpu.memory_space<vmem>>
      tpu.wait_dma2 semaphore(%run_scoped3A : memref<!tpu.dma_semaphore, #tpu.memory_space<semaphore_mem>>) src(%dma_wait3A_561 : memref<584xi32, #tpu.memory_space<vmem>>) dst(%dma_wait3A_559 : memref<584xi32, #tpu.memory_space<hbm>>)
      tpu.yield
    }) : () -> ()
    %add3A_495 = arith.constant 5119 : i32
    %add3A_496 = vector.broadcast %add3A_495 : i32 to vector<16xi32>
    %add3A_497 = arith.addi %broadcast_in_dim3A_9, %add3A_496 : vector<16xi32>
    %swap3A_498 = arith.constant 0 : index
    %swap3A_499 = tpu.vector_load %arg24[%swap3A_498] {strides = array<i32>} : memref<1168xi32, #tpu.memory_space<vmem>>, vector<16xi32>,
    tpu.vector_store %arg24[%swap3A_498], %add3A_497 {strides = array<i32>} : memref<1168xi32, #tpu.memory_space<vmem>>, vector<16xi32>,
    %add3A_500 = arith.constant 5119 : i32
    %add3A_501 = vector.broadcast %add3A_500 : i32 to vector<16xi32>
    %add3A_502 = arith.addi %broadcast_in_dim3A_9, %add3A_501 : vector<16xi32>
    %swap3A_503 = arith.constant 16 : index
    %swap3A_504 = tpu.vector_load %arg24[%swap3A_503] {strides = array<i32>} : memref<1168xi32, #tpu.memory_space<vmem>>, vector<16xi32>,
    tpu.vector_store %arg24[%swap3A_503], %add3A_502 {strides = array<i32>} : memref<1168xi32, #tpu.memory_space<vmem>>, vector<16xi32>,
    %add3A_505 = arith.constant 5119 : i32
    %add3A_506 = vector.broadcast %add3A_505 : i32 to vector<16xi32>
    %add3A_507 = arith.addi %broadcast_in_dim3A_9, %add3A_506 : vector<16xi32>
    %swap3A_508 = arith.constant 32 : index
    %swap3A_509 = tpu.vector_load %arg24[%swap3A_508] {strides = array<i32>} : memref<1168xi32, #tpu.memory_space<vmem>>, vector<16xi32>,
    tpu.vector_store %arg24[%swap3A_508], %add3A_507 {strides = array<i32>} : memref<1168xi32, #tpu.memory_space<vmem>>, vector<16xi32>,
    %add3A_510 = arith.constant 5119 : i32
    %add3A_511 = vector.broadcast %add3A_510 : i32 to vector<16xi32>
    %add3A_512 = arith.addi %broadcast_in_dim3A_9, %add3A_511 : vector<16xi32>
    %swap3A_513 = arith.constant 48 : index
    %swap3A_514 = tpu.vector_load %arg24[%swap3A_513] {strides = array<i32>} : memref<1168xi32, #tpu.memory_space<vmem>>, vector<16xi32>,
    tpu.vector_store %arg24[%swap3A_513], %add3A_512 {strides = array<i32>} : memref<1168xi32, #tpu.memory_space<vmem>>, vector<16xi32>,
    %add3A_515 = arith.constant 5119 : i32
    %add3A_516 = vector.broadcast %add3A_515 : i32 to vector<16xi32>
    %add3A_517 = arith.addi %broadcast_in_dim3A_9, %add3A_516 : vector<16xi32>
    %swap3A_518 = arith.constant 64 : index
    %swap3A_519 = tpu.vector_load %arg24[%swap3A_518] {strides = array<i32>} : memref<1168xi32, #tpu.memory_space<vmem>>, vector<16xi32>,
    tpu.vector_store %arg24[%swap3A_518], %add3A_517 {strides = array<i32>} : memref<1168xi32, #tpu.memory_space<vmem>>, vector<16xi32>,
    %add3A_520 = arith.constant 584 : i32
    %add3A_521 = arith.addi %multiple_of3A, %add3A_520 : i32
    "tpu.region"() ({
      %run_scoped3A = tpu.sem_alloc : memref<!tpu.dma_semaphore, #tpu.memory_space<semaphore_mem>>
      %dma_start3A = arith.constant 0 : i32
      %dma_start3A_552 = tpu.memref_slice %arg24[%dma_start3A] : memref<1168xi32, #tpu.memory_space<vmem>> -> memref<64xi32, #tpu.memory_space<vmem>>
      %dma_start3A_553 = tpu.memref_slice %arg27[%add3A_521] : memref<688128xi32, #tpu.memory_space<hbm>> -> memref<64xi32, #tpu.memory_space<hbm>>
      %dma_start3A_554 = tpu.memref_slice %arg27[%add3A_521] : memref<688128xi32, #tpu.memory_space<hbm>> -> memref<64xi32, #tpu.memory_space<hbm>>
      %dma_start3A_555 = arith.constant 0 : i32
      %dma_start3A_556 = tpu.memref_slice %arg24[%dma_start3A_555] : memref<1168xi32, #tpu.memory_space<vmem>> -> memref<64xi32, #tpu.memory_space<vmem>>
      tpu.enqueue_dma source(%dma_start3A_556 : memref<64xi32, #tpu.memory_space<vmem>>) target(%dma_start3A_554 : memref<64xi32, #tpu.memory_space<hbm>>) target_semaphore(%run_scoped3A : memref<!tpu.dma_semaphore, #tpu.memory_space<semaphore_mem>>)
      %dma_wait3A = arith.constant 0 : i32
      %dma_wait3A_557 = tpu.memref_slice %arg24[%dma_wait3A] : memref<1168xi32, #tpu.memory_space<vmem>> -> memref<64xi32, #tpu.memory_space<vmem>>
      %dma_wait3A_558 = tpu.memref_slice %arg27[%add3A_521] : memref<688128xi32, #tpu.memory_space<hbm>> -> memref<64xi32, #tpu.memory_space<hbm>>
      %dma_wait3A_559 = tpu.memref_slice %arg27[%add3A_521] : memref<688128xi32, #tpu.memory_space<hbm>> -> memref<64xi32, #tpu.memory_space<hbm>>
      %dma_wait3A_560 = arith.constant 0 : i32
      %dma_wait3A_561 = tpu.memref_slice %arg24[%dma_wait3A_560] : memref<1168xi32, #tpu.memory_space<vmem>> -> memref<64xi32, #tpu.memory_space<vmem>>
      tpu.wait_dma2 semaphore(%run_scoped3A : memref<!tpu.dma_semaphore, #tpu.memory_space<semaphore_mem>>) src(%dma_wait3A_561 : memref<64xi32, #tpu.memory_space<vmem>>) dst(%dma_wait3A_559 : memref<64xi32, #tpu.memory_space<hbm>>)
      tpu.yield
    }) : () -> ()
    %add3A_522 = arith.constant 648 : i32
    %add3A_523 = arith.addi %multiple_of3A, %add3A_522 : i32
    "tpu.region"() ({
      %run_scoped3A = tpu.sem_alloc : memref<!tpu.dma_semaphore, #tpu.memory_space<semaphore_mem>>
      %dma_start3A = arith.constant 0 : i32
      %dma_start3A_552 = tpu.memref_slice %arg24[%dma_start3A] : memref<1168xi32, #tpu.memory_space<vmem>> -> memref<64xi32, #tpu.memory_space<vmem>>
      %dma_start3A_553 = tpu.memref_slice %arg27[%add3A_523] : memref<688128xi32, #tpu.memory_space<hbm>> -> memref<64xi32, #tpu.memory_space<hbm>>
      %dma_start3A_554 = tpu.memref_slice %arg27[%add3A_523] : memref<688128xi32, #tpu.memory_space<hbm>> -> memref<64xi32, #tpu.memory_space<hbm>>
      %dma_start3A_555 = arith.constant 0 : i32
      %dma_start3A_556 = tpu.memref_slice %arg24[%dma_start3A_555] : memref<1168xi32, #tpu.memory_space<vmem>> -> memref<64xi32, #tpu.memory_space<vmem>>
      tpu.enqueue_dma source(%dma_start3A_556 : memref<64xi32, #tpu.memory_space<vmem>>) target(%dma_start3A_554 : memref<64xi32, #tpu.memory_space<hbm>>) target_semaphore(%run_scoped3A : memref<!tpu.dma_semaphore, #tpu.memory_space<semaphore_mem>>)
      %dma_wait3A = arith.constant 0 : i32
      %dma_wait3A_557 = tpu.memref_slice %arg24[%dma_wait3A] : memref<1168xi32, #tpu.memory_space<vmem>> -> memref<64xi32, #tpu.memory_space<vmem>>
      %dma_wait3A_558 = tpu.memref_slice %arg27[%add3A_523] : memref<688128xi32, #tpu.memory_space<hbm>> -> memref<64xi32, #tpu.memory_space<hbm>>
      %dma_wait3A_559 = tpu.memref_slice %arg27[%add3A_523] : memref<688128xi32, #tpu.memory_space<hbm>> -> memref<64xi32, #tpu.memory_space<hbm>>
      %dma_wait3A_560 = arith.constant 0 : i32
      %dma_wait3A_561 = tpu.memref_slice %arg24[%dma_wait3A_560] : memref<1168xi32, #tpu.memory_space<vmem>> -> memref<64xi32, #tpu.memory_space<vmem>>
      tpu.wait_dma2 semaphore(%run_scoped3A : memref<!tpu.dma_semaphore, #tpu.memory_space<semaphore_mem>>) src(%dma_wait3A_561 : memref<64xi32, #tpu.memory_space<vmem>>) dst(%dma_wait3A_559 : memref<64xi32, #tpu.memory_space<hbm>>)
      tpu.yield
    }) : () -> ()
    %add3A_524 = arith.addi %scan3A_15#0, %scan3A_15#1 : i32
    %add3A_525 = arith.constant 64 : i32
    %add3A_526 = arith.addi %add3A_524, %add3A_525 : i32
    %sub3A = arith.constant 1 : i32
    %sub3A_527 = arith.subi %add3A_526, %sub3A : i32
    %jit3A = arith.constant 64 : i32
    %div3A = arith.divsi %sub3A_527, %jit3A : i32
    %sign3A = arith.constant 0 : i32
    %sign3A_528 = arith.cmpi sgt, %sub3A_527, %sign3A : i32
    %sign3A_529 = arith.extui %sign3A_528 : i1 to i32
    %sign3A_530 = arith.constant 0 : i32
    %sign3A_531 = arith.cmpi slt, %sub3A_527, %sign3A_530 : i32
    %sign3A_532 = arith.extui %sign3A_531 : i1 to i32
    %sign3A_533 = arith.subi %sign3A_529, %sign3A_532 : i32
    %sign3A_534 = arith.constant 0 : i32
    %sign3A_535 = arith.cmpi sgt, %jit3A, %sign3A_534 : i32
    %sign3A_536 = arith.extui %sign3A_535 : i1 to i32
    %sign3A_537 = arith.constant 0 : i32
    %sign3A_538 = arith.cmpi slt, %jit3A, %sign3A_537 : i32
    %sign3A_539 = arith.extui %sign3A_538 : i1 to i32
    %sign3A_540 = arith.subi %sign3A_536, %sign3A_539 : i32
    %ne3A = arith.cmpi ne, %sign3A_533, %sign3A_540 : i32
    %rem3A = arith.remsi %sub3A_527, %jit3A : i32
    %ne3A_541 = arith.constant 0 : i32
    %ne3A_542 = arith.cmpi ne, %rem3A, %ne3A_541 : i32
    %and3A = arith.andi %ne3A, %ne3A_542 : i1
    %sub3A_543 = arith.constant 1 : i32
    %sub3A_544 = arith.subi %div3A, %sub3A_543 : i32
    %select_n3A_545 = arith.select %and3A, %sub3A_544, %div3A : i32
    %scan3A_546 = arith.constant 0 : i32
    %scan3A_547 = arith.constant 0 : i32
    %scan3A_548 = arith.constant 2 : i32
    %scan3A_549 = arith.addi %scan3A_547, %scan3A_548 : i32
    %scan3A_550 = arith.constant 1 : i32
    scf.for %scan3A_552 = %scan3A_547 to %scan3A_549 step %scan3A_550  : i32 {
      %scan3A_553 = arith.constant 0 : i32
      %scan3A_554 = arith.constant 0 : i32
      %scan3A_555 = arith.constant 64 : i32
      %scan3A_556 = arith.addi %scan3A_554, %scan3A_555 : i32
      %scan3A_557 = arith.constant 1 : i32
      scf.for %scan3A_758 = %scan3A_554 to %scan3A_556 step %scan3A_557  : i32 {
        %swap3A_759 = arith.index_cast %scan3A_758 : i32 to index
        %swap3A_760 = arith.constant 0 : index
        %swap3A_761 = tpu.vector_load %arg22[%swap3A_759, %swap3A_760] {strides = array<i32>} : memref<64x272xf32, #tpu.memory_space<vmem>>, vector<16xf32>,
        tpu.vector_store %arg22[%swap3A_759, %swap3A_760], %broadcast_in_dim3A_7 {strides = array<i32>} : memref<64x272xf32, #tpu.memory_space<vmem>>, vector<16xf32>,
        %swap3A_762 = arith.index_cast %scan3A_758 : i32 to index
        %swap3A_763 = arith.constant 16 : index
        %swap3A_764 = tpu.vector_load %arg22[%swap3A_762, %swap3A_763] {strides = array<i32>} : memref<64x272xf32, #tpu.memory_space<vmem>>, vector<16xf32>,
        tpu.vector_store %arg22[%swap3A_762, %swap3A_763], %broadcast_in_dim3A_7 {strides = array<i32>} : memref<64x272xf32, #tpu.memory_space<vmem>>, vector<16xf32>,
        %swap3A_765 = arith.index_cast %scan3A_758 : i32 to index
        %swap3A_766 = arith.constant 32 : index
        %swap3A_767 = tpu.vector_load %arg22[%swap3A_765, %swap3A_766] {strides = array<i32>} : memref<64x272xf32, #tpu.memory_space<vmem>>, vector<16xf32>,
        tpu.vector_store %arg22[%swap3A_765, %swap3A_766], %broadcast_in_dim3A_7 {strides = array<i32>} : memref<64x272xf32, #tpu.memory_space<vmem>>, vector<16xf32>,
        %swap3A_768 = arith.index_cast %scan3A_758 : i32 to index
        %swap3A_769 = arith.constant 48 : index
        %swap3A_770 = tpu.vector_load %arg22[%swap3A_768, %swap3A_769] {strides = array<i32>} : memref<64x272xf32, #tpu.memory_space<vmem>>, vector<16xf32>,
        tpu.vector_store %arg22[%swap3A_768, %swap3A_769], %broadcast_in_dim3A_7 {strides = array<i32>} : memref<64x272xf32, #tpu.memory_space<vmem>>, vector<16xf32>,
        %swap3A_771 = arith.index_cast %scan3A_758 : i32 to index
        %swap3A_772 = arith.constant 64 : index
        %swap3A_773 = tpu.vector_load %arg22[%swap3A_771, %swap3A_772] {strides = array<i32>} : memref<64x272xf32, #tpu.memory_space<vmem>>, vector<16xf32>,
        tpu.vector_store %arg22[%swap3A_771, %swap3A_772], %broadcast_in_dim3A_7 {strides = array<i32>} : memref<64x272xf32, #tpu.memory_space<vmem>>, vector<16xf32>,
        %swap3A_774 = arith.index_cast %scan3A_758 : i32 to index
        %swap3A_775 = arith.constant 80 : index
        %swap3A_776 = tpu.vector_load %arg22[%swap3A_774, %swap3A_775] {strides = array<i32>} : memref<64x272xf32, #tpu.memory_space<vmem>>, vector<16xf32>,
        tpu.vector_store %arg22[%swap3A_774, %swap3A_775], %broadcast_in_dim3A_7 {strides = array<i32>} : memref<64x272xf32, #tpu.memory_space<vmem>>, vector<16xf32>,
        %swap3A_777 = arith.index_cast %scan3A_758 : i32 to index
        %swap3A_778 = arith.constant 96 : index
        %swap3A_779 = tpu.vector_load %arg22[%swap3A_777, %swap3A_778] {strides = array<i32>} : memref<64x272xf32, #tpu.memory_space<vmem>>, vector<16xf32>,
        tpu.vector_store %arg22[%swap3A_777, %swap3A_778], %broadcast_in_dim3A_7 {strides = array<i32>} : memref<64x272xf32, #tpu.memory_space<vmem>>, vector<16xf32>,
        %swap3A_780 = arith.index_cast %scan3A_758 : i32 to index
        %swap3A_781 = arith.constant 112 : index
        %swap3A_782 = tpu.vector_load %arg22[%swap3A_780, %swap3A_781] {strides = array<i32>} : memref<64x272xf32, #tpu.memory_space<vmem>>, vector<16xf32>,
        tpu.vector_store %arg22[%swap3A_780, %swap3A_781], %broadcast_in_dim3A_7 {strides = array<i32>} : memref<64x272xf32, #tpu.memory_space<vmem>>, vector<16xf32>,
        %swap3A_783 = arith.index_cast %scan3A_758 : i32 to index
        %swap3A_784 = arith.constant 128 : index
        %swap3A_785 = tpu.vector_load %arg22[%swap3A_783, %swap3A_784] {strides = array<i32>} : memref<64x272xf32, #tpu.memory_space<vmem>>, vector<16xf32>,
        tpu.vector_store %arg22[%swap3A_783, %swap3A_784], %broadcast_in_dim3A_7 {strides = array<i32>} : memref<64x272xf32, #tpu.memory_space<vmem>>, vector<16xf32>,
        %swap3A_786 = arith.index_cast %scan3A_758 : i32 to index
        %swap3A_787 = arith.constant 144 : index
        %swap3A_788 = tpu.vector_load %arg22[%swap3A_786, %swap3A_787] {strides = array<i32>} : memref<64x272xf32, #tpu.memory_space<vmem>>, vector<16xf32>,
        tpu.vector_store %arg22[%swap3A_786, %swap3A_787], %broadcast_in_dim3A_7 {strides = array<i32>} : memref<64x272xf32, #tpu.memory_space<vmem>>, vector<16xf32>,
        %swap3A_789 = arith.index_cast %scan3A_758 : i32 to index
        %swap3A_790 = arith.constant 160 : index
        %swap3A_791 = tpu.vector_load %arg22[%swap3A_789, %swap3A_790] {strides = array<i32>} : memref<64x272xf32, #tpu.memory_space<vmem>>, vector<16xf32>,
        tpu.vector_store %arg22[%swap3A_789, %swap3A_790], %broadcast_in_dim3A_7 {strides = array<i32>} : memref<64x272xf32, #tpu.memory_space<vmem>>, vector<16xf32>,
        %swap3A_792 = arith.index_cast %scan3A_758 : i32 to index
        %swap3A_793 = arith.constant 176 : index
        %swap3A_794 = tpu.vector_load %arg22[%swap3A_792, %swap3A_793] {strides = array<i32>} : memref<64x272xf32, #tpu.memory_space<vmem>>, vector<16xf32>,
        tpu.vector_store %arg22[%swap3A_792, %swap3A_793], %broadcast_in_dim3A_7 {strides = array<i32>} : memref<64x272xf32, #tpu.memory_space<vmem>>, vector<16xf32>,
        %swap3A_795 = arith.index_cast %scan3A_758 : i32 to index
        %swap3A_796 = arith.constant 192 : index
        %swap3A_797 = tpu.vector_load %arg22[%swap3A_795, %swap3A_796] {strides = array<i32>} : memref<64x272xf32, #tpu.memory_space<vmem>>, vector<16xf32>,
        tpu.vector_store %arg22[%swap3A_795, %swap3A_796], %broadcast_in_dim3A_7 {strides = array<i32>} : memref<64x272xf32, #tpu.memory_space<vmem>>, vector<16xf32>,
        %swap3A_798 = arith.index_cast %scan3A_758 : i32 to index
        %swap3A_799 = arith.constant 208 : index
        %swap3A_800 = tpu.vector_load %arg22[%swap3A_798, %swap3A_799] {strides = array<i32>} : memref<64x272xf32, #tpu.memory_space<vmem>>, vector<16xf32>,
        tpu.vector_store %arg22[%swap3A_798, %swap3A_799], %broadcast_in_dim3A_7 {strides = array<i32>} : memref<64x272xf32, #tpu.memory_space<vmem>>, vector<16xf32>,
        %swap3A_801 = arith.index_cast %scan3A_758 : i32 to index
        %swap3A_802 = arith.constant 224 : index
        %swap3A_803 = tpu.vector_load %arg22[%swap3A_801, %swap3A_802] {strides = array<i32>} : memref<64x272xf32, #tpu.memory_space<vmem>>, vector<16xf32>,
        tpu.vector_store %arg22[%swap3A_801, %swap3A_802], %broadcast_in_dim3A_7 {strides = array<i32>} : memref<64x272xf32, #tpu.memory_space<vmem>>, vector<16xf32>,
        %swap3A_804 = arith.index_cast %scan3A_758 : i32 to index
        %swap3A_805 = arith.constant 240 : index
        %swap3A_806 = tpu.vector_load %arg22[%swap3A_804, %swap3A_805] {strides = array<i32>} : memref<64x272xf32, #tpu.memory_space<vmem>>, vector<16xf32>,
        tpu.vector_store %arg22[%swap3A_804, %swap3A_805], %broadcast_in_dim3A_7 {strides = array<i32>} : memref<64x272xf32, #tpu.memory_space<vmem>>, vector<16xf32>,
        %swap3A_807 = arith.index_cast %scan3A_758 : i32 to index
        %swap3A_808 = arith.constant 256 : index
        %swap3A_809 = tpu.vector_load %arg22[%swap3A_807, %swap3A_808] {strides = array<i32>} : memref<64x272xf32, #tpu.memory_space<vmem>>, vector<16xf32>,
        tpu.vector_store %arg22[%swap3A_807, %swap3A_808], %broadcast_in_dim3A_7 {strides = array<i32>} : memref<64x272xf32, #tpu.memory_space<vmem>>, vector<16xf32>,
      }
      %scan3A_558 = arith.constant 64 : i32
      %mul3A_559 = arith.constant 320 : i32
      %mul3A_560 = arith.muli %arg1, %mul3A_559 : i32
      %scan3A_561 = arith.constant 0 : i32
      %scan3A_562 = arith.constant 0 : i32
      %scan3A_563 = arith.constant 5 : i32
      %scan3A_564 = arith.addi %scan3A_562, %scan3A_563 : i32
      %scan3A_565 = arith.constant 1 : i32
      scf.for %scan3A_758 = %scan3A_562 to %scan3A_564 step %scan3A_565  : i32 {
        %mul3A_759 = arith.constant 64 : i32
        %mul3A_760 = arith.muli %scan3A_758, %mul3A_759 : i32
        %add3A_761 = arith.addi %mul3A_560, %mul3A_760 : i32
        "tpu.region"() ({
          %run_scoped3A = tpu.sem_alloc : memref<!tpu.dma_semaphore, #tpu.memory_space<semaphore_mem>>
          %dma_start3A_762 = arith.constant 0 : i32
          %dma_start3A_763 = tpu.memref_slice %arg28[%add3A_761, %dma_start3A_762] : memref<5120x272xf32, #tpu.memory_space<vmem_shared>> -> memref<64x272xf32, #tpu.memory_space<vmem_shared>>
          %dma_start3A_764 = arith.constant 0 : i32
          %dma_start3A_765 = tpu.memref_slice %arg28[%add3A_761, %dma_start3A_764] : memref<5120x272xf32, #tpu.memory_space<vmem_shared>> -> memref<64x272xf32, #tpu.memory_space<vmem_shared>>
          tpu.enqueue_dma source(%arg22 : memref<64x272xf32, #tpu.memory_space<vmem>>) target(%dma_start3A_765 : memref<64x272xf32, #tpu.memory_space<vmem_shared>>) target_semaphore(%run_scoped3A : memref<!tpu.dma_semaphore, #tpu.memory_space<semaphore_mem>>)
          %dma_wait3A_766 = arith.constant 0 : i32
          %dma_wait3A_767 = tpu.memref_slice %arg28[%add3A_761, %dma_wait3A_766] : memref<5120x272xf32, #tpu.memory_space<vmem_shared>> -> memref<64x272xf32, #tpu.memory_space<vmem_shared>>
          %dma_wait3A_768 = arith.constant 0 : i32
          %dma_wait3A_769 = tpu.memref_slice %arg28[%add3A_761, %dma_wait3A_768] : memref<5120x272xf32, #tpu.memory_space<vmem_shared>> -> memref<64x272xf32, #tpu.memory_space<vmem_shared>>
          tpu.wait_dma2 semaphore(%run_scoped3A : memref<!tpu.dma_semaphore, #tpu.memory_space<semaphore_mem>>) src(%arg22 : memref<64x272xf32, #tpu.memory_space<vmem>>) dst(%dma_wait3A_769 : memref<64x272xf32, #tpu.memory_space<vmem_shared>>)
          tpu.yield
        }) : () -> ()
      }
      %scan3A_566 = arith.constant 5 : i32
      %barrier3A = arith.constant 0 : index
      tpu.barrier barrier_id(%barrier3A)
      %mul3A_567 = arith.constant 10000 : i32
      %mul3A_568 = arith.muli %scan3A_552, %mul3A_567 : i32
      %add3A_569 = arith.constant 0 : i32
      %add3A_570 = arith.addi %mul3A_6, %add3A_569 : i32
      %multiple_of3A_571 = tpu.assume_multiple %add3A_570, 8 : i32
      "tpu.region"() ({
        %run_scoped3A = tpu.sem_alloc : memref<!tpu.dma_semaphore, #tpu.memory_space<semaphore_mem>>
        %dma_start3A_758 = tpu.memref_slice %arg27[%multiple_of3A_571] : memref<688128xi32, #tpu.memory_space<hbm>> -> memref<64xi32, #tpu.memory_space<hbm>>
        %dma_start3A_759 = tpu.memref_slice %arg27[%multiple_of3A_571] : memref<688128xi32, #tpu.memory_space<hbm>> -> memref<64xi32, #tpu.memory_space<hbm>>
        tpu.enqueue_dma source(%dma_start3A_759 : memref<64xi32, #tpu.memory_space<hbm>>) target(%arg8 : memref<64xi32, #tpu.memory_space<vmem>>) target_semaphore(%run_scoped3A : memref<!tpu.dma_semaphore, #tpu.memory_space<semaphore_mem>>)
        %dma_wait3A_760 = tpu.memref_slice %arg27[%multiple_of3A_571] : memref<688128xi32, #tpu.memory_space<hbm>> -> memref<64xi32, #tpu.memory_space<hbm>>
        %dma_wait3A_761 = tpu.memref_slice %arg27[%multiple_of3A_571] : memref<688128xi32, #tpu.memory_space<hbm>> -> memref<64xi32, #tpu.memory_space<hbm>>
        tpu.wait_dma2 semaphore(%run_scoped3A : memref<!tpu.dma_semaphore, #tpu.memory_space<semaphore_mem>>) src(%dma_wait3A_761 : memref<64xi32, #tpu.memory_space<hbm>>) dst(%arg8 : memref<64xi32, #tpu.memory_space<vmem>>)
        tpu.yield
      }) : () -> ()
      %get3A_572 = arith.constant 0 : index
      %get3A_573 = tpu.vector_load %arg8[%get3A_572] {strides = array<i32>} : memref<64xi32, #tpu.memory_space<vmem>>, vector<16xi32>,
      %and3A_574 = arith.constant 8191 : i32
      %and3A_575 = vector.broadcast %and3A_574 : i32 to vector<16xi32>
      %and3A_576 = arith.andi %get3A_573, %and3A_575 : vector<16xi32>
      %shift_right_arithmetic3A = arith.constant 13 : i32
      %shift_right_arithmetic3A_577 = vector.broadcast %shift_right_arithmetic3A : i32 to vector<16xi32>
      %shift_right_arithmetic3A_578 = arith.shrsi %get3A_573, %shift_right_arithmetic3A_577 : vector<16xi32>
      %ne3A_579 = arith.constant 5119 : i32
      %ne3A_580 = vector.broadcast %ne3A_579 : i32 to vector<16xi32>
      %ne3A_581 = arith.cmpi ne, %and3A_576, %ne3A_580 : vector<16xi32>
      %jit3A_582 = arith.constant 1.000000e+00 : f32
      %jit3A_583 = arith.constant 0.000000e+00 : f32
      %broadcast_in_dim3A_584 = vector.broadcast %jit3A_582 : f32 to vector<16xf32>
      %broadcast_in_dim3A_585 = vector.broadcast %jit3A_583 : f32 to vector<16xf32>
      %select_n3A_586 = arith.select %ne3A_581, %broadcast_in_dim3A_584, %broadcast_in_dim3A_585 : vector<16xi1>, vector<16xf32>
      %swap3A_587 = arith.constant 0 : index
      %swap3A_588 = tpu.vector_load %arg16[%swap3A_587] {strides = array<i32>} : memref<64xf32, #tpu.memory_space<vmem>>, vector<16xf32>,
      tpu.vector_store %arg16[%swap3A_587], %select_n3A_586 {strides = array<i32>} : memref<64xf32, #tpu.memory_space<vmem>>, vector<16xf32>,
      %swap3A_589 = arith.constant 0 : index
      %swap3A_590 = tpu.vector_load %arg14[%swap3A_589] {strides = array<i32>} : memref<64xi32, #tpu.memory_space<vmem>>, vector<16xi32>,
      tpu.vector_store %arg14[%swap3A_589], %and3A_576 {strides = array<i32>} : memref<64xi32, #tpu.memory_space<vmem>>, vector<16xi32>,
      %add3A_591 = vector.broadcast %mul3A_568 : i32 to vector<16xi32>
      %add3A_592 = arith.addi %shift_right_arithmetic3A_578, %add3A_591 : vector<16xi32>
      %swap3A_593 = arith.constant 0 : index
      %swap3A_594 = tpu.vector_load %arg12[%swap3A_593] {strides = array<i32>} : memref<64xi32, #tpu.memory_space<vmem>>, vector<16xi32>,
      tpu.vector_store %arg12[%swap3A_593], %add3A_592 {strides = array<i32>} : memref<64xi32, #tpu.memory_space<vmem>>, vector<16xi32>,
      %add3A_595 = vector.broadcast %mul3A_2 : i32 to vector<16xi32>
      %add3A_596 = arith.addi %and3A_576, %add3A_595 : vector<16xi32>
      %add3A_597 = vector.broadcast %mul3A_568 : i32 to vector<16xi32>
      %add3A_598 = arith.addi %add3A_596, %add3A_597 : vector<16xi32>
      %swap3A_599 = arith.constant 0 : index
      %swap3A_600 = tpu.vector_load %arg10[%swap3A_599] {strides = array<i32>} : memref<64xi32, #tpu.memory_space<vmem>>, vector<16xi32>,
      tpu.vector_store %arg10[%swap3A_599], %add3A_598 {strides = array<i32>} : memref<64xi32, #tpu.memory_space<vmem>>, vector<16xi32>,
      %get3A_601 = arith.constant 16 : index
      %get3A_602 = tpu.vector_load %arg8[%get3A_601] {strides = array<i32>} : memref<64xi32, #tpu.memory_space<vmem>>, vector<16xi32>,
      %and3A_603 = arith.constant 8191 : i32
      %and3A_604 = vector.broadcast %and3A_603 : i32 to vector<16xi32>
      %and3A_605 = arith.andi %get3A_602, %and3A_604 : vector<16xi32>
      %shift_right_arithmetic3A_606 = arith.constant 13 : i32
      %shift_right_arithmetic3A_607 = vector.broadcast %shift_right_arithmetic3A_606 : i32 to vector<16xi32>
      %shift_right_arithmetic3A_608 = arith.shrsi %get3A_602, %shift_right_arithmetic3A_607 : vector<16xi32>
      %ne3A_609 = arith.constant 5119 : i32
      %ne3A_610 = vector.broadcast %ne3A_609 : i32 to vector<16xi32>
      %ne3A_611 = arith.cmpi ne, %and3A_605, %ne3A_610 : vector<16xi32>
      %jit3A_612 = arith.constant 1.000000e+00 : f32
      %jit3A_613 = arith.constant 0.000000e+00 : f32
      %broadcast_in_dim3A_614 = vector.broadcast %jit3A_612 : f32 to vector<16xf32>
      %broadcast_in_dim3A_615 = vector.broadcast %jit3A_613 : f32 to vector<16xf32>
      %select_n3A_616 = arith.select %ne3A_611, %broadcast_in_dim3A_614, %broadcast_in_dim3A_615 : vector<16xi1>, vector<16xf32>
      %swap3A_617 = arith.constant 16 : index
      %swap3A_618 = tpu.vector_load %arg16[%swap3A_617] {strides = array<i32>} : memref<64xf32, #tpu.memory_space<vmem>>, vector<16xf32>,
      tpu.vector_store %arg16[%swap3A_617], %select_n3A_616 {strides = array<i32>} : memref<64xf32, #tpu.memory_space<vmem>>, vector<16xf32>,
      %swap3A_619 = arith.constant 16 : index
      %swap3A_620 = tpu.vector_load %arg14[%swap3A_619] {strides = array<i32>} : memref<64xi32, #tpu.memory_space<vmem>>, vector<16xi32>,
      tpu.vector_store %arg14[%swap3A_619], %and3A_605 {strides = array<i32>} : memref<64xi32, #tpu.memory_space<vmem>>, vector<16xi32>,
      %add3A_621 = vector.broadcast %mul3A_568 : i32 to vector<16xi32>
      %add3A_622 = arith.addi %shift_right_arithmetic3A_608, %add3A_621 : vector<16xi32>
      %swap3A_623 = arith.constant 16 : index
      %swap3A_624 = tpu.vector_load %arg12[%swap3A_623] {strides = array<i32>} : memref<64xi32, #tpu.memory_space<vmem>>, vector<16xi32>,
      tpu.vector_store %arg12[%swap3A_623], %add3A_622 {strides = array<i32>} : memref<64xi32, #tpu.memory_space<vmem>>, vector<16xi32>,
      %add3A_625 = vector.broadcast %mul3A_2 : i32 to vector<16xi32>
      %add3A_626 = arith.addi %and3A_605, %add3A_625 : vector<16xi32>
      %add3A_627 = vector.broadcast %mul3A_568 : i32 to vector<16xi32>
      %add3A_628 = arith.addi %add3A_626, %add3A_627 : vector<16xi32>
      %swap3A_629 = arith.constant 16 : index
      %swap3A_630 = tpu.vector_load %arg10[%swap3A_629] {strides = array<i32>} : memref<64xi32, #tpu.memory_space<vmem>>, vector<16xi32>,
      tpu.vector_store %arg10[%swap3A_629], %add3A_628 {strides = array<i32>} : memref<64xi32, #tpu.memory_space<vmem>>, vector<16xi32>,
      %get3A_631 = arith.constant 32 : index
      %get3A_632 = tpu.vector_load %arg8[%get3A_631] {strides = array<i32>} : memref<64xi32, #tpu.memory_space<vmem>>, vector<16xi32>,
      %and3A_633 = arith.constant 8191 : i32
      %and3A_634 = vector.broadcast %and3A_633 : i32 to vector<16xi32>
      %and3A_635 = arith.andi %get3A_632, %and3A_634 : vector<16xi32>
      %shift_right_arithmetic3A_636 = arith.constant 13 : i32
      %shift_right_arithmetic3A_637 = vector.broadcast %shift_right_arithmetic3A_636 : i32 to vector<16xi32>
      %shift_right_arithmetic3A_638 = arith.shrsi %get3A_632, %shift_right_arithmetic3A_637 : vector<16xi32>
      %ne3A_639 = arith.constant 5119 : i32
      %ne3A_640 = vector.broadcast %ne3A_639 : i32 to vector<16xi32>
      %ne3A_641 = arith.cmpi ne, %and3A_635, %ne3A_640 : vector<16xi32>
      %jit3A_642 = arith.constant 1.000000e+00 : f32
      %jit3A_643 = arith.constant 0.000000e+00 : f32
      %broadcast_in_dim3A_644 = vector.broadcast %jit3A_642 : f32 to vector<16xf32>
      %broadcast_in_dim3A_645 = vector.broadcast %jit3A_643 : f32 to vector<16xf32>
      %select_n3A_646 = arith.select %ne3A_641, %broadcast_in_dim3A_644, %broadcast_in_dim3A_645 : vector<16xi1>, vector<16xf32>
      %swap3A_647 = arith.constant 32 : index
      %swap3A_648 = tpu.vector_load %arg16[%swap3A_647] {strides = array<i32>} : memref<64xf32, #tpu.memory_space<vmem>>, vector<16xf32>,
      tpu.vector_store %arg16[%swap3A_647], %select_n3A_646 {strides = array<i32>} : memref<64xf32, #tpu.memory_space<vmem>>, vector<16xf32>,
      %swap3A_649 = arith.constant 32 : index
      %swap3A_650 = tpu.vector_load %arg14[%swap3A_649] {strides = array<i32>} : memref<64xi32, #tpu.memory_space<vmem>>, vector<16xi32>,
      tpu.vector_store %arg14[%swap3A_649], %and3A_635 {strides = array<i32>} : memref<64xi32, #tpu.memory_space<vmem>>, vector<16xi32>,
      %add3A_651 = vector.broadcast %mul3A_568 : i32 to vector<16xi32>
      %add3A_652 = arith.addi %shift_right_arithmetic3A_638, %add3A_651 : vector<16xi32>
      %swap3A_653 = arith.constant 32 : index
      %swap3A_654 = tpu.vector_load %arg12[%swap3A_653] {strides = array<i32>} : memref<64xi32, #tpu.memory_space<vmem>>, vector<16xi32>,
      tpu.vector_store %arg12[%swap3A_653], %add3A_652 {strides = array<i32>} : memref<64xi32, #tpu.memory_space<vmem>>, vector<16xi32>,
      %add3A_655 = vector.broadcast %mul3A_2 : i32 to vector<16xi32>
      %add3A_656 = arith.addi %and3A_635, %add3A_655 : vector<16xi32>
      %add3A_657 = vector.broadcast %mul3A_568 : i32 to vector<16xi32>
      %add3A_658 = arith.addi %add3A_656, %add3A_657 : vector<16xi32>
      %swap3A_659 = arith.constant 32 : index
      %swap3A_660 = tpu.vector_load %arg10[%swap3A_659] {strides = array<i32>} : memref<64xi32, #tpu.memory_space<vmem>>, vector<16xi32>,
      tpu.vector_store %arg10[%swap3A_659], %add3A_658 {strides = array<i32>} : memref<64xi32, #tpu.memory_space<vmem>>, vector<16xi32>,
      %get3A_661 = arith.constant 48 : index
      %get3A_662 = tpu.vector_load %arg8[%get3A_661] {strides = array<i32>} : memref<64xi32, #tpu.memory_space<vmem>>, vector<16xi32>,
      %and3A_663 = arith.constant 8191 : i32
      %and3A_664 = vector.broadcast %and3A_663 : i32 to vector<16xi32>
      %and3A_665 = arith.andi %get3A_662, %and3A_664 : vector<16xi32>
      %shift_right_arithmetic3A_666 = arith.constant 13 : i32
      %shift_right_arithmetic3A_667 = vector.broadcast %shift_right_arithmetic3A_666 : i32 to vector<16xi32>
      %shift_right_arithmetic3A_668 = arith.shrsi %get3A_662, %shift_right_arithmetic3A_667 : vector<16xi32>
      %ne3A_669 = arith.constant 5119 : i32
      %ne3A_670 = vector.broadcast %ne3A_669 : i32 to vector<16xi32>
      %ne3A_671 = arith.cmpi ne, %and3A_665, %ne3A_670 : vector<16xi32>
      %jit3A_672 = arith.constant 1.000000e+00 : f32
      %jit3A_673 = arith.constant 0.000000e+00 : f32
      %broadcast_in_dim3A_674 = vector.broadcast %jit3A_672 : f32 to vector<16xf32>
      %broadcast_in_dim3A_675 = vector.broadcast %jit3A_673 : f32 to vector<16xf32>
      %select_n3A_676 = arith.select %ne3A_671, %broadcast_in_dim3A_674, %broadcast_in_dim3A_675 : vector<16xi1>, vector<16xf32>
      %swap3A_677 = arith.constant 48 : index
      %swap3A_678 = tpu.vector_load %arg16[%swap3A_677] {strides = array<i32>} : memref<64xf32, #tpu.memory_space<vmem>>, vector<16xf32>,
      tpu.vector_store %arg16[%swap3A_677], %select_n3A_676 {strides = array<i32>} : memref<64xf32, #tpu.memory_space<vmem>>, vector<16xf32>,
      %swap3A_679 = arith.constant 48 : index
      %swap3A_680 = tpu.vector_load %arg14[%swap3A_679] {strides = array<i32>} : memref<64xi32, #tpu.memory_space<vmem>>, vector<16xi32>,
      tpu.vector_store %arg14[%swap3A_679], %and3A_665 {strides = array<i32>} : memref<64xi32, #tpu.memory_space<vmem>>, vector<16xi32>,
      %add3A_681 = vector.broadcast %mul3A_568 : i32 to vector<16xi32>
      %add3A_682 = arith.addi %shift_right_arithmetic3A_668, %add3A_681 : vector<16xi32>
      %swap3A_683 = arith.constant 48 : index
      %swap3A_684 = tpu.vector_load %arg12[%swap3A_683] {strides = array<i32>} : memref<64xi32, #tpu.memory_space<vmem>>, vector<16xi32>,
      tpu.vector_store %arg12[%swap3A_683], %add3A_682 {strides = array<i32>} : memref<64xi32, #tpu.memory_space<vmem>>, vector<16xi32>,
      %add3A_685 = vector.broadcast %mul3A_2 : i32 to vector<16xi32>
      %add3A_686 = arith.addi %and3A_665, %add3A_685 : vector<16xi32>
      %add3A_687 = vector.broadcast %mul3A_568 : i32 to vector<16xi32>
      %add3A_688 = arith.addi %add3A_686, %add3A_687 : vector<16xi32>
      %swap3A_689 = arith.constant 48 : index
      %swap3A_690 = tpu.vector_load %arg10[%swap3A_689] {strides = array<i32>} : memref<64xi32, #tpu.memory_space<vmem>>, vector<16xi32>,
      tpu.vector_store %arg10[%swap3A_689], %add3A_688 {strides = array<i32>} : memref<64xi32, #tpu.memory_space<vmem>>, vector<16xi32>,
      %dma_start3A = arith.constant 0 : i32
      %dma_start3A_691 = arith.constant 0 : i32
      %dma_start3A_692 = tpu.memref_slice %arg6[%dma_start3A, %dma_start3A_691] : memref<20000x272xf32, #tpu.memory_space<hbm>> -> memref<20000x272xf32, #tpu.memory_space<hbm>>
      tpu.enqueue_indirect_dma source(%dma_start3A_692 : memref<20000x272xf32, #tpu.memory_space<hbm>>) target(%arg22 : memref<64x272xf32, #tpu.memory_space<vmem>>) offsets(%arg12 : memref<64xi32, #tpu.memory_space<vmem>>) semaphore(%arg29 : memref<!tpu.dma_semaphore, #tpu.memory_space<semaphore_mem>>)
      %dma_start3A_693 = arith.constant 0 : i32
      %dma_start3A_694 = arith.constant 0 : i32
      %dma_start3A_695 = tpu.memref_slice %arg4[%dma_start3A_693, %dma_start3A_694] : memref<20000x16xf32, #tpu.memory_space<hbm>> -> memref<20000x16xf32, #tpu.memory_space<hbm>>
      tpu.enqueue_indirect_dma source(%dma_start3A_695 : memref<20000x16xf32, #tpu.memory_space<hbm>>) target(%arg18 : memref<64x16xf32, #tpu.memory_space<vmem>>) offsets(%arg12 : memref<64xi32, #tpu.memory_space<vmem>>) semaphore(%arg31 : memref<!tpu.dma_semaphore, #tpu.memory_space<semaphore_mem>>)
      %dma_start3A_696 = arith.constant 0 : i32
      %dma_start3A_697 = arith.constant 0 : i32
      %dma_start3A_698 = tpu.memref_slice %arg5[%dma_start3A_696, %dma_start3A_697] : memref<20000x16xf32, #tpu.memory_space<hbm>> -> memref<20000x16xf32, #tpu.memory_space<hbm>>
      tpu.enqueue_indirect_dma source(%dma_start3A_698 : memref<20000x16xf32, #tpu.memory_space<hbm>>) target(%arg20 : memref<64x16xf32, #tpu.memory_space<vmem>>) offsets(%arg10 : memref<64xi32, #tpu.memory_space<vmem>>) semaphore(%arg33 : memref<!tpu.dma_semaphore, #tpu.memory_space<semaphore_mem>>)
      %add3A_699 = arith.constant 1 : i32
      %add3A_700 = arith.addi %select_n3A_545, %add3A_699 : i32
      %jit3A_701 = arith.constant 2 : i32
      %div3A_702 = arith.divsi %add3A_700, %jit3A_701 : i32
      %sign3A_703 = arith.constant 0 : i32
      %sign3A_704 = arith.cmpi sgt, %add3A_700, %sign3A_703 : i32
      %sign3A_705 = arith.extui %sign3A_704 : i1 to i32
      %sign3A_706 = arith.constant 0 : i32
      %sign3A_707 = arith.cmpi slt, %add3A_700, %sign3A_706 : i32
      %sign3A_708 = arith.extui %sign3A_707 : i1 to i32
      %sign3A_709 = arith.subi %sign3A_705, %sign3A_708 : i32
      %sign3A_710 = arith.constant 0 : i32
      %sign3A_711 = arith.cmpi sgt, %jit3A_701, %sign3A_710 : i32
      %sign3A_712 = arith.extui %sign3A_711 : i1 to i32
      %sign3A_713 = arith.constant 0 : i32
      %sign3A_714 = arith.cmpi slt, %jit3A_701, %sign3A_713 : i32
      %sign3A_715 = arith.extui %sign3A_714 : i1 to i32
      %sign3A_716 = arith.subi %sign3A_712, %sign3A_715 : i32
      %ne3A_717 = arith.cmpi ne, %sign3A_709, %sign3A_716 : i32
      %rem3A_718 = arith.remsi %add3A_700, %jit3A_701 : i32
      %ne3A_719 = arith.constant 0 : i32
      %ne3A_720 = arith.cmpi ne, %rem3A_718, %ne3A_719 : i32
      %and3A_721 = arith.andi %ne3A_717, %ne3A_720 : i1
      %sub3A_722 = arith.constant 1 : i32
      %sub3A_723 = arith.subi %div3A_702, %sub3A_722 : i32
      %select_n3A_724 = arith.select %and3A_721, %sub3A_723, %div3A_702 : i32
      %while3A = arith.constant 0 : i32
      %while3A_725 = arith.constant 0 : i32
      %while3A_726 = arith.subi %select_n3A_724, %while3A_725 : i32
      %while3A_727 = arith.addi %while3A_725, %while3A_726 : i32
      %while3A_728 = arith.constant 1 : i32
      %while3A_729 = arith.divsi %while3A_726, %while3A_728 : i32
      %while3A_730 = arith.muli %while3A_729, %while3A_728 : i32
      %while3A_731 = arith.addi %while3A_725, %while3A_730 : i32
      %while3A_732 = arith.constant 1 : i32
      scf.for %while3A_758 = %while3A_725 to %while3A_731 step %while3A_732  : i32 {
        %mul3A_759 = arith.constant 2 : i32
        %mul3A_760 = arith.muli %mul3A_759, %while3A_758 : i32
        %add3A_761 = arith.constant 1 : i32
        %add3A_762 = arith.addi %mul3A_760, %add3A_761 : i32
        %min3A = arith.minsi %add3A_762, %select_n3A_545 : i32
        %mul3A_763 = arith.constant 64 : i32
        %mul3A_764 = arith.muli %min3A, %mul3A_763 : i32
        %add3A_765 = arith.addi %mul3A_6, %mul3A_764 : i32
        %multiple_of3A_766 = tpu.assume_multiple %add3A_765, 8 : i32
        "tpu.region"() ({
          %run_scoped3A = tpu.sem_alloc : memref<!tpu.dma_semaphore, #tpu.memory_space<semaphore_mem>>
          %dma_start3A_1062 = tpu.memref_slice %arg27[%multiple_of3A_766] : memref<688128xi32, #tpu.memory_space<hbm>> -> memref<64xi32, #tpu.memory_space<hbm>>
          %dma_start3A_1063 = tpu.memref_slice %arg27[%multiple_of3A_766] : memref<688128xi32, #tpu.memory_space<hbm>> -> memref<64xi32, #tpu.memory_space<hbm>>
          tpu.enqueue_dma source(%dma_start3A_1063 : memref<64xi32, #tpu.memory_space<hbm>>) target(%arg9 : memref<64xi32, #tpu.memory_space<vmem>>) target_semaphore(%run_scoped3A : memref<!tpu.dma_semaphore, #tpu.memory_space<semaphore_mem>>)
          %dma_wait3A_1064 = tpu.memref_slice %arg27[%multiple_of3A_766] : memref<688128xi32, #tpu.memory_space<hbm>> -> memref<64xi32, #tpu.memory_space<hbm>>
          %dma_wait3A_1065 = tpu.memref_slice %arg27[%multiple_of3A_766] : memref<688128xi32, #tpu.memory_space<hbm>> -> memref<64xi32, #tpu.memory_space<hbm>>
          tpu.wait_dma2 semaphore(%run_scoped3A : memref<!tpu.dma_semaphore, #tpu.memory_space<semaphore_mem>>) src(%dma_wait3A_1065 : memref<64xi32, #tpu.memory_space<hbm>>) dst(%arg9 : memref<64xi32, #tpu.memory_space<vmem>>)
          tpu.yield
        }) : () -> ()
        %get3A_767 = arith.constant 0 : index
        %get3A_768 = tpu.vector_load %arg9[%get3A_767] {strides = array<i32>} : memref<64xi32, #tpu.memory_space<vmem>>, vector<16xi32>,
        %and3A_769 = arith.constant 8191 : i32
        %and3A_770 = vector.broadcast %and3A_769 : i32 to vector<16xi32>
        %and3A_771 = arith.andi %get3A_768, %and3A_770 : vector<16xi32>
        %shift_right_arithmetic3A_772 = arith.constant 13 : i32
        %shift_right_arithmetic3A_773 = vector.broadcast %shift_right_arithmetic3A_772 : i32 to vector<16xi32>
        %shift_right_arithmetic3A_774 = arith.shrsi %get3A_768, %shift_right_arithmetic3A_773 : vector<16xi32>
        %ne3A_775 = arith.constant 5119 : i32
        %ne3A_776 = vector.broadcast %ne3A_775 : i32 to vector<16xi32>
        %ne3A_777 = arith.cmpi ne, %and3A_771, %ne3A_776 : vector<16xi32>
        %jit3A_778 = arith.constant 1.000000e+00 : f32
        %jit3A_779 = arith.constant 0.000000e+00 : f32
        %broadcast_in_dim3A_780 = vector.broadcast %jit3A_778 : f32 to vector<16xf32>
        %broadcast_in_dim3A_781 = vector.broadcast %jit3A_779 : f32 to vector<16xf32>
        %select_n3A_782 = arith.select %ne3A_777, %broadcast_in_dim3A_780, %broadcast_in_dim3A_781 : vector<16xi1>, vector<16xf32>
        %swap3A_783 = arith.constant 0 : index
        %swap3A_784 = tpu.vector_load %arg17[%swap3A_783] {strides = array<i32>} : memref<64xf32, #tpu.memory_space<vmem>>, vector<16xf32>,
        tpu.vector_store %arg17[%swap3A_783], %select_n3A_782 {strides = array<i32>} : memref<64xf32, #tpu.memory_space<vmem>>, vector<16xf32>,
        %swap3A_785 = arith.constant 0 : index
        %swap3A_786 = tpu.vector_load %arg15[%swap3A_785] {strides = array<i32>} : memref<64xi32, #tpu.memory_space<vmem>>, vector<16xi32>,
        tpu.vector_store %arg15[%swap3A_785], %and3A_771 {strides = array<i32>} : memref<64xi32, #tpu.memory_space<vmem>>, vector<16xi32>,
        %add3A_787 = vector.broadcast %mul3A_568 : i32 to vector<16xi32>
        %add3A_788 = arith.addi %shift_right_arithmetic3A_774, %add3A_787 : vector<16xi32>
        %swap3A_789 = arith.constant 0 : index
        %swap3A_790 = tpu.vector_load %arg13[%swap3A_789] {strides = array<i32>} : memref<64xi32, #tpu.memory_space<vmem>>, vector<16xi32>,
        tpu.vector_store %arg13[%swap3A_789], %add3A_788 {strides = array<i32>} : memref<64xi32, #tpu.memory_space<vmem>>, vector<16xi32>,
        %add3A_791 = vector.broadcast %mul3A_2 : i32 to vector<16xi32>
        %add3A_792 = arith.addi %and3A_771, %add3A_791 : vector<16xi32>
        %add3A_793 = vector.broadcast %mul3A_568 : i32 to vector<16xi32>
        %add3A_794 = arith.addi %add3A_792, %add3A_793 : vector<16xi32>
        %swap3A_795 = arith.constant 0 : index
        %swap3A_796 = tpu.vector_load %arg11[%swap3A_795] {strides = array<i32>} : memref<64xi32, #tpu.memory_space<vmem>>, vector<16xi32>,
        tpu.vector_store %arg11[%swap3A_795], %add3A_794 {strides = array<i32>} : memref<64xi32, #tpu.memory_space<vmem>>, vector<16xi32>,
        %get3A_797 = arith.constant 16 : index
        %get3A_798 = tpu.vector_load %arg9[%get3A_797] {strides = array<i32>} : memref<64xi32, #tpu.memory_space<vmem>>, vector<16xi32>,
        %and3A_799 = arith.constant 8191 : i32
        %and3A_800 = vector.broadcast %and3A_799 : i32 to vector<16xi32>
        %and3A_801 = arith.andi %get3A_798, %and3A_800 : vector<16xi32>
        %shift_right_arithmetic3A_802 = arith.constant 13 : i32
        %shift_right_arithmetic3A_803 = vector.broadcast %shift_right_arithmetic3A_802 : i32 to vector<16xi32>
        %shift_right_arithmetic3A_804 = arith.shrsi %get3A_798, %shift_right_arithmetic3A_803 : vector<16xi32>
        %ne3A_805 = arith.constant 5119 : i32
        %ne3A_806 = vector.broadcast %ne3A_805 : i32 to vector<16xi32>
        %ne3A_807 = arith.cmpi ne, %and3A_801, %ne3A_806 : vector<16xi32>
        %jit3A_808 = arith.constant 1.000000e+00 : f32
        %jit3A_809 = arith.constant 0.000000e+00 : f32
        %broadcast_in_dim3A_810 = vector.broadcast %jit3A_808 : f32 to vector<16xf32>
        %broadcast_in_dim3A_811 = vector.broadcast %jit3A_809 : f32 to vector<16xf32>
        %select_n3A_812 = arith.select %ne3A_807, %broadcast_in_dim3A_810, %broadcast_in_dim3A_811 : vector<16xi1>, vector<16xf32>
        %swap3A_813 = arith.constant 16 : index
        %swap3A_814 = tpu.vector_load %arg17[%swap3A_813] {strides = array<i32>} : memref<64xf32, #tpu.memory_space<vmem>>, vector<16xf32>,
        tpu.vector_store %arg17[%swap3A_813], %select_n3A_812 {strides = array<i32>} : memref<64xf32, #tpu.memory_space<vmem>>, vector<16xf32>,
        %swap3A_815 = arith.constant 16 : index
        %swap3A_816 = tpu.vector_load %arg15[%swap3A_815] {strides = array<i32>} : memref<64xi32, #tpu.memory_space<vmem>>, vector<16xi32>,
        tpu.vector_store %arg15[%swap3A_815], %and3A_801 {strides = array<i32>} : memref<64xi32, #tpu.memory_space<vmem>>, vector<16xi32>,
        %add3A_817 = vector.broadcast %mul3A_568 : i32 to vector<16xi32>
        %add3A_818 = arith.addi %shift_right_arithmetic3A_804, %add3A_817 : vector<16xi32>
        %swap3A_819 = arith.constant 16 : index
        %swap3A_820 = tpu.vector_load %arg13[%swap3A_819] {strides = array<i32>} : memref<64xi32, #tpu.memory_space<vmem>>, vector<16xi32>,
        tpu.vector_store %arg13[%swap3A_819], %add3A_818 {strides = array<i32>} : memref<64xi32, #tpu.memory_space<vmem>>, vector<16xi32>,
        %add3A_821 = vector.broadcast %mul3A_2 : i32 to vector<16xi32>
        %add3A_822 = arith.addi %and3A_801, %add3A_821 : vector<16xi32>
        %add3A_823 = vector.broadcast %mul3A_568 : i32 to vector<16xi32>
        %add3A_824 = arith.addi %add3A_822, %add3A_823 : vector<16xi32>
        %swap3A_825 = arith.constant 16 : index
        %swap3A_826 = tpu.vector_load %arg11[%swap3A_825] {strides = array<i32>} : memref<64xi32, #tpu.memory_space<vmem>>, vector<16xi32>,
        tpu.vector_store %arg11[%swap3A_825], %add3A_824 {strides = array<i32>} : memref<64xi32, #tpu.memory_space<vmem>>, vector<16xi32>,
        %get3A_827 = arith.constant 32 : index
        %get3A_828 = tpu.vector_load %arg9[%get3A_827] {strides = array<i32>} : memref<64xi32, #tpu.memory_space<vmem>>, vector<16xi32>,
        %and3A_829 = arith.constant 8191 : i32
        %and3A_830 = vector.broadcast %and3A_829 : i32 to vector<16xi32>
        %and3A_831 = arith.andi %get3A_828, %and3A_830 : vector<16xi32>
        %shift_right_arithmetic3A_832 = arith.constant 13 : i32
        %shift_right_arithmetic3A_833 = vector.broadcast %shift_right_arithmetic3A_832 : i32 to vector<16xi32>
        %shift_right_arithmetic3A_834 = arith.shrsi %get3A_828, %shift_right_arithmetic3A_833 : vector<16xi32>
        %ne3A_835 = arith.constant 5119 : i32
        %ne3A_836 = vector.broadcast %ne3A_835 : i32 to vector<16xi32>
        %ne3A_837 = arith.cmpi ne, %and3A_831, %ne3A_836 : vector<16xi32>
        %jit3A_838 = arith.constant 1.000000e+00 : f32
        %jit3A_839 = arith.constant 0.000000e+00 : f32
        %broadcast_in_dim3A_840 = vector.broadcast %jit3A_838 : f32 to vector<16xf32>
        %broadcast_in_dim3A_841 = vector.broadcast %jit3A_839 : f32 to vector<16xf32>
        %select_n3A_842 = arith.select %ne3A_837, %broadcast_in_dim3A_840, %broadcast_in_dim3A_841 : vector<16xi1>, vector<16xf32>
        %swap3A_843 = arith.constant 32 : index
        %swap3A_844 = tpu.vector_load %arg17[%swap3A_843] {strides = array<i32>} : memref<64xf32, #tpu.memory_space<vmem>>, vector<16xf32>,
        tpu.vector_store %arg17[%swap3A_843], %select_n3A_842 {strides = array<i32>} : memref<64xf32, #tpu.memory_space<vmem>>, vector<16xf32>,
        %swap3A_845 = arith.constant 32 : index
        %swap3A_846 = tpu.vector_load %arg15[%swap3A_845] {strides = array<i32>} : memref<64xi32, #tpu.memory_space<vmem>>, vector<16xi32>,
        tpu.vector_store %arg15[%swap3A_845], %and3A_831 {strides = array<i32>} : memref<64xi32, #tpu.memory_space<vmem>>, vector<16xi32>,
        %add3A_847 = vector.broadcast %mul3A_568 : i32 to vector<16xi32>
        %add3A_848 = arith.addi %shift_right_arithmetic3A_834, %add3A_847 : vector<16xi32>
        %swap3A_849 = arith.constant 32 : index
        %swap3A_850 = tpu.vector_load %arg13[%swap3A_849] {strides = array<i32>} : memref<64xi32, #tpu.memory_space<vmem>>, vector<16xi32>,
        tpu.vector_store %arg13[%swap3A_849], %add3A_848 {strides = array<i32>} : memref<64xi32, #tpu.memory_space<vmem>>, vector<16xi32>,
        %add3A_851 = vector.broadcast %mul3A_2 : i32 to vector<16xi32>
        %add3A_852 = arith.addi %and3A_831, %add3A_851 : vector<16xi32>
        %add3A_853 = vector.broadcast %mul3A_568 : i32 to vector<16xi32>
        %add3A_854 = arith.addi %add3A_852, %add3A_853 : vector<16xi32>
        %swap3A_855 = arith.constant 32 : index
        %swap3A_856 = tpu.vector_load %arg11[%swap3A_855] {strides = array<i32>} : memref<64xi32, #tpu.memory_space<vmem>>, vector<16xi32>,
        tpu.vector_store %arg11[%swap3A_855], %add3A_854 {strides = array<i32>} : memref<64xi32, #tpu.memory_space<vmem>>, vector<16xi32>,
        %get3A_857 = arith.constant 48 : index
        %get3A_858 = tpu.vector_load %arg9[%get3A_857] {strides = array<i32>} : memref<64xi32, #tpu.memory_space<vmem>>, vector<16xi32>,
        %and3A_859 = arith.constant 8191 : i32
        %and3A_860 = vector.broadcast %and3A_859 : i32 to vector<16xi32>
        %and3A_861 = arith.andi %get3A_858, %and3A_860 : vector<16xi32>
        %shift_right_arithmetic3A_862 = arith.constant 13 : i32
        %shift_right_arithmetic3A_863 = vector.broadcast %shift_right_arithmetic3A_862 : i32 to vector<16xi32>
        %shift_right_arithmetic3A_864 = arith.shrsi %get3A_858, %shift_right_arithmetic3A_863 : vector<16xi32>
        %ne3A_865 = arith.constant 5119 : i32
        %ne3A_866 = vector.broadcast %ne3A_865 : i32 to vector<16xi32>
        %ne3A_867 = arith.cmpi ne, %and3A_861, %ne3A_866 : vector<16xi32>
        %jit3A_868 = arith.constant 1.000000e+00 : f32
        %jit3A_869 = arith.constant 0.000000e+00 : f32
        %broadcast_in_dim3A_870 = vector.broadcast %jit3A_868 : f32 to vector<16xf32>
        %broadcast_in_dim3A_871 = vector.broadcast %jit3A_869 : f32 to vector<16xf32>
        %select_n3A_872 = arith.select %ne3A_867, %broadcast_in_dim3A_870, %broadcast_in_dim3A_871 : vector<16xi1>, vector<16xf32>
        %swap3A_873 = arith.constant 48 : index
        %swap3A_874 = tpu.vector_load %arg17[%swap3A_873] {strides = array<i32>} : memref<64xf32, #tpu.memory_space<vmem>>, vector<16xf32>,
        tpu.vector_store %arg17[%swap3A_873], %select_n3A_872 {strides = array<i32>} : memref<64xf32, #tpu.memory_space<vmem>>, vector<16xf32>,
        %swap3A_875 = arith.constant 48 : index
        %swap3A_876 = tpu.vector_load %arg15[%swap3A_875] {strides = array<i32>} : memref<64xi32, #tpu.memory_space<vmem>>, vector<16xi32>,
        tpu.vector_store %arg15[%swap3A_875], %and3A_861 {strides = array<i32>} : memref<64xi32, #tpu.memory_space<vmem>>, vector<16xi32>,
        %add3A_877 = vector.broadcast %mul3A_568 : i32 to vector<16xi32>
        %add3A_878 = arith.addi %shift_right_arithmetic3A_864, %add3A_877 : vector<16xi32>
        %swap3A_879 = arith.constant 48 : index
        %swap3A_880 = tpu.vector_load %arg13[%swap3A_879] {strides = array<i32>} : memref<64xi32, #tpu.memory_space<vmem>>, vector<16xi32>,
        tpu.vector_store %arg13[%swap3A_879], %add3A_878 {strides = array<i32>} : memref<64xi32, #tpu.memory_space<vmem>>, vector<16xi32>,
        %add3A_881 = vector.broadcast %mul3A_2 : i32 to vector<16xi32>
        %add3A_882 = arith.addi %and3A_861, %add3A_881 : vector<16xi32>
        %add3A_883 = vector.broadcast %mul3A_568 : i32 to vector<16xi32>
        %add3A_884 = arith.addi %add3A_882, %add3A_883 : vector<16xi32>
        %swap3A_885 = arith.constant 48 : index
        %swap3A_886 = tpu.vector_load %arg11[%swap3A_885] {strides = array<i32>} : memref<64xi32, #tpu.memory_space<vmem>>, vector<16xi32>,
        tpu.vector_store %arg11[%swap3A_885], %add3A_884 {strides = array<i32>} : memref<64xi32, #tpu.memory_space<vmem>>, vector<16xi32>,
        %dma_start3A_887 = arith.constant 0 : i32
        %dma_start3A_888 = arith.constant 0 : i32
        %dma_start3A_889 = tpu.memref_slice %arg6[%dma_start3A_887, %dma_start3A_888] : memref<20000x272xf32, #tpu.memory_space<hbm>> -> memref<20000x272xf32, #tpu.memory_space<hbm>>
        tpu.enqueue_indirect_dma source(%dma_start3A_889 : memref<20000x272xf32, #tpu.memory_space<hbm>>) target(%arg23 : memref<64x272xf32, #tpu.memory_space<vmem>>) offsets(%arg13 : memref<64xi32, #tpu.memory_space<vmem>>) semaphore(%arg30 : memref<!tpu.dma_semaphore, #tpu.memory_space<semaphore_mem>>)
        %dma_start3A_890 = arith.constant 0 : i32
        %dma_start3A_891 = arith.constant 0 : i32
        %dma_start3A_892 = tpu.memref_slice %arg4[%dma_start3A_890, %dma_start3A_891] : memref<20000x16xf32, #tpu.memory_space<hbm>> -> memref<20000x16xf32, #tpu.memory_space<hbm>>
        tpu.enqueue_indirect_dma source(%dma_start3A_892 : memref<20000x16xf32, #tpu.memory_space<hbm>>) target(%arg19 : memref<64x16xf32, #tpu.memory_space<vmem>>) offsets(%arg13 : memref<64xi32, #tpu.memory_space<vmem>>) semaphore(%arg32 : memref<!tpu.dma_semaphore, #tpu.memory_space<semaphore_mem>>)
        %dma_start3A_893 = arith.constant 0 : i32
        %dma_start3A_894 = arith.constant 0 : i32
        %dma_start3A_895 = tpu.memref_slice %arg5[%dma_start3A_893, %dma_start3A_894] : memref<20000x16xf32, #tpu.memory_space<hbm>> -> memref<20000x16xf32, #tpu.memory_space<hbm>>
        tpu.enqueue_indirect_dma source(%dma_start3A_895 : memref<20000x16xf32, #tpu.memory_space<hbm>>) target(%arg21 : memref<64x16xf32, #tpu.memory_space<vmem>>) offsets(%arg11 : memref<64xi32, #tpu.memory_space<vmem>>) semaphore(%arg34 : memref<!tpu.dma_semaphore, #tpu.memory_space<semaphore_mem>>)
        %dma_wait3A_896 = arith.constant 0 : i32
        %dma_wait3A_897 = arith.constant 0 : i32
        %dma_wait3A_898 = tpu.memref_slice %arg6[%dma_wait3A_896, %dma_wait3A_897] : memref<20000x272xf32, #tpu.memory_space<hbm>> -> memref<20000x272xf32, #tpu.memory_space<hbm>>
        tpu.wait_indirect_dma semaphore(%arg29 : memref<!tpu.dma_semaphore, #tpu.memory_space<semaphore_mem>>) src(%dma_wait3A_898 : memref<20000x272xf32, #tpu.memory_space<hbm>>) dst(%arg22 : memref<64x272xf32, #tpu.memory_space<vmem>>)
        %dma_wait3A_899 = arith.constant 0 : i32
        %dma_wait3A_900 = arith.constant 0 : i32
        %dma_wait3A_901 = tpu.memref_slice %arg4[%dma_wait3A_899, %dma_wait3A_900] : memref<20000x16xf32, #tpu.memory_space<hbm>> -> memref<20000x16xf32, #tpu.memory_space<hbm>>
        tpu.wait_indirect_dma semaphore(%arg31 : memref<!tpu.dma_semaphore, #tpu.memory_space<semaphore_mem>>) src(%dma_wait3A_901 : memref<20000x16xf32, #tpu.memory_space<hbm>>) dst(%arg18 : memref<64x16xf32, #tpu.memory_space<vmem>>)
        %dma_wait3A_902 = arith.constant 0 : i32
        %dma_wait3A_903 = arith.constant 0 : i32
        %dma_wait3A_904 = tpu.memref_slice %arg5[%dma_wait3A_902, %dma_wait3A_903] : memref<20000x16xf32, #tpu.memory_space<hbm>> -> memref<20000x16xf32, #tpu.memory_space<hbm>>
        tpu.wait_indirect_dma semaphore(%arg33 : memref<!tpu.dma_semaphore, #tpu.memory_space<semaphore_mem>>) src(%dma_wait3A_904 : memref<20000x16xf32, #tpu.memory_space<hbm>>) dst(%arg20 : memref<64x16xf32, #tpu.memory_space<vmem>>)
        %scan3A_905 = arith.constant 0 : i32
        %scan3A_906 = arith.constant 0 : i32
        %scan3A_907 = arith.constant 64 : i32
        %scan3A_908 = arith.addi %scan3A_906, %scan3A_907 : i32
        %scan3A_909 = arith.constant 1 : i32
        scf.for %scan3A_1062 = %scan3A_906 to %scan3A_908 step %scan3A_909  : i32 {
          %get3A_1063 = arith.index_cast %scan3A_1062 : i32 to index
          %get3A_1064 = arith.constant 0 : index
          %get3A_1065 = tpu.vector_load %arg18[%get3A_1063, %get3A_1064] {strides = array<i32>} : memref<64x16xf32, #tpu.memory_space<vmem>>, vector<16xf32>,
          %get3A_1066 = arith.index_cast %scan3A_1062 : i32 to index
          %get3A_1067 = arith.constant 0 : index
          %get3A_1068 = tpu.vector_load %arg20[%get3A_1066, %get3A_1067] {strides = array<i32>} : memref<64x16xf32, #tpu.memory_space<vmem>>, vector<16xf32>,
          %add3A_1069 = arith.addf %get3A_1065, %get3A_1068 : vector<16xf32>
          %ge3A = arith.constant 0.000000e+00 : f32
          %ge3A_1070 = vector.broadcast %ge3A : f32 to vector<16xf32>
          %ge3A_1071 = arith.cmpf oge, %add3A_1069, %ge3A_1070 : vector<16xf32>
          %mul3A_1072 = arith.constant 2.000000e-01 : f32
          %mul3A_1073 = vector.broadcast %mul3A_1072 : f32 to vector<16xf32>
          %mul3A_1074 = arith.mulf %mul3A_1073, %add3A_1069 : vector<16xf32>
          %select_n3A_1075 = arith.select %ge3A_1071, %add3A_1069, %mul3A_1074 : vector<16xi1>, vector<16xf32>
          %broadcast_in_dim3A_1076 = arith.constant 0 : i32
          %broadcast_in_dim3A_1077 = vector.broadcast %broadcast_in_dim3A_1076 : i32 to vector<16xi32>
          %add3A_1078 = vector.broadcast %scan3A_1062 : i32 to vector<16xi32>
          %add3A_1079 = arith.addi %broadcast_in_dim3A_1077, %add3A_1078 : vector<16xi32>
          %gather3A = tpu.vector_load_idx %arg16[%add3A_1079] : memref<64xf32, #tpu.memory_space<vmem>>[vector<16xi32>], vector<16xf32>,
          %exp3A = math.exp %select_n3A_1075 : vector<16xf32>
          %mul3A_1080 = arith.mulf %exp3A, %gather3A : vector<16xf32>
          %get3A_1081 = arith.index_cast %scan3A_1062 : i32 to index
          %get3A_1082 = arith.constant 0 : index
          %get3A_1083 = tpu.vector_load %arg22[%get3A_1081, %get3A_1082] {strides = array<i32>} : memref<64x272xf32, #tpu.memory_space<vmem>>, vector<16xf32>,
          %mul3A_1084 = arith.mulf %get3A_1083, %mul3A_1080 : vector<16xf32>
          %swap3A_1085 = arith.index_cast %scan3A_1062 : i32 to index
          %swap3A_1086 = arith.constant 0 : index
          %swap3A_1087 = tpu.vector_load %arg22[%swap3A_1085, %swap3A_1086] {strides = array<i32>} : memref<64x272xf32, #tpu.memory_space<vmem>>, vector<16xf32>,
          tpu.vector_store %arg22[%swap3A_1085, %swap3A_1086], %mul3A_1084 {strides = array<i32>} : memref<64x272xf32, #tpu.memory_space<vmem>>, vector<16xf32>,
          %get3A_1088 = arith.index_cast %scan3A_1062 : i32 to index
          %get3A_1089 = arith.constant 16 : index
          %get3A_1090 = tpu.vector_load %arg22[%get3A_1088, %get3A_1089] {strides = array<i32>} : memref<64x272xf32, #tpu.memory_space<vmem>>, vector<16xf32>,
          %mul3A_1091 = arith.mulf %get3A_1090, %mul3A_1080 : vector<16xf32>
          %swap3A_1092 = arith.index_cast %scan3A_1062 : i32 to index
          %swap3A_1093 = arith.constant 16 : index
          %swap3A_1094 = tpu.vector_load %arg22[%swap3A_1092, %swap3A_1093] {strides = array<i32>} : memref<64x272xf32, #tpu.memory_space<vmem>>, vector<16xf32>,
          tpu.vector_store %arg22[%swap3A_1092, %swap3A_1093], %mul3A_1091 {strides = array<i32>} : memref<64x272xf32, #tpu.memory_space<vmem>>, vector<16xf32>,
          %get3A_1095 = arith.index_cast %scan3A_1062 : i32 to index
          %get3A_1096 = arith.constant 32 : index
          %get3A_1097 = tpu.vector_load %arg22[%get3A_1095, %get3A_1096] {strides = array<i32>} : memref<64x272xf32, #tpu.memory_space<vmem>>, vector<16xf32>,
          %mul3A_1098 = arith.mulf %get3A_1097, %mul3A_1080 : vector<16xf32>
          %swap3A_1099 = arith.index_cast %scan3A_1062 : i32 to index
          %swap3A_1100 = arith.constant 32 : index
          %swap3A_1101 = tpu.vector_load %arg22[%swap3A_1099, %swap3A_1100] {strides = array<i32>} : memref<64x272xf32, #tpu.memory_space<vmem>>, vector<16xf32>,
          tpu.vector_store %arg22[%swap3A_1099, %swap3A_1100], %mul3A_1098 {strides = array<i32>} : memref<64x272xf32, #tpu.memory_space<vmem>>, vector<16xf32>,
          %get3A_1102 = arith.index_cast %scan3A_1062 : i32 to index
          %get3A_1103 = arith.constant 48 : index
          %get3A_1104 = tpu.vector_load %arg22[%get3A_1102, %get3A_1103] {strides = array<i32>} : memref<64x272xf32, #tpu.memory_space<vmem>>, vector<16xf32>,
          %mul3A_1105 = arith.mulf %get3A_1104, %mul3A_1080 : vector<16xf32>
          %swap3A_1106 = arith.index_cast %scan3A_1062 : i32 to index
          %swap3A_1107 = arith.constant 48 : index
          %swap3A_1108 = tpu.vector_load %arg22[%swap3A_1106, %swap3A_1107] {strides = array<i32>} : memref<64x272xf32, #tpu.memory_space<vmem>>, vector<16xf32>,
          tpu.vector_store %arg22[%swap3A_1106, %swap3A_1107], %mul3A_1105 {strides = array<i32>} : memref<64x272xf32, #tpu.memory_space<vmem>>, vector<16xf32>,
          %get3A_1109 = arith.index_cast %scan3A_1062 : i32 to index
          %get3A_1110 = arith.constant 64 : index
          %get3A_1111 = tpu.vector_load %arg22[%get3A_1109, %get3A_1110] {strides = array<i32>} : memref<64x272xf32, #tpu.memory_space<vmem>>, vector<16xf32>,
          %mul3A_1112 = arith.mulf %get3A_1111, %mul3A_1080 : vector<16xf32>
          %swap3A_1113 = arith.index_cast %scan3A_1062 : i32 to index
          %swap3A_1114 = arith.constant 64 : index
          %swap3A_1115 = tpu.vector_load %arg22[%swap3A_1113, %swap3A_1114] {strides = array<i32>} : memref<64x272xf32, #tpu.memory_space<vmem>>, vector<16xf32>,
          tpu.vector_store %arg22[%swap3A_1113, %swap3A_1114], %mul3A_1112 {strides = array<i32>} : memref<64x272xf32, #tpu.memory_space<vmem>>, vector<16xf32>,
          %get3A_1116 = arith.index_cast %scan3A_1062 : i32 to index
          %get3A_1117 = arith.constant 80 : index
          %get3A_1118 = tpu.vector_load %arg22[%get3A_1116, %get3A_1117] {strides = array<i32>} : memref<64x272xf32, #tpu.memory_space<vmem>>, vector<16xf32>,
          %mul3A_1119 = arith.mulf %get3A_1118, %mul3A_1080 : vector<16xf32>
          %swap3A_1120 = arith.index_cast %scan3A_1062 : i32 to index
          %swap3A_1121 = arith.constant 80 : index
          %swap3A_1122 = tpu.vector_load %arg22[%swap3A_1120, %swap3A_1121] {strides = array<i32>} : memref<64x272xf32, #tpu.memory_space<vmem>>, vector<16xf32>,
          tpu.vector_store %arg22[%swap3A_1120, %swap3A_1121], %mul3A_1119 {strides = array<i32>} : memref<64x272xf32, #tpu.memory_space<vmem>>, vector<16xf32>,
          %get3A_1123 = arith.index_cast %scan3A_1062 : i32 to index
          %get3A_1124 = arith.constant 96 : index
          %get3A_1125 = tpu.vector_load %arg22[%get3A_1123, %get3A_1124] {strides = array<i32>} : memref<64x272xf32, #tpu.memory_space<vmem>>, vector<16xf32>,
          %mul3A_1126 = arith.mulf %get3A_1125, %mul3A_1080 : vector<16xf32>
          %swap3A_1127 = arith.index_cast %scan3A_1062 : i32 to index
          %swap3A_1128 = arith.constant 96 : index
          %swap3A_1129 = tpu.vector_load %arg22[%swap3A_1127, %swap3A_1128] {strides = array<i32>} : memref<64x272xf32, #tpu.memory_space<vmem>>, vector<16xf32>,
          tpu.vector_store %arg22[%swap3A_1127, %swap3A_1128], %mul3A_1126 {strides = array<i32>} : memref<64x272xf32, #tpu.memory_space<vmem>>, vector<16xf32>,
          %get3A_1130 = arith.index_cast %scan3A_1062 : i32 to index
          %get3A_1131 = arith.constant 112 : index
          %get3A_1132 = tpu.vector_load %arg22[%get3A_1130, %get3A_1131] {strides = array<i32>} : memref<64x272xf32, #tpu.memory_space<vmem>>, vector<16xf32>,
          %mul3A_1133 = arith.mulf %get3A_1132, %mul3A_1080 : vector<16xf32>
          %swap3A_1134 = arith.index_cast %scan3A_1062 : i32 to index
          %swap3A_1135 = arith.constant 112 : index
          %swap3A_1136 = tpu.vector_load %arg22[%swap3A_1134, %swap3A_1135] {strides = array<i32>} : memref<64x272xf32, #tpu.memory_space<vmem>>, vector<16xf32>,
          tpu.vector_store %arg22[%swap3A_1134, %swap3A_1135], %mul3A_1133 {strides = array<i32>} : memref<64x272xf32, #tpu.memory_space<vmem>>, vector<16xf32>,
          %get3A_1137 = arith.index_cast %scan3A_1062 : i32 to index
          %get3A_1138 = arith.constant 128 : index
          %get3A_1139 = tpu.vector_load %arg22[%get3A_1137, %get3A_1138] {strides = array<i32>} : memref<64x272xf32, #tpu.memory_space<vmem>>, vector<16xf32>,
          %mul3A_1140 = arith.mulf %get3A_1139, %mul3A_1080 : vector<16xf32>
          %swap3A_1141 = arith.index_cast %scan3A_1062 : i32 to index
          %swap3A_1142 = arith.constant 128 : index
          %swap3A_1143 = tpu.vector_load %arg22[%swap3A_1141, %swap3A_1142] {strides = array<i32>} : memref<64x272xf32, #tpu.memory_space<vmem>>, vector<16xf32>,
          tpu.vector_store %arg22[%swap3A_1141, %swap3A_1142], %mul3A_1140 {strides = array<i32>} : memref<64x272xf32, #tpu.memory_space<vmem>>, vector<16xf32>,
          %get3A_1144 = arith.index_cast %scan3A_1062 : i32 to index
          %get3A_1145 = arith.constant 144 : index
          %get3A_1146 = tpu.vector_load %arg22[%get3A_1144, %get3A_1145] {strides = array<i32>} : memref<64x272xf32, #tpu.memory_space<vmem>>, vector<16xf32>,
          %mul3A_1147 = arith.mulf %get3A_1146, %mul3A_1080 : vector<16xf32>
          %swap3A_1148 = arith.index_cast %scan3A_1062 : i32 to index
          %swap3A_1149 = arith.constant 144 : index
          %swap3A_1150 = tpu.vector_load %arg22[%swap3A_1148, %swap3A_1149] {strides = array<i32>} : memref<64x272xf32, #tpu.memory_space<vmem>>, vector<16xf32>,
          tpu.vector_store %arg22[%swap3A_1148, %swap3A_1149], %mul3A_1147 {strides = array<i32>} : memref<64x272xf32, #tpu.memory_space<vmem>>, vector<16xf32>,
          %get3A_1151 = arith.index_cast %scan3A_1062 : i32 to index
          %get3A_1152 = arith.constant 160 : index
          %get3A_1153 = tpu.vector_load %arg22[%get3A_1151, %get3A_1152] {strides = array<i32>} : memref<64x272xf32, #tpu.memory_space<vmem>>, vector<16xf32>,
          %mul3A_1154 = arith.mulf %get3A_1153, %mul3A_1080 : vector<16xf32>
          %swap3A_1155 = arith.index_cast %scan3A_1062 : i32 to index
          %swap3A_1156 = arith.constant 160 : index
          %swap3A_1157 = tpu.vector_load %arg22[%swap3A_1155, %swap3A_1156] {strides = array<i32>} : memref<64x272xf32, #tpu.memory_space<vmem>>, vector<16xf32>,
          tpu.vector_store %arg22[%swap3A_1155, %swap3A_1156], %mul3A_1154 {strides = array<i32>} : memref<64x272xf32, #tpu.memory_space<vmem>>, vector<16xf32>,
          %get3A_1158 = arith.index_cast %scan3A_1062 : i32 to index
          %get3A_1159 = arith.constant 176 : index
          %get3A_1160 = tpu.vector_load %arg22[%get3A_1158, %get3A_1159] {strides = array<i32>} : memref<64x272xf32, #tpu.memory_space<vmem>>, vector<16xf32>,
          %mul3A_1161 = arith.mulf %get3A_1160, %mul3A_1080 : vector<16xf32>
          %swap3A_1162 = arith.index_cast %scan3A_1062 : i32 to index
          %swap3A_1163 = arith.constant 176 : index
          %swap3A_1164 = tpu.vector_load %arg22[%swap3A_1162, %swap3A_1163] {strides = array<i32>} : memref<64x272xf32, #tpu.memory_space<vmem>>, vector<16xf32>,
          tpu.vector_store %arg22[%swap3A_1162, %swap3A_1163], %mul3A_1161 {strides = array<i32>} : memref<64x272xf32, #tpu.memory_space<vmem>>, vector<16xf32>,
          %get3A_1165 = arith.index_cast %scan3A_1062 : i32 to index
          %get3A_1166 = arith.constant 192 : index
          %get3A_1167 = tpu.vector_load %arg22[%get3A_1165, %get3A_1166] {strides = array<i32>} : memref<64x272xf32, #tpu.memory_space<vmem>>, vector<16xf32>,
          %mul3A_1168 = arith.mulf %get3A_1167, %mul3A_1080 : vector<16xf32>
          %swap3A_1169 = arith.index_cast %scan3A_1062 : i32 to index
          %swap3A_1170 = arith.constant 192 : index
          %swap3A_1171 = tpu.vector_load %arg22[%swap3A_1169, %swap3A_1170] {strides = array<i32>} : memref<64x272xf32, #tpu.memory_space<vmem>>, vector<16xf32>,
          tpu.vector_store %arg22[%swap3A_1169, %swap3A_1170], %mul3A_1168 {strides = array<i32>} : memref<64x272xf32, #tpu.memory_space<vmem>>, vector<16xf32>,
          %get3A_1172 = arith.index_cast %scan3A_1062 : i32 to index
          %get3A_1173 = arith.constant 208 : index
          %get3A_1174 = tpu.vector_load %arg22[%get3A_1172, %get3A_1173] {strides = array<i32>} : memref<64x272xf32, #tpu.memory_space<vmem>>, vector<16xf32>,
          %mul3A_1175 = arith.mulf %get3A_1174, %mul3A_1080 : vector<16xf32>
          %swap3A_1176 = arith.index_cast %scan3A_1062 : i32 to index
          %swap3A_1177 = arith.constant 208 : index
          %swap3A_1178 = tpu.vector_load %arg22[%swap3A_1176, %swap3A_1177] {strides = array<i32>} : memref<64x272xf32, #tpu.memory_space<vmem>>, vector<16xf32>,
          tpu.vector_store %arg22[%swap3A_1176, %swap3A_1177], %mul3A_1175 {strides = array<i32>} : memref<64x272xf32, #tpu.memory_space<vmem>>, vector<16xf32>,
          %get3A_1179 = arith.index_cast %scan3A_1062 : i32 to index
          %get3A_1180 = arith.constant 224 : index
          %get3A_1181 = tpu.vector_load %arg22[%get3A_1179, %get3A_1180] {strides = array<i32>} : memref<64x272xf32, #tpu.memory_space<vmem>>, vector<16xf32>,
          %mul3A_1182 = arith.mulf %get3A_1181, %mul3A_1080 : vector<16xf32>
          %swap3A_1183 = arith.index_cast %scan3A_1062 : i32 to index
          %swap3A_1184 = arith.constant 224 : index
          %swap3A_1185 = tpu.vector_load %arg22[%swap3A_1183, %swap3A_1184] {strides = array<i32>} : memref<64x272xf32, #tpu.memory_space<vmem>>, vector<16xf32>,
          tpu.vector_store %arg22[%swap3A_1183, %swap3A_1184], %mul3A_1182 {strides = array<i32>} : memref<64x272xf32, #tpu.memory_space<vmem>>, vector<16xf32>,
          %get3A_1186 = arith.index_cast %scan3A_1062 : i32 to index
          %get3A_1187 = arith.constant 240 : index
          %get3A_1188 = tpu.vector_load %arg22[%get3A_1186, %get3A_1187] {strides = array<i32>} : memref<64x272xf32, #tpu.memory_space<vmem>>, vector<16xf32>,
          %mul3A_1189 = arith.mulf %get3A_1188, %mul3A_1080 : vector<16xf32>
          %swap3A_1190 = arith.index_cast %scan3A_1062 : i32 to index
          %swap3A_1191 = arith.constant 240 : index
          %swap3A_1192 = tpu.vector_load %arg22[%swap3A_1190, %swap3A_1191] {strides = array<i32>} : memref<64x272xf32, #tpu.memory_space<vmem>>, vector<16xf32>,
          tpu.vector_store %arg22[%swap3A_1190, %swap3A_1191], %mul3A_1189 {strides = array<i32>} : memref<64x272xf32, #tpu.memory_space<vmem>>, vector<16xf32>,
          %get3A_1193 = arith.index_cast %scan3A_1062 : i32 to index
          %get3A_1194 = arith.constant 256 : index
          %get3A_1195 = tpu.vector_load %arg22[%get3A_1193, %get3A_1194] {strides = array<i32>} : memref<64x272xf32, #tpu.memory_space<vmem>>, vector<16xf32>,
          %mul3A_1196 = arith.mulf %get3A_1195, %mul3A_1080 : vector<16xf32>
          %swap3A_1197 = arith.index_cast %scan3A_1062 : i32 to index
          %swap3A_1198 = arith.constant 256 : index
          %swap3A_1199 = tpu.vector_load %arg22[%swap3A_1197, %swap3A_1198] {strides = array<i32>} : memref<64x272xf32, #tpu.memory_space<vmem>>, vector<16xf32>,
          tpu.vector_store %arg22[%swap3A_1197, %swap3A_1198], %mul3A_1196 {strides = array<i32>} : memref<64x272xf32, #tpu.memory_space<vmem>>, vector<16xf32>,
        }
        %scan3A_910 = arith.constant 64 : i32
        "tpu.region"() ({
          %run_scoped3A = tpu.sem_alloc : memref<!tpu.dma_semaphore, #tpu.memory_space<semaphore_mem>>
          %dma_start3A_1062 = arith.constant 0 : i32
          %dma_start3A_1063 = arith.constant 0 : i32
          %dma_start3A_1064 = tpu.memref_slice %arg28[%dma_start3A_1062, %dma_start3A_1063] : memref<5120x272xf32, #tpu.memory_space<vmem_shared>> -> memref<5120x272xf32, #tpu.memory_space<vmem_shared>>
          tpu.enqueue_indirect_dma source(%arg22 : memref<64x272xf32, #tpu.memory_space<vmem>>) target(%dma_start3A_1064 : memref<5120x272xf32, #tpu.memory_space<vmem_shared>>) offsets(%arg14 : memref<64xi32, #tpu.memory_space<vmem>>) semaphore(%run_scoped3A : memref<!tpu.dma_semaphore, #tpu.memory_space<semaphore_mem>>) {add = true}
          %dma_wait3A_1065 = arith.constant 0 : i32
          %dma_wait3A_1066 = arith.constant 0 : i32
          %dma_wait3A_1067 = tpu.memref_slice %arg28[%dma_wait3A_1065, %dma_wait3A_1066] : memref<5120x272xf32, #tpu.memory_space<vmem_shared>> -> memref<5120x272xf32, #tpu.memory_space<vmem_shared>>
          tpu.wait_indirect_dma semaphore(%run_scoped3A : memref<!tpu.dma_semaphore, #tpu.memory_space<semaphore_mem>>) src(%arg22 : memref<64x272xf32, #tpu.memory_space<vmem>>) dst(%dma_wait3A_1067 : memref<5120x272xf32, #tpu.memory_space<vmem_shared>>)
          tpu.yield
        }) : () -> ()
        %add3A_911 = arith.constant 2 : i32
        %add3A_912 = arith.addi %mul3A_760, %add3A_911 : i32
        %min3A_913 = arith.minsi %add3A_912, %select_n3A_545 : i32
        %mul3A_914 = arith.constant 64 : i32
        %mul3A_915 = arith.muli %min3A_913, %mul3A_914 : i32
        %add3A_916 = arith.addi %mul3A_6, %mul3A_915 : i32
        %multiple_of3A_917 = tpu.assume_multiple %add3A_916, 8 : i32
        "tpu.region"() ({
          %run_scoped3A = tpu.sem_alloc : memref<!tpu.dma_semaphore, #tpu.memory_space<semaphore_mem>>
          %dma_start3A_1062 = tpu.memref_slice %arg27[%multiple_of3A_917] : memref<688128xi32, #tpu.memory_space<hbm>> -> memref<64xi32, #tpu.memory_space<hbm>>
          %dma_start3A_1063 = tpu.memref_slice %arg27[%multiple_of3A_917] : memref<688128xi32, #tpu.memory_space<hbm>> -> memref<64xi32, #tpu.memory_space<hbm>>
          tpu.enqueue_dma source(%dma_start3A_1063 : memref<64xi32, #tpu.memory_space<hbm>>) target(%arg8 : memref<64xi32, #tpu.memory_space<vmem>>) target_semaphore(%run_scoped3A : memref<!tpu.dma_semaphore, #tpu.memory_space<semaphore_mem>>)
          %dma_wait3A_1064 = tpu.memref_slice %arg27[%multiple_of3A_917] : memref<688128xi32, #tpu.memory_space<hbm>> -> memref<64xi32, #tpu.memory_space<hbm>>
          %dma_wait3A_1065 = tpu.memref_slice %arg27[%multiple_of3A_917] : memref<688128xi32, #tpu.memory_space<hbm>> -> memref<64xi32, #tpu.memory_space<hbm>>
          tpu.wait_dma2 semaphore(%run_scoped3A : memref<!tpu.dma_semaphore, #tpu.memory_space<semaphore_mem>>) src(%dma_wait3A_1065 : memref<64xi32, #tpu.memory_space<hbm>>) dst(%arg8 : memref<64xi32, #tpu.memory_space<vmem>>)
          tpu.yield
        }) : () -> ()
        %get3A_918 = arith.constant 0 : index
        %get3A_919 = tpu.vector_load %arg8[%get3A_918] {strides = array<i32>} : memref<64xi32, #tpu.memory_space<vmem>>, vector<16xi32>,
        %and3A_920 = arith.constant 8191 : i32
        %and3A_921 = vector.broadcast %and3A_920 : i32 to vector<16xi32>
        %and3A_922 = arith.andi %get3A_919, %and3A_921 : vector<16xi32>
        %shift_right_arithmetic3A_923 = arith.constant 13 : i32
        %shift_right_arithmetic3A_924 = vector.broadcast %shift_right_arithmetic3A_923 : i32 to vector<16xi32>
        %shift_right_arithmetic3A_925 = arith.shrsi %get3A_919, %shift_right_arithmetic3A_924 : vector<16xi32>
        %ne3A_926 = arith.constant 5119 : i32
        %ne3A_927 = vector.broadcast %ne3A_926 : i32 to vector<16xi32>
        %ne3A_928 = arith.cmpi ne, %and3A_922, %ne3A_927 : vector<16xi32>
        %jit3A_929 = arith.constant 1.000000e+00 : f32
        %jit3A_930 = arith.constant 0.000000e+00 : f32
        %broadcast_in_dim3A_931 = vector.broadcast %jit3A_929 : f32 to vector<16xf32>
        %broadcast_in_dim3A_932 = vector.broadcast %jit3A_930 : f32 to vector<16xf32>
        %select_n3A_933 = arith.select %ne3A_928, %broadcast_in_dim3A_931, %broadcast_in_dim3A_932 : vector<16xi1>, vector<16xf32>
        %swap3A_934 = arith.constant 0 : index
        %swap3A_935 = tpu.vector_load %arg16[%swap3A_934] {strides = array<i32>} : memref<64xf32, #tpu.memory_space<vmem>>, vector<16xf32>,
        tpu.vector_store %arg16[%swap3A_934], %select_n3A_933 {strides = array<i32>} : memref<64xf32, #tpu.memory_space<vmem>>, vector<16xf32>,
        %swap3A_936 = arith.constant 0 : index
        %swap3A_937 = tpu.vector_load %arg14[%swap3A_936] {strides = array<i32>} : memref<64xi32, #tpu.memory_space<vmem>>, vector<16xi32>,
        tpu.vector_store %arg14[%swap3A_936], %and3A_922 {strides = array<i32>} : memref<64xi32, #tpu.memory_space<vmem>>, vector<16xi32>,
        %add3A_938 = vector.broadcast %mul3A_568 : i32 to vector<16xi32>
        %add3A_939 = arith.addi %shift_right_arithmetic3A_925, %add3A_938 : vector<16xi32>
        %swap3A_940 = arith.constant 0 : index
        %swap3A_941 = tpu.vector_load %arg12[%swap3A_940] {strides = array<i32>} : memref<64xi32, #tpu.memory_space<vmem>>, vector<16xi32>,
        tpu.vector_store %arg12[%swap3A_940], %add3A_939 {strides = array<i32>} : memref<64xi32, #tpu.memory_space<vmem>>, vector<16xi32>,
        %add3A_942 = vector.broadcast %mul3A_2 : i32 to vector<16xi32>
        %add3A_943 = arith.addi %and3A_922, %add3A_942 : vector<16xi32>
        %add3A_944 = vector.broadcast %mul3A_568 : i32 to vector<16xi32>
        %add3A_945 = arith.addi %add3A_943, %add3A_944 : vector<16xi32>
        %swap3A_946 = arith.constant 0 : index
        %swap3A_947 = tpu.vector_load %arg10[%swap3A_946] {strides = array<i32>} : memref<64xi32, #tpu.memory_space<vmem>>, vector<16xi32>,
        tpu.vector_store %arg10[%swap3A_946], %add3A_945 {strides = array<i32>} : memref<64xi32, #tpu.memory_space<vmem>>, vector<16xi32>,
        %get3A_948 = arith.constant 16 : index
        %get3A_949 = tpu.vector_load %arg8[%get3A_948] {strides = array<i32>} : memref<64xi32, #tpu.memory_space<vmem>>, vector<16xi32>,
        %and3A_950 = arith.constant 8191 : i32
        %and3A_951 = vector.broadcast %and3A_950 : i32 to vector<16xi32>
        %and3A_952 = arith.andi %get3A_949, %and3A_951 : vector<16xi32>
        %shift_right_arithmetic3A_953 = arith.constant 13 : i32
        %shift_right_arithmetic3A_954 = vector.broadcast %shift_right_arithmetic3A_953 : i32 to vector<16xi32>
        %shift_right_arithmetic3A_955 = arith.shrsi %get3A_949, %shift_right_arithmetic3A_954 : vector<16xi32>
        %ne3A_956 = arith.constant 5119 : i32
        %ne3A_957 = vector.broadcast %ne3A_956 : i32 to vector<16xi32>
        %ne3A_958 = arith.cmpi ne, %and3A_952, %ne3A_957 : vector<16xi32>
        %jit3A_959 = arith.constant 1.000000e+00 : f32
        %jit3A_960 = arith.constant 0.000000e+00 : f32
        %broadcast_in_dim3A_961 = vector.broadcast %jit3A_959 : f32 to vector<16xf32>
        %broadcast_in_dim3A_962 = vector.broadcast %jit3A_960 : f32 to vector<16xf32>
        %select_n3A_963 = arith.select %ne3A_958, %broadcast_in_dim3A_961, %broadcast_in_dim3A_962 : vector<16xi1>, vector<16xf32>
        %swap3A_964 = arith.constant 16 : index
        %swap3A_965 = tpu.vector_load %arg16[%swap3A_964] {strides = array<i32>} : memref<64xf32, #tpu.memory_space<vmem>>, vector<16xf32>,
        tpu.vector_store %arg16[%swap3A_964], %select_n3A_963 {strides = array<i32>} : memref<64xf32, #tpu.memory_space<vmem>>, vector<16xf32>,
        %swap3A_966 = arith.constant 16 : index
        %swap3A_967 = tpu.vector_load %arg14[%swap3A_966] {strides = array<i32>} : memref<64xi32, #tpu.memory_space<vmem>>, vector<16xi32>,
        tpu.vector_store %arg14[%swap3A_966], %and3A_952 {strides = array<i32>} : memref<64xi32, #tpu.memory_space<vmem>>, vector<16xi32>,
        %add3A_968 = vector.broadcast %mul3A_568 : i32 to vector<16xi32>
        %add3A_969 = arith.addi %shift_right_arithmetic3A_955, %add3A_968 : vector<16xi32>
        %swap3A_970 = arith.constant 16 : index
        %swap3A_971 = tpu.vector_load %arg12[%swap3A_970] {strides = array<i32>} : memref<64xi32, #tpu.memory_space<vmem>>, vector<16xi32>,
        tpu.vector_store %arg12[%swap3A_970], %add3A_969 {strides = array<i32>} : memref<64xi32, #tpu.memory_space<vmem>>, vector<16xi32>,
        %add3A_972 = vector.broadcast %mul3A_2 : i32 to vector<16xi32>
        %add3A_973 = arith.addi %and3A_952, %add3A_972 : vector<16xi32>
        %add3A_974 = vector.broadcast %mul3A_568 : i32 to vector<16xi32>
        %add3A_975 = arith.addi %add3A_973, %add3A_974 : vector<16xi32>
        %swap3A_976 = arith.constant 16 : index
        %swap3A_977 = tpu.vector_load %arg10[%swap3A_976] {strides = array<i32>} : memref<64xi32, #tpu.memory_space<vmem>>, vector<16xi32>,
        tpu.vector_store %arg10[%swap3A_976], %add3A_975 {strides = array<i32>} : memref<64xi32, #tpu.memory_space<vmem>>, vector<16xi32>,
        %get3A_978 = arith.constant 32 : index
        %get3A_979 = tpu.vector_load %arg8[%get3A_978] {strides = array<i32>} : memref<64xi32, #tpu.memory_space<vmem>>, vector<16xi32>,
        %and3A_980 = arith.constant 8191 : i32
        %and3A_981 = vector.broadcast %and3A_980 : i32 to vector<16xi32>
        %and3A_982 = arith.andi %get3A_979, %and3A_981 : vector<16xi32>
        %shift_right_arithmetic3A_983 = arith.constant 13 : i32
        %shift_right_arithmetic3A_984 = vector.broadcast %shift_right_arithmetic3A_983 : i32 to vector<16xi32>
        %shift_right_arithmetic3A_985 = arith.shrsi %get3A_979, %shift_right_arithmetic3A_984 : vector<16xi32>
        %ne3A_986 = arith.constant 5119 : i32
        %ne3A_987 = vector.broadcast %ne3A_986 : i32 to vector<16xi32>
        %ne3A_988 = arith.cmpi ne, %and3A_982, %ne3A_987 : vector<16xi32>
        %jit3A_989 = arith.constant 1.000000e+00 : f32
        %jit3A_990 = arith.constant 0.000000e+00 : f32
        %broadcast_in_dim3A_991 = vector.broadcast %jit3A_989 : f32 to vector<16xf32>
        %broadcast_in_dim3A_992 = vector.broadcast %jit3A_990 : f32 to vector<16xf32>
        %select_n3A_993 = arith.select %ne3A_988, %broadcast_in_dim3A_991, %broadcast_in_dim3A_992 : vector<16xi1>, vector<16xf32>
        %swap3A_994 = arith.constant 32 : index
        %swap3A_995 = tpu.vector_load %arg16[%swap3A_994] {strides = array<i32>} : memref<64xf32, #tpu.memory_space<vmem>>, vector<16xf32>,
        tpu.vector_store %arg16[%swap3A_994], %select_n3A_993 {strides = array<i32>} : memref<64xf32, #tpu.memory_space<vmem>>, vector<16xf32>,
        %swap3A_996 = arith.constant 32 : index
        %swap3A_997 = tpu.vector_load %arg14[%swap3A_996] {strides = array<i32>} : memref<64xi32, #tpu.memory_space<vmem>>, vector<16xi32>,
        tpu.vector_store %arg14[%swap3A_996], %and3A_982 {strides = array<i32>} : memref<64xi32, #tpu.memory_space<vmem>>, vector<16xi32>,
        %add3A_998 = vector.broadcast %mul3A_568 : i32 to vector<16xi32>
        %add3A_999 = arith.addi %shift_right_arithmetic3A_985, %add3A_998 : vector<16xi32>
        %swap3A_1000 = arith.constant 32 : index
        %swap3A_1001 = tpu.vector_load %arg12[%swap3A_1000] {strides = array<i32>} : memref<64xi32, #tpu.memory_space<vmem>>, vector<16xi32>,
        tpu.vector_store %arg12[%swap3A_1000], %add3A_999 {strides = array<i32>} : memref<64xi32, #tpu.memory_space<vmem>>, vector<16xi32>,
        %add3A_1002 = vector.broadcast %mul3A_2 : i32 to vector<16xi32>
        %add3A_1003 = arith.addi %and3A_982, %add3A_1002 : vector<16xi32>
        %add3A_1004 = vector.broadcast %mul3A_568 : i32 to vector<16xi32>
        %add3A_1005 = arith.addi %add3A_1003, %add3A_1004 : vector<16xi32>
        %swap3A_1006 = arith.constant 32 : index
        %swap3A_1007 = tpu.vector_load %arg10[%swap3A_1006] {strides = array<i32>} : memref<64xi32, #tpu.memory_space<vmem>>, vector<16xi32>,
        tpu.vector_store %arg10[%swap3A_1006], %add3A_1005 {strides = array<i32>} : memref<64xi32, #tpu.memory_space<vmem>>, vector<16xi32>,
        %get3A_1008 = arith.constant 48 : index
        %get3A_1009 = tpu.vector_load %arg8[%get3A_1008] {strides = array<i32>} : memref<64xi32, #tpu.memory_space<vmem>>, vector<16xi32>,
        %and3A_1010 = arith.constant 8191 : i32
        %and3A_1011 = vector.broadcast %and3A_1010 : i32 to vector<16xi32>
        %and3A_1012 = arith.andi %get3A_1009, %and3A_1011 : vector<16xi32>
        %shift_right_arithmetic3A_1013 = arith.constant 13 : i32
        %shift_right_arithmetic3A_1014 = vector.broadcast %shift_right_arithmetic3A_1013 : i32 to vector<16xi32>
        %shift_right_arithmetic3A_1015 = arith.shrsi %get3A_1009, %shift_right_arithmetic3A_1014 : vector<16xi32>
        %ne3A_1016 = arith.constant 5119 : i32
        %ne3A_1017 = vector.broadcast %ne3A_1016 : i32 to vector<16xi32>
        %ne3A_1018 = arith.cmpi ne, %and3A_1012, %ne3A_1017 : vector<16xi32>
        %jit3A_1019 = arith.constant 1.000000e+00 : f32
        %jit3A_1020 = arith.constant 0.000000e+00 : f32
        %broadcast_in_dim3A_1021 = vector.broadcast %jit3A_1019 : f32 to vector<16xf32>
        %broadcast_in_dim3A_1022 = vector.broadcast %jit3A_1020 : f32 to vector<16xf32>
        %select_n3A_1023 = arith.select %ne3A_1018, %broadcast_in_dim3A_1021, %broadcast_in_dim3A_1022 : vector<16xi1>, vector<16xf32>
        %swap3A_1024 = arith.constant 48 : index
        %swap3A_1025 = tpu.vector_load %arg16[%swap3A_1024] {strides = array<i32>} : memref<64xf32, #tpu.memory_space<vmem>>, vector<16xf32>,
        tpu.vector_store %arg16[%swap3A_1024], %select_n3A_1023 {strides = array<i32>} : memref<64xf32, #tpu.memory_space<vmem>>, vector<16xf32>,
        %swap3A_1026 = arith.constant 48 : index
        %swap3A_1027 = tpu.vector_load %arg14[%swap3A_1026] {strides = array<i32>} : memref<64xi32, #tpu.memory_space<vmem>>, vector<16xi32>,
        tpu.vector_store %arg14[%swap3A_1026], %and3A_1012 {strides = array<i32>} : memref<64xi32, #tpu.memory_space<vmem>>, vector<16xi32>,
        %add3A_1028 = vector.broadcast %mul3A_568 : i32 to vector<16xi32>
        %add3A_1029 = arith.addi %shift_right_arithmetic3A_1015, %add3A_1028 : vector<16xi32>
        %swap3A_1030 = arith.constant 48 : index
        %swap3A_1031 = tpu.vector_load %arg12[%swap3A_1030] {strides = array<i32>} : memref<64xi32, #tpu.memory_space<vmem>>, vector<16xi32>,
        tpu.vector_store %arg12[%swap3A_1030], %add3A_1029 {strides = array<i32>} : memref<64xi32, #tpu.memory_space<vmem>>, vector<16xi32>,
        %add3A_1032 = vector.broadcast %mul3A_2 : i32 to vector<16xi32>
        %add3A_1033 = arith.addi %and3A_1012, %add3A_1032 : vector<16xi32>
        %add3A_1034 = vector.broadcast %mul3A_568 : i32 to vector<16xi32>
        %add3A_1035 = arith.addi %add3A_1033, %add3A_1034 : vector<16xi32>
        %swap3A_1036 = arith.constant 48 : index
        %swap3A_1037 = tpu.vector_load %arg10[%swap3A_1036] {strides = array<i32>} : memref<64xi32, #tpu.memory_space<vmem>>, vector<16xi32>,
        tpu.vector_store %arg10[%swap3A_1036], %add3A_1035 {strides = array<i32>} : memref<64xi32, #tpu.memory_space<vmem>>, vector<16xi32>,
        %dma_start3A_1038 = arith.constant 0 : i32
        %dma_start3A_1039 = arith.constant 0 : i32
        %dma_start3A_1040 = tpu.memref_slice %arg6[%dma_start3A_1038, %dma_start3A_1039] : memref<20000x272xf32, #tpu.memory_space<hbm>> -> memref<20000x272xf32, #tpu.memory_space<hbm>>
        tpu.enqueue_indirect_dma source(%dma_start3A_1040 : memref<20000x272xf32, #tpu.memory_space<hbm>>) target(%arg22 : memref<64x272xf32, #tpu.memory_space<vmem>>) offsets(%arg12 : memref<64xi32, #tpu.memory_space<vmem>>) semaphore(%arg29 : memref<!tpu.dma_semaphore, #tpu.memory_space<semaphore_mem>>)
        %dma_start3A_1041 = arith.constant 0 : i32
        %dma_start3A_1042 = arith.constant 0 : i32
        %dma_start3A_1043 = tpu.memref_slice %arg4[%dma_start3A_1041, %dma_start3A_1042] : memref<20000x16xf32, #tpu.memory_space<hbm>> -> memref<20000x16xf32, #tpu.memory_space<hbm>>
        tpu.enqueue_indirect_dma source(%dma_start3A_1043 : memref<20000x16xf32, #tpu.memory_space<hbm>>) target(%arg18 : memref<64x16xf32, #tpu.memory_space<vmem>>) offsets(%arg12 : memref<64xi32, #tpu.memory_space<vmem>>) semaphore(%arg31 : memref<!tpu.dma_semaphore, #tpu.memory_space<semaphore_mem>>)
        %dma_start3A_1044 = arith.constant 0 : i32
        %dma_start3A_1045 = arith.constant 0 : i32
        %dma_start3A_1046 = tpu.memref_slice %arg5[%dma_start3A_1044, %dma_start3A_1045] : memref<20000x16xf32, #tpu.memory_space<hbm>> -> memref<20000x16xf32, #tpu.memory_space<hbm>>
        tpu.enqueue_indirect_dma source(%dma_start3A_1046 : memref<20000x16xf32, #tpu.memory_space<hbm>>) target(%arg20 : memref<64x16xf32, #tpu.memory_space<vmem>>) offsets(%arg10 : memref<64xi32, #tpu.memory_space<vmem>>) semaphore(%arg33 : memref<!tpu.dma_semaphore, #tpu.memory_space<semaphore_mem>>)
        %dma_wait3A_1047 = arith.constant 0 : i32
        %dma_wait3A_1048 = arith.constant 0 : i32
        %dma_wait3A_1049 = tpu.memref_slice %arg6[%dma_wait3A_1047, %dma_wait3A_1048] : memref<20000x272xf32, #tpu.memory_space<hbm>> -> memref<20000x272xf32, #tpu.memory_space<hbm>>
        tpu.wait_indirect_dma semaphore(%arg30 : memref<!tpu.dma_semaphore, #tpu.memory_space<semaphore_mem>>) src(%dma_wait3A_1049 : memref<20000x272xf32, #tpu.memory_space<hbm>>) dst(%arg23 : memref<64x272xf32, #tpu.memory_space<vmem>>)
        %dma_wait3A_1050 = arith.constant 0 : i32
        %dma_wait3A_1051 = arith.constant 0 : i32
        %dma_wait3A_1052 = tpu.memref_slice %arg4[%dma_wait3A_1050, %dma_wait3A_1051] : memref<20000x16xf32, #tpu.memory_space<hbm>> -> memref<20000x16xf32, #tpu.memory_space<hbm>>
        tpu.wait_indirect_dma semaphore(%arg32 : memref<!tpu.dma_semaphore, #tpu.memory_space<semaphore_mem>>) src(%dma_wait3A_1052 : memref<20000x16xf32, #tpu.memory_space<hbm>>) dst(%arg19 : memref<64x16xf32, #tpu.memory_space<vmem>>)
        %dma_wait3A_1053 = arith.constant 0 : i32
        %dma_wait3A_1054 = arith.constant 0 : i32
        %dma_wait3A_1055 = tpu.memref_slice %arg5[%dma_wait3A_1053, %dma_wait3A_1054] : memref<20000x16xf32, #tpu.memory_space<hbm>> -> memref<20000x16xf32, #tpu.memory_space<hbm>>
        tpu.wait_indirect_dma semaphore(%arg34 : memref<!tpu.dma_semaphore, #tpu.memory_space<semaphore_mem>>) src(%dma_wait3A_1055 : memref<20000x16xf32, #tpu.memory_space<hbm>>) dst(%arg21 : memref<64x16xf32, #tpu.memory_space<vmem>>)
        %scan3A_1056 = arith.constant 0 : i32
        %scan3A_1057 = arith.constant 0 : i32
        %scan3A_1058 = arith.constant 64 : i32
        %scan3A_1059 = arith.addi %scan3A_1057, %scan3A_1058 : i32
        %scan3A_1060 = arith.constant 1 : i32
        scf.for %scan3A_1062 = %scan3A_1057 to %scan3A_1059 step %scan3A_1060  : i32 {
          %get3A_1063 = arith.index_cast %scan3A_1062 : i32 to index
          %get3A_1064 = arith.constant 0 : index
          %get3A_1065 = tpu.vector_load %arg19[%get3A_1063, %get3A_1064] {strides = array<i32>} : memref<64x16xf32, #tpu.memory_space<vmem>>, vector<16xf32>,
          %get3A_1066 = arith.index_cast %scan3A_1062 : i32 to index
          %get3A_1067 = arith.constant 0 : index
          %get3A_1068 = tpu.vector_load %arg21[%get3A_1066, %get3A_1067] {strides = array<i32>} : memref<64x16xf32, #tpu.memory_space<vmem>>, vector<16xf32>,
          %add3A_1069 = arith.addf %get3A_1065, %get3A_1068 : vector<16xf32>
          %ge3A = arith.constant 0.000000e+00 : f32
          %ge3A_1070 = vector.broadcast %ge3A : f32 to vector<16xf32>
          %ge3A_1071 = arith.cmpf oge, %add3A_1069, %ge3A_1070 : vector<16xf32>
          %mul3A_1072 = arith.constant 2.000000e-01 : f32
          %mul3A_1073 = vector.broadcast %mul3A_1072 : f32 to vector<16xf32>
          %mul3A_1074 = arith.mulf %mul3A_1073, %add3A_1069 : vector<16xf32>
          %select_n3A_1075 = arith.select %ge3A_1071, %add3A_1069, %mul3A_1074 : vector<16xi1>, vector<16xf32>
          %broadcast_in_dim3A_1076 = arith.constant 0 : i32
          %broadcast_in_dim3A_1077 = vector.broadcast %broadcast_in_dim3A_1076 : i32 to vector<16xi32>
          %add3A_1078 = vector.broadcast %scan3A_1062 : i32 to vector<16xi32>
          %add3A_1079 = arith.addi %broadcast_in_dim3A_1077, %add3A_1078 : vector<16xi32>
          %gather3A = tpu.vector_load_idx %arg17[%add3A_1079] : memref<64xf32, #tpu.memory_space<vmem>>[vector<16xi32>], vector<16xf32>,
          %exp3A = math.exp %select_n3A_1075 : vector<16xf32>
          %mul3A_1080 = arith.mulf %exp3A, %gather3A : vector<16xf32>
          %get3A_1081 = arith.index_cast %scan3A_1062 : i32 to index
          %get3A_1082 = arith.constant 0 : index
          %get3A_1083 = tpu.vector_load %arg23[%get3A_1081, %get3A_1082] {strides = array<i32>} : memref<64x272xf32, #tpu.memory_space<vmem>>, vector<16xf32>,
          %mul3A_1084 = arith.mulf %get3A_1083, %mul3A_1080 : vector<16xf32>
          %swap3A_1085 = arith.index_cast %scan3A_1062 : i32 to index
          %swap3A_1086 = arith.constant 0 : index
          %swap3A_1087 = tpu.vector_load %arg23[%swap3A_1085, %swap3A_1086] {strides = array<i32>} : memref<64x272xf32, #tpu.memory_space<vmem>>, vector<16xf32>,
          tpu.vector_store %arg23[%swap3A_1085, %swap3A_1086], %mul3A_1084 {strides = array<i32>} : memref<64x272xf32, #tpu.memory_space<vmem>>, vector<16xf32>,
          %get3A_1088 = arith.index_cast %scan3A_1062 : i32 to index
          %get3A_1089 = arith.constant 16 : index
          %get3A_1090 = tpu.vector_load %arg23[%get3A_1088, %get3A_1089] {strides = array<i32>} : memref<64x272xf32, #tpu.memory_space<vmem>>, vector<16xf32>,
          %mul3A_1091 = arith.mulf %get3A_1090, %mul3A_1080 : vector<16xf32>
          %swap3A_1092 = arith.index_cast %scan3A_1062 : i32 to index
          %swap3A_1093 = arith.constant 16 : index
          %swap3A_1094 = tpu.vector_load %arg23[%swap3A_1092, %swap3A_1093] {strides = array<i32>} : memref<64x272xf32, #tpu.memory_space<vmem>>, vector<16xf32>,
          tpu.vector_store %arg23[%swap3A_1092, %swap3A_1093], %mul3A_1091 {strides = array<i32>} : memref<64x272xf32, #tpu.memory_space<vmem>>, vector<16xf32>,
          %get3A_1095 = arith.index_cast %scan3A_1062 : i32 to index
          %get3A_1096 = arith.constant 32 : index
          %get3A_1097 = tpu.vector_load %arg23[%get3A_1095, %get3A_1096] {strides = array<i32>} : memref<64x272xf32, #tpu.memory_space<vmem>>, vector<16xf32>,
          %mul3A_1098 = arith.mulf %get3A_1097, %mul3A_1080 : vector<16xf32>
          %swap3A_1099 = arith.index_cast %scan3A_1062 : i32 to index
          %swap3A_1100 = arith.constant 32 : index
          %swap3A_1101 = tpu.vector_load %arg23[%swap3A_1099, %swap3A_1100] {strides = array<i32>} : memref<64x272xf32, #tpu.memory_space<vmem>>, vector<16xf32>,
          tpu.vector_store %arg23[%swap3A_1099, %swap3A_1100], %mul3A_1098 {strides = array<i32>} : memref<64x272xf32, #tpu.memory_space<vmem>>, vector<16xf32>,
          %get3A_1102 = arith.index_cast %scan3A_1062 : i32 to index
          %get3A_1103 = arith.constant 48 : index
          %get3A_1104 = tpu.vector_load %arg23[%get3A_1102, %get3A_1103] {strides = array<i32>} : memref<64x272xf32, #tpu.memory_space<vmem>>, vector<16xf32>,
          %mul3A_1105 = arith.mulf %get3A_1104, %mul3A_1080 : vector<16xf32>
          %swap3A_1106 = arith.index_cast %scan3A_1062 : i32 to index
          %swap3A_1107 = arith.constant 48 : index
          %swap3A_1108 = tpu.vector_load %arg23[%swap3A_1106, %swap3A_1107] {strides = array<i32>} : memref<64x272xf32, #tpu.memory_space<vmem>>, vector<16xf32>,
          tpu.vector_store %arg23[%swap3A_1106, %swap3A_1107], %mul3A_1105 {strides = array<i32>} : memref<64x272xf32, #tpu.memory_space<vmem>>, vector<16xf32>,
          %get3A_1109 = arith.index_cast %scan3A_1062 : i32 to index
          %get3A_1110 = arith.constant 64 : index
          %get3A_1111 = tpu.vector_load %arg23[%get3A_1109, %get3A_1110] {strides = array<i32>} : memref<64x272xf32, #tpu.memory_space<vmem>>, vector<16xf32>,
          %mul3A_1112 = arith.mulf %get3A_1111, %mul3A_1080 : vector<16xf32>
          %swap3A_1113 = arith.index_cast %scan3A_1062 : i32 to index
          %swap3A_1114 = arith.constant 64 : index
          %swap3A_1115 = tpu.vector_load %arg23[%swap3A_1113, %swap3A_1114] {strides = array<i32>} : memref<64x272xf32, #tpu.memory_space<vmem>>, vector<16xf32>,
          tpu.vector_store %arg23[%swap3A_1113, %swap3A_1114], %mul3A_1112 {strides = array<i32>} : memref<64x272xf32, #tpu.memory_space<vmem>>, vector<16xf32>,
          %get3A_1116 = arith.index_cast %scan3A_1062 : i32 to index
          %get3A_1117 = arith.constant 80 : index
          %get3A_1118 = tpu.vector_load %arg23[%get3A_1116, %get3A_1117] {strides = array<i32>} : memref<64x272xf32, #tpu.memory_space<vmem>>, vector<16xf32>,
          %mul3A_1119 = arith.mulf %get3A_1118, %mul3A_1080 : vector<16xf32>
          %swap3A_1120 = arith.index_cast %scan3A_1062 : i32 to index
          %swap3A_1121 = arith.constant 80 : index
          %swap3A_1122 = tpu.vector_load %arg23[%swap3A_1120, %swap3A_1121] {strides = array<i32>} : memref<64x272xf32, #tpu.memory_space<vmem>>, vector<16xf32>,
          tpu.vector_store %arg23[%swap3A_1120, %swap3A_1121], %mul3A_1119 {strides = array<i32>} : memref<64x272xf32, #tpu.memory_space<vmem>>, vector<16xf32>,
          %get3A_1123 = arith.index_cast %scan3A_1062 : i32 to index
          %get3A_1124 = arith.constant 96 : index
          %get3A_1125 = tpu.vector_load %arg23[%get3A_1123, %get3A_1124] {strides = array<i32>} : memref<64x272xf32, #tpu.memory_space<vmem>>, vector<16xf32>,
          %mul3A_1126 = arith.mulf %get3A_1125, %mul3A_1080 : vector<16xf32>
          %swap3A_1127 = arith.index_cast %scan3A_1062 : i32 to index
          %swap3A_1128 = arith.constant 96 : index
          %swap3A_1129 = tpu.vector_load %arg23[%swap3A_1127, %swap3A_1128] {strides = array<i32>} : memref<64x272xf32, #tpu.memory_space<vmem>>, vector<16xf32>,
          tpu.vector_store %arg23[%swap3A_1127, %swap3A_1128], %mul3A_1126 {strides = array<i32>} : memref<64x272xf32, #tpu.memory_space<vmem>>, vector<16xf32>,
          %get3A_1130 = arith.index_cast %scan3A_1062 : i32 to index
          %get3A_1131 = arith.constant 112 : index
          %get3A_1132 = tpu.vector_load %arg23[%get3A_1130, %get3A_1131] {strides = array<i32>} : memref<64x272xf32, #tpu.memory_space<vmem>>, vector<16xf32>,
          %mul3A_1133 = arith.mulf %get3A_1132, %mul3A_1080 : vector<16xf32>
          %swap3A_1134 = arith.index_cast %scan3A_1062 : i32 to index
          %swap3A_1135 = arith.constant 112 : index
          %swap3A_1136 = tpu.vector_load %arg23[%swap3A_1134, %swap3A_1135] {strides = array<i32>} : memref<64x272xf32, #tpu.memory_space<vmem>>, vector<16xf32>,
          tpu.vector_store %arg23[%swap3A_1134, %swap3A_1135], %mul3A_1133 {strides = array<i32>} : memref<64x272xf32, #tpu.memory_space<vmem>>, vector<16xf32>,
          %get3A_1137 = arith.index_cast %scan3A_1062 : i32 to index
          %get3A_1138 = arith.constant 128 : index
          %get3A_1139 = tpu.vector_load %arg23[%get3A_1137, %get3A_1138] {strides = array<i32>} : memref<64x272xf32, #tpu.memory_space<vmem>>, vector<16xf32>,
          %mul3A_1140 = arith.mulf %get3A_1139, %mul3A_1080 : vector<16xf32>
          %swap3A_1141 = arith.index_cast %scan3A_1062 : i32 to index
          %swap3A_1142 = arith.constant 128 : index
          %swap3A_1143 = tpu.vector_load %arg23[%swap3A_1141, %swap3A_1142] {strides = array<i32>} : memref<64x272xf32, #tpu.memory_space<vmem>>, vector<16xf32>,
          tpu.vector_store %arg23[%swap3A_1141, %swap3A_1142], %mul3A_1140 {strides = array<i32>} : memref<64x272xf32, #tpu.memory_space<vmem>>, vector<16xf32>,
          %get3A_1144 = arith.index_cast %scan3A_1062 : i32 to index
          %get3A_1145 = arith.constant 144 : index
          %get3A_1146 = tpu.vector_load %arg23[%get3A_1144, %get3A_1145] {strides = array<i32>} : memref<64x272xf32, #tpu.memory_space<vmem>>, vector<16xf32>,
          %mul3A_1147 = arith.mulf %get3A_1146, %mul3A_1080 : vector<16xf32>
          %swap3A_1148 = arith.index_cast %scan3A_1062 : i32 to index
          %swap3A_1149 = arith.constant 144 : index
          %swap3A_1150 = tpu.vector_load %arg23[%swap3A_1148, %swap3A_1149] {strides = array<i32>} : memref<64x272xf32, #tpu.memory_space<vmem>>, vector<16xf32>,
          tpu.vector_store %arg23[%swap3A_1148, %swap3A_1149], %mul3A_1147 {strides = array<i32>} : memref<64x272xf32, #tpu.memory_space<vmem>>, vector<16xf32>,
          %get3A_1151 = arith.index_cast %scan3A_1062 : i32 to index
          %get3A_1152 = arith.constant 160 : index
          %get3A_1153 = tpu.vector_load %arg23[%get3A_1151, %get3A_1152] {strides = array<i32>} : memref<64x272xf32, #tpu.memory_space<vmem>>, vector<16xf32>,
          %mul3A_1154 = arith.mulf %get3A_1153, %mul3A_1080 : vector<16xf32>
          %swap3A_1155 = arith.index_cast %scan3A_1062 : i32 to index
          %swap3A_1156 = arith.constant 160 : index
          %swap3A_1157 = tpu.vector_load %arg23[%swap3A_1155, %swap3A_1156] {strides = array<i32>} : memref<64x272xf32, #tpu.memory_space<vmem>>, vector<16xf32>,
          tpu.vector_store %arg23[%swap3A_1155, %swap3A_1156], %mul3A_1154 {strides = array<i32>} : memref<64x272xf32, #tpu.memory_space<vmem>>, vector<16xf32>,
          %get3A_1158 = arith.index_cast %scan3A_1062 : i32 to index
          %get3A_1159 = arith.constant 176 : index
          %get3A_1160 = tpu.vector_load %arg23[%get3A_1158, %get3A_1159] {strides = array<i32>} : memref<64x272xf32, #tpu.memory_space<vmem>>, vector<16xf32>,
          %mul3A_1161 = arith.mulf %get3A_1160, %mul3A_1080 : vector<16xf32>
          %swap3A_1162 = arith.index_cast %scan3A_1062 : i32 to index
          %swap3A_1163 = arith.constant 176 : index
          %swap3A_1164 = tpu.vector_load %arg23[%swap3A_1162, %swap3A_1163] {strides = array<i32>} : memref<64x272xf32, #tpu.memory_space<vmem>>, vector<16xf32>,
          tpu.vector_store %arg23[%swap3A_1162, %swap3A_1163], %mul3A_1161 {strides = array<i32>} : memref<64x272xf32, #tpu.memory_space<vmem>>, vector<16xf32>,
          %get3A_1165 = arith.index_cast %scan3A_1062 : i32 to index
          %get3A_1166 = arith.constant 192 : index
          %get3A_1167 = tpu.vector_load %arg23[%get3A_1165, %get3A_1166] {strides = array<i32>} : memref<64x272xf32, #tpu.memory_space<vmem>>, vector<16xf32>,
          %mul3A_1168 = arith.mulf %get3A_1167, %mul3A_1080 : vector<16xf32>
          %swap3A_1169 = arith.index_cast %scan3A_1062 : i32 to index
          %swap3A_1170 = arith.constant 192 : index
          %swap3A_1171 = tpu.vector_load %arg23[%swap3A_1169, %swap3A_1170] {strides = array<i32>} : memref<64x272xf32, #tpu.memory_space<vmem>>, vector<16xf32>,
          tpu.vector_store %arg23[%swap3A_1169, %swap3A_1170], %mul3A_1168 {strides = array<i32>} : memref<64x272xf32, #tpu.memory_space<vmem>>, vector<16xf32>,
          %get3A_1172 = arith.index_cast %scan3A_1062 : i32 to index
          %get3A_1173 = arith.constant 208 : index
          %get3A_1174 = tpu.vector_load %arg23[%get3A_1172, %get3A_1173] {strides = array<i32>} : memref<64x272xf32, #tpu.memory_space<vmem>>, vector<16xf32>,
          %mul3A_1175 = arith.mulf %get3A_1174, %mul3A_1080 : vector<16xf32>
          %swap3A_1176 = arith.index_cast %scan3A_1062 : i32 to index
          %swap3A_1177 = arith.constant 208 : index
          %swap3A_1178 = tpu.vector_load %arg23[%swap3A_1176, %swap3A_1177] {strides = array<i32>} : memref<64x272xf32, #tpu.memory_space<vmem>>, vector<16xf32>,
          tpu.vector_store %arg23[%swap3A_1176, %swap3A_1177], %mul3A_1175 {strides = array<i32>} : memref<64x272xf32, #tpu.memory_space<vmem>>, vector<16xf32>,
          %get3A_1179 = arith.index_cast %scan3A_1062 : i32 to index
          %get3A_1180 = arith.constant 224 : index
          %get3A_1181 = tpu.vector_load %arg23[%get3A_1179, %get3A_1180] {strides = array<i32>} : memref<64x272xf32, #tpu.memory_space<vmem>>, vector<16xf32>,
          %mul3A_1182 = arith.mulf %get3A_1181, %mul3A_1080 : vector<16xf32>
          %swap3A_1183 = arith.index_cast %scan3A_1062 : i32 to index
          %swap3A_1184 = arith.constant 224 : index
          %swap3A_1185 = tpu.vector_load %arg23[%swap3A_1183, %swap3A_1184] {strides = array<i32>} : memref<64x272xf32, #tpu.memory_space<vmem>>, vector<16xf32>,
          tpu.vector_store %arg23[%swap3A_1183, %swap3A_1184], %mul3A_1182 {strides = array<i32>} : memref<64x272xf32, #tpu.memory_space<vmem>>, vector<16xf32>,
          %get3A_1186 = arith.index_cast %scan3A_1062 : i32 to index
          %get3A_1187 = arith.constant 240 : index
          %get3A_1188 = tpu.vector_load %arg23[%get3A_1186, %get3A_1187] {strides = array<i32>} : memref<64x272xf32, #tpu.memory_space<vmem>>, vector<16xf32>,
          %mul3A_1189 = arith.mulf %get3A_1188, %mul3A_1080 : vector<16xf32>
          %swap3A_1190 = arith.index_cast %scan3A_1062 : i32 to index
          %swap3A_1191 = arith.constant 240 : index
          %swap3A_1192 = tpu.vector_load %arg23[%swap3A_1190, %swap3A_1191] {strides = array<i32>} : memref<64x272xf32, #tpu.memory_space<vmem>>, vector<16xf32>,
          tpu.vector_store %arg23[%swap3A_1190, %swap3A_1191], %mul3A_1189 {strides = array<i32>} : memref<64x272xf32, #tpu.memory_space<vmem>>, vector<16xf32>,
          %get3A_1193 = arith.index_cast %scan3A_1062 : i32 to index
          %get3A_1194 = arith.constant 256 : index
          %get3A_1195 = tpu.vector_load %arg23[%get3A_1193, %get3A_1194] {strides = array<i32>} : memref<64x272xf32, #tpu.memory_space<vmem>>, vector<16xf32>,
          %mul3A_1196 = arith.mulf %get3A_1195, %mul3A_1080 : vector<16xf32>
          %swap3A_1197 = arith.index_cast %scan3A_1062 : i32 to index
          %swap3A_1198 = arith.constant 256 : index
          %swap3A_1199 = tpu.vector_load %arg23[%swap3A_1197, %swap3A_1198] {strides = array<i32>} : memref<64x272xf32, #tpu.memory_space<vmem>>, vector<16xf32>,
          tpu.vector_store %arg23[%swap3A_1197, %swap3A_1198], %mul3A_1196 {strides = array<i32>} : memref<64x272xf32, #tpu.memory_space<vmem>>, vector<16xf32>,
        }
        %scan3A_1061 = arith.constant 64 : i32
        "tpu.region"() ({
          %run_scoped3A = tpu.sem_alloc : memref<!tpu.dma_semaphore, #tpu.memory_space<semaphore_mem>>
          %dma_start3A_1062 = arith.constant 0 : i32
          %dma_start3A_1063 = arith.constant 0 : i32
          %dma_start3A_1064 = tpu.memref_slice %arg28[%dma_start3A_1062, %dma_start3A_1063] : memref<5120x272xf32, #tpu.memory_space<vmem_shared>> -> memref<5120x272xf32, #tpu.memory_space<vmem_shared>>
          tpu.enqueue_indirect_dma source(%arg23 : memref<64x272xf32, #tpu.memory_space<vmem>>) target(%dma_start3A_1064 : memref<5120x272xf32, #tpu.memory_space<vmem_shared>>) offsets(%arg15 : memref<64xi32, #tpu.memory_space<vmem>>) semaphore(%run_scoped3A : memref<!tpu.dma_semaphore, #tpu.memory_space<semaphore_mem>>) {add = true}
          %dma_wait3A_1065 = arith.constant 0 : i32
          %dma_wait3A_1066 = arith.constant 0 : i32
          %dma_wait3A_1067 = tpu.memref_slice %arg28[%dma_wait3A_1065, %dma_wait3A_1066] : memref<5120x272xf32, #tpu.memory_space<vmem_shared>> -> memref<5120x272xf32, #tpu.memory_space<vmem_shared>>
          tpu.wait_indirect_dma semaphore(%run_scoped3A : memref<!tpu.dma_semaphore, #tpu.memory_space<semaphore_mem>>) src(%arg23 : memref<64x272xf32, #tpu.memory_space<vmem>>) dst(%dma_wait3A_1067 : memref<5120x272xf32, #tpu.memory_space<vmem_shared>>)
          tpu.yield
        }) : () -> ()
      }
      %while3A_733 = arith.constant 1 : i32
      scf.for %while3A_758 = %while3A_731 to %while3A_727 step %while3A_733  : i32 {
        %mul3A_759 = arith.constant 2 : i32
        %mul3A_760 = arith.muli %mul3A_759, %while3A_758 : i32
        %add3A_761 = arith.constant 1 : i32
        %add3A_762 = arith.addi %mul3A_760, %add3A_761 : i32
        %min3A = arith.minsi %add3A_762, %select_n3A_545 : i32
        %mul3A_763 = arith.constant 64 : i32
        %mul3A_764 = arith.muli %min3A, %mul3A_763 : i32
        %add3A_765 = arith.addi %mul3A_6, %mul3A_764 : i32
        %multiple_of3A_766 = tpu.assume_multiple %add3A_765, 8 : i32
        "tpu.region"() ({
          %run_scoped3A = tpu.sem_alloc : memref<!tpu.dma_semaphore, #tpu.memory_space<semaphore_mem>>
          %dma_start3A_1062 = tpu.memref_slice %arg27[%multiple_of3A_766] : memref<688128xi32, #tpu.memory_space<hbm>> -> memref<64xi32, #tpu.memory_space<hbm>>
          %dma_start3A_1063 = tpu.memref_slice %arg27[%multiple_of3A_766] : memref<688128xi32, #tpu.memory_space<hbm>> -> memref<64xi32, #tpu.memory_space<hbm>>
          tpu.enqueue_dma source(%dma_start3A_1063 : memref<64xi32, #tpu.memory_space<hbm>>) target(%arg9 : memref<64xi32, #tpu.memory_space<vmem>>) target_semaphore(%run_scoped3A : memref<!tpu.dma_semaphore, #tpu.memory_space<semaphore_mem>>)
          %dma_wait3A_1064 = tpu.memref_slice %arg27[%multiple_of3A_766] : memref<688128xi32, #tpu.memory_space<hbm>> -> memref<64xi32, #tpu.memory_space<hbm>>
          %dma_wait3A_1065 = tpu.memref_slice %arg27[%multiple_of3A_766] : memref<688128xi32, #tpu.memory_space<hbm>> -> memref<64xi32, #tpu.memory_space<hbm>>
          tpu.wait_dma2 semaphore(%run_scoped3A : memref<!tpu.dma_semaphore, #tpu.memory_space<semaphore_mem>>) src(%dma_wait3A_1065 : memref<64xi32, #tpu.memory_space<hbm>>) dst(%arg9 : memref<64xi32, #tpu.memory_space<vmem>>)
          tpu.yield
        }) : () -> ()
        %get3A_767 = arith.constant 0 : index
        %get3A_768 = tpu.vector_load %arg9[%get3A_767] {strides = array<i32>} : memref<64xi32, #tpu.memory_space<vmem>>, vector<16xi32>,
        %and3A_769 = arith.constant 8191 : i32
        %and3A_770 = vector.broadcast %and3A_769 : i32 to vector<16xi32>
        %and3A_771 = arith.andi %get3A_768, %and3A_770 : vector<16xi32>
        %shift_right_arithmetic3A_772 = arith.constant 13 : i32
        %shift_right_arithmetic3A_773 = vector.broadcast %shift_right_arithmetic3A_772 : i32 to vector<16xi32>
        %shift_right_arithmetic3A_774 = arith.shrsi %get3A_768, %shift_right_arithmetic3A_773 : vector<16xi32>
        %ne3A_775 = arith.constant 5119 : i32
        %ne3A_776 = vector.broadcast %ne3A_775 : i32 to vector<16xi32>
        %ne3A_777 = arith.cmpi ne, %and3A_771, %ne3A_776 : vector<16xi32>
        %jit3A_778 = arith.constant 1.000000e+00 : f32
        %jit3A_779 = arith.constant 0.000000e+00 : f32
        %broadcast_in_dim3A_780 = vector.broadcast %jit3A_778 : f32 to vector<16xf32>
        %broadcast_in_dim3A_781 = vector.broadcast %jit3A_779 : f32 to vector<16xf32>
        %select_n3A_782 = arith.select %ne3A_777, %broadcast_in_dim3A_780, %broadcast_in_dim3A_781 : vector<16xi1>, vector<16xf32>
        %swap3A_783 = arith.constant 0 : index
        %swap3A_784 = tpu.vector_load %arg17[%swap3A_783] {strides = array<i32>} : memref<64xf32, #tpu.memory_space<vmem>>, vector<16xf32>,
        tpu.vector_store %arg17[%swap3A_783], %select_n3A_782 {strides = array<i32>} : memref<64xf32, #tpu.memory_space<vmem>>, vector<16xf32>,
        %swap3A_785 = arith.constant 0 : index
        %swap3A_786 = tpu.vector_load %arg15[%swap3A_785] {strides = array<i32>} : memref<64xi32, #tpu.memory_space<vmem>>, vector<16xi32>,
        tpu.vector_store %arg15[%swap3A_785], %and3A_771 {strides = array<i32>} : memref<64xi32, #tpu.memory_space<vmem>>, vector<16xi32>,
        %add3A_787 = vector.broadcast %mul3A_568 : i32 to vector<16xi32>
        %add3A_788 = arith.addi %shift_right_arithmetic3A_774, %add3A_787 : vector<16xi32>
        %swap3A_789 = arith.constant 0 : index
        %swap3A_790 = tpu.vector_load %arg13[%swap3A_789] {strides = array<i32>} : memref<64xi32, #tpu.memory_space<vmem>>, vector<16xi32>,
        tpu.vector_store %arg13[%swap3A_789], %add3A_788 {strides = array<i32>} : memref<64xi32, #tpu.memory_space<vmem>>, vector<16xi32>,
        %add3A_791 = vector.broadcast %mul3A_2 : i32 to vector<16xi32>
        %add3A_792 = arith.addi %and3A_771, %add3A_791 : vector<16xi32>
        %add3A_793 = vector.broadcast %mul3A_568 : i32 to vector<16xi32>
        %add3A_794 = arith.addi %add3A_792, %add3A_793 : vector<16xi32>
        %swap3A_795 = arith.constant 0 : index
        %swap3A_796 = tpu.vector_load %arg11[%swap3A_795] {strides = array<i32>} : memref<64xi32, #tpu.memory_space<vmem>>, vector<16xi32>,
        tpu.vector_store %arg11[%swap3A_795], %add3A_794 {strides = array<i32>} : memref<64xi32, #tpu.memory_space<vmem>>, vector<16xi32>,
        %get3A_797 = arith.constant 16 : index
        %get3A_798 = tpu.vector_load %arg9[%get3A_797] {strides = array<i32>} : memref<64xi32, #tpu.memory_space<vmem>>, vector<16xi32>,
        %and3A_799 = arith.constant 8191 : i32
        %and3A_800 = vector.broadcast %and3A_799 : i32 to vector<16xi32>
        %and3A_801 = arith.andi %get3A_798, %and3A_800 : vector<16xi32>
        %shift_right_arithmetic3A_802 = arith.constant 13 : i32
        %shift_right_arithmetic3A_803 = vector.broadcast %shift_right_arithmetic3A_802 : i32 to vector<16xi32>
        %shift_right_arithmetic3A_804 = arith.shrsi %get3A_798, %shift_right_arithmetic3A_803 : vector<16xi32>
        %ne3A_805 = arith.constant 5119 : i32
        %ne3A_806 = vector.broadcast %ne3A_805 : i32 to vector<16xi32>
        %ne3A_807 = arith.cmpi ne, %and3A_801, %ne3A_806 : vector<16xi32>
        %jit3A_808 = arith.constant 1.000000e+00 : f32
        %jit3A_809 = arith.constant 0.000000e+00 : f32
        %broadcast_in_dim3A_810 = vector.broadcast %jit3A_808 : f32 to vector<16xf32>
        %broadcast_in_dim3A_811 = vector.broadcast %jit3A_809 : f32 to vector<16xf32>
        %select_n3A_812 = arith.select %ne3A_807, %broadcast_in_dim3A_810, %broadcast_in_dim3A_811 : vector<16xi1>, vector<16xf32>
        %swap3A_813 = arith.constant 16 : index
        %swap3A_814 = tpu.vector_load %arg17[%swap3A_813] {strides = array<i32>} : memref<64xf32, #tpu.memory_space<vmem>>, vector<16xf32>,
        tpu.vector_store %arg17[%swap3A_813], %select_n3A_812 {strides = array<i32>} : memref<64xf32, #tpu.memory_space<vmem>>, vector<16xf32>,
        %swap3A_815 = arith.constant 16 : index
        %swap3A_816 = tpu.vector_load %arg15[%swap3A_815] {strides = array<i32>} : memref<64xi32, #tpu.memory_space<vmem>>, vector<16xi32>,
        tpu.vector_store %arg15[%swap3A_815], %and3A_801 {strides = array<i32>} : memref<64xi32, #tpu.memory_space<vmem>>, vector<16xi32>,
        %add3A_817 = vector.broadcast %mul3A_568 : i32 to vector<16xi32>
        %add3A_818 = arith.addi %shift_right_arithmetic3A_804, %add3A_817 : vector<16xi32>
        %swap3A_819 = arith.constant 16 : index
        %swap3A_820 = tpu.vector_load %arg13[%swap3A_819] {strides = array<i32>} : memref<64xi32, #tpu.memory_space<vmem>>, vector<16xi32>,
        tpu.vector_store %arg13[%swap3A_819], %add3A_818 {strides = array<i32>} : memref<64xi32, #tpu.memory_space<vmem>>, vector<16xi32>,
        %add3A_821 = vector.broadcast %mul3A_2 : i32 to vector<16xi32>
        %add3A_822 = arith.addi %and3A_801, %add3A_821 : vector<16xi32>
        %add3A_823 = vector.broadcast %mul3A_568 : i32 to vector<16xi32>
        %add3A_824 = arith.addi %add3A_822, %add3A_823 : vector<16xi32>
        %swap3A_825 = arith.constant 16 : index
        %swap3A_826 = tpu.vector_load %arg11[%swap3A_825] {strides = array<i32>} : memref<64xi32, #tpu.memory_space<vmem>>, vector<16xi32>,
        tpu.vector_store %arg11[%swap3A_825], %add3A_824 {strides = array<i32>} : memref<64xi32, #tpu.memory_space<vmem>>, vector<16xi32>,
        %get3A_827 = arith.constant 32 : index
        %get3A_828 = tpu.vector_load %arg9[%get3A_827] {strides = array<i32>} : memref<64xi32, #tpu.memory_space<vmem>>, vector<16xi32>,
        %and3A_829 = arith.constant 8191 : i32
        %and3A_830 = vector.broadcast %and3A_829 : i32 to vector<16xi32>
        %and3A_831 = arith.andi %get3A_828, %and3A_830 : vector<16xi32>
        %shift_right_arithmetic3A_832 = arith.constant 13 : i32
        %shift_right_arithmetic3A_833 = vector.broadcast %shift_right_arithmetic3A_832 : i32 to vector<16xi32>
        %shift_right_arithmetic3A_834 = arith.shrsi %get3A_828, %shift_right_arithmetic3A_833 : vector<16xi32>
        %ne3A_835 = arith.constant 5119 : i32
        %ne3A_836 = vector.broadcast %ne3A_835 : i32 to vector<16xi32>
        %ne3A_837 = arith.cmpi ne, %and3A_831, %ne3A_836 : vector<16xi32>
        %jit3A_838 = arith.constant 1.000000e+00 : f32
        %jit3A_839 = arith.constant 0.000000e+00 : f32
        %broadcast_in_dim3A_840 = vector.broadcast %jit3A_838 : f32 to vector<16xf32>
        %broadcast_in_dim3A_841 = vector.broadcast %jit3A_839 : f32 to vector<16xf32>
        %select_n3A_842 = arith.select %ne3A_837, %broadcast_in_dim3A_840, %broadcast_in_dim3A_841 : vector<16xi1>, vector<16xf32>
        %swap3A_843 = arith.constant 32 : index
        %swap3A_844 = tpu.vector_load %arg17[%swap3A_843] {strides = array<i32>} : memref<64xf32, #tpu.memory_space<vmem>>, vector<16xf32>,
        tpu.vector_store %arg17[%swap3A_843], %select_n3A_842 {strides = array<i32>} : memref<64xf32, #tpu.memory_space<vmem>>, vector<16xf32>,
        %swap3A_845 = arith.constant 32 : index
        %swap3A_846 = tpu.vector_load %arg15[%swap3A_845] {strides = array<i32>} : memref<64xi32, #tpu.memory_space<vmem>>, vector<16xi32>,
        tpu.vector_store %arg15[%swap3A_845], %and3A_831 {strides = array<i32>} : memref<64xi32, #tpu.memory_space<vmem>>, vector<16xi32>,
        %add3A_847 = vector.broadcast %mul3A_568 : i32 to vector<16xi32>
        %add3A_848 = arith.addi %shift_right_arithmetic3A_834, %add3A_847 : vector<16xi32>
        %swap3A_849 = arith.constant 32 : index
        %swap3A_850 = tpu.vector_load %arg13[%swap3A_849] {strides = array<i32>} : memref<64xi32, #tpu.memory_space<vmem>>, vector<16xi32>,
        tpu.vector_store %arg13[%swap3A_849], %add3A_848 {strides = array<i32>} : memref<64xi32, #tpu.memory_space<vmem>>, vector<16xi32>,
        %add3A_851 = vector.broadcast %mul3A_2 : i32 to vector<16xi32>
        %add3A_852 = arith.addi %and3A_831, %add3A_851 : vector<16xi32>
        %add3A_853 = vector.broadcast %mul3A_568 : i32 to vector<16xi32>
        %add3A_854 = arith.addi %add3A_852, %add3A_853 : vector<16xi32>
        %swap3A_855 = arith.constant 32 : index
        %swap3A_856 = tpu.vector_load %arg11[%swap3A_855] {strides = array<i32>} : memref<64xi32, #tpu.memory_space<vmem>>, vector<16xi32>,
        tpu.vector_store %arg11[%swap3A_855], %add3A_854 {strides = array<i32>} : memref<64xi32, #tpu.memory_space<vmem>>, vector<16xi32>,
        %get3A_857 = arith.constant 48 : index
        %get3A_858 = tpu.vector_load %arg9[%get3A_857] {strides = array<i32>} : memref<64xi32, #tpu.memory_space<vmem>>, vector<16xi32>,
        %and3A_859 = arith.constant 8191 : i32
        %and3A_860 = vector.broadcast %and3A_859 : i32 to vector<16xi32>
        %and3A_861 = arith.andi %get3A_858, %and3A_860 : vector<16xi32>
        %shift_right_arithmetic3A_862 = arith.constant 13 : i32
        %shift_right_arithmetic3A_863 = vector.broadcast %shift_right_arithmetic3A_862 : i32 to vector<16xi32>
        %shift_right_arithmetic3A_864 = arith.shrsi %get3A_858, %shift_right_arithmetic3A_863 : vector<16xi32>
        %ne3A_865 = arith.constant 5119 : i32
        %ne3A_866 = vector.broadcast %ne3A_865 : i32 to vector<16xi32>
        %ne3A_867 = arith.cmpi ne, %and3A_861, %ne3A_866 : vector<16xi32>
        %jit3A_868 = arith.constant 1.000000e+00 : f32
        %jit3A_869 = arith.constant 0.000000e+00 : f32
        %broadcast_in_dim3A_870 = vector.broadcast %jit3A_868 : f32 to vector<16xf32>
        %broadcast_in_dim3A_871 = vector.broadcast %jit3A_869 : f32 to vector<16xf32>
        %select_n3A_872 = arith.select %ne3A_867, %broadcast_in_dim3A_870, %broadcast_in_dim3A_871 : vector<16xi1>, vector<16xf32>
        %swap3A_873 = arith.constant 48 : index
        %swap3A_874 = tpu.vector_load %arg17[%swap3A_873] {strides = array<i32>} : memref<64xf32, #tpu.memory_space<vmem>>, vector<16xf32>,
        tpu.vector_store %arg17[%swap3A_873], %select_n3A_872 {strides = array<i32>} : memref<64xf32, #tpu.memory_space<vmem>>, vector<16xf32>,
        %swap3A_875 = arith.constant 48 : index
        %swap3A_876 = tpu.vector_load %arg15[%swap3A_875] {strides = array<i32>} : memref<64xi32, #tpu.memory_space<vmem>>, vector<16xi32>,
        tpu.vector_store %arg15[%swap3A_875], %and3A_861 {strides = array<i32>} : memref<64xi32, #tpu.memory_space<vmem>>, vector<16xi32>,
        %add3A_877 = vector.broadcast %mul3A_568 : i32 to vector<16xi32>
        %add3A_878 = arith.addi %shift_right_arithmetic3A_864, %add3A_877 : vector<16xi32>
        %swap3A_879 = arith.constant 48 : index
        %swap3A_880 = tpu.vector_load %arg13[%swap3A_879] {strides = array<i32>} : memref<64xi32, #tpu.memory_space<vmem>>, vector<16xi32>,
        tpu.vector_store %arg13[%swap3A_879], %add3A_878 {strides = array<i32>} : memref<64xi32, #tpu.memory_space<vmem>>, vector<16xi32>,
        %add3A_881 = vector.broadcast %mul3A_2 : i32 to vector<16xi32>
        %add3A_882 = arith.addi %and3A_861, %add3A_881 : vector<16xi32>
        %add3A_883 = vector.broadcast %mul3A_568 : i32 to vector<16xi32>
        %add3A_884 = arith.addi %add3A_882, %add3A_883 : vector<16xi32>
        %swap3A_885 = arith.constant 48 : index
        %swap3A_886 = tpu.vector_load %arg11[%swap3A_885] {strides = array<i32>} : memref<64xi32, #tpu.memory_space<vmem>>, vector<16xi32>,
        tpu.vector_store %arg11[%swap3A_885], %add3A_884 {strides = array<i32>} : memref<64xi32, #tpu.memory_space<vmem>>, vector<16xi32>,
        %dma_start3A_887 = arith.constant 0 : i32
        %dma_start3A_888 = arith.constant 0 : i32
        %dma_start3A_889 = tpu.memref_slice %arg6[%dma_start3A_887, %dma_start3A_888] : memref<20000x272xf32, #tpu.memory_space<hbm>> -> memref<20000x272xf32, #tpu.memory_space<hbm>>
        tpu.enqueue_indirect_dma source(%dma_start3A_889 : memref<20000x272xf32, #tpu.memory_space<hbm>>) target(%arg23 : memref<64x272xf32, #tpu.memory_space<vmem>>) offsets(%arg13 : memref<64xi32, #tpu.memory_space<vmem>>) semaphore(%arg30 : memref<!tpu.dma_semaphore, #tpu.memory_space<semaphore_mem>>)
        %dma_start3A_890 = arith.constant 0 : i32
        %dma_start3A_891 = arith.constant 0 : i32
        %dma_start3A_892 = tpu.memref_slice %arg4[%dma_start3A_890, %dma_start3A_891] : memref<20000x16xf32, #tpu.memory_space<hbm>> -> memref<20000x16xf32, #tpu.memory_space<hbm>>
        tpu.enqueue_indirect_dma source(%dma_start3A_892 : memref<20000x16xf32, #tpu.memory_space<hbm>>) target(%arg19 : memref<64x16xf32, #tpu.memory_space<vmem>>) offsets(%arg13 : memref<64xi32, #tpu.memory_space<vmem>>) semaphore(%arg32 : memref<!tpu.dma_semaphore, #tpu.memory_space<semaphore_mem>>)
        %dma_start3A_893 = arith.constant 0 : i32
        %dma_start3A_894 = arith.constant 0 : i32
        %dma_start3A_895 = tpu.memref_slice %arg5[%dma_start3A_893, %dma_start3A_894] : memref<20000x16xf32, #tpu.memory_space<hbm>> -> memref<20000x16xf32, #tpu.memory_space<hbm>>
        tpu.enqueue_indirect_dma source(%dma_start3A_895 : memref<20000x16xf32, #tpu.memory_space<hbm>>) target(%arg21 : memref<64x16xf32, #tpu.memory_space<vmem>>) offsets(%arg11 : memref<64xi32, #tpu.memory_space<vmem>>) semaphore(%arg34 : memref<!tpu.dma_semaphore, #tpu.memory_space<semaphore_mem>>)
        %dma_wait3A_896 = arith.constant 0 : i32
        %dma_wait3A_897 = arith.constant 0 : i32
        %dma_wait3A_898 = tpu.memref_slice %arg6[%dma_wait3A_896, %dma_wait3A_897] : memref<20000x272xf32, #tpu.memory_space<hbm>> -> memref<20000x272xf32, #tpu.memory_space<hbm>>
        tpu.wait_indirect_dma semaphore(%arg29 : memref<!tpu.dma_semaphore, #tpu.memory_space<semaphore_mem>>) src(%dma_wait3A_898 : memref<20000x272xf32, #tpu.memory_space<hbm>>) dst(%arg22 : memref<64x272xf32, #tpu.memory_space<vmem>>)
        %dma_wait3A_899 = arith.constant 0 : i32
        %dma_wait3A_900 = arith.constant 0 : i32
        %dma_wait3A_901 = tpu.memref_slice %arg4[%dma_wait3A_899, %dma_wait3A_900] : memref<20000x16xf32, #tpu.memory_space<hbm>> -> memref<20000x16xf32, #tpu.memory_space<hbm>>
        tpu.wait_indirect_dma semaphore(%arg31 : memref<!tpu.dma_semaphore, #tpu.memory_space<semaphore_mem>>) src(%dma_wait3A_901 : memref<20000x16xf32, #tpu.memory_space<hbm>>) dst(%arg18 : memref<64x16xf32, #tpu.memory_space<vmem>>)
        %dma_wait3A_902 = arith.constant 0 : i32
        %dma_wait3A_903 = arith.constant 0 : i32
        %dma_wait3A_904 = tpu.memref_slice %arg5[%dma_wait3A_902, %dma_wait3A_903] : memref<20000x16xf32, #tpu.memory_space<hbm>> -> memref<20000x16xf32, #tpu.memory_space<hbm>>
        tpu.wait_indirect_dma semaphore(%arg33 : memref<!tpu.dma_semaphore, #tpu.memory_space<semaphore_mem>>) src(%dma_wait3A_904 : memref<20000x16xf32, #tpu.memory_space<hbm>>) dst(%arg20 : memref<64x16xf32, #tpu.memory_space<vmem>>)
        %scan3A_905 = arith.constant 0 : i32
        %scan3A_906 = arith.constant 0 : i32
        %scan3A_907 = arith.constant 64 : i32
        %scan3A_908 = arith.addi %scan3A_906, %scan3A_907 : i32
        %scan3A_909 = arith.constant 1 : i32
        scf.for %scan3A_1062 = %scan3A_906 to %scan3A_908 step %scan3A_909  : i32 {
          %get3A_1063 = arith.index_cast %scan3A_1062 : i32 to index
          %get3A_1064 = arith.constant 0 : index
          %get3A_1065 = tpu.vector_load %arg18[%get3A_1063, %get3A_1064] {strides = array<i32>} : memref<64x16xf32, #tpu.memory_space<vmem>>, vector<16xf32>,
          %get3A_1066 = arith.index_cast %scan3A_1062 : i32 to index
          %get3A_1067 = arith.constant 0 : index
          %get3A_1068 = tpu.vector_load %arg20[%get3A_1066, %get3A_1067] {strides = array<i32>} : memref<64x16xf32, #tpu.memory_space<vmem>>, vector<16xf32>,
          %add3A_1069 = arith.addf %get3A_1065, %get3A_1068 : vector<16xf32>
          %ge3A = arith.constant 0.000000e+00 : f32
          %ge3A_1070 = vector.broadcast %ge3A : f32 to vector<16xf32>
          %ge3A_1071 = arith.cmpf oge, %add3A_1069, %ge3A_1070 : vector<16xf32>
          %mul3A_1072 = arith.constant 2.000000e-01 : f32
          %mul3A_1073 = vector.broadcast %mul3A_1072 : f32 to vector<16xf32>
          %mul3A_1074 = arith.mulf %mul3A_1073, %add3A_1069 : vector<16xf32>
          %select_n3A_1075 = arith.select %ge3A_1071, %add3A_1069, %mul3A_1074 : vector<16xi1>, vector<16xf32>
          %broadcast_in_dim3A_1076 = arith.constant 0 : i32
          %broadcast_in_dim3A_1077 = vector.broadcast %broadcast_in_dim3A_1076 : i32 to vector<16xi32>
          %add3A_1078 = vector.broadcast %scan3A_1062 : i32 to vector<16xi32>
          %add3A_1079 = arith.addi %broadcast_in_dim3A_1077, %add3A_1078 : vector<16xi32>
          %gather3A = tpu.vector_load_idx %arg16[%add3A_1079] : memref<64xf32, #tpu.memory_space<vmem>>[vector<16xi32>], vector<16xf32>,
          %exp3A = math.exp %select_n3A_1075 : vector<16xf32>
          %mul3A_1080 = arith.mulf %exp3A, %gather3A : vector<16xf32>
          %get3A_1081 = arith.index_cast %scan3A_1062 : i32 to index
          %get3A_1082 = arith.constant 0 : index
          %get3A_1083 = tpu.vector_load %arg22[%get3A_1081, %get3A_1082] {strides = array<i32>} : memref<64x272xf32, #tpu.memory_space<vmem>>, vector<16xf32>,
          %mul3A_1084 = arith.mulf %get3A_1083, %mul3A_1080 : vector<16xf32>
          %swap3A_1085 = arith.index_cast %scan3A_1062 : i32 to index
          %swap3A_1086 = arith.constant 0 : index
          %swap3A_1087 = tpu.vector_load %arg22[%swap3A_1085, %swap3A_1086] {strides = array<i32>} : memref<64x272xf32, #tpu.memory_space<vmem>>, vector<16xf32>,
          tpu.vector_store %arg22[%swap3A_1085, %swap3A_1086], %mul3A_1084 {strides = array<i32>} : memref<64x272xf32, #tpu.memory_space<vmem>>, vector<16xf32>,
          %get3A_1088 = arith.index_cast %scan3A_1062 : i32 to index
          %get3A_1089 = arith.constant 16 : index
          %get3A_1090 = tpu.vector_load %arg22[%get3A_1088, %get3A_1089] {strides = array<i32>} : memref<64x272xf32, #tpu.memory_space<vmem>>, vector<16xf32>,
          %mul3A_1091 = arith.mulf %get3A_1090, %mul3A_1080 : vector<16xf32>
          %swap3A_1092 = arith.index_cast %scan3A_1062 : i32 to index
          %swap3A_1093 = arith.constant 16 : index
          %swap3A_1094 = tpu.vector_load %arg22[%swap3A_1092, %swap3A_1093] {strides = array<i32>} : memref<64x272xf32, #tpu.memory_space<vmem>>, vector<16xf32>,
          tpu.vector_store %arg22[%swap3A_1092, %swap3A_1093], %mul3A_1091 {strides = array<i32>} : memref<64x272xf32, #tpu.memory_space<vmem>>, vector<16xf32>,
          %get3A_1095 = arith.index_cast %scan3A_1062 : i32 to index
          %get3A_1096 = arith.constant 32 : index
          %get3A_1097 = tpu.vector_load %arg22[%get3A_1095, %get3A_1096] {strides = array<i32>} : memref<64x272xf32, #tpu.memory_space<vmem>>, vector<16xf32>,
          %mul3A_1098 = arith.mulf %get3A_1097, %mul3A_1080 : vector<16xf32>
          %swap3A_1099 = arith.index_cast %scan3A_1062 : i32 to index
          %swap3A_1100 = arith.constant 32 : index
          %swap3A_1101 = tpu.vector_load %arg22[%swap3A_1099, %swap3A_1100] {strides = array<i32>} : memref<64x272xf32, #tpu.memory_space<vmem>>, vector<16xf32>,
          tpu.vector_store %arg22[%swap3A_1099, %swap3A_1100], %mul3A_1098 {strides = array<i32>} : memref<64x272xf32, #tpu.memory_space<vmem>>, vector<16xf32>,
          %get3A_1102 = arith.index_cast %scan3A_1062 : i32 to index
          %get3A_1103 = arith.constant 48 : index
          %get3A_1104 = tpu.vector_load %arg22[%get3A_1102, %get3A_1103] {strides = array<i32>} : memref<64x272xf32, #tpu.memory_space<vmem>>, vector<16xf32>,
          %mul3A_1105 = arith.mulf %get3A_1104, %mul3A_1080 : vector<16xf32>
          %swap3A_1106 = arith.index_cast %scan3A_1062 : i32 to index
          %swap3A_1107 = arith.constant 48 : index
          %swap3A_1108 = tpu.vector_load %arg22[%swap3A_1106, %swap3A_1107] {strides = array<i32>} : memref<64x272xf32, #tpu.memory_space<vmem>>, vector<16xf32>,
          tpu.vector_store %arg22[%swap3A_1106, %swap3A_1107], %mul3A_1105 {strides = array<i32>} : memref<64x272xf32, #tpu.memory_space<vmem>>, vector<16xf32>,
          %get3A_1109 = arith.index_cast %scan3A_1062 : i32 to index
          %get3A_1110 = arith.constant 64 : index
          %get3A_1111 = tpu.vector_load %arg22[%get3A_1109, %get3A_1110] {strides = array<i32>} : memref<64x272xf32, #tpu.memory_space<vmem>>, vector<16xf32>,
          %mul3A_1112 = arith.mulf %get3A_1111, %mul3A_1080 : vector<16xf32>
          %swap3A_1113 = arith.index_cast %scan3A_1062 : i32 to index
          %swap3A_1114 = arith.constant 64 : index
          %swap3A_1115 = tpu.vector_load %arg22[%swap3A_1113, %swap3A_1114] {strides = array<i32>} : memref<64x272xf32, #tpu.memory_space<vmem>>, vector<16xf32>,
          tpu.vector_store %arg22[%swap3A_1113, %swap3A_1114], %mul3A_1112 {strides = array<i32>} : memref<64x272xf32, #tpu.memory_space<vmem>>, vector<16xf32>,
          %get3A_1116 = arith.index_cast %scan3A_1062 : i32 to index
          %get3A_1117 = arith.constant 80 : index
          %get3A_1118 = tpu.vector_load %arg22[%get3A_1116, %get3A_1117] {strides = array<i32>} : memref<64x272xf32, #tpu.memory_space<vmem>>, vector<16xf32>,
          %mul3A_1119 = arith.mulf %get3A_1118, %mul3A_1080 : vector<16xf32>
          %swap3A_1120 = arith.index_cast %scan3A_1062 : i32 to index
          %swap3A_1121 = arith.constant 80 : index
          %swap3A_1122 = tpu.vector_load %arg22[%swap3A_1120, %swap3A_1121] {strides = array<i32>} : memref<64x272xf32, #tpu.memory_space<vmem>>, vector<16xf32>,
          tpu.vector_store %arg22[%swap3A_1120, %swap3A_1121], %mul3A_1119 {strides = array<i32>} : memref<64x272xf32, #tpu.memory_space<vmem>>, vector<16xf32>,
          %get3A_1123 = arith.index_cast %scan3A_1062 : i32 to index
          %get3A_1124 = arith.constant 96 : index
          %get3A_1125 = tpu.vector_load %arg22[%get3A_1123, %get3A_1124] {strides = array<i32>} : memref<64x272xf32, #tpu.memory_space<vmem>>, vector<16xf32>,
          %mul3A_1126 = arith.mulf %get3A_1125, %mul3A_1080 : vector<16xf32>
          %swap3A_1127 = arith.index_cast %scan3A_1062 : i32 to index
          %swap3A_1128 = arith.constant 96 : index
          %swap3A_1129 = tpu.vector_load %arg22[%swap3A_1127, %swap3A_1128] {strides = array<i32>} : memref<64x272xf32, #tpu.memory_space<vmem>>, vector<16xf32>,
          tpu.vector_store %arg22[%swap3A_1127, %swap3A_1128], %mul3A_1126 {strides = array<i32>} : memref<64x272xf32, #tpu.memory_space<vmem>>, vector<16xf32>,
          %get3A_1130 = arith.index_cast %scan3A_1062 : i32 to index
          %get3A_1131 = arith.constant 112 : index
          %get3A_1132 = tpu.vector_load %arg22[%get3A_1130, %get3A_1131] {strides = array<i32>} : memref<64x272xf32, #tpu.memory_space<vmem>>, vector<16xf32>,
          %mul3A_1133 = arith.mulf %get3A_1132, %mul3A_1080 : vector<16xf32>
          %swap3A_1134 = arith.index_cast %scan3A_1062 : i32 to index
          %swap3A_1135 = arith.constant 112 : index
          %swap3A_1136 = tpu.vector_load %arg22[%swap3A_1134, %swap3A_1135] {strides = array<i32>} : memref<64x272xf32, #tpu.memory_space<vmem>>, vector<16xf32>,
          tpu.vector_store %arg22[%swap3A_1134, %swap3A_1135], %mul3A_1133 {strides = array<i32>} : memref<64x272xf32, #tpu.memory_space<vmem>>, vector<16xf32>,
          %get3A_1137 = arith.index_cast %scan3A_1062 : i32 to index
          %get3A_1138 = arith.constant 128 : index
          %get3A_1139 = tpu.vector_load %arg22[%get3A_1137, %get3A_1138] {strides = array<i32>} : memref<64x272xf32, #tpu.memory_space<vmem>>, vector<16xf32>,
          %mul3A_1140 = arith.mulf %get3A_1139, %mul3A_1080 : vector<16xf32>
          %swap3A_1141 = arith.index_cast %scan3A_1062 : i32 to index
          %swap3A_1142 = arith.constant 128 : index
          %swap3A_1143 = tpu.vector_load %arg22[%swap3A_1141, %swap3A_1142] {strides = array<i32>} : memref<64x272xf32, #tpu.memory_space<vmem>>, vector<16xf32>,
          tpu.vector_store %arg22[%swap3A_1141, %swap3A_1142], %mul3A_1140 {strides = array<i32>} : memref<64x272xf32, #tpu.memory_space<vmem>>, vector<16xf32>,
          %get3A_1144 = arith.index_cast %scan3A_1062 : i32 to index
          %get3A_1145 = arith.constant 144 : index
          %get3A_1146 = tpu.vector_load %arg22[%get3A_1144, %get3A_1145] {strides = array<i32>} : memref<64x272xf32, #tpu.memory_space<vmem>>, vector<16xf32>,
          %mul3A_1147 = arith.mulf %get3A_1146, %mul3A_1080 : vector<16xf32>
          %swap3A_1148 = arith.index_cast %scan3A_1062 : i32 to index
          %swap3A_1149 = arith.constant 144 : index
          %swap3A_1150 = tpu.vector_load %arg22[%swap3A_1148, %swap3A_1149] {strides = array<i32>} : memref<64x272xf32, #tpu.memory_space<vmem>>, vector<16xf32>,
          tpu.vector_store %arg22[%swap3A_1148, %swap3A_1149], %mul3A_1147 {strides = array<i32>} : memref<64x272xf32, #tpu.memory_space<vmem>>, vector<16xf32>,
          %get3A_1151 = arith.index_cast %scan3A_1062 : i32 to index
          %get3A_1152 = arith.constant 160 : index
          %get3A_1153 = tpu.vector_load %arg22[%get3A_1151, %get3A_1152] {strides = array<i32>} : memref<64x272xf32, #tpu.memory_space<vmem>>, vector<16xf32>,
          %mul3A_1154 = arith.mulf %get3A_1153, %mul3A_1080 : vector<16xf32>
          %swap3A_1155 = arith.index_cast %scan3A_1062 : i32 to index
          %swap3A_1156 = arith.constant 160 : index
          %swap3A_1157 = tpu.vector_load %arg22[%swap3A_1155, %swap3A_1156] {strides = array<i32>} : memref<64x272xf32, #tpu.memory_space<vmem>>, vector<16xf32>,
          tpu.vector_store %arg22[%swap3A_1155, %swap3A_1156], %mul3A_1154 {strides = array<i32>} : memref<64x272xf32, #tpu.memory_space<vmem>>, vector<16xf32>,
          %get3A_1158 = arith.index_cast %scan3A_1062 : i32 to index
          %get3A_1159 = arith.constant 176 : index
          %get3A_1160 = tpu.vector_load %arg22[%get3A_1158, %get3A_1159] {strides = array<i32>} : memref<64x272xf32, #tpu.memory_space<vmem>>, vector<16xf32>,
          %mul3A_1161 = arith.mulf %get3A_1160, %mul3A_1080 : vector<16xf32>
          %swap3A_1162 = arith.index_cast %scan3A_1062 : i32 to index
          %swap3A_1163 = arith.constant 176 : index
          %swap3A_1164 = tpu.vector_load %arg22[%swap3A_1162, %swap3A_1163] {strides = array<i32>} : memref<64x272xf32, #tpu.memory_space<vmem>>, vector<16xf32>,
          tpu.vector_store %arg22[%swap3A_1162, %swap3A_1163], %mul3A_1161 {strides = array<i32>} : memref<64x272xf32, #tpu.memory_space<vmem>>, vector<16xf32>,
          %get3A_1165 = arith.index_cast %scan3A_1062 : i32 to index
          %get3A_1166 = arith.constant 192 : index
          %get3A_1167 = tpu.vector_load %arg22[%get3A_1165, %get3A_1166] {strides = array<i32>} : memref<64x272xf32, #tpu.memory_space<vmem>>, vector<16xf32>,
          %mul3A_1168 = arith.mulf %get3A_1167, %mul3A_1080 : vector<16xf32>
          %swap3A_1169 = arith.index_cast %scan3A_1062 : i32 to index
          %swap3A_1170 = arith.constant 192 : index
          %swap3A_1171 = tpu.vector_load %arg22[%swap3A_1169, %swap3A_1170] {strides = array<i32>} : memref<64x272xf32, #tpu.memory_space<vmem>>, vector<16xf32>,
          tpu.vector_store %arg22[%swap3A_1169, %swap3A_1170], %mul3A_1168 {strides = array<i32>} : memref<64x272xf32, #tpu.memory_space<vmem>>, vector<16xf32>,
          %get3A_1172 = arith.index_cast %scan3A_1062 : i32 to index
          %get3A_1173 = arith.constant 208 : index
          %get3A_1174 = tpu.vector_load %arg22[%get3A_1172, %get3A_1173] {strides = array<i32>} : memref<64x272xf32, #tpu.memory_space<vmem>>, vector<16xf32>,
          %mul3A_1175 = arith.mulf %get3A_1174, %mul3A_1080 : vector<16xf32>
          %swap3A_1176 = arith.index_cast %scan3A_1062 : i32 to index
          %swap3A_1177 = arith.constant 208 : index
          %swap3A_1178 = tpu.vector_load %arg22[%swap3A_1176, %swap3A_1177] {strides = array<i32>} : memref<64x272xf32, #tpu.memory_space<vmem>>, vector<16xf32>,
          tpu.vector_store %arg22[%swap3A_1176, %swap3A_1177], %mul3A_1175 {strides = array<i32>} : memref<64x272xf32, #tpu.memory_space<vmem>>, vector<16xf32>,
          %get3A_1179 = arith.index_cast %scan3A_1062 : i32 to index
          %get3A_1180 = arith.constant 224 : index
          %get3A_1181 = tpu.vector_load %arg22[%get3A_1179, %get3A_1180] {strides = array<i32>} : memref<64x272xf32, #tpu.memory_space<vmem>>, vector<16xf32>,
          %mul3A_1182 = arith.mulf %get3A_1181, %mul3A_1080 : vector<16xf32>
          %swap3A_1183 = arith.index_cast %scan3A_1062 : i32 to index
          %swap3A_1184 = arith.constant 224 : index
          %swap3A_1185 = tpu.vector_load %arg22[%swap3A_1183, %swap3A_1184] {strides = array<i32>} : memref<64x272xf32, #tpu.memory_space<vmem>>, vector<16xf32>,
          tpu.vector_store %arg22[%swap3A_1183, %swap3A_1184], %mul3A_1182 {strides = array<i32>} : memref<64x272xf32, #tpu.memory_space<vmem>>, vector<16xf32>,
          %get3A_1186 = arith.index_cast %scan3A_1062 : i32 to index
          %get3A_1187 = arith.constant 240 : index
          %get3A_1188 = tpu.vector_load %arg22[%get3A_1186, %get3A_1187] {strides = array<i32>} : memref<64x272xf32, #tpu.memory_space<vmem>>, vector<16xf32>,
          %mul3A_1189 = arith.mulf %get3A_1188, %mul3A_1080 : vector<16xf32>
          %swap3A_1190 = arith.index_cast %scan3A_1062 : i32 to index
          %swap3A_1191 = arith.constant 240 : index
          %swap3A_1192 = tpu.vector_load %arg22[%swap3A_1190, %swap3A_1191] {strides = array<i32>} : memref<64x272xf32, #tpu.memory_space<vmem>>, vector<16xf32>,
          tpu.vector_store %arg22[%swap3A_1190, %swap3A_1191], %mul3A_1189 {strides = array<i32>} : memref<64x272xf32, #tpu.memory_space<vmem>>, vector<16xf32>,
          %get3A_1193 = arith.index_cast %scan3A_1062 : i32 to index
          %get3A_1194 = arith.constant 256 : index
          %get3A_1195 = tpu.vector_load %arg22[%get3A_1193, %get3A_1194] {strides = array<i32>} : memref<64x272xf32, #tpu.memory_space<vmem>>, vector<16xf32>,
          %mul3A_1196 = arith.mulf %get3A_1195, %mul3A_1080 : vector<16xf32>
          %swap3A_1197 = arith.index_cast %scan3A_1062 : i32 to index
          %swap3A_1198 = arith.constant 256 : index
          %swap3A_1199 = tpu.vector_load %arg22[%swap3A_1197, %swap3A_1198] {strides = array<i32>} : memref<64x272xf32, #tpu.memory_space<vmem>>, vector<16xf32>,
          tpu.vector_store %arg22[%swap3A_1197, %swap3A_1198], %mul3A_1196 {strides = array<i32>} : memref<64x272xf32, #tpu.memory_space<vmem>>, vector<16xf32>,
        }
        %scan3A_910 = arith.constant 64 : i32
        "tpu.region"() ({
          %run_scoped3A = tpu.sem_alloc : memref<!tpu.dma_semaphore, #tpu.memory_space<semaphore_mem>>
          %dma_start3A_1062 = arith.constant 0 : i32
          %dma_start3A_1063 = arith.constant 0 : i32
          %dma_start3A_1064 = tpu.memref_slice %arg28[%dma_start3A_1062, %dma_start3A_1063] : memref<5120x272xf32, #tpu.memory_space<vmem_shared>> -> memref<5120x272xf32, #tpu.memory_space<vmem_shared>>
          tpu.enqueue_indirect_dma source(%arg22 : memref<64x272xf32, #tpu.memory_space<vmem>>) target(%dma_start3A_1064 : memref<5120x272xf32, #tpu.memory_space<vmem_shared>>) offsets(%arg14 : memref<64xi32, #tpu.memory_space<vmem>>) semaphore(%run_scoped3A : memref<!tpu.dma_semaphore, #tpu.memory_space<semaphore_mem>>) {add = true}
          %dma_wait3A_1065 = arith.constant 0 : i32
          %dma_wait3A_1066 = arith.constant 0 : i32
          %dma_wait3A_1067 = tpu.memref_slice %arg28[%dma_wait3A_1065, %dma_wait3A_1066] : memref<5120x272xf32, #tpu.memory_space<vmem_shared>> -> memref<5120x272xf32, #tpu.memory_space<vmem_shared>>
          tpu.wait_indirect_dma semaphore(%run_scoped3A : memref<!tpu.dma_semaphore, #tpu.memory_space<semaphore_mem>>) src(%arg22 : memref<64x272xf32, #tpu.memory_space<vmem>>) dst(%dma_wait3A_1067 : memref<5120x272xf32, #tpu.memory_space<vmem_shared>>)
          tpu.yield
        }) : () -> ()
        %add3A_911 = arith.constant 2 : i32
        %add3A_912 = arith.addi %mul3A_760, %add3A_911 : i32
        %min3A_913 = arith.minsi %add3A_912, %select_n3A_545 : i32
        %mul3A_914 = arith.constant 64 : i32
        %mul3A_915 = arith.muli %min3A_913, %mul3A_914 : i32
        %add3A_916 = arith.addi %mul3A_6, %mul3A_915 : i32
        %multiple_of3A_917 = tpu.assume_multiple %add3A_916, 8 : i32
        "tpu.region"() ({
          %run_scoped3A = tpu.sem_alloc : memref<!tpu.dma_semaphore, #tpu.memory_space<semaphore_mem>>
          %dma_start3A_1062 = tpu.memref_slice %arg27[%multiple_of3A_917] : memref<688128xi32, #tpu.memory_space<hbm>> -> memref<64xi32, #tpu.memory_space<hbm>>
          %dma_start3A_1063 = tpu.memref_slice %arg27[%multiple_of3A_917] : memref<688128xi32, #tpu.memory_space<hbm>> -> memref<64xi32, #tpu.memory_space<hbm>>
          tpu.enqueue_dma source(%dma_start3A_1063 : memref<64xi32, #tpu.memory_space<hbm>>) target(%arg8 : memref<64xi32, #tpu.memory_space<vmem>>) target_semaphore(%run_scoped3A : memref<!tpu.dma_semaphore, #tpu.memory_space<semaphore_mem>>)
          %dma_wait3A_1064 = tpu.memref_slice %arg27[%multiple_of3A_917] : memref<688128xi32, #tpu.memory_space<hbm>> -> memref<64xi32, #tpu.memory_space<hbm>>
          %dma_wait3A_1065 = tpu.memref_slice %arg27[%multiple_of3A_917] : memref<688128xi32, #tpu.memory_space<hbm>> -> memref<64xi32, #tpu.memory_space<hbm>>
          tpu.wait_dma2 semaphore(%run_scoped3A : memref<!tpu.dma_semaphore, #tpu.memory_space<semaphore_mem>>) src(%dma_wait3A_1065 : memref<64xi32, #tpu.memory_space<hbm>>) dst(%arg8 : memref<64xi32, #tpu.memory_space<vmem>>)
          tpu.yield
        }) : () -> ()
        %get3A_918 = arith.constant 0 : index
        %get3A_919 = tpu.vector_load %arg8[%get3A_918] {strides = array<i32>} : memref<64xi32, #tpu.memory_space<vmem>>, vector<16xi32>,
        %and3A_920 = arith.constant 8191 : i32
        %and3A_921 = vector.broadcast %and3A_920 : i32 to vector<16xi32>
        %and3A_922 = arith.andi %get3A_919, %and3A_921 : vector<16xi32>
        %shift_right_arithmetic3A_923 = arith.constant 13 : i32
        %shift_right_arithmetic3A_924 = vector.broadcast %shift_right_arithmetic3A_923 : i32 to vector<16xi32>
        %shift_right_arithmetic3A_925 = arith.shrsi %get3A_919, %shift_right_arithmetic3A_924 : vector<16xi32>
        %ne3A_926 = arith.constant 5119 : i32
        %ne3A_927 = vector.broadcast %ne3A_926 : i32 to vector<16xi32>
        %ne3A_928 = arith.cmpi ne, %and3A_922, %ne3A_927 : vector<16xi32>
        %jit3A_929 = arith.constant 1.000000e+00 : f32
        %jit3A_930 = arith.constant 0.000000e+00 : f32
        %broadcast_in_dim3A_931 = vector.broadcast %jit3A_929 : f32 to vector<16xf32>
        %broadcast_in_dim3A_932 = vector.broadcast %jit3A_930 : f32 to vector<16xf32>
        %select_n3A_933 = arith.select %ne3A_928, %broadcast_in_dim3A_931, %broadcast_in_dim3A_932 : vector<16xi1>, vector<16xf32>
        %swap3A_934 = arith.constant 0 : index
        %swap3A_935 = tpu.vector_load %arg16[%swap3A_934] {strides = array<i32>} : memref<64xf32, #tpu.memory_space<vmem>>, vector<16xf32>,
        tpu.vector_store %arg16[%swap3A_934], %select_n3A_933 {strides = array<i32>} : memref<64xf32, #tpu.memory_space<vmem>>, vector<16xf32>,
        %swap3A_936 = arith.constant 0 : index
        %swap3A_937 = tpu.vector_load %arg14[%swap3A_936] {strides = array<i32>} : memref<64xi32, #tpu.memory_space<vmem>>, vector<16xi32>,
        tpu.vector_store %arg14[%swap3A_936], %and3A_922 {strides = array<i32>} : memref<64xi32, #tpu.memory_space<vmem>>, vector<16xi32>,
        %add3A_938 = vector.broadcast %mul3A_568 : i32 to vector<16xi32>
        %add3A_939 = arith.addi %shift_right_arithmetic3A_925, %add3A_938 : vector<16xi32>
        %swap3A_940 = arith.constant 0 : index
        %swap3A_941 = tpu.vector_load %arg12[%swap3A_940] {strides = array<i32>} : memref<64xi32, #tpu.memory_space<vmem>>, vector<16xi32>,
        tpu.vector_store %arg12[%swap3A_940], %add3A_939 {strides = array<i32>} : memref<64xi32, #tpu.memory_space<vmem>>, vector<16xi32>,
        %add3A_942 = vector.broadcast %mul3A_2 : i32 to vector<16xi32>
        %add3A_943 = arith.addi %and3A_922, %add3A_942 : vector<16xi32>
        %add3A_944 = vector.broadcast %mul3A_568 : i32 to vector<16xi32>
        %add3A_945 = arith.addi %add3A_943, %add3A_944 : vector<16xi32>
        %swap3A_946 = arith.constant 0 : index
        %swap3A_947 = tpu.vector_load %arg10[%swap3A_946] {strides = array<i32>} : memref<64xi32, #tpu.memory_space<vmem>>, vector<16xi32>,
        tpu.vector_store %arg10[%swap3A_946], %add3A_945 {strides = array<i32>} : memref<64xi32, #tpu.memory_space<vmem>>, vector<16xi32>,
        %get3A_948 = arith.constant 16 : index
        %get3A_949 = tpu.vector_load %arg8[%get3A_948] {strides = array<i32>} : memref<64xi32, #tpu.memory_space<vmem>>, vector<16xi32>,
        %and3A_950 = arith.constant 8191 : i32
        %and3A_951 = vector.broadcast %and3A_950 : i32 to vector<16xi32>
        %and3A_952 = arith.andi %get3A_949, %and3A_951 : vector<16xi32>
        %shift_right_arithmetic3A_953 = arith.constant 13 : i32
        %shift_right_arithmetic3A_954 = vector.broadcast %shift_right_arithmetic3A_953 : i32 to vector<16xi32>
        %shift_right_arithmetic3A_955 = arith.shrsi %get3A_949, %shift_right_arithmetic3A_954 : vector<16xi32>
        %ne3A_956 = arith.constant 5119 : i32
        %ne3A_957 = vector.broadcast %ne3A_956 : i32 to vector<16xi32>
        %ne3A_958 = arith.cmpi ne, %and3A_952, %ne3A_957 : vector<16xi32>
        %jit3A_959 = arith.constant 1.000000e+00 : f32
        %jit3A_960 = arith.constant 0.000000e+00 : f32
        %broadcast_in_dim3A_961 = vector.broadcast %jit3A_959 : f32 to vector<16xf32>
        %broadcast_in_dim3A_962 = vector.broadcast %jit3A_960 : f32 to vector<16xf32>
        %select_n3A_963 = arith.select %ne3A_958, %broadcast_in_dim3A_961, %broadcast_in_dim3A_962 : vector<16xi1>, vector<16xf32>
        %swap3A_964 = arith.constant 16 : index
        %swap3A_965 = tpu.vector_load %arg16[%swap3A_964] {strides = array<i32>} : memref<64xf32, #tpu.memory_space<vmem>>, vector<16xf32>,
        tpu.vector_store %arg16[%swap3A_964], %select_n3A_963 {strides = array<i32>} : memref<64xf32, #tpu.memory_space<vmem>>, vector<16xf32>,
        %swap3A_966 = arith.constant 16 : index
        %swap3A_967 = tpu.vector_load %arg14[%swap3A_966] {strides = array<i32>} : memref<64xi32, #tpu.memory_space<vmem>>, vector<16xi32>,
        tpu.vector_store %arg14[%swap3A_966], %and3A_952 {strides = array<i32>} : memref<64xi32, #tpu.memory_space<vmem>>, vector<16xi32>,
        %add3A_968 = vector.broadcast %mul3A_568 : i32 to vector<16xi32>
        %add3A_969 = arith.addi %shift_right_arithmetic3A_955, %add3A_968 : vector<16xi32>
        %swap3A_970 = arith.constant 16 : index
        %swap3A_971 = tpu.vector_load %arg12[%swap3A_970] {strides = array<i32>} : memref<64xi32, #tpu.memory_space<vmem>>, vector<16xi32>,
        tpu.vector_store %arg12[%swap3A_970], %add3A_969 {strides = array<i32>} : memref<64xi32, #tpu.memory_space<vmem>>, vector<16xi32>,
        %add3A_972 = vector.broadcast %mul3A_2 : i32 to vector<16xi32>
        %add3A_973 = arith.addi %and3A_952, %add3A_972 : vector<16xi32>
        %add3A_974 = vector.broadcast %mul3A_568 : i32 to vector<16xi32>
        %add3A_975 = arith.addi %add3A_973, %add3A_974 : vector<16xi32>
        %swap3A_976 = arith.constant 16 : index
        %swap3A_977 = tpu.vector_load %arg10[%swap3A_976] {strides = array<i32>} : memref<64xi32, #tpu.memory_space<vmem>>, vector<16xi32>,
        tpu.vector_store %arg10[%swap3A_976], %add3A_975 {strides = array<i32>} : memref<64xi32, #tpu.memory_space<vmem>>, vector<16xi32>,
        %get3A_978 = arith.constant 32 : index
        %get3A_979 = tpu.vector_load %arg8[%get3A_978] {strides = array<i32>} : memref<64xi32, #tpu.memory_space<vmem>>, vector<16xi32>,
        %and3A_980 = arith.constant 8191 : i32
        %and3A_981 = vector.broadcast %and3A_980 : i32 to vector<16xi32>
        %and3A_982 = arith.andi %get3A_979, %and3A_981 : vector<16xi32>
        %shift_right_arithmetic3A_983 = arith.constant 13 : i32
        %shift_right_arithmetic3A_984 = vector.broadcast %shift_right_arithmetic3A_983 : i32 to vector<16xi32>
        %shift_right_arithmetic3A_985 = arith.shrsi %get3A_979, %shift_right_arithmetic3A_984 : vector<16xi32>
        %ne3A_986 = arith.constant 5119 : i32
        %ne3A_987 = vector.broadcast %ne3A_986 : i32 to vector<16xi32>
        %ne3A_988 = arith.cmpi ne, %and3A_982, %ne3A_987 : vector<16xi32>
        %jit3A_989 = arith.constant 1.000000e+00 : f32
        %jit3A_990 = arith.constant 0.000000e+00 : f32
        %broadcast_in_dim3A_991 = vector.broadcast %jit3A_989 : f32 to vector<16xf32>
        %broadcast_in_dim3A_992 = vector.broadcast %jit3A_990 : f32 to vector<16xf32>
        %select_n3A_993 = arith.select %ne3A_988, %broadcast_in_dim3A_991, %broadcast_in_dim3A_992 : vector<16xi1>, vector<16xf32>
        %swap3A_994 = arith.constant 32 : index
        %swap3A_995 = tpu.vector_load %arg16[%swap3A_994] {strides = array<i32>} : memref<64xf32, #tpu.memory_space<vmem>>, vector<16xf32>,
        tpu.vector_store %arg16[%swap3A_994], %select_n3A_993 {strides = array<i32>} : memref<64xf32, #tpu.memory_space<vmem>>, vector<16xf32>,
        %swap3A_996 = arith.constant 32 : index
        %swap3A_997 = tpu.vector_load %arg14[%swap3A_996] {strides = array<i32>} : memref<64xi32, #tpu.memory_space<vmem>>, vector<16xi32>,
        tpu.vector_store %arg14[%swap3A_996], %and3A_982 {strides = array<i32>} : memref<64xi32, #tpu.memory_space<vmem>>, vector<16xi32>,
        %add3A_998 = vector.broadcast %mul3A_568 : i32 to vector<16xi32>
        %add3A_999 = arith.addi %shift_right_arithmetic3A_985, %add3A_998 : vector<16xi32>
        %swap3A_1000 = arith.constant 32 : index
        %swap3A_1001 = tpu.vector_load %arg12[%swap3A_1000] {strides = array<i32>} : memref<64xi32, #tpu.memory_space<vmem>>, vector<16xi32>,
        tpu.vector_store %arg12[%swap3A_1000], %add3A_999 {strides = array<i32>} : memref<64xi32, #tpu.memory_space<vmem>>, vector<16xi32>,
        %add3A_1002 = vector.broadcast %mul3A_2 : i32 to vector<16xi32>
        %add3A_1003 = arith.addi %and3A_982, %add3A_1002 : vector<16xi32>
        %add3A_1004 = vector.broadcast %mul3A_568 : i32 to vector<16xi32>
        %add3A_1005 = arith.addi %add3A_1003, %add3A_1004 : vector<16xi32>
        %swap3A_1006 = arith.constant 32 : index
        %swap3A_1007 = tpu.vector_load %arg10[%swap3A_1006] {strides = array<i32>} : memref<64xi32, #tpu.memory_space<vmem>>, vector<16xi32>,
        tpu.vector_store %arg10[%swap3A_1006], %add3A_1005 {strides = array<i32>} : memref<64xi32, #tpu.memory_space<vmem>>, vector<16xi32>,
        %get3A_1008 = arith.constant 48 : index
        %get3A_1009 = tpu.vector_load %arg8[%get3A_1008] {strides = array<i32>} : memref<64xi32, #tpu.memory_space<vmem>>, vector<16xi32>,
        %and3A_1010 = arith.constant 8191 : i32
        %and3A_1011 = vector.broadcast %and3A_1010 : i32 to vector<16xi32>
        %and3A_1012 = arith.andi %get3A_1009, %and3A_1011 : vector<16xi32>
        %shift_right_arithmetic3A_1013 = arith.constant 13 : i32
        %shift_right_arithmetic3A_1014 = vector.broadcast %shift_right_arithmetic3A_1013 : i32 to vector<16xi32>
        %shift_right_arithmetic3A_1015 = arith.shrsi %get3A_1009, %shift_right_arithmetic3A_1014 : vector<16xi32>
        %ne3A_1016 = arith.constant 5119 : i32
        %ne3A_1017 = vector.broadcast %ne3A_1016 : i32 to vector<16xi32>
        %ne3A_1018 = arith.cmpi ne, %and3A_1012, %ne3A_1017 : vector<16xi32>
        %jit3A_1019 = arith.constant 1.000000e+00 : f32
        %jit3A_1020 = arith.constant 0.000000e+00 : f32
        %broadcast_in_dim3A_1021 = vector.broadcast %jit3A_1019 : f32 to vector<16xf32>
        %broadcast_in_dim3A_1022 = vector.broadcast %jit3A_1020 : f32 to vector<16xf32>
        %select_n3A_1023 = arith.select %ne3A_1018, %broadcast_in_dim3A_1021, %broadcast_in_dim3A_1022 : vector<16xi1>, vector<16xf32>
        %swap3A_1024 = arith.constant 48 : index
        %swap3A_1025 = tpu.vector_load %arg16[%swap3A_1024] {strides = array<i32>} : memref<64xf32, #tpu.memory_space<vmem>>, vector<16xf32>,
        tpu.vector_store %arg16[%swap3A_1024], %select_n3A_1023 {strides = array<i32>} : memref<64xf32, #tpu.memory_space<vmem>>, vector<16xf32>,
        %swap3A_1026 = arith.constant 48 : index
        %swap3A_1027 = tpu.vector_load %arg14[%swap3A_1026] {strides = array<i32>} : memref<64xi32, #tpu.memory_space<vmem>>, vector<16xi32>,
        tpu.vector_store %arg14[%swap3A_1026], %and3A_1012 {strides = array<i32>} : memref<64xi32, #tpu.memory_space<vmem>>, vector<16xi32>,
        %add3A_1028 = vector.broadcast %mul3A_568 : i32 to vector<16xi32>
        %add3A_1029 = arith.addi %shift_right_arithmetic3A_1015, %add3A_1028 : vector<16xi32>
        %swap3A_1030 = arith.constant 48 : index
        %swap3A_1031 = tpu.vector_load %arg12[%swap3A_1030] {strides = array<i32>} : memref<64xi32, #tpu.memory_space<vmem>>, vector<16xi32>,
        tpu.vector_store %arg12[%swap3A_1030], %add3A_1029 {strides = array<i32>} : memref<64xi32, #tpu.memory_space<vmem>>, vector<16xi32>,
        %add3A_1032 = vector.broadcast %mul3A_2 : i32 to vector<16xi32>
        %add3A_1033 = arith.addi %and3A_1012, %add3A_1032 : vector<16xi32>
        %add3A_1034 = vector.broadcast %mul3A_568 : i32 to vector<16xi32>
        %add3A_1035 = arith.addi %add3A_1033, %add3A_1034 : vector<16xi32>
        %swap3A_1036 = arith.constant 48 : index
        %swap3A_1037 = tpu.vector_load %arg10[%swap3A_1036] {strides = array<i32>} : memref<64xi32, #tpu.memory_space<vmem>>, vector<16xi32>,
        tpu.vector_store %arg10[%swap3A_1036], %add3A_1035 {strides = array<i32>} : memref<64xi32, #tpu.memory_space<vmem>>, vector<16xi32>,
        %dma_start3A_1038 = arith.constant 0 : i32
        %dma_start3A_1039 = arith.constant 0 : i32
        %dma_start3A_1040 = tpu.memref_slice %arg6[%dma_start3A_1038, %dma_start3A_1039] : memref<20000x272xf32, #tpu.memory_space<hbm>> -> memref<20000x272xf32, #tpu.memory_space<hbm>>
        tpu.enqueue_indirect_dma source(%dma_start3A_1040 : memref<20000x272xf32, #tpu.memory_space<hbm>>) target(%arg22 : memref<64x272xf32, #tpu.memory_space<vmem>>) offsets(%arg12 : memref<64xi32, #tpu.memory_space<vmem>>) semaphore(%arg29 : memref<!tpu.dma_semaphore, #tpu.memory_space<semaphore_mem>>)
        %dma_start3A_1041 = arith.constant 0 : i32
        %dma_start3A_1042 = arith.constant 0 : i32
        %dma_start3A_1043 = tpu.memref_slice %arg4[%dma_start3A_1041, %dma_start3A_1042] : memref<20000x16xf32, #tpu.memory_space<hbm>> -> memref<20000x16xf32, #tpu.memory_space<hbm>>
        tpu.enqueue_indirect_dma source(%dma_start3A_1043 : memref<20000x16xf32, #tpu.memory_space<hbm>>) target(%arg18 : memref<64x16xf32, #tpu.memory_space<vmem>>) offsets(%arg12 : memref<64xi32, #tpu.memory_space<vmem>>) semaphore(%arg31 : memref<!tpu.dma_semaphore, #tpu.memory_space<semaphore_mem>>)
        %dma_start3A_1044 = arith.constant 0 : i32
        %dma_start3A_1045 = arith.constant 0 : i32
        %dma_start3A_1046 = tpu.memref_slice %arg5[%dma_start3A_1044, %dma_start3A_1045] : memref<20000x16xf32, #tpu.memory_space<hbm>> -> memref<20000x16xf32, #tpu.memory_space<hbm>>
        tpu.enqueue_indirect_dma source(%dma_start3A_1046 : memref<20000x16xf32, #tpu.memory_space<hbm>>) target(%arg20 : memref<64x16xf32, #tpu.memory_space<vmem>>) offsets(%arg10 : memref<64xi32, #tpu.memory_space<vmem>>) semaphore(%arg33 : memref<!tpu.dma_semaphore, #tpu.memory_space<semaphore_mem>>)
        %dma_wait3A_1047 = arith.constant 0 : i32
        %dma_wait3A_1048 = arith.constant 0 : i32
        %dma_wait3A_1049 = tpu.memref_slice %arg6[%dma_wait3A_1047, %dma_wait3A_1048] : memref<20000x272xf32, #tpu.memory_space<hbm>> -> memref<20000x272xf32, #tpu.memory_space<hbm>>
        tpu.wait_indirect_dma semaphore(%arg30 : memref<!tpu.dma_semaphore, #tpu.memory_space<semaphore_mem>>) src(%dma_wait3A_1049 : memref<20000x272xf32, #tpu.memory_space<hbm>>) dst(%arg23 : memref<64x272xf32, #tpu.memory_space<vmem>>)
        %dma_wait3A_1050 = arith.constant 0 : i32
        %dma_wait3A_1051 = arith.constant 0 : i32
        %dma_wait3A_1052 = tpu.memref_slice %arg4[%dma_wait3A_1050, %dma_wait3A_1051] : memref<20000x16xf32, #tpu.memory_space<hbm>> -> memref<20000x16xf32, #tpu.memory_space<hbm>>
        tpu.wait_indirect_dma semaphore(%arg32 : memref<!tpu.dma_semaphore, #tpu.memory_space<semaphore_mem>>) src(%dma_wait3A_1052 : memref<20000x16xf32, #tpu.memory_space<hbm>>) dst(%arg19 : memref<64x16xf32, #tpu.memory_space<vmem>>)
        %dma_wait3A_1053 = arith.constant 0 : i32
        %dma_wait3A_1054 = arith.constant 0 : i32
        %dma_wait3A_1055 = tpu.memref_slice %arg5[%dma_wait3A_1053, %dma_wait3A_1054] : memref<20000x16xf32, #tpu.memory_space<hbm>> -> memref<20000x16xf32, #tpu.memory_space<hbm>>
        tpu.wait_indirect_dma semaphore(%arg34 : memref<!tpu.dma_semaphore, #tpu.memory_space<semaphore_mem>>) src(%dma_wait3A_1055 : memref<20000x16xf32, #tpu.memory_space<hbm>>) dst(%arg21 : memref<64x16xf32, #tpu.memory_space<vmem>>)
        %scan3A_1056 = arith.constant 0 : i32
        %scan3A_1057 = arith.constant 0 : i32
        %scan3A_1058 = arith.constant 64 : i32
        %scan3A_1059 = arith.addi %scan3A_1057, %scan3A_1058 : i32
        %scan3A_1060 = arith.constant 1 : i32
        scf.for %scan3A_1062 = %scan3A_1057 to %scan3A_1059 step %scan3A_1060  : i32 {
          %get3A_1063 = arith.index_cast %scan3A_1062 : i32 to index
          %get3A_1064 = arith.constant 0 : index
          %get3A_1065 = tpu.vector_load %arg19[%get3A_1063, %get3A_1064] {strides = array<i32>} : memref<64x16xf32, #tpu.memory_space<vmem>>, vector<16xf32>,
          %get3A_1066 = arith.index_cast %scan3A_1062 : i32 to index
          %get3A_1067 = arith.constant 0 : index
          %get3A_1068 = tpu.vector_load %arg21[%get3A_1066, %get3A_1067] {strides = array<i32>} : memref<64x16xf32, #tpu.memory_space<vmem>>, vector<16xf32>,
          %add3A_1069 = arith.addf %get3A_1065, %get3A_1068 : vector<16xf32>
          %ge3A = arith.constant 0.000000e+00 : f32
          %ge3A_1070 = vector.broadcast %ge3A : f32 to vector<16xf32>
          %ge3A_1071 = arith.cmpf oge, %add3A_1069, %ge3A_1070 : vector<16xf32>
          %mul3A_1072 = arith.constant 2.000000e-01 : f32
          %mul3A_1073 = vector.broadcast %mul3A_1072 : f32 to vector<16xf32>
          %mul3A_1074 = arith.mulf %mul3A_1073, %add3A_1069 : vector<16xf32>
          %select_n3A_1075 = arith.select %ge3A_1071, %add3A_1069, %mul3A_1074 : vector<16xi1>, vector<16xf32>
          %broadcast_in_dim3A_1076 = arith.constant 0 : i32
          %broadcast_in_dim3A_1077 = vector.broadcast %broadcast_in_dim3A_1076 : i32 to vector<16xi32>
          %add3A_1078 = vector.broadcast %scan3A_1062 : i32 to vector<16xi32>
          %add3A_1079 = arith.addi %broadcast_in_dim3A_1077, %add3A_1078 : vector<16xi32>
          %gather3A = tpu.vector_load_idx %arg17[%add3A_1079] : memref<64xf32, #tpu.memory_space<vmem>>[vector<16xi32>], vector<16xf32>,
          %exp3A = math.exp %select_n3A_1075 : vector<16xf32>
          %mul3A_1080 = arith.mulf %exp3A, %gather3A : vector<16xf32>
          %get3A_1081 = arith.index_cast %scan3A_1062 : i32 to index
          %get3A_1082 = arith.constant 0 : index
          %get3A_1083 = tpu.vector_load %arg23[%get3A_1081, %get3A_1082] {strides = array<i32>} : memref<64x272xf32, #tpu.memory_space<vmem>>, vector<16xf32>,
          %mul3A_1084 = arith.mulf %get3A_1083, %mul3A_1080 : vector<16xf32>
          %swap3A_1085 = arith.index_cast %scan3A_1062 : i32 to index
          %swap3A_1086 = arith.constant 0 : index
          %swap3A_1087 = tpu.vector_load %arg23[%swap3A_1085, %swap3A_1086] {strides = array<i32>} : memref<64x272xf32, #tpu.memory_space<vmem>>, vector<16xf32>,
          tpu.vector_store %arg23[%swap3A_1085, %swap3A_1086], %mul3A_1084 {strides = array<i32>} : memref<64x272xf32, #tpu.memory_space<vmem>>, vector<16xf32>,
          %get3A_1088 = arith.index_cast %scan3A_1062 : i32 to index
          %get3A_1089 = arith.constant 16 : index
          %get3A_1090 = tpu.vector_load %arg23[%get3A_1088, %get3A_1089] {strides = array<i32>} : memref<64x272xf32, #tpu.memory_space<vmem>>, vector<16xf32>,
          %mul3A_1091 = arith.mulf %get3A_1090, %mul3A_1080 : vector<16xf32>
          %swap3A_1092 = arith.index_cast %scan3A_1062 : i32 to index
          %swap3A_1093 = arith.constant 16 : index
          %swap3A_1094 = tpu.vector_load %arg23[%swap3A_1092, %swap3A_1093] {strides = array<i32>} : memref<64x272xf32, #tpu.memory_space<vmem>>, vector<16xf32>,
          tpu.vector_store %arg23[%swap3A_1092, %swap3A_1093], %mul3A_1091 {strides = array<i32>} : memref<64x272xf32, #tpu.memory_space<vmem>>, vector<16xf32>,
          %get3A_1095 = arith.index_cast %scan3A_1062 : i32 to index
          %get3A_1096 = arith.constant 32 : index
          %get3A_1097 = tpu.vector_load %arg23[%get3A_1095, %get3A_1096] {strides = array<i32>} : memref<64x272xf32, #tpu.memory_space<vmem>>, vector<16xf32>,
          %mul3A_1098 = arith.mulf %get3A_1097, %mul3A_1080 : vector<16xf32>
          %swap3A_1099 = arith.index_cast %scan3A_1062 : i32 to index
          %swap3A_1100 = arith.constant 32 : index
          %swap3A_1101 = tpu.vector_load %arg23[%swap3A_1099, %swap3A_1100] {strides = array<i32>} : memref<64x272xf32, #tpu.memory_space<vmem>>, vector<16xf32>,
          tpu.vector_store %arg23[%swap3A_1099, %swap3A_1100], %mul3A_1098 {strides = array<i32>} : memref<64x272xf32, #tpu.memory_space<vmem>>, vector<16xf32>,
          %get3A_1102 = arith.index_cast %scan3A_1062 : i32 to index
          %get3A_1103 = arith.constant 48 : index
          %get3A_1104 = tpu.vector_load %arg23[%get3A_1102, %get3A_1103] {strides = array<i32>} : memref<64x272xf32, #tpu.memory_space<vmem>>, vector<16xf32>,
          %mul3A_1105 = arith.mulf %get3A_1104, %mul3A_1080 : vector<16xf32>
          %swap3A_1106 = arith.index_cast %scan3A_1062 : i32 to index
          %swap3A_1107 = arith.constant 48 : index
          %swap3A_1108 = tpu.vector_load %arg23[%swap3A_1106, %swap3A_1107] {strides = array<i32>} : memref<64x272xf32, #tpu.memory_space<vmem>>, vector<16xf32>,
          tpu.vector_store %arg23[%swap3A_1106, %swap3A_1107], %mul3A_1105 {strides = array<i32>} : memref<64x272xf32, #tpu.memory_space<vmem>>, vector<16xf32>,
          %get3A_1109 = arith.index_cast %scan3A_1062 : i32 to index
          %get3A_1110 = arith.constant 64 : index
          %get3A_1111 = tpu.vector_load %arg23[%get3A_1109, %get3A_1110] {strides = array<i32>} : memref<64x272xf32, #tpu.memory_space<vmem>>, vector<16xf32>,
          %mul3A_1112 = arith.mulf %get3A_1111, %mul3A_1080 : vector<16xf32>
          %swap3A_1113 = arith.index_cast %scan3A_1062 : i32 to index
          %swap3A_1114 = arith.constant 64 : index
          %swap3A_1115 = tpu.vector_load %arg23[%swap3A_1113, %swap3A_1114] {strides = array<i32>} : memref<64x272xf32, #tpu.memory_space<vmem>>, vector<16xf32>,
          tpu.vector_store %arg23[%swap3A_1113, %swap3A_1114], %mul3A_1112 {strides = array<i32>} : memref<64x272xf32, #tpu.memory_space<vmem>>, vector<16xf32>,
          %get3A_1116 = arith.index_cast %scan3A_1062 : i32 to index
          %get3A_1117 = arith.constant 80 : index
          %get3A_1118 = tpu.vector_load %arg23[%get3A_1116, %get3A_1117] {strides = array<i32>} : memref<64x272xf32, #tpu.memory_space<vmem>>, vector<16xf32>,
          %mul3A_1119 = arith.mulf %get3A_1118, %mul3A_1080 : vector<16xf32>
          %swap3A_1120 = arith.index_cast %scan3A_1062 : i32 to index
          %swap3A_1121 = arith.constant 80 : index
          %swap3A_1122 = tpu.vector_load %arg23[%swap3A_1120, %swap3A_1121] {strides = array<i32>} : memref<64x272xf32, #tpu.memory_space<vmem>>, vector<16xf32>,
          tpu.vector_store %arg23[%swap3A_1120, %swap3A_1121], %mul3A_1119 {strides = array<i32>} : memref<64x272xf32, #tpu.memory_space<vmem>>, vector<16xf32>,
          %get3A_1123 = arith.index_cast %scan3A_1062 : i32 to index
          %get3A_1124 = arith.constant 96 : index
          %get3A_1125 = tpu.vector_load %arg23[%get3A_1123, %get3A_1124] {strides = array<i32>} : memref<64x272xf32, #tpu.memory_space<vmem>>, vector<16xf32>,
          %mul3A_1126 = arith.mulf %get3A_1125, %mul3A_1080 : vector<16xf32>
          %swap3A_1127 = arith.index_cast %scan3A_1062 : i32 to index
          %swap3A_1128 = arith.constant 96 : index
          %swap3A_1129 = tpu.vector_load %arg23[%swap3A_1127, %swap3A_1128] {strides = array<i32>} : memref<64x272xf32, #tpu.memory_space<vmem>>, vector<16xf32>,
          tpu.vector_store %arg23[%swap3A_1127, %swap3A_1128], %mul3A_1126 {strides = array<i32>} : memref<64x272xf32, #tpu.memory_space<vmem>>, vector<16xf32>,
          %get3A_1130 = arith.index_cast %scan3A_1062 : i32 to index
          %get3A_1131 = arith.constant 112 : index
          %get3A_1132 = tpu.vector_load %arg23[%get3A_1130, %get3A_1131] {strides = array<i32>} : memref<64x272xf32, #tpu.memory_space<vmem>>, vector<16xf32>,
          %mul3A_1133 = arith.mulf %get3A_1132, %mul3A_1080 : vector<16xf32>
          %swap3A_1134 = arith.index_cast %scan3A_1062 : i32 to index
          %swap3A_1135 = arith.constant 112 : index
          %swap3A_1136 = tpu.vector_load %arg23[%swap3A_1134, %swap3A_1135] {strides = array<i32>} : memref<64x272xf32, #tpu.memory_space<vmem>>, vector<16xf32>,
          tpu.vector_store %arg23[%swap3A_1134, %swap3A_1135], %mul3A_1133 {strides = array<i32>} : memref<64x272xf32, #tpu.memory_space<vmem>>, vector<16xf32>,
          %get3A_1137 = arith.index_cast %scan3A_1062 : i32 to index
          %get3A_1138 = arith.constant 128 : index
          %get3A_1139 = tpu.vector_load %arg23[%get3A_1137, %get3A_1138] {strides = array<i32>} : memref<64x272xf32, #tpu.memory_space<vmem>>, vector<16xf32>,
          %mul3A_1140 = arith.mulf %get3A_1139, %mul3A_1080 : vector<16xf32>
          %swap3A_1141 = arith.index_cast %scan3A_1062 : i32 to index
          %swap3A_1142 = arith.constant 128 : index
          %swap3A_1143 = tpu.vector_load %arg23[%swap3A_1141, %swap3A_1142] {strides = array<i32>} : memref<64x272xf32, #tpu.memory_space<vmem>>, vector<16xf32>,
          tpu.vector_store %arg23[%swap3A_1141, %swap3A_1142], %mul3A_1140 {strides = array<i32>} : memref<64x272xf32, #tpu.memory_space<vmem>>, vector<16xf32>,
          %get3A_1144 = arith.index_cast %scan3A_1062 : i32 to index
          %get3A_1145 = arith.constant 144 : index
          %get3A_1146 = tpu.vector_load %arg23[%get3A_1144, %get3A_1145] {strides = array<i32>} : memref<64x272xf32, #tpu.memory_space<vmem>>, vector<16xf32>,
          %mul3A_1147 = arith.mulf %get3A_1146, %mul3A_1080 : vector<16xf32>
          %swap3A_1148 = arith.index_cast %scan3A_1062 : i32 to index
          %swap3A_1149 = arith.constant 144 : index
          %swap3A_1150 = tpu.vector_load %arg23[%swap3A_1148, %swap3A_1149] {strides = array<i32>} : memref<64x272xf32, #tpu.memory_space<vmem>>, vector<16xf32>,
          tpu.vector_store %arg23[%swap3A_1148, %swap3A_1149], %mul3A_1147 {strides = array<i32>} : memref<64x272xf32, #tpu.memory_space<vmem>>, vector<16xf32>,
          %get3A_1151 = arith.index_cast %scan3A_1062 : i32 to index
          %get3A_1152 = arith.constant 160 : index
          %get3A_1153 = tpu.vector_load %arg23[%get3A_1151, %get3A_1152] {strides = array<i32>} : memref<64x272xf32, #tpu.memory_space<vmem>>, vector<16xf32>,
          %mul3A_1154 = arith.mulf %get3A_1153, %mul3A_1080 : vector<16xf32>
          %swap3A_1155 = arith.index_cast %scan3A_1062 : i32 to index
          %swap3A_1156 = arith.constant 160 : index
          %swap3A_1157 = tpu.vector_load %arg23[%swap3A_1155, %swap3A_1156] {strides = array<i32>} : memref<64x272xf32, #tpu.memory_space<vmem>>, vector<16xf32>,
          tpu.vector_store %arg23[%swap3A_1155, %swap3A_1156], %mul3A_1154 {strides = array<i32>} : memref<64x272xf32, #tpu.memory_space<vmem>>, vector<16xf32>,
          %get3A_1158 = arith.index_cast %scan3A_1062 : i32 to index
          %get3A_1159 = arith.constant 176 : index
          %get3A_1160 = tpu.vector_load %arg23[%get3A_1158, %get3A_1159] {strides = array<i32>} : memref<64x272xf32, #tpu.memory_space<vmem>>, vector<16xf32>,
          %mul3A_1161 = arith.mulf %get3A_1160, %mul3A_1080 : vector<16xf32>
          %swap3A_1162 = arith.index_cast %scan3A_1062 : i32 to index
          %swap3A_1163 = arith.constant 176 : index
          %swap3A_1164 = tpu.vector_load %arg23[%swap3A_1162, %swap3A_1163] {strides = array<i32>} : memref<64x272xf32, #tpu.memory_space<vmem>>, vector<16xf32>,
          tpu.vector_store %arg23[%swap3A_1162, %swap3A_1163], %mul3A_1161 {strides = array<i32>} : memref<64x272xf32, #tpu.memory_space<vmem>>, vector<16xf32>,
          %get3A_1165 = arith.index_cast %scan3A_1062 : i32 to index
          %get3A_1166 = arith.constant 192 : index
          %get3A_1167 = tpu.vector_load %arg23[%get3A_1165, %get3A_1166] {strides = array<i32>} : memref<64x272xf32, #tpu.memory_space<vmem>>, vector<16xf32>,
          %mul3A_1168 = arith.mulf %get3A_1167, %mul3A_1080 : vector<16xf32>
          %swap3A_1169 = arith.index_cast %scan3A_1062 : i32 to index
          %swap3A_1170 = arith.constant 192 : index
          %swap3A_1171 = tpu.vector_load %arg23[%swap3A_1169, %swap3A_1170] {strides = array<i32>} : memref<64x272xf32, #tpu.memory_space<vmem>>, vector<16xf32>,
          tpu.vector_store %arg23[%swap3A_1169, %swap3A_1170], %mul3A_1168 {strides = array<i32>} : memref<64x272xf32, #tpu.memory_space<vmem>>, vector<16xf32>,
          %get3A_1172 = arith.index_cast %scan3A_1062 : i32 to index
          %get3A_1173 = arith.constant 208 : index
          %get3A_1174 = tpu.vector_load %arg23[%get3A_1172, %get3A_1173] {strides = array<i32>} : memref<64x272xf32, #tpu.memory_space<vmem>>, vector<16xf32>,
          %mul3A_1175 = arith.mulf %get3A_1174, %mul3A_1080 : vector<16xf32>
          %swap3A_1176 = arith.index_cast %scan3A_1062 : i32 to index
          %swap3A_1177 = arith.constant 208 : index
          %swap3A_1178 = tpu.vector_load %arg23[%swap3A_1176, %swap3A_1177] {strides = array<i32>} : memref<64x272xf32, #tpu.memory_space<vmem>>, vector<16xf32>,
          tpu.vector_store %arg23[%swap3A_1176, %swap3A_1177], %mul3A_1175 {strides = array<i32>} : memref<64x272xf32, #tpu.memory_space<vmem>>, vector<16xf32>,
          %get3A_1179 = arith.index_cast %scan3A_1062 : i32 to index
          %get3A_1180 = arith.constant 224 : index
          %get3A_1181 = tpu.vector_load %arg23[%get3A_1179, %get3A_1180] {strides = array<i32>} : memref<64x272xf32, #tpu.memory_space<vmem>>, vector<16xf32>,
          %mul3A_1182 = arith.mulf %get3A_1181, %mul3A_1080 : vector<16xf32>
          %swap3A_1183 = arith.index_cast %scan3A_1062 : i32 to index
          %swap3A_1184 = arith.constant 224 : index
          %swap3A_1185 = tpu.vector_load %arg23[%swap3A_1183, %swap3A_1184] {strides = array<i32>} : memref<64x272xf32, #tpu.memory_space<vmem>>, vector<16xf32>,
          tpu.vector_store %arg23[%swap3A_1183, %swap3A_1184], %mul3A_1182 {strides = array<i32>} : memref<64x272xf32, #tpu.memory_space<vmem>>, vector<16xf32>,
          %get3A_1186 = arith.index_cast %scan3A_1062 : i32 to index
          %get3A_1187 = arith.constant 240 : index
          %get3A_1188 = tpu.vector_load %arg23[%get3A_1186, %get3A_1187] {strides = array<i32>} : memref<64x272xf32, #tpu.memory_space<vmem>>, vector<16xf32>,
          %mul3A_1189 = arith.mulf %get3A_1188, %mul3A_1080 : vector<16xf32>
          %swap3A_1190 = arith.index_cast %scan3A_1062 : i32 to index
          %swap3A_1191 = arith.constant 240 : index
          %swap3A_1192 = tpu.vector_load %arg23[%swap3A_1190, %swap3A_1191] {strides = array<i32>} : memref<64x272xf32, #tpu.memory_space<vmem>>, vector<16xf32>,
          tpu.vector_store %arg23[%swap3A_1190, %swap3A_1191], %mul3A_1189 {strides = array<i32>} : memref<64x272xf32, #tpu.memory_space<vmem>>, vector<16xf32>,
          %get3A_1193 = arith.index_cast %scan3A_1062 : i32 to index
          %get3A_1194 = arith.constant 256 : index
          %get3A_1195 = tpu.vector_load %arg23[%get3A_1193, %get3A_1194] {strides = array<i32>} : memref<64x272xf32, #tpu.memory_space<vmem>>, vector<16xf32>,
          %mul3A_1196 = arith.mulf %get3A_1195, %mul3A_1080 : vector<16xf32>
          %swap3A_1197 = arith.index_cast %scan3A_1062 : i32 to index
          %swap3A_1198 = arith.constant 256 : index
          %swap3A_1199 = tpu.vector_load %arg23[%swap3A_1197, %swap3A_1198] {strides = array<i32>} : memref<64x272xf32, #tpu.memory_space<vmem>>, vector<16xf32>,
          tpu.vector_store %arg23[%swap3A_1197, %swap3A_1198], %mul3A_1196 {strides = array<i32>} : memref<64x272xf32, #tpu.memory_space<vmem>>, vector<16xf32>,
        }
        %scan3A_1061 = arith.constant 64 : i32
        "tpu.region"() ({
          %run_scoped3A = tpu.sem_alloc : memref<!tpu.dma_semaphore, #tpu.memory_space<semaphore_mem>>
          %dma_start3A_1062 = arith.constant 0 : i32
          %dma_start3A_1063 = arith.constant 0 : i32
          %dma_start3A_1064 = tpu.memref_slice %arg28[%dma_start3A_1062, %dma_start3A_1063] : memref<5120x272xf32, #tpu.memory_space<vmem_shared>> -> memref<5120x272xf32, #tpu.memory_space<vmem_shared>>
          tpu.enqueue_indirect_dma source(%arg23 : memref<64x272xf32, #tpu.memory_space<vmem>>) target(%dma_start3A_1064 : memref<5120x272xf32, #tpu.memory_space<vmem_shared>>) offsets(%arg15 : memref<64xi32, #tpu.memory_space<vmem>>) semaphore(%run_scoped3A : memref<!tpu.dma_semaphore, #tpu.memory_space<semaphore_mem>>) {add = true}
          %dma_wait3A_1065 = arith.constant 0 : i32
          %dma_wait3A_1066 = arith.constant 0 : i32
          %dma_wait3A_1067 = tpu.memref_slice %arg28[%dma_wait3A_1065, %dma_wait3A_1066] : memref<5120x272xf32, #tpu.memory_space<vmem_shared>> -> memref<5120x272xf32, #tpu.memory_space<vmem_shared>>
          tpu.wait_indirect_dma semaphore(%run_scoped3A : memref<!tpu.dma_semaphore, #tpu.memory_space<semaphore_mem>>) src(%arg23 : memref<64x272xf32, #tpu.memory_space<vmem>>) dst(%dma_wait3A_1067 : memref<5120x272xf32, #tpu.memory_space<vmem_shared>>)
          tpu.yield
        }) : () -> ()
      }
      %dma_wait3A = arith.constant 0 : i32
      %dma_wait3A_734 = arith.constant 0 : i32
      %dma_wait3A_735 = tpu.memref_slice %arg6[%dma_wait3A, %dma_wait3A_734] : memref<20000x272xf32, #tpu.memory_space<hbm>> -> memref<20000x272xf32, #tpu.memory_space<hbm>>
      tpu.wait_indirect_dma semaphore(%arg29 : memref<!tpu.dma_semaphore, #tpu.memory_space<semaphore_mem>>) src(%dma_wait3A_735 : memref<20000x272xf32, #tpu.memory_space<hbm>>) dst(%arg22 : memref<64x272xf32, #tpu.memory_space<vmem>>)
      %dma_wait3A_736 = arith.constant 0 : i32
      %dma_wait3A_737 = arith.constant 0 : i32
      %dma_wait3A_738 = tpu.memref_slice %arg4[%dma_wait3A_736, %dma_wait3A_737] : memref<20000x16xf32, #tpu.memory_space<hbm>> -> memref<20000x16xf32, #tpu.memory_space<hbm>>
      tpu.wait_indirect_dma semaphore(%arg31 : memref<!tpu.dma_semaphore, #tpu.memory_space<semaphore_mem>>) src(%dma_wait3A_738 : memref<20000x16xf32, #tpu.memory_space<hbm>>) dst(%arg18 : memref<64x16xf32, #tpu.memory_space<vmem>>)
      %dma_wait3A_739 = arith.constant 0 : i32
      %dma_wait3A_740 = arith.constant 0 : i32
      %dma_wait3A_741 = tpu.memref_slice %arg5[%dma_wait3A_739, %dma_wait3A_740] : memref<20000x16xf32, #tpu.memory_space<hbm>> -> memref<20000x16xf32, #tpu.memory_space<hbm>>
      tpu.wait_indirect_dma semaphore(%arg33 : memref<!tpu.dma_semaphore, #tpu.memory_space<semaphore_mem>>) src(%dma_wait3A_741 : memref<20000x16xf32, #tpu.memory_space<hbm>>) dst(%arg20 : memref<64x16xf32, #tpu.memory_space<vmem>>)
      %barrier3A_742 = arith.constant 0 : index
      tpu.barrier barrier_id(%barrier3A_742)
      %mul3A_743 = arith.constant 2 : i32
      %mul3A_744 = arith.muli %scan3A_552, %mul3A_743 : i32
      %mul3A_745 = arith.constant 5120 : i32
      %mul3A_746 = arith.muli %mul3A_744, %mul3A_745 : i32
      %mul3A_747 = arith.constant 5120 : i32
      %mul3A_748 = arith.muli %arg0, %mul3A_747 : i32
      %add3A_749 = arith.addi %mul3A_746, %mul3A_748 : i32
      %add3A_750 = arith.addi %add3A_749, %mul3A_560 : i32
      %scan3A_751 = arith.constant 0 : i32
      %scan3A_752 = arith.constant 0 : i32
      %scan3A_753 = arith.constant 5 : i32
      %scan3A_754 = arith.addi %scan3A_752, %scan3A_753 : i32
      %scan3A_755 = arith.constant 1 : i32
      scf.for %scan3A_758 = %scan3A_752 to %scan3A_754 step %scan3A_755  : i32 {
        %mul3A_759 = arith.constant 64 : i32
        %mul3A_760 = arith.muli %scan3A_758, %mul3A_759 : i32
        %add3A_761 = arith.addi %mul3A_560, %mul3A_760 : i32
        %mul3A_762 = arith.constant 64 : i32
        %mul3A_763 = arith.muli %scan3A_758, %mul3A_762 : i32
        %add3A_764 = arith.addi %add3A_750, %mul3A_763 : i32
        "tpu.region"() ({
          %run_scoped3A = tpu.sem_alloc : memref<!tpu.dma_semaphore, #tpu.memory_space<semaphore_mem>>
          %dma_start3A_765 = arith.constant 0 : i32
          %dma_start3A_766 = tpu.memref_slice %arg7[%add3A_764, %dma_start3A_765] : memref<20480x272xf32, #tpu.memory_space<hbm>> -> memref<64x272xf32, #tpu.memory_space<hbm>>
          %dma_start3A_767 = arith.constant 0 : i32
          %dma_start3A_768 = tpu.memref_slice %arg28[%add3A_761, %dma_start3A_767] : memref<5120x272xf32, #tpu.memory_space<vmem_shared>> -> memref<64x272xf32, #tpu.memory_space<vmem_shared>>
          tpu.enqueue_dma source(%dma_start3A_768 : memref<64x272xf32, #tpu.memory_space<vmem_shared>>) target(%dma_start3A_766 : memref<64x272xf32, #tpu.memory_space<hbm>>) target_semaphore(%run_scoped3A : memref<!tpu.dma_semaphore, #tpu.memory_space<semaphore_mem>>)
          %dma_wait3A_769 = arith.constant 0 : i32
          %dma_wait3A_770 = tpu.memref_slice %arg7[%add3A_764, %dma_wait3A_769] : memref<20480x272xf32, #tpu.memory_space<hbm>> -> memref<64x272xf32, #tpu.memory_space<hbm>>
          %dma_wait3A_771 = arith.constant 0 : i32
          %dma_wait3A_772 = tpu.memref_slice %arg28[%add3A_761, %dma_wait3A_771] : memref<5120x272xf32, #tpu.memory_space<vmem_shared>> -> memref<64x272xf32, #tpu.memory_space<vmem_shared>>
          tpu.wait_dma2 semaphore(%run_scoped3A : memref<!tpu.dma_semaphore, #tpu.memory_space<semaphore_mem>>) src(%dma_wait3A_772 : memref<64x272xf32, #tpu.memory_space<vmem_shared>>) dst(%dma_wait3A_770 : memref<64x272xf32, #tpu.memory_space<hbm>>)
          tpu.yield
        }) : () -> ()
      }
      %scan3A_756 = arith.constant 5 : i32
      %barrier3A_757 = arith.constant 0 : index
      tpu.barrier barrier_id(%barrier3A_757)
    }
    %scan3A_551 = arith.constant 2 : i32
    return
  }
}

module attributes {stable_mosaic.version = 14 : i64} {
  func.func @_front_body(%arg0: i32, %arg1: memref<2000x160xf32, #tpu.memory_space<vmem>>, %arg2: memref<160x512xf32, #tpu.memory_space<vmem>>, %arg3: memref<512x4xf32, #tpu.memory_space<vmem>>, %arg4: memref<2000x272xf32, #tpu.memory_space<vmem>>, %arg5: memref<2000x272xf32, #tpu.memory_space<vmem>>, %arg6: memref<2000x4xf32, #tpu.memory_space<vmem>>) attributes {dimension_semantics = [#tpu.dimension_semantics<arbitrary>], iteration_bounds = array<i64: 5>, scalar_prefetch = 0 : i64, scratch_operands = 0 : i64, tpu.core_type = #tpu.core_type<tc>, window_params = [{transform_indices = @transform_0, window_bounds = array<i64: 2000, 160>}, {pipeline_mode = #tpu.pipeline_mode<synchronous>, transform_indices = @transform_1, window_bounds = array<i64: 160, 512>}, {pipeline_mode = #tpu.pipeline_mode<synchronous>, transform_indices = @transform_2, window_bounds = array<i64: 512, 4>}, {transform_indices = @transform_3, window_bounds = array<i64: 2000, 272>}, {transform_indices = @transform_4, window_bounds = array<i64: 2000, 272>}, {transform_indices = @transform_5, window_bounds = array<i64: 2000, 4>}]} {
    %get3A = arith.constant 0 : index
    %get3A_0 = arith.constant 0 : index
    %get3A_1 = vector.load %arg1[%get3A, %get3A_0] : memref<2000x160xf32, #tpu.memory_space<vmem>>, vector<2000x160xf32>
    %get3A_2 = arith.constant 0 : index
    %get3A_3 = arith.constant 0 : index
    %get3A_4 = vector.load %arg2[%get3A_2, %get3A_3] : memref<160x512xf32, #tpu.memory_space<vmem>>, vector<160x512xf32>
    %dot_general3A = arith.constant dense<0.000000e+00> : vector<2000x512xf32>
    %dot_general3A_5 = tpu.matmul %get3A_1, %get3A_4, %dot_general3A {dimension_numbers = #tpu.dot_dimension_numbers<[1], [0], [0], [1], [0, 0, 1, 1], [], []>, transpose_lhs_hint = false} : vector<2000x160xf32>, vector<160x512xf32>, vector<2000x512xf32> -> vector<2000x512xf32>
    %broadcast_in_dim3A = arith.constant 1.000000e+00 : f32
    %broadcast_in_dim3A_6 = vector.broadcast %broadcast_in_dim3A : f32 to vector<2000x1xf32>
    %broadcast_in_dim3A_7 = arith.constant 0.000000e+00 : f32
    %broadcast_in_dim3A_8 = vector.broadcast %broadcast_in_dim3A_7 : f32 to vector<2000x15xf32>
    %slice3A = vector.extract_strided_slice %dot_general3A_5 {offsets = [0, 0], sizes = [2000, 256], strides = [1, 1]} : vector<2000x512xf32> to vector<2000x256xf32>
    %concatenate3A = tpu.concatenate %slice3A, %broadcast_in_dim3A_6, %broadcast_in_dim3A_8 in 1 : vector<2000x256xf32>, vector<2000x1xf32>, vector<2000x15xf32> -> vector<2000x272xf32>
    %swap3A = arith.constant 0 : index
    %swap3A_9 = arith.constant 0 : index
    %swap3A_10 = vector.load %arg4[%swap3A, %swap3A_9] : memref<2000x272xf32, #tpu.memory_space<vmem>>, vector<2000x272xf32>
    tpu.vector_store %arg4[%swap3A, %swap3A_9], %concatenate3A {strides = array<i32>} : memref<2000x272xf32, #tpu.memory_space<vmem>>, vector<2000x272xf32>,
    %slice3A_11 = vector.extract_strided_slice %dot_general3A_5 {offsets = [0, 256], sizes = [2000, 256], strides = [1, 1]} : vector<2000x512xf32> to vector<2000x256xf32>
    %concatenate3A_12 = tpu.concatenate %slice3A_11, %broadcast_in_dim3A_6, %broadcast_in_dim3A_8 in 1 : vector<2000x256xf32>, vector<2000x1xf32>, vector<2000x15xf32> -> vector<2000x272xf32>
    %swap3A_13 = arith.constant 0 : index
    %swap3A_14 = arith.constant 0 : index
    %swap3A_15 = vector.load %arg5[%swap3A_13, %swap3A_14] : memref<2000x272xf32, #tpu.memory_space<vmem>>, vector<2000x272xf32>
    tpu.vector_store %arg5[%swap3A_13, %swap3A_14], %concatenate3A_12 {strides = array<i32>} : memref<2000x272xf32, #tpu.memory_space<vmem>>, vector<2000x272xf32>,
    %get3A_16 = arith.constant 0 : index
    %get3A_17 = arith.constant 0 : index
    %get3A_18 = vector.load %arg3[%get3A_16, %get3A_17] : memref<512x4xf32, #tpu.memory_space<vmem>>, vector<512x4xf32>
    %dot_general3A_19 = arith.constant dense<0.000000e+00> : vector<2000x4xf32>
    %dot_general3A_20 = tpu.matmul %dot_general3A_5, %get3A_18, %dot_general3A_19 {dimension_numbers = #tpu.dot_dimension_numbers<[1], [0], [0], [1], [0, 0, 1, 1], [], []>, transpose_lhs_hint = false} : vector<2000x512xf32>, vector<512x4xf32>, vector<2000x4xf32> -> vector<2000x4xf32>
    %swap3A_21 = arith.constant 0 : index
    %swap3A_22 = arith.constant 0 : index
    %swap3A_23 = vector.load %arg6[%swap3A_21, %swap3A_22] : memref<2000x4xf32, #tpu.memory_space<vmem>>, vector<2000x4xf32>
    tpu.vector_store %arg6[%swap3A_21, %swap3A_22], %dot_general3A_20 {strides = array<i32>} : memref<2000x4xf32, #tpu.memory_space<vmem>>, vector<2000x4xf32>,
    return
  }
  func.func @transform_0(%arg0: i32) -> (i32, i32) {
    %c0_i32 = arith.constant 0 : i32
    %c0_i32_0 = arith.constant 0 : i32
    return %arg0, %c0_i32 : i32, i32
  }
  func.func @transform_1(%arg0: i32) -> (i32, i32) {
    %c0_i32 = arith.constant 0 : i32
    %c0_i32_0 = arith.constant 0 : i32
    %c0_i32_1 = arith.constant 0 : i32
    return %c0_i32, %c0_i32_0 : i32, i32
  }
  func.func @transform_2(%arg0: i32) -> (i32, i32) {
    %c0_i32 = arith.constant 0 : i32
    %c0_i32_0 = arith.constant 0 : i32
    %c0_i32_1 = arith.constant 0 : i32
    return %c0_i32, %c0_i32_0 : i32, i32
  }
  func.func @transform_3(%arg0: i32) -> (i32, i32) {
    %c0_i32 = arith.constant 0 : i32
    %c0_i32_0 = arith.constant 0 : i32
    return %arg0, %c0_i32 : i32, i32
  }
  func.func @transform_4(%arg0: i32) -> (i32, i32) {
    %c0_i32 = arith.constant 0 : i32
    %c0_i32_0 = arith.constant 0 : i32
    return %arg0, %c0_i32 : i32, i32
  }
  func.func @transform_5(%arg0: i32) -> (i32, i32) {
    %c0_i32 = arith.constant 0 : i32
    %c0_i32_0 = arith.constant 0 : i32
    return %arg0, %c0_i32 : i32, i32
  }
}

module attributes {stable_mosaic.version = 14 : i64} {
  func.func @_mid_body(%arg0: i32, %arg1: memref<2000x256xf32, #tpu.memory_space<vmem>>, %arg2: memref<2000x256xf32, #tpu.memory_space<vmem>>, %arg3: memref<2000x2xf32, #tpu.memory_space<vmem>>, %arg4: memref<1x256xf32, #tpu.memory_space<vmem>>, %arg5: memref<2000x256xf32, #tpu.memory_space<vmem>>, %arg6: memref<1x1x256xf32, #tpu.memory_space<vmem>>, %arg7: memref<1x1x256xf32, #tpu.memory_space<vmem>>) attributes {dimension_semantics = [#tpu.dimension_semantics<arbitrary>], iteration_bounds = array<i64: 5>, scalar_prefetch = 0 : i64, scratch_operands = 0 : i64, tpu.core_type = #tpu.core_type<tc>, window_params = [{transform_indices = @transform_0, window_bounds = array<i64: 2000, 256>}, {transform_indices = @transform_1, window_bounds = array<i64: 2000, 256>}, {transform_indices = @transform_2, window_bounds = array<i64: 2000, 2>}, {pipeline_mode = #tpu.pipeline_mode<synchronous>, transform_indices = @transform_3, window_bounds = array<i64: 1, 256>}, {transform_indices = @transform_4, window_bounds = array<i64: 2000, 256>}, {transform_indices = @transform_5, window_bounds = array<i64: 1, 1, 256>}, {transform_indices = @transform_6, window_bounds = array<i64: 1, 1, 256>}]} {
    %get3A = arith.constant 0 : index
    %get3A_0 = arith.constant 0 : index
    %get3A_1 = vector.load %arg3[%get3A, %get3A_0] : memref<2000x2xf32, #tpu.memory_space<vmem>>, vector<2000x1xf32>
    %get3A_2 = arith.constant 0 : index
    %get3A_3 = arith.constant 1 : index
    %get3A_4 = vector.load %arg3[%get3A_2, %get3A_3] : memref<2000x2xf32, #tpu.memory_space<vmem>>, vector<2000x1xf32>
    %get3A_5 = arith.constant 0 : index
    %get3A_6 = arith.constant 0 : index
    %get3A_7 = vector.load %arg1[%get3A_5, %get3A_6] : memref<2000x256xf32, #tpu.memory_space<vmem>>, vector<2000x256xf32>
    %add3A = arith.constant 1.000000e-16 : f32
    %add3A_8 = vector.broadcast %add3A : f32 to vector<2000x1xf32>
    %add3A_9 = arith.addf %get3A_1, %add3A_8 : vector<2000x1xf32>
    %div3A = vector.broadcast %add3A_9 : vector<2000x1xf32> to vector<2000x256xf32>
    %div3A_10 = arith.divf %get3A_7, %div3A : vector<2000x256xf32>
    %get3A_11 = arith.constant 0 : index
    %get3A_12 = arith.constant 0 : index
    %get3A_13 = vector.load %arg2[%get3A_11, %get3A_12] : memref<2000x256xf32, #tpu.memory_space<vmem>>, vector<2000x256xf32>
    %add3A_14 = arith.constant 1.000000e-16 : f32
    %add3A_15 = vector.broadcast %add3A_14 : f32 to vector<2000x1xf32>
    %add3A_16 = arith.addf %get3A_4, %add3A_15 : vector<2000x1xf32>
    %div3A_17 = vector.broadcast %add3A_16 : vector<2000x1xf32> to vector<2000x256xf32>
    %div3A_18 = arith.divf %get3A_13, %div3A_17 : vector<2000x256xf32>
    %add3A_19 = arith.addf %div3A_10, %div3A_18 : vector<2000x256xf32>
    %mul3A = arith.constant 5.000000e-01 : f32
    %mul3A_20 = vector.broadcast %mul3A : f32 to vector<2000x256xf32>
    %mul3A_21 = arith.mulf %add3A_19, %mul3A_20 : vector<2000x256xf32>
    %get3A_22 = arith.constant 0 : index
    %get3A_23 = arith.constant 0 : index
    %get3A_24 = vector.load %arg4[%get3A_22, %get3A_23] : memref<1x256xf32, #tpu.memory_space<vmem>>, vector<1x256xf32>
    %add3A_25 = vector.broadcast %get3A_24 : vector<1x256xf32> to vector<2000x256xf32>
    %add3A_26 = arith.addf %mul3A_21, %add3A_25 : vector<2000x256xf32>
    %swap3A = arith.constant 0 : index
    %swap3A_27 = arith.constant 0 : index
    %swap3A_28 = vector.load %arg5[%swap3A, %swap3A_27] : memref<2000x256xf32, #tpu.memory_space<vmem>>, vector<2000x256xf32>
    tpu.vector_store %arg5[%swap3A, %swap3A_27], %add3A_26 {strides = array<i32>} : memref<2000x256xf32, #tpu.memory_space<vmem>>, vector<2000x256xf32>,
    %reduce_sum3A = arith.constant dense<0.000000e+00> : vector<256xf32>
    %reduce_sum3A_29 = vector.multi_reduction <add>, %add3A_26, %reduce_sum3A [0] : vector<2000x256xf32> to vector<256xf32>
    %swap3A_30 = arith.constant 0 : index
    %swap3A_31 = arith.constant 0 : index
    %swap3A_32 = arith.constant 0 : index
    %swap3A_33 = vector.load %arg6[%swap3A_30, %swap3A_31, %swap3A_32] : memref<1x1x256xf32, #tpu.memory_space<vmem>>, vector<1x1x256xf32>
    %swap3A_34 = vector.shape_cast %swap3A_33 : vector<1x1x256xf32> to vector<256xf32>
    %swap3A_35 = vector.shape_cast %reduce_sum3A_29 : vector<256xf32> to vector<1x1x256xf32>
    tpu.vector_store %arg6[%swap3A_30, %swap3A_31, %swap3A_32], %swap3A_35 {strides = array<i32>} : memref<1x1x256xf32, #tpu.memory_space<vmem>>, vector<1x1x256xf32>,
    %mul3A_36 = arith.mulf %add3A_26, %add3A_26 : vector<2000x256xf32>
    %reduce_sum3A_37 = arith.constant dense<0.000000e+00> : vector<256xf32>
    %reduce_sum3A_38 = vector.multi_reduction <add>, %mul3A_36, %reduce_sum3A_37 [0] : vector<2000x256xf32> to vector<256xf32>
    %swap3A_39 = arith.constant 0 : index
    %swap3A_40 = arith.constant 0 : index
    %swap3A_41 = arith.constant 0 : index
    %swap3A_42 = vector.load %arg7[%swap3A_39, %swap3A_40, %swap3A_41] : memref<1x1x256xf32, #tpu.memory_space<vmem>>, vector<1x1x256xf32>
    %swap3A_43 = vector.shape_cast %swap3A_42 : vector<1x1x256xf32> to vector<256xf32>
    %swap3A_44 = vector.shape_cast %reduce_sum3A_38 : vector<256xf32> to vector<1x1x256xf32>
    tpu.vector_store %arg7[%swap3A_39, %swap3A_40, %swap3A_41], %swap3A_44 {strides = array<i32>} : memref<1x1x256xf32, #tpu.memory_space<vmem>>, vector<1x1x256xf32>,
    return
  }
  func.func @transform_0(%arg0: i32) -> (i32, i32) {
    %c0_i32 = arith.constant 0 : i32
    %c0_i32_0 = arith.constant 0 : i32
    return %arg0, %c0_i32 : i32, i32
  }
  func.func @transform_1(%arg0: i32) -> (i32, i32) {
    %c0_i32 = arith.constant 0 : i32
    %c0_i32_0 = arith.constant 0 : i32
    return %arg0, %c0_i32 : i32, i32
  }
  func.func @transform_2(%arg0: i32) -> (i32, i32) {
    %c0_i32 = arith.constant 0 : i32
    %c0_i32_0 = arith.constant 0 : i32
    return %arg0, %c0_i32 : i32, i32
  }
  func.func @transform_3(%arg0: i32) -> (i32, i32) {
    %c0_i32 = arith.constant 0 : i32
    %c0_i32_0 = arith.constant 0 : i32
    %c0_i32_1 = arith.constant 0 : i32
    return %c0_i32, %c0_i32_0 : i32, i32
  }
  func.func @transform_4(%arg0: i32) -> (i32, i32) {
    %c0_i32 = arith.constant 0 : i32
    %c0_i32_0 = arith.constant 0 : i32
    return %arg0, %c0_i32 : i32, i32
  }
  func.func @transform_5(%arg0: i32) -> (i32, i32, i32) {
    %c0_i32 = arith.constant 0 : i32
    %c0_i32_0 = arith.constant 0 : i32
    %c0_i32_1 = arith.constant 0 : i32
    return %arg0, %c0_i32, %c0_i32_0 : i32, i32, i32
  }
  func.func @transform_6(%arg0: i32) -> (i32, i32, i32) {
    %c0_i32 = arith.constant 0 : i32
    %c0_i32_0 = arith.constant 0 : i32
    %c0_i32_1 = arith.constant 0 : i32
    return %arg0, %c0_i32, %c0_i32_0 : i32, i32, i32
  }
}

module attributes {stable_mosaic.version = 14 : i64} {
  func.func @_mlp_body(%arg0: i32, %arg1: memref<2000x256xf32, #tpu.memory_space<vmem>>, %arg2: memref<1x256xf32, #tpu.memory_space<vmem>>, %arg3: memref<1x256xf32, #tpu.memory_space<vmem>>, %arg4: memref<256x128xf32, #tpu.memory_space<vmem>>, %arg5: memref<1x128xf32, #tpu.memory_space<vmem>>, %arg6: memref<128x64xf32, #tpu.memory_space<vmem>>, %arg7: memref<1x64xf32, #tpu.memory_space<vmem>>, %arg8: memref<64x64xf32, #tpu.memory_space<vmem>>, %arg9: memref<1x64xf32, #tpu.memory_space<vmem>>, %arg10: memref<64x128xf32, #tpu.memory_space<vmem>>, %arg11: memref<1x128xf32, #tpu.memory_space<vmem>>, %arg12: memref<2000x128xf32, #tpu.memory_space<vmem>>) attributes {dimension_semantics = [#tpu.dimension_semantics<arbitrary>], iteration_bounds = array<i64: 5>, scalar_prefetch = 0 : i64, scratch_operands = 0 : i64, tpu.core_type = #tpu.core_type<tc>, window_params = [{transform_indices = @transform_0, window_bounds = array<i64: 2000, 256>}, {pipeline_mode = #tpu.pipeline_mode<synchronous>, transform_indices = @transform_1, window_bounds = array<i64: 1, 256>}, {pipeline_mode = #tpu.pipeline_mode<synchronous>, transform_indices = @transform_2, window_bounds = array<i64: 1, 256>}, {pipeline_mode = #tpu.pipeline_mode<synchronous>, transform_indices = @transform_3, window_bounds = array<i64: 256, 128>}, {pipeline_mode = #tpu.pipeline_mode<synchronous>, transform_indices = @transform_4, window_bounds = array<i64: 1, 128>}, {pipeline_mode = #tpu.pipeline_mode<synchronous>, transform_indices = @transform_5, window_bounds = array<i64: 128, 64>}, {pipeline_mode = #tpu.pipeline_mode<synchronous>, transform_indices = @transform_6, window_bounds = array<i64: 1, 64>}, {pipeline_mode = #tpu.pipeline_mode<synchronous>, transform_indices = @transform_7, window_bounds = array<i64: 64, 64>}, {pipeline_mode = #tpu.pipeline_mode<synchronous>, transform_indices = @transform_8, window_bounds = array<i64: 1, 64>}, {pipeline_mode = #tpu.pipeline_mode<synchronous>, transform_indices = @transform_9, window_bounds = array<i64: 64, 128>}, {pipeline_mode = #tpu.pipeline_mode<synchronous>, transform_indices = @transform_10, window_bounds = array<i64: 1, 128>}, {transform_indices = @transform_11, window_bounds = array<i64: 2000, 128>}]} {
    %get3A = arith.constant 0 : index
    %get3A_0 = arith.constant 0 : index
    %get3A_1 = vector.load %arg1[%get3A, %get3A_0] : memref<2000x256xf32, #tpu.memory_space<vmem>>, vector<2000x256xf32>
    %get3A_2 = arith.constant 0 : index
    %get3A_3 = arith.constant 0 : index
    %get3A_4 = vector.load %arg2[%get3A_2, %get3A_3] : memref<1x256xf32, #tpu.memory_space<vmem>>, vector<1x256xf32>
    %mul3A = vector.broadcast %get3A_4 : vector<1x256xf32> to vector<2000x256xf32>
    %mul3A_5 = arith.mulf %get3A_1, %mul3A : vector<2000x256xf32>
    %get3A_6 = arith.constant 0 : index
    %get3A_7 = arith.constant 0 : index
    %get3A_8 = vector.load %arg3[%get3A_6, %get3A_7] : memref<1x256xf32, #tpu.memory_space<vmem>>, vector<1x256xf32>
    %add3A = vector.broadcast %get3A_8 : vector<1x256xf32> to vector<2000x256xf32>
    %add3A_9 = arith.addf %mul3A_5, %add3A : vector<2000x256xf32>
    %ge3A = arith.constant 0.000000e+00 : f32
    %ge3A_10 = vector.broadcast %ge3A : f32 to vector<2000x256xf32>
    %ge3A_11 = arith.cmpf oge, %add3A_9, %ge3A_10 : vector<2000x256xf32>
    %mul3A_12 = arith.constant 2.000000e-01 : f32
    %mul3A_13 = vector.broadcast %mul3A_12 : f32 to vector<2000x256xf32>
    %mul3A_14 = arith.mulf %mul3A_13, %add3A_9 : vector<2000x256xf32>
    %select_n3A = arith.select %ge3A_11, %add3A_9, %mul3A_14 : vector<2000x256xi1>, vector<2000x256xf32>
    %get3A_15 = arith.constant 0 : index
    %get3A_16 = arith.constant 0 : index
    %get3A_17 = vector.load %arg4[%get3A_15, %get3A_16] : memref<256x128xf32, #tpu.memory_space<vmem>>, vector<256x128xf32>
    %dot_general3A = arith.constant dense<0.000000e+00> : vector<2000x128xf32>
    %dot_general3A_18 = tpu.matmul %select_n3A, %get3A_17, %dot_general3A {dimension_numbers = #tpu.dot_dimension_numbers<[1], [0], [0], [1], [0, 0, 1, 1], [], []>, transpose_lhs_hint = false} : vector<2000x256xf32>, vector<256x128xf32>, vector<2000x128xf32> -> vector<2000x128xf32>
    %get3A_19 = arith.constant 0 : index
    %get3A_20 = arith.constant 0 : index
    %get3A_21 = vector.load %arg5[%get3A_19, %get3A_20] : memref<1x128xf32, #tpu.memory_space<vmem>>, vector<1x128xf32>
    %add3A_22 = vector.broadcast %get3A_21 : vector<1x128xf32> to vector<2000x128xf32>
    %add3A_23 = arith.addf %dot_general3A_18, %add3A_22 : vector<2000x128xf32>
    %ge3A_24 = arith.constant 0.000000e+00 : f32
    %ge3A_25 = vector.broadcast %ge3A_24 : f32 to vector<2000x128xf32>
    %ge3A_26 = arith.cmpf oge, %add3A_23, %ge3A_25 : vector<2000x128xf32>
    %mul3A_27 = arith.constant 2.000000e-01 : f32
    %mul3A_28 = vector.broadcast %mul3A_27 : f32 to vector<2000x128xf32>
    %mul3A_29 = arith.mulf %mul3A_28, %add3A_23 : vector<2000x128xf32>
    %select_n3A_30 = arith.select %ge3A_26, %add3A_23, %mul3A_29 : vector<2000x128xi1>, vector<2000x128xf32>
    %get3A_31 = arith.constant 0 : index
    %get3A_32 = arith.constant 0 : index
    %get3A_33 = vector.load %arg6[%get3A_31, %get3A_32] : memref<128x64xf32, #tpu.memory_space<vmem>>, vector<128x64xf32>
    %dot_general3A_34 = arith.constant dense<0.000000e+00> : vector<2000x64xf32>
    %dot_general3A_35 = tpu.matmul %select_n3A_30, %get3A_33, %dot_general3A_34 {dimension_numbers = #tpu.dot_dimension_numbers<[1], [0], [0], [1], [0, 0, 1, 1], [], []>, transpose_lhs_hint = false} : vector<2000x128xf32>, vector<128x64xf32>, vector<2000x64xf32> -> vector<2000x64xf32>
    %get3A_36 = arith.constant 0 : index
    %get3A_37 = arith.constant 0 : index
    %get3A_38 = vector.load %arg7[%get3A_36, %get3A_37] : memref<1x64xf32, #tpu.memory_space<vmem>>, vector<1x64xf32>
    %add3A_39 = vector.broadcast %get3A_38 : vector<1x64xf32> to vector<2000x64xf32>
    %add3A_40 = arith.addf %dot_general3A_35, %add3A_39 : vector<2000x64xf32>
    %ge3A_41 = arith.constant 0.000000e+00 : f32
    %ge3A_42 = vector.broadcast %ge3A_41 : f32 to vector<2000x64xf32>
    %ge3A_43 = arith.cmpf oge, %add3A_40, %ge3A_42 : vector<2000x64xf32>
    %mul3A_44 = arith.constant 2.000000e-01 : f32
    %mul3A_45 = vector.broadcast %mul3A_44 : f32 to vector<2000x64xf32>
    %mul3A_46 = arith.mulf %mul3A_45, %add3A_40 : vector<2000x64xf32>
    %select_n3A_47 = arith.select %ge3A_43, %add3A_40, %mul3A_46 : vector<2000x64xi1>, vector<2000x64xf32>
    %get3A_48 = arith.constant 0 : index
    %get3A_49 = arith.constant 0 : index
    %get3A_50 = vector.load %arg8[%get3A_48, %get3A_49] : memref<64x64xf32, #tpu.memory_space<vmem>>, vector<64x64xf32>
    %dot_general3A_51 = arith.constant dense<0.000000e+00> : vector<2000x64xf32>
    %dot_general3A_52 = tpu.matmul %select_n3A_47, %get3A_50, %dot_general3A_51 {dimension_numbers = #tpu.dot_dimension_numbers<[1], [0], [0], [1], [0, 0, 1, 1], [], []>, transpose_lhs_hint = false} : vector<2000x64xf32>, vector<64x64xf32>, vector<2000x64xf32> -> vector<2000x64xf32>
    %get3A_53 = arith.constant 0 : index
    %get3A_54 = arith.constant 0 : index
    %get3A_55 = vector.load %arg9[%get3A_53, %get3A_54] : memref<1x64xf32, #tpu.memory_space<vmem>>, vector<1x64xf32>
    %add3A_56 = vector.broadcast %get3A_55 : vector<1x64xf32> to vector<2000x64xf32>
    %add3A_57 = arith.addf %dot_general3A_52, %add3A_56 : vector<2000x64xf32>
    %ge3A_58 = arith.constant 0.000000e+00 : f32
    %ge3A_59 = vector.broadcast %ge3A_58 : f32 to vector<2000x64xf32>
    %ge3A_60 = arith.cmpf oge, %add3A_57, %ge3A_59 : vector<2000x64xf32>
    %mul3A_61 = arith.constant 2.000000e-01 : f32
    %mul3A_62 = vector.broadcast %mul3A_61 : f32 to vector<2000x64xf32>
    %mul3A_63 = arith.mulf %mul3A_62, %add3A_57 : vector<2000x64xf32>
    %select_n3A_64 = arith.select %ge3A_60, %add3A_57, %mul3A_63 : vector<2000x64xi1>, vector<2000x64xf32>
    %get3A_65 = arith.constant 0 : index
    %get3A_66 = arith.constant 0 : index
    %get3A_67 = vector.load %arg10[%get3A_65, %get3A_66] : memref<64x128xf32, #tpu.memory_space<vmem>>, vector<64x128xf32>
    %dot_general3A_68 = arith.constant dense<0.000000e+00> : vector<2000x128xf32>
    %dot_general3A_69 = tpu.matmul %select_n3A_64, %get3A_67, %dot_general3A_68 {dimension_numbers = #tpu.dot_dimension_numbers<[1], [0], [0], [1], [0, 0, 1, 1], [], []>, transpose_lhs_hint = false} : vector<2000x64xf32>, vector<64x128xf32>, vector<2000x128xf32> -> vector<2000x128xf32>
    %get3A_70 = arith.constant 0 : index
    %get3A_71 = arith.constant 0 : index
    %get3A_72 = vector.load %arg11[%get3A_70, %get3A_71] : memref<1x128xf32, #tpu.memory_space<vmem>>, vector<1x128xf32>
    %add3A_73 = vector.broadcast %get3A_72 : vector<1x128xf32> to vector<2000x128xf32>
    %add3A_74 = arith.addf %dot_general3A_69, %add3A_73 : vector<2000x128xf32>
    %ge3A_75 = arith.constant 0.000000e+00 : f32
    %ge3A_76 = vector.broadcast %ge3A_75 : f32 to vector<2000x128xf32>
    %ge3A_77 = arith.cmpf oge, %add3A_74, %ge3A_76 : vector<2000x128xf32>
    %mul3A_78 = arith.constant 2.000000e-01 : f32
    %mul3A_79 = vector.broadcast %mul3A_78 : f32 to vector<2000x128xf32>
    %mul3A_80 = arith.mulf %mul3A_79, %add3A_74 : vector<2000x128xf32>
    %select_n3A_81 = arith.select %ge3A_77, %add3A_74, %mul3A_80 : vector<2000x128xi1>, vector<2000x128xf32>
    %swap3A = arith.constant 0 : index
    %swap3A_82 = arith.constant 0 : index
    %swap3A_83 = vector.load %arg12[%swap3A, %swap3A_82] : memref<2000x128xf32, #tpu.memory_space<vmem>>, vector<2000x128xf32>
    tpu.vector_store %arg12[%swap3A, %swap3A_82], %select_n3A_81 {strides = array<i32>} : memref<2000x128xf32, #tpu.memory_space<vmem>>, vector<2000x128xf32>,
    return
  }
  func.func @transform_0(%arg0: i32) -> (i32, i32) {
    %c0_i32 = arith.constant 0 : i32
    %c0_i32_0 = arith.constant 0 : i32
    return %arg0, %c0_i32 : i32, i32
  }
  func.func @transform_1(%arg0: i32) -> (i32, i32) {
    %c0_i32 = arith.constant 0 : i32
    %c0_i32_0 = arith.constant 0 : i32
    %c0_i32_1 = arith.constant 0 : i32
    return %c0_i32, %c0_i32_0 : i32, i32
  }
  func.func @transform_2(%arg0: i32) -> (i32, i32) {
    %c0_i32 = arith.constant 0 : i32
    %c0_i32_0 = arith.constant 0 : i32
    %c0_i32_1 = arith.constant 0 : i32
    return %c0_i32, %c0_i32_0 : i32, i32
  }
  func.func @transform_3(%arg0: i32) -> (i32, i32) {
    %c0_i32 = arith.constant 0 : i32
    %c0_i32_0 = arith.constant 0 : i32
    %c0_i32_1 = arith.constant 0 : i32
    return %c0_i32, %c0_i32_0 : i32, i32
  }
  func.func @transform_4(%arg0: i32) -> (i32, i32) {
    %c0_i32 = arith.constant 0 : i32
    %c0_i32_0 = arith.constant 0 : i32
    %c0_i32_1 = arith.constant 0 : i32
    return %c0_i32, %c0_i32_0 : i32, i32
  }
  func.func @transform_5(%arg0: i32) -> (i32, i32) {
    %c0_i32 = arith.constant 0 : i32
    %c0_i32_0 = arith.constant 0 : i32
    %c0_i32_1 = arith.constant 0 : i32
    return %c0_i32, %c0_i32_0 : i32, i32
  }
  func.func @transform_6(%arg0: i32) -> (i32, i32) {
    %c0_i32 = arith.constant 0 : i32
    %c0_i32_0 = arith.constant 0 : i32
    %c0_i32_1 = arith.constant 0 : i32
    return %c0_i32, %c0_i32_0 : i32, i32
  }
  func.func @transform_7(%arg0: i32) -> (i32, i32) {
    %c0_i32 = arith.constant 0 : i32
    %c0_i32_0 = arith.constant 0 : i32
    %c0_i32_1 = arith.constant 0 : i32
    return %c0_i32, %c0_i32_0 : i32, i32
  }
  func.func @transform_8(%arg0: i32) -> (i32, i32) {
    %c0_i32 = arith.constant 0 : i32
    %c0_i32_0 = arith.constant 0 : i32
    %c0_i32_1 = arith.constant 0 : i32
    return %c0_i32, %c0_i32_0 : i32, i32
  }
  func.func @transform_9(%arg0: i32) -> (i32, i32) {
    %c0_i32 = arith.constant 0 : i32
    %c0_i32_0 = arith.constant 0 : i32
    %c0_i32_1 = arith.constant 0 : i32
    return %c0_i32, %c0_i32_0 : i32, i32
  }
  func.func @transform_10(%arg0: i32) -> (i32, i32) {
    %c0_i32 = arith.constant 0 : i32
    %c0_i32_0 = arith.constant 0 : i32
    %c0_i32_1 = arith.constant 0 : i32
    return %c0_i32, %c0_i32_0 : i32, i32
  }
  func.func @transform_11(%arg0: i32) -> (i32, i32) {
    %c0_i32 = arith.constant 0 : i32
    %c0_i32_0 = arith.constant 0 : i32
    return %arg0, %c0_i32 : i32, i32
  }
}

</mosaic_0001>

<sc_bundles>
// kernel: kernel.6.cloned.1.call-start
scs
__scs_entry_jumppad:
0x0: {  	(pc) =	sbr.rel $0x88, $3  }
0x1: {  	(tag) =	ssettag $0x0;
	lr =	simm.s32 $0x1  }
0x2: {  	[smem:$0x3F90] =	sst lr;
	_ =	strace $0xD0000000  }
0x3: {  	_ = 	snop  }
0x4: {  	_ = 	snop  }
0x5: {  	_ = 	snop  }
0x6: {  	_ = 	snop  }
0x7: {  	_ = 	snop  }
__scs_overlays_trampoline_lowered:
0x8: {  	[smem:$0x3F9F] =	sst s0  }
0x9: {  	[smem:$0x3FA0] =	sst s1  }
0xa: {  	[smem:$0x3FA1] =	sst s2  }
0xb: {  	[smem:$0x3FA2] =	sst s3  }
0xc: {  	[smem:$0x3FA3] =	sst s4  }
0xd: {  	[smem:$0x3FA4] =	sst s5  }
0xe: {  	[smem:$0x3FA5] =	sst s6  }
0xf: {  	[smem:$0x3FA6] =	sst s7  }
0x10: {  	[smem:$0x3FA7] =	sst s8  }
0x11: {  	[smem:$0x3FA8] =	sst s9;
	s0 =	simm.s32 @!p0 $0x0  }
0x12: {  	s1 =	sld [smem:$0x3F8E];
	s0 =	simm.s32 @p0 $0x1  }
0x13: {  	[smem:$0x3FA9] =	sst s0;
	s0 =	simm.s32 @!p1 $0x0  }
0x14: {  	s2 =	sld [smem:$0x3F8D];
	s0 =	simm.s32 @p1 $0x1  }
0x15: {  	[smem:$0x3FAA] =	sst s0;
	s0 =	simm.s32 @!p2 $0x0  }
0x16: {  	s3 =	sld [smem:$0x3FDB];
	s0 =	simm.s32 @p2 $0x1  }
0x17: {  	s4 =	simm.s32 $0x1BF5;
	[smem:$0x3FAC] =	sst s0  }
0x18: {  	s0 =	sld [smem:$0x3F8F];
	_ =	swait.ge [sflag:s4], $0x0  }
0x19: {  	s7 =	sld [smem:$0x3F90]  }
0x1a: {  	s8 =	sadd.s32 $0xFFFFE003, lr  }
0x1b: {  	s9 =	sadd.s32 $0xFFFFFEF7, lr;
	s5 =	simm.s32 $0xFFFFFFFF;
	p2 =	slt.u32 s8, $0xFFFFF086  }
0x1c: {  	p1 =	slt.u32 s9, $0xF7A;
	s5 =	simm.s32 @!p2 $0x0  }
0x1d: {  	s5 =	simm.s32 @p1 $0x1;
	p0 =	seq.s32 s7, s2  }
0x1e: {  	s7 =	smul.u32 @!p0 $0xF7A, s2;
	p2 =	seq.s32 @!p0 s5, $0x0  }
0x1f: {  	s9 =	smul.u32 $0xF7A, s1;
	s8 =	simm.s32 @!p0 $0x1BF5;
	p2 =	por !p2, p0  }
0x20: {  	[sflag:s8] =	ssyncset.s32 @!p0 $0xFFFFF086;
	s6 =	sadd.s32 @!p0 s3, s7;
	s7 =	simm.s32 @!p0 $0x108  }
0x21: {  	s3 =	sadd.s32 s3, s9;
	s6 =	sadd.s32 @!p0 $0x88, s6;
	s7 =	simm.s32 @p2 $0x1082  }
0x22: {  	[simem:s7], [sflag:s8] =	dma.local @!p0 [hbm:s6], $0xF7A  }
0x23: {  	s9 =	sor.u32 $0xD0000000, s2;
	s6 =	simm.s32 $0x108;
	_ =	swait.ge @!p0 [sflag:s8], $0x0  }
0x24: {  	s3 =	sadd.s32 $0x88, s3;
	s6 =	simm.s32 @!p1 $0x1082;
	[sflag:s4] =	ssyncset.s32 $0xFFFFF086  }
0x25: {  	[simem:s6], [sflag:s4] =	dma.local [hbm:s3], $0xF7A  }
0x26: {  	[smem:$0x3F90] =	sst s1;
	(tag) =	ssettag s2;
	_ =	strace s9  }
0x27: {  	s1 =	sld [smem:$0x3FA0]  }
0x28: {  	s2 =	sld [smem:$0x3FA1]  }
0x29: {  	s4 =	sld [smem:$0x3FA3]  }
0x2a: {  	p0 =	seq.s32 s5, $0x0;
	s5 =	sld [smem:$0x3FA4]  }
0x2b: {  	s6 =	sld [smem:$0x3FA5]  }
0x2c: {  	s7 =	sld [smem:$0x3FA6]  }
0x2d: {  	s3 =	simm.s32 $0x108;
	s8 =	sld [smem:$0x3FA7]  }
0x2e: {  	s3 =	simm.s32 @!p0 $0x1082;
	s9 =	sld [smem:$0x3FA8]  }
0x2f: {  	lr =	sadd.s32 s0, s3;
	s0 =	sld [smem:$0x3F9F]  }
0x30: {  	s3 =	sld [smem:$0x3FA2]  }
0x31: {  	[smem:$0x3FAB] =	sst s10  }
0x32: {  	s10 =	sld [smem:$0x3FA9];
	_ =	sdelay $0x3  }
0x33: {  	p0 =	seq.s32 s10, $0x1;
	s10 =	sld [smem:$0x3FAB];
	_ =	sdelay $0x3  }
0x34: {  	[smem:$0x3FAB] =	sst s10  }
0x35: {  	s10 =	sld [smem:$0x3FAA];
	_ =	sdelay $0x3  }
0x36: {  	p1 =	seq.s32 s10, $0x1;
	s10 =	sld [smem:$0x3FAB];
	_ =	sdelay $0x3  }
0x37: {  	[smem:$0x3FAB] =	sst s10  }
0x38: {  	s10 =	sld [smem:$0x3FAC]  }
0x39: {  	_ = 	snop;
	(pc) =	sbr.ind lr, $3  }
0x3a: {  	_ = 	snop  }
0x3b: {  	_ = 	snop  }
0x3c: {  	p2 =	seq.s32 s10, $0x1;
	s10 =	sld [smem:$0x3FAB]  }
0x3d: {  	_ =	shalt  }
0x3e: {  	_ =	shalt  }
0x3f: {  	_ =	shalt  }
0x40: {  	_ =	shalt  }
0x41: {  	_ =	shalt  }
0x42: {  	_ =	shalt  }
0x43: {  	_ =	shalt  }
0x44: {  	_ =	shalt  }
0x45: {  	_ =	shalt  }
0x46: {  	_ =	shalt  }
0x47: {  	_ =	shalt  }
0x48: {  	_ =	shalt  }
0x49: {  	_ =	shalt  }
0x4a: {  	_ =	shalt  }
0x4b: {  	_ =	shalt  }
0x4c: {  	_ =	shalt  }
0x4d: {  	_ =	shalt  }
0x4e: {  	_ =	shalt  }
0x4f: {  	_ =	shalt  }
0x50: {  	_ =	shalt  }
0x51: {  	_ =	shalt  }
0x52: {  	_ =	shalt  }
0x53: {  	_ =	shalt  }
0x54: {  	_ =	shalt  }
0x55: {  	_ =	shalt  }
0x56: {  	_ =	shalt  }
0x57: {  	_ =	shalt  }
0x58: {  	_ =	shalt  }
0x59: {  	_ =	shalt  }
0x5a: {  	_ =	shalt  }
0x5b: {  	_ =	shalt  }
0x5c: {  	_ =	shalt  }
0x5d: {  	_ =	shalt  }
0x5e: {  	_ =	shalt  }
0x5f: {  	_ =	shalt  }
0x60: {  	_ =	shalt  }
0x61: {  	_ =	shalt  }
0x62: {  	_ =	shalt  }
0x63: {  	_ =	shalt  }
0x64: {  	_ =	shalt  }
0x65: {  	_ =	shalt  }
0x66: {  	_ =	shalt  }
0x67: {  	_ =	shalt  }
0x68: {  	_ =	shalt  }
0x69: {  	_ =	shalt  }
0x6a: {  	_ =	shalt  }
0x6b: {  	_ =	shalt  }
0x6c: {  	_ =	shalt  }
0x6d: {  	_ =	shalt  }
0x6e: {  	_ =	shalt  }
0x6f: {  	_ =	shalt  }
0x70: {  	_ =	shalt  }
0x71: {  	_ =	shalt  }
0x72: {  	_ =	shalt  }
0x73: {  	_ =	shalt  }
0x74: {  	_ =	shalt  }
0x75: {  	_ =	shalt  }
0x76: {  	_ =	shalt  }
0x77: {  	_ =	shalt  }
0x78: {  	_ =	shalt  }
0x79: {  	_ =	shalt  }
0x7a: {  	_ =	shalt  }
0x7b: {  	_ =	shalt  }
0x7c: {  	_ =	shalt  }
0x7d: {  	_ =	shalt  }
0x7e: {  	_ =	shalt  }
0x7f: {  	_ =	shalt  }
0x80: {  	_ =	shalt  }
0x81: {  	_ =	shalt  }
0x82: {  	_ =	shalt  }
0x83: {  	_ =	shalt  }
0x84: {  	_ =	shalt  }
0x85: {  	_ =	shalt  }
0x86: {  	_ =	shalt  }
0x87: {  	_ =	shalt  }
.Lfunc_end0:
.L_simem_size_0:
called_computation_lowered:
.L_overlay_start_0:
0x88: {  	s2 =	sld [smem:$0x3FD9]  }
0x89: {  	s3 =	sld [smem:$0x3FFE];
	_ =	sdelay $0x1  }
0x8a: {  	s1 =	srdreg.scid  }
0x8b: {  	s0 =	sand.u32 $0x1, s1  }
0x8c: {  	s18 =	sshll.u32 s0, $0xA;
	s2 =	sadd.s32 s3, s2  }
0x8d: {  	s3 =	sadd.s32 s2, s18  }
0x8e: {  	[smem:$0x3FB7] =	sst s3  }
0x8f: {  	_ = 	snop  }
0x90: {  	s3 =	sld [smem:$0x3FD0];
	(tm) =	ssettm $0x1  }
0x91: {  	s4 =	sld [smem:$0x3FFB];
	_ =	sdelay $0x3  }
0x92: {  	_ =	strace s4  }
0x93: {  	s4 =	sld [smem:$0x3FFC];
	_ =	sdelay $0x3  }
0x94: {  	_ =	strace s4  }
0x95: {  	s4 =	sld [smem:$0x3FFD];
	_ =	sdelay $0x3  }
0x96: {  	_ =	strace s4  }
0x97: {  	_ =	strace $0x8FFFFFFF  }
0x98: {  	s19 =	sld [smem:$0x3FDB];
	_ =	sdelay $0x1  }
0x99: {  	s5 =	simm.s32 $_scs_section_size  }
0x9a: {  	s6 =	simm.s32 $_size__tile_overlayer_lowered;
	s7 =	simm.s32 $_tile_overlayer_lowered  }
0x9b: {  	s22 =	simm.s32 $0x1BFF;
	s21 =	sshll.u32 s7, $0x1;
	s4 =	sadd.s32 s5, s19  }
0x9c: {  	s8 =	simm.s32 $0x0;
	s20 =	sshll.u32 s6, $0x1;
	s6 =	sadd.s32 s21, s4  }
0x9d: {  	[timem:s8], [sflag:s22] =	dma.local [hbm:s6], s20  }
0x9e: {  	_ =	swait.ge [sflag:s22], s20  }
0x9f: {  	s5 =	ssub.s32 $0x0, s20;
	[sflag:s22] =	ssyncset.done $0x0  }
0xa0: {  	[sflag:s22] =	ssyncadd.s32 s5;
	_ =	sdelay $0x1  }
0xa1: {  	s23 =	simm.s32 $0x1B8B  }
0xa2: {  	_ =	swait.ge [sflag:s23], $0x1  }
0xa3: {  	[sflag:s23] =	ssyncset.done $0x0  }
0xa4: {  	s25 =	simm.s32 $0x1B8E;
	s24 =	sld [smem:$0x3FFE];
	[sflag:s23] =	ssyncadd.s32 $0xFFFFFFFF  }
0xa5: {  	s26 =	simm.s32 $execute0_lowered;
	[smem:$0x3FD2] =	sst s25  }
0xa6: {  	s6 =	sshll.u32 s26, $0x1;
	_ =	strace $0x80000046;
	[dreg:$0x1] =	wrdreg $0xFFFFFFFF  }
0xa7: {  	s28 =	simm.s32 $_size_execute0_lowered;
	s4 =	sadd.s32 s4, s6;
	[dreg:$0x0] =	wrdreg $0x0  }
0xa8: {  	s6 =	sshll.u32 s28, $0x1;
	[dreg:$0x2] =	wrdreg s4  }
0xa9: {  	[dreg:$0x3] =	wrdreg s6  }
0xaa: {  	[dreg:$0x4] =	wrdreg $0xC0  }
0xab: {  	_ =	task [dreg:s8], $0x5FFFF  }
0xac: {  	[dreg:$0x1] =	wrdreg $0xFFFFFFFF  }
0xad: {  	[dreg:$0x0] =	wrdreg $0x60  }
0xae: {  	[dreg:$0x2] =	wrdreg s3  }
0xaf: {  	s2 =	sadd.s32 $0x800, s2;
	[dreg:$0x3] =	wrdreg s24  }
0xb0: {  	[dreg:$0x4] =	wrdreg s2  }
0xb1: {  	[dreg:$0x5] =	wrdreg $0xA3900  }
0xb2: {  	[dreg:$0x6] =	wrdreg $0x9  }
0xb3: {  	_ =	task.clear_ibuf [dreg:s8], $0x7FFFF;
	_ =	strace $0x90000046  }
0xb4: {  	s29 =	simm.s32 $0x9;
	_ =	strace $0x80000048  }
0xb5: {  	_ =	swait.ge [sflag:s29], $0x1  }
0xb6: {  	[sflag:s29] =	ssyncadd.s32 $0xFFFFFFFF  }
0xb7: {  	_ =	strace $0x90000048  }
0xb8: {  	_ =	sfence  }
0xb9: {  	s30 =	sld [smem:$0x0];
	_ =	sdelay $0x2  }
0xba: {  	s31 =	sshll.u32 s1, $0xD;
	s1 =	sshrl.u32 s1, $0x2  }
0xbb: {  	s3 =	sand.u32 $0x4000, s31;
	s1 =	sadd.s32 s1, s30  }
0xbc: {  	s0 =	sor.u32 s3, s0;
	s1 =	sshll.u32 s1, $0x11  }
0xbd: {  	s0 =	sor.u32 s1, s0  }
0xbe: {  	s0 =	sadd.s32 $0x8F2B, s0  }
0xbf: {  	[sflag:s0] =	ssyncadd.remote.s32 $0x1  }
0xc0: {  	_ =	sfence.sel $0xFFFF  }
0xc1: {  	[dreg:$0x0] =	wrdreg $0xFFFFFFFF;
	(pc) =	sbr.abs _section_cstart, $3  }
0xc2: {  	[dreg:$0x1] =	wrdreg $0xFFFFFFFF  }
0xc3: {  	_ =	task.clear_ibuf [dreg:s8], $0x2FFFF;
	_ =	strace $0x9FFFFFFF  }
0xc4: {  	(tm) =	ssettm $0x7FFFFFFF  }
0xc5: {  	_ =	shalt  }
tec
execute0_lowered:
.L_overlay_start_1:
0x0: {  	(tag) =	ssettag $0x1  }
0x1: {  	s0 =	rddreg [dreg:$0x0]  }
0x2: {  	s2 =	rddreg [dreg:$0x1]  }
0x3: {  	s1 =	rddreg [dreg:$0x2]  }
0x4: {  	s3 =	rddreg [dreg:$0x3];
	s22 =	simm.s32 $0x0  }
0x5: {  	s16 =	stileid.u32;
	s5 =	srdreg.scid;
	s28 =	simm.s32 $0x7  }
0x6: {  	s30 =	simm.s32 $0x9A80;
	s31 =	simm.s32 $0x1;
	s4 =	smul.u32 $0xA20, s16  }
0x7: {  	s29 =	simm.s32 $0x5680;
	[smem:$0x7FF] =	sst s22;
	s6 =	smul.u32 $0x5100, s16  }
0x8: {  	s5 =	sand.u32 $0x1, s5;
	s14 =	smul.u32 $0x55000, s16;
	s15 =	sadd.s32 $0x10BE00, s2  }
0x9: {  	s9 =	sadd.s32 $0xDA00, s2;
	s24 =	smul.u32 $0x140, s16;
	s18 =	sadd.s32 $0x10C680, s2  }
0xa: {  	s19 =	sadd.s32 $0x10CF00, s2;
	_ =	strace $0x80000047;
	[dreg:$0x6] =	wrdreg s15  }
0xb: {  	s20 =	sadd.s32 $0x10D780, s2;
	s21 =	sadd.s32 $0x10E000, s2;
	[dreg:$0xd] =	wrdreg s18  }
0xc: {  	s7 =	sshll.u32 s5, $0x4;
	s11 =	smul.u32 $0x1388, s5;
	[dreg:$0xe] =	wrdreg s19  }
0xd: {  	s12 =	ssub.s32 $0x2, s5;
	s5 =	smul.u32 $0x1400, s5;
	[dreg:$0x10] =	wrdreg s20  }
0xe: {  	[dreg:$0x11] =	wrdreg s21;
	s19 =	simm.s32 $0x100;
	s18 =	simm.s32 $0x5  }
0xf: {  	s20 =	simm.s32 $0x200;
	s10 =	sadd.s32 s4, s2;
	[dreg:$0x5] =	wrdreg s6  }
0x10: {  	s6 =	sadd.s32 $0xF8200, s2;
	s8 =	sor.u32 s16, s7;
	s7 =	sadd.s32 $0x102000, s2  }
0x11: {  	s13 =	sshrl.u32 s12, $0x1;
	s14 =	sshrl.u32 s14, $0x2;
	s16 =	sadd.s32 $0x3FEA, s16  }
0x12: {  	s0 =	sadd.s32 s4, s0;
	s4 =	simm.s32 $0x4;
	s8 =	smul.u32 $0x5400, s8  }
0x13: {  	s12 =	ssub.s32 s12, s13;
	s15 =	sadd.s32 $0x1388, s11;
	[dreg:$0x7] =	wrdreg s16  }
0x14: {  	s14 =	sadd.s32 s14, s3;
	s5 =	sadd.s32 s5, s24;
	[dreg:$0xf] =	wrdreg s0  }
0x15: {  	s23 =	sadd.s32 $0x3800, s10;
	s0 =	simm.s32 $0x1280;
	[dreg:$0x9] =	wrdreg s5  }
0x16: {  	s16 =	simm.s32 $0x40;
	s26 =	sadd.s32 $0x4400, s14;
	[dreg:$0x12] =	wrdreg s23  }
0x17: {  	s13 =	sadd.s32 $0x8800, s14;
	s17 =	smax.u32 s12, $0x1;
	[dreg:$0x8] =	wrdreg s14  }
0x18: {  	s12 =	simm.s32 $0x9F10;
	s23 =	simm.s32 $0x2;
	[dreg:$0xa] =	wrdreg s26  }
.Ltmp0:
0x19: {  	v1 =	vmov s15;
	s15 =	simm.s32 $0x240;
	[dreg:$0xb] =	wrdreg s13;
	(pc) =	sbr.rel .LBB2_1-.Ltmp0, $4  }
0x1a: {  	s25 =	sshrl.u32 s8, $0x3;
	[dreg:$0xc] =	wrdreg s17;
	s26 =	sadd.s32 $0x11000, s14  }
0x1b: {  	vm0 =	vmxor vm0, vm0;
	s5 =	simm.s32 $0x0;
	s24 =	sadd.s32 s25, s1;
	[dreg:$0x15] =	wrdreg s26  }
0x1c: {  	v2 =	vimm.s32 $0x0;
	v3 =	vlaneseq.u32;
	v4 =	vimm.s32 $0x13FF;
	s17 =	simm.s32 $0x3;
	s25 =	sadd.s32 $0xCC00, s14;
	[dreg:$0x13] =	wrdreg s24  }
0x1d: {  	v5 =	vimm.f32 $0.0e+00;
	v6 =	vimm.f32 $1.000000000e+00;
	v0 =	vmov s11;
	s26 =	simm.s32 $0x140;
	s14 =	simm.s32 $0x6;
	[dreg:$0x14] =	wrdreg s25  }
.LBB2_16:
0x1e: {  	s5 =	rddreg [dreg:$0x16]  }
0x1f: {  	s2 =	rddreg [dreg:$0xc];
	s5 =	sadd.s32 $0x1, s5  }
0x20: {  	p0 =	sne.s32 s5, s2  }
.Ltmp1:
0x21: {  	_ = 	snop;
	(pc) =	sbr.rel @!p0 .LBB2_17-.Ltmp1, $2  }
0x22: {  	_ =	sdelay $0x2  }
0x23: {  	s22 =	simm.s32 $0x0;
	s12 =	simm.s32 $0x9F10  }
.LBB2_1:
.Ltmp2:
0x24: {  	(pc) =	sbr.rel .LBB2_2-.Ltmp2, $4  }
0x25: {  	[dreg:$0x16] =	wrdreg s5  }
0x26: {  	s25 =	rddreg [dreg:$0xf]  }
0x27: {  	s5 =	rddreg [dreg:$0x12]  }
0x28: {  	s10 =	simm.s32 $0x0;
	s21 =	simm.s32 $0x0;
	s24 =	simm.s32 $0x0  }
.LBB2_4:
0x29: {  	s10 =	sadd.s32 $0x240, s10  }
0x2a: {  	p1 =	sne.s32 s10, $0x5100  }
.Ltmp3:
0x2b: {  	_ = 	snop;
	(pc) =	sbr.rel @!p1 .LBB2_5-.Ltmp3, $4  }
0x2c: {  	_ = 	snop  }
0x2d: {  	p0 =	sgt.s32 s21, $0x23F;
	s2 =	sadd.s32 $0x240, s24  }
0x2e: {  	s24 =	smov.u32 @p0 s2;
	s2 =	sadd.s32 $0xFFFFFDC0, s21  }
0x2f: {  	s5 =	sadd.s32 $0x48, s5;
	s25 =	sadd.s32 $0x48, s25;
	s21 =	smov.u32 @p0 s2  }
.LBB2_2:
0x30: {  	[tilespmem:s12], [sflag:$0x7] =	stream.linear.gather [hbm4b:s25+s22], $0x240, $0x38;
	[tilespmem:$0x1F790] =	vst v63  }
0x31: {  	_ =	swait.ge [sflag:s28], $0x240  }
0x32: {  	[sflag:s28] =	ssyncset.done $0x0  }
0x33: {  	s2 =	simm.s32 $0xA150;
	[sflag:s28] =	ssyncadd.s32 $0xFFFFFDC0  }
0x34: {  	[tilespmem:s2], [sflag:$0x7] =	stream.linear.gather [hbm4b:s5+s22], $0x240, $0x38;
	[tilespmem:$0x1F790] =	vst v63  }
0x35: {  	_ =	swait.ge [sflag:s28], $0x240  }
0x36: {  	[sflag:s28] =	ssyncset.done $0x0  }
0x37: {  	[sflag:s28] =	ssyncadd.s32 $0xFFFFFDC0  }
0x38: {  	v7 =	vld [tilespmem:$0xA150];
	_ =	sdelay $0x1  }
0x39: {  	s13 =	rddreg [dreg:$0x5]  }
0x3a: {  	s13 =	sadd.s32 s10, s13  }
0x3b: {  	vm1 =	vmmov vm0;
	p0 =	slt.u32 s13, $0x50910  }
0x3c: {  	vm1 =	vmneg @p0 vm1;
	vm2 =	vge.s32 v7, v0  }
0x3d: {  	vm1 =	vmand vm1, vm2;
	vm2 =	vlt.s32 v7, v1  }
0x3e: {  	vm1 =	vmand vm2, vm1  }
0x3f: {  	v8 =	vsel vm1, $0x1, v2  }
0x40: {  	(xrf0) =	vadd.scan.msk.s32 $0xffff, v8;
	_ =	sdelay $0x4  }
0x41: {  	v9 =	vsel vm1, $0xFFFFFFFF, v2;
	v8 =	vld [tilespmem:$0x9F10]  }
0x42: {  	v9 =	vadd.s32 s21, v9;
	v10, _, _ =	vpop (xrf0)  }
0x43: {  	v9 =	vadd.s32 v10, v9;
	_ =	sdelay $0x2  }
0x44: {  	v7 =	vsub.s32 v7, v0;
	v8 =	vshll.u32 v8, $0xD  }
0x45: {  	v7 =	vor.u32 v8, v7  }
0x46: {  	[tilespmem:v9+s30+$0x0] =	vst.idx.msk vm1, v7  }
0x47: {  	(v2sf) =	vpush v10, $0xF;
	v7 =	vld [tilespmem:$0xA160];
	_ =	sdelay $0x2  }
0x48: {  	s2 =	sadd.s32 $0x10, s13  }
0x49: {  	p0 =	slt.u32 s2, $0x50910;
	vm1 =	vmmov vm0  }
0x4a: {  	vm1 =	vmneg @p0 vm1;
	vm2 =	vge.s32 v7, v0  }
0x4b: {  	vm1 =	vmand vm1, vm2;
	vm2 =	vlt.s32 v7, v1  }
0x4c: {  	vm1 =	vmand vm2, vm1  }
0x4d: {  	v8 =	vsel vm1, $0x1, v2  }
0x4e: {  	(xrf0) =	vadd.scan.msk.s32 $0xffff, v8;
	_ =	sdelay $0x5  }
0x4f: {  	v47 =	vsel vm1, $0xFFFFFFFF, v2;
	s11 =	spop (v2sf);
	v8 =	vld [tilespmem:$0x9F20];
	v48, _, _ =	vpop (xrf0)  }
0x50: {  	s2 =	sadd.s32 s21, s11;
	v9 =	vadd.s32 v47, v48  }
0x51: {  	v9 =	vadd.s32 s2, v9;
	_ =	sdelay $0x2  }
0x52: {  	v7 =	vsub.s32 v7, v0;
	v8 =	vshll.u32 v8, $0xD  }
0x53: {  	v7 =	vor.u32 v8, v7  }
0x54: {  	[tilespmem:v9+s30+$0x0] =	vst.idx.msk vm1, v7  }
0x55: {  	(v2sf) =	vpush v48, $0xF;
	v7 =	vld [tilespmem:$0xA170];
	_ =	sdelay $0x2  }
0x56: {  	s11 =	sadd.s32 $0x20, s13  }
0x57: {  	p0 =	slt.u32 s11, $0x50910;
	vm1 =	vmmov vm0  }
0x58: {  	vm1 =	vmneg @p0 vm1;
	vm2 =	vge.s32 v7, v0  }
0x59: {  	vm1 =	vmand vm1, vm2;
	vm2 =	vlt.s32 v7, v1  }
0x5a: {  	vm1 =	vmand vm2, vm1  }
0x5b: {  	v8 =	vsel vm1, $0x1, v2  }
0x5c: {  	(xrf0) =	vadd.scan.msk.s32 $0xffff, v8;
	_ =	sdelay $0x5  }
0x5d: {  	s21 =	spop (v2sf);
	v49 =	vsel vm1, $0xFFFFFFFF, v2;
	v8 =	vld [tilespmem:$0x9F30];
	v50, _, _ =	vpop (xrf0)  }
0x5e: {  	s2 =	sadd.s32 s2, s21;
	v9 =	vadd.s32 v49, v50  }
0x5f: {  	v9 =	vadd.s32 s2, v9;
	_ =	sdelay $0x2  }
0x60: {  	v7 =	vsub.s32 v7, v0;
	v8 =	vshll.u32 v8, $0xD  }
0x61: {  	v7 =	vor.u32 v8, v7  }
0x62: {  	[tilespmem:v9+s30+$0x0] =	vst.idx.msk vm1, v7  }
0x63: {  	(v2sf) =	vpush v50, $0xF;
	v7 =	vld [tilespmem:$0xA180];
	_ =	sdelay $0x2  }
0x64: {  	s21 =	sadd.s32 $0x30, s13  }
0x65: {  	p0 =	slt.u32 s21, $0x50910;
	vm1 =	vmmov vm0  }
0x66: {  	vm1 =	vmneg @p0 vm1;
	vm2 =	vge.s32 v7, v0  }
0x67: {  	vm1 =	vmand vm1, vm2;
	vm2 =	vlt.s32 v7, v1  }
0x68: {  	vm1 =	vmand vm2, vm1  }
0x69: {  	v8 =	vsel vm1, $0x1, v2  }
0x6a: {  	(xrf0) =	vadd.scan.msk.s32 $0xffff, v8;
	_ =	sdelay $0x5  }
0x6b: {  	s21 =	spop (v2sf);
	v51 =	vsel vm1, $0xFFFFFFFF, v2;
	v8 =	vld [tilespmem:$0x9F40];
	v52, _, _ =	vpop (xrf0)  }
0x6c: {  	s2 =	sadd.s32 s2, s21;
	v9 =	vadd.s32 v51, v52  }
0x6d: {  	v9 =	vadd.s32 s2, v9;
	_ =	sdelay $0x2  }
0x6e: {  	v7 =	vsub.s32 v7, v0;
	v8 =	vshll.u32 v8, $0xD  }
0x6f: {  	v7 =	vor.u32 v8, v7  }
0x70: {  	[tilespmem:v9+s30+$0x0] =	vst.idx.msk vm1, v7  }
0x71: {  	(v2sf) =	vpush v52, $0xF;
	v7 =	vld [tilespmem:$0xA190];
	_ =	sdelay $0x2  }
0x72: {  	s21 =	sadd.s32 $0x40, s13  }
0x73: {  	p0 =	slt.u32 s21, $0x50910;
	vm1 =	vmmov vm0  }
0x74: {  	vm1 =	vmneg @p0 vm1;
	vm2 =	vge.s32 v7, v0  }
0x75: {  	vm1 =	vmand vm1, vm2;
	vm2 =	vlt.s32 v7, v1  }
0x76: {  	vm1 =	vmand vm2, vm1  }
0x77: {  	v8 =	vsel vm1, $0x1, v2  }
0x78: {  	(xrf0) =	vadd.scan.msk.s32 $0xffff, v8;
	_ =	sdelay $0x5  }
0x79: {  	s21 =	spop (v2sf);
	v53 =	vsel vm1, $0xFFFFFFFF, v2;
	v8 =	vld [tilespmem:$0x9F50];
	v54, _, _ =	vpop (xrf0)  }
0x7a: {  	s2 =	sadd.s32 s2, s21;
	v9 =	vadd.s32 v53, v54  }
0x7b: {  	v9 =	vadd.s32 s2, v9;
	_ =	sdelay $0x2  }
0x7c: {  	v7 =	vsub.s32 v7, v0;
	v8 =	vshll.u32 v8, $0xD  }
0x7d: {  	v7 =	vor.u32 v8, v7  }
0x7e: {  	[tilespmem:v9+s30+$0x0] =	vst.idx.msk vm1, v7  }
0x7f: {  	(v2sf) =	vpush v54, $0xF;
	v7 =	vld [tilespmem:$0xA1A0];
	_ =	sdelay $0x2  }
0x80: {  	s21 =	sadd.s32 $0x50, s13  }
0x81: {  	p0 =	slt.u32 s21, $0x50910;
	vm1 =	vmmov vm0  }
0x82: {  	vm1 =	vmneg @p0 vm1;
	vm2 =	vge.s32 v7, v0  }
0x83: {  	vm1 =	vmand vm1, vm2;
	vm2 =	vlt.s32 v7, v1  }
0x84: {  	vm1 =	vmand vm2, vm1  }
0x85: {  	v8 =	vsel vm1, $0x1, v2  }
0x86: {  	(xrf0) =	vadd.scan.msk.s32 $0xffff, v8;
	_ =	sdelay $0x5  }
0x87: {  	s21 =	spop (v2sf);
	v55 =	vsel vm1, $0xFFFFFFFF, v2;
	v8 =	vld [tilespmem:$0x9F60];
	v56, _, _ =	vpop (xrf0)  }
0x88: {  	s2 =	sadd.s32 s2, s21;
	v9 =	vadd.s32 v55, v56  }
0x89: {  	v9 =	vadd.s32 s2, v9;
	_ =	sdelay $0x2  }
0x8a: {  	v7 =	vsub.s32 v7, v0;
	v8 =	vshll.u32 v8, $0xD  }
0x8b: {  	v7 =	vor.u32 v8, v7  }
0x8c: {  	[tilespmem:v9+s30+$0x0] =	vst.idx.msk vm1, v7  }
0x8d: {  	(v2sf) =	vpush v56, $0xF;
	v7 =	vld [tilespmem:$0xA1B0];
	_ =	sdelay $0x2  }
0x8e: {  	s21 =	sadd.s32 $0x60, s13  }
0x8f: {  	p0 =	slt.u32 s21, $0x50910;
	vm1 =	vmmov vm0  }
0x90: {  	vm1 =	vmneg @p0 vm1;
	vm2 =	vge.s32 v7, v0  }
0x91: {  	vm1 =	vmand vm1, vm2;
	vm2 =	vlt.s32 v7, v1  }
0x92: {  	vm1 =	vmand vm2, vm1  }
0x93: {  	v8 =	vsel vm1, $0x1, v2  }
0x94: {  	(xrf0) =	vadd.scan.msk.s32 $0xffff, v8;
	_ =	sdelay $0x5  }
0x95: {  	s21 =	spop (v2sf);
	v57 =	vsel vm1, $0xFFFFFFFF, v2;
	v8 =	vld [tilespmem:$0x9F70];
	v58, _, _ =	vpop (xrf0)  }
0x96: {  	s2 =	sadd.s32 s2, s21;
	v9 =	vadd.s32 v57, v58  }
0x97: {  	v9 =	vadd.s32 s2, v9;
	_ =	sdelay $0x2  }
0x98: {  	v7 =	vsub.s32 v7, v0;
	v8 =	vshll.u32 v8, $0xD  }
0x99: {  	v7 =	vor.u32 v8, v7  }
0x9a: {  	[tilespmem:v9+s30+$0x0] =	vst.idx.msk vm1, v7  }
0x9b: {  	(v2sf) =	vpush v58, $0xF;
	v7 =	vld [tilespmem:$0xA1C0];
	_ =	sdelay $0x2  }
0x9c: {  	s21 =	sadd.s32 $0x70, s13  }
0x9d: {  	p0 =	slt.u32 s21, $0x50910;
	vm1 =	vmmov vm0  }
0x9e: {  	vm1 =	vmneg @p0 vm1;
	vm2 =	vge.s32 v7, v0  }
0x9f: {  	vm1 =	vmand vm1, vm2;
	vm2 =	vlt.s32 v7, v1  }
0xa0: {  	vm1 =	vmand vm2, vm1  }
0xa1: {  	v8 =	vsel vm1, $0x1, v2  }
0xa2: {  	(xrf0) =	vadd.scan.msk.s32 $0xffff, v8;
	_ =	sdelay $0x5  }
0xa3: {  	s21 =	spop (v2sf);
	v59 =	vsel vm1, $0xFFFFFFFF, v2;
	v8 =	vld [tilespmem:$0x9F80];
	v60, _, _ =	vpop (xrf0)  }
0xa4: {  	s2 =	sadd.s32 s2, s21;
	v9 =	vadd.s32 v59, v60  }
0xa5: {  	v9 =	vadd.s32 s2, v9;
	_ =	sdelay $0x2  }
0xa6: {  	v7 =	vsub.s32 v7, v0;
	v8 =	vshll.u32 v8, $0xD  }
0xa7: {  	v7 =	vor.u32 v8, v7  }
0xa8: {  	[tilespmem:v9+s30+$0x0] =	vst.idx.msk vm1, v7  }
0xa9: {  	(v2sf) =	vpush v60, $0xF;
	v7 =	vld [tilespmem:$0xA1D0];
	_ =	sdelay $0x2  }
0xaa: {  	s21 =	sadd.s32 $0x80, s13  }
0xab: {  	p0 =	slt.u32 s21, $0x50910;
	vm1 =	vmmov vm0  }
0xac: {  	vm1 =	vmneg @p0 vm1;
	vm2 =	vge.s32 v7, v0  }
0xad: {  	vm1 =	vmand vm1, vm2;
	vm2 =	vlt.s32 v7, v1  }
0xae: {  	vm1 =	vmand vm2, vm1  }
0xaf: {  	v8 =	vsel vm1, $0x1, v2  }
0xb0: {  	(xrf0) =	vadd.scan.msk.s32 $0xffff, v8;
	_ =	sdelay $0x5  }
0xb1: {  	s21 =	spop (v2sf);
	v61 =	vsel vm1, $0xFFFFFFFF, v2;
	v8 =	vld [tilespmem:$0x9F90];
	v62, _, _ =	vpop (xrf0)  }
0xb2: {  	s2 =	sadd.s32 s2, s21;
	v9 =	vadd.s32 v61, v62  }
0xb3: {  	v9 =	vadd.s32 s2, v9;
	_ =	sdelay $0x2  }
0xb4: {  	v7 =	vsub.s32 v7, v0;
	v8 =	vshll.u32 v8, $0xD  }
0xb5: {  	v7 =	vor.u32 v8, v7  }
0xb6: {  	[tilespmem:v9+s30+$0x0] =	vst.idx.msk vm1, v7  }
0xb7: {  	(v2sf) =	vpush v62, $0xF;
	v7 =	vld [tilespmem:$0xA1E0];
	_ =	sdelay $0x2  }
0xb8: {  	s21 =	sadd.s32 $0x90, s13  }
0xb9: {  	p0 =	slt.u32 s21, $0x50910;
	vm1 =	vmmov vm0  }
0xba: {  	vm1 =	vmneg @p0 vm1;
	vm2 =	vge.s32 v7, v0  }
0xbb: {  	vm1 =	vmand vm1, vm2;
	vm2 =	vlt.s32 v7, v1  }
0xbc: {  	vm1 =	vmand vm2, vm1  }
0xbd: {  	v8 =	vsel vm1, $0x1, v2  }
0xbe: {  	(xrf0) =	vadd.scan.msk.s32 $0xffff, v8;
	_ =	sdelay $0x5  }
0xbf: {  	s21 =	spop (v2sf);
	v63 =	vsel vm1, $0xFFFFFFFF, v2;
	v8 =	vld [tilespmem:$0x9FA0];
	v12, _, _ =	vpop (xrf0)  }
0xc0: {  	s2 =	sadd.s32 s2, s21;
	v9 =	vadd.s32 v63, v12  }
0xc1: {  	v9 =	vadd.s32 s2, v9;
	_ =	sdelay $0x2  }
0xc2: {  	v7 =	vsub.s32 v7, v0;
	v8 =	vshll.u32 v8, $0xD  }
0xc3: {  	v7 =	vor.u32 v8, v7  }
0xc4: {  	[tilespmem:v9+s30+$0x0] =	vst.idx.msk vm1, v7  }
0xc5: {  	(v2sf) =	vpush v12, $0xF;
	v7 =	vld [tilespmem:$0xA1F0];
	_ =	sdelay $0x2  }
0xc6: {  	s21 =	sadd.s32 $0xA0, s13  }
0xc7: {  	p0 =	slt.u32 s21, $0x50910;
	vm1 =	vmmov vm0  }
0xc8: {  	vm1 =	vmneg @p0 vm1;
	vm2 =	vge.s32 v7, v0  }
0xc9: {  	vm1 =	vmand vm1, vm2;
	vm2 =	vlt.s32 v7, v1  }
0xca: {  	vm1 =	vmand vm2, vm1  }
0xcb: {  	v8 =	vsel vm1, $0x1, v2  }
0xcc: {  	(xrf0) =	vadd.scan.msk.s32 $0xffff, v8;
	_ =	sdelay $0x5  }
0xcd: {  	s21 =	spop (v2sf);
	v13 =	vsel vm1, $0xFFFFFFFF, v2;
	v8 =	vld [tilespmem:$0x9FB0];
	v14, _, _ =	vpop (xrf0)  }
0xce: {  	s2 =	sadd.s32 s2, s21;
	v9 =	vadd.s32 v13, v14  }
0xcf: {  	v9 =	vadd.s32 s2, v9;
	_ =	sdelay $0x2  }
0xd0: {  	v7 =	vsub.s32 v7, v0;
	v8 =	vshll.u32 v8, $0xD  }
0xd1: {  	v7 =	vor.u32 v8, v7  }
0xd2: {  	[tilespmem:v9+s30+$0x0] =	vst.idx.msk vm1, v7  }
0xd3: {  	(v2sf) =	vpush v14, $0xF;
	v7 =	vld [tilespmem:$0xA200];
	_ =	sdelay $0x2  }
0xd4: {  	s21 =	sadd.s32 $0xB0, s13  }
0xd5: {  	p0 =	slt.u32 s21, $0x50910;
	vm1 =	vmmov vm0  }
0xd6: {  	vm1 =	vmneg @p0 vm1;
	vm2 =	vge.s32 v7, v0  }
0xd7: {  	vm1 =	vmand vm1, vm2;
	vm2 =	vlt.s32 v7, v1  }
0xd8: {  	vm1 =	vmand vm2, vm1  }
0xd9: {  	v8 =	vsel vm1, $0x1, v2  }
0xda: {  	(xrf0) =	vadd.scan.msk.s32 $0xffff, v8;
	_ =	sdelay $0x5  }
0xdb: {  	s21 =	spop (v2sf);
	v15 =	vsel vm1, $0xFFFFFFFF, v2;
	v8 =	vld [tilespmem:$0x9FC0];
	v16, _, _ =	vpop (xrf0)  }
0xdc: {  	s2 =	sadd.s32 s2, s21;
	v9 =	vadd.s32 v15, v16  }
0xdd: {  	v9 =	vadd.s32 s2, v9;
	_ =	sdelay $0x2  }
0xde: {  	v7 =	vsub.s32 v7, v0;
	v8 =	vshll.u32 v8, $0xD  }
0xdf: {  	v7 =	vor.u32 v8, v7  }
0xe0: {  	[tilespmem:v9+s30+$0x0] =	vst.idx.msk vm1, v7  }
0xe1: {  	(v2sf) =	vpush v16, $0xF;
	v7 =	vld [tilespmem:$0xA210];
	_ =	sdelay $0x2  }
0xe2: {  	s21 =	sadd.s32 $0xC0, s13  }
0xe3: {  	p0 =	slt.u32 s21, $0x50910;
	vm1 =	vmmov vm0  }
0xe4: {  	vm1 =	vmneg @p0 vm1;
	vm2 =	vge.s32 v7, v0  }
0xe5: {  	vm1 =	vmand vm1, vm2;
	vm2 =	vlt.s32 v7, v1  }
0xe6: {  	vm1 =	vmand vm2, vm1  }
0xe7: {  	v8 =	vsel vm1, $0x1, v2  }
0xe8: {  	(xrf0) =	vadd.scan.msk.s32 $0xffff, v8;
	_ =	sdelay $0x5  }
0xe9: {  	s21 =	spop (v2sf);
	v17 =	vsel vm1, $0xFFFFFFFF, v2;
	v8 =	vld [tilespmem:$0x9FD0];
	v18, _, _ =	vpop (xrf0)  }
0xea: {  	s2 =	sadd.s32 s2, s21;
	v9 =	vadd.s32 v17, v18  }
0xeb: {  	v9 =	vadd.s32 s2, v9;
	_ =	sdelay $0x2  }
0xec: {  	v7 =	vsub.s32 v7, v0;
	v8 =	vshll.u32 v8, $0xD  }
0xed: {  	v7 =	vor.u32 v8, v7  }
0xee: {  	[tilespmem:v9+s30+$0x0] =	vst.idx.msk vm1, v7  }
0xef: {  	(v2sf) =	vpush v18, $0xF;
	v7 =	vld [tilespmem:$0xA220];
	_ =	sdelay $0x2  }
0xf0: {  	s21 =	sadd.s32 $0xD0, s13  }
0xf1: {  	p0 =	slt.u32 s21, $0x50910;
	vm1 =	vmmov vm0  }
0xf2: {  	vm1 =	vmneg @p0 vm1;
	vm2 =	vge.s32 v7, v0  }
0xf3: {  	vm1 =	vmand vm1, vm2;
	vm2 =	vlt.s32 v7, v1  }
0xf4: {  	vm1 =	vmand vm2, vm1  }
0xf5: {  	v8 =	vsel vm1, $0x1, v2  }
0xf6: {  	(xrf0) =	vadd.scan.msk.s32 $0xffff, v8;
	_ =	sdelay $0x5  }
0xf7: {  	s21 =	spop (v2sf);
	v19 =	vsel vm1, $0xFFFFFFFF, v2;
	v8 =	vld [tilespmem:$0x9FE0];
	v20, _, _ =	vpop (xrf0)  }
0xf8: {  	s2 =	sadd.s32 s2, s21;
	v9 =	vadd.s32 v19, v20  }
0xf9: {  	v9 =	vadd.s32 s2, v9;
	_ =	sdelay $0x2  }
0xfa: {  	v7 =	vsub.s32 v7, v0;
	v8 =	vshll.u32 v8, $0xD  }
0xfb: {  	v7 =	vor.u32 v8, v7  }
0xfc: {  	[tilespmem:v9+s30+$0x0] =	vst.idx.msk vm1, v7  }
0xfd: {  	(v2sf) =	vpush v20, $0xF;
	v7 =	vld [tilespmem:$0xA230];
	_ =	sdelay $0x2  }
0xfe: {  	s21 =	sadd.s32 $0xE0, s13  }
0xff: {  	p0 =	slt.u32 s21, $0x50910;
	vm1 =	vmmov vm0  }
0x100: {  	vm1 =	vmneg @p0 vm1;
	vm2 =	vge.s32 v7, v0  }
0x101: {  	vm1 =	vmand vm1, vm2;
	vm2 =	vlt.s32 v7, v1  }
0x102: {  	vm1 =	vmand vm2, vm1  }
0x103: {  	v8 =	vsel vm1, $0x1, v2  }
0x104: {  	(xrf0) =	vadd.scan.msk.s32 $0xffff, v8;
	_ =	sdelay $0x5  }
0x105: {  	s21 =	spop (v2sf);
	v21 =	vsel vm1, $0xFFFFFFFF, v2;
	v8 =	vld [tilespmem:$0x9FF0];
	v22, _, _ =	vpop (xrf0)  }
0x106: {  	s2 =	sadd.s32 s2, s21;
	v9 =	vadd.s32 v21, v22  }
0x107: {  	v9 =	vadd.s32 s2, v9;
	_ =	sdelay $0x2  }
0x108: {  	v7 =	vsub.s32 v7, v0;
	v8 =	vshll.u32 v8, $0xD  }
0x109: {  	v7 =	vor.u32 v8, v7  }
0x10a: {  	[tilespmem:v9+s30+$0x0] =	vst.idx.msk vm1, v7  }
0x10b: {  	(v2sf) =	vpush v22, $0xF;
	v7 =	vld [tilespmem:$0xA240];
	_ =	sdelay $0x2  }
0x10c: {  	s21 =	sadd.s32 $0xF0, s13  }
0x10d: {  	p0 =	slt.u32 s21, $0x50910;
	vm1 =	vmmov vm0  }
0x10e: {  	vm1 =	vmneg @p0 vm1;
	vm2 =	vge.s32 v7, v0  }
0x10f: {  	vm1 =	vmand vm1, vm2;
	vm2 =	vlt.s32 v7, v1  }
0x110: {  	vm1 =	vmand vm2, vm1  }
0x111: {  	v8 =	vsel vm1, $0x1, v2  }
0x112: {  	(xrf0) =	vadd.scan.msk.s32 $0xffff, v8;
	_ =	sdelay $0x5  }
0x113: {  	s21 =	spop (v2sf);
	v23 =	vsel vm1, $0xFFFFFFFF, v2;
	v8 =	vld [tilespmem:$0xA000];
	v24, _, _ =	vpop (xrf0)  }
0x114: {  	s2 =	sadd.s32 s2, s21;
	v9 =	vadd.s32 v23, v24  }
0x115: {  	v9 =	vadd.s32 s2, v9;
	_ =	sdelay $0x2  }
0x116: {  	v7 =	vsub.s32 v7, v0;
	v8 =	vshll.u32 v8, $0xD  }
0x117: {  	v7 =	vor.u32 v8, v7  }
0x118: {  	[tilespmem:v9+s30+$0x0] =	vst.idx.msk vm1, v7  }
0x119: {  	(v2sf) =	vpush v24, $0xF;
	v7 =	vld [tilespmem:$0xA250];
	_ =	sdelay $0x2  }
0x11a: {  	s21 =	sadd.s32 $0x100, s13  }
0x11b: {  	p0 =	slt.u32 s21, $0x50910;
	vm1 =	vmmov vm0  }
0x11c: {  	vm1 =	vmneg @p0 vm1;
	vm2 =	vge.s32 v7, v0  }
0x11d: {  	vm1 =	vmand vm1, vm2;
	vm2 =	vlt.s32 v7, v1  }
0x11e: {  	vm1 =	vmand vm2, vm1  }
0x11f: {  	v8 =	vsel vm1, $0x1, v2  }
0x120: {  	(xrf0) =	vadd.scan.msk.s32 $0xffff, v8;
	_ =	sdelay $0x5  }
0x121: {  	s21 =	spop (v2sf);
	v25 =	vsel vm1, $0xFFFFFFFF, v2;
	v8 =	vld [tilespmem:$0xA010];
	v26, _, _ =	vpop (xrf0)  }
0x122: {  	s2 =	sadd.s32 s2, s21;
	v9 =	vadd.s32 v25, v26  }
0x123: {  	v9 =	vadd.s32 s2, v9;
	_ =	sdelay $0x2  }
0x124: {  	v7 =	vsub.s32 v7, v0;
	v8 =	vshll.u32 v8, $0xD  }
0x125: {  	v7 =	vor.u32 v8, v7  }
0x126: {  	[tilespmem:v9+s30+$0x0] =	vst.idx.msk vm1, v7  }
0x127: {  	(v2sf) =	vpush v26, $0xF;
	v7 =	vld [tilespmem:$0xA260];
	_ =	sdelay $0x2  }
0x128: {  	s21 =	sadd.s32 $0x110, s13  }
0x129: {  	p0 =	slt.u32 s21, $0x50910;
	vm1 =	vmmov vm0  }
0x12a: {  	vm1 =	vmneg @p0 vm1;
	vm2 =	vge.s32 v7, v0  }
0x12b: {  	vm1 =	vmand vm1, vm2;
	vm2 =	vlt.s32 v7, v1  }
0x12c: {  	vm1 =	vmand vm2, vm1  }
0x12d: {  	v8 =	vsel vm1, $0x1, v2  }
0x12e: {  	(xrf0) =	vadd.scan.msk.s32 $0xffff, v8;
	_ =	sdelay $0x5  }
0x12f: {  	s21 =	spop (v2sf);
	v27 =	vsel vm1, $0xFFFFFFFF, v2;
	v8 =	vld [tilespmem:$0xA020];
	v28, _, _ =	vpop (xrf0)  }
0x130: {  	s2 =	sadd.s32 s2, s21;
	v9 =	vadd.s32 v27, v28  }
0x131: {  	v9 =	vadd.s32 s2, v9;
	_ =	sdelay $0x2  }
0x132: {  	v7 =	vsub.s32 v7, v0;
	v8 =	vshll.u32 v8, $0xD  }
0x133: {  	v7 =	vor.u32 v8, v7  }
0x134: {  	[tilespmem:v9+s30+$0x0] =	vst.idx.msk vm1, v7  }
0x135: {  	(v2sf) =	vpush v28, $0xF;
	v7 =	vld [tilespmem:$0xA270];
	_ =	sdelay $0x2  }
0x136: {  	s21 =	sadd.s32 $0x120, s13  }
0x137: {  	p0 =	slt.u32 s21, $0x50910;
	vm1 =	vmmov vm0  }
0x138: {  	vm1 =	vmneg @p0 vm1;
	vm2 =	vge.s32 v7, v0  }
0x139: {  	vm1 =	vmand vm1, vm2;
	vm2 =	vlt.s32 v7, v1  }
0x13a: {  	vm1 =	vmand vm2, vm1  }
0x13b: {  	v8 =	vsel vm1, $0x1, v2  }
0x13c: {  	(xrf0) =	vadd.scan.msk.s32 $0xffff, v8;
	_ =	sdelay $0x5  }
0x13d: {  	s21 =	spop (v2sf);
	v29 =	vsel vm1, $0xFFFFFFFF, v2;
	v8 =	vld [tilespmem:$0xA030];
	v30, _, _ =	vpop (xrf0)  }
0x13e: {  	s2 =	sadd.s32 s2, s21;
	v9 =	vadd.s32 v29, v30  }
0x13f: {  	v9 =	vadd.s32 s2, v9;
	_ =	sdelay $0x2  }
0x140: {  	v7 =	vsub.s32 v7, v0;
	v8 =	vshll.u32 v8, $0xD  }
0x141: {  	v7 =	vor.u32 v8, v7  }
0x142: {  	[tilespmem:v9+s30+$0x0] =	vst.idx.msk vm1, v7  }
0x143: {  	(v2sf) =	vpush v30, $0xF;
	v7 =	vld [tilespmem:$0xA280];
	_ =	sdelay $0x2  }
0x144: {  	s21 =	sadd.s32 $0x130, s13  }
0x145: {  	p0 =	slt.u32 s21, $0x50910;
	vm1 =	vmmov vm0  }
0x146: {  	vm1 =	vmneg @p0 vm1;
	vm2 =	vge.s32 v7, v0  }
0x147: {  	vm1 =	vmand vm1, vm2;
	vm2 =	vlt.s32 v7, v1  }
0x148: {  	vm1 =	vmand vm2, vm1  }
0x149: {  	v8 =	vsel vm1, $0x1, v2  }
0x14a: {  	(xrf0) =	vadd.scan.msk.s32 $0xffff, v8;
	_ =	sdelay $0x5  }
0x14b: {  	s21 =	spop (v2sf);
	v31 =	vsel vm1, $0xFFFFFFFF, v2;
	v8 =	vld [tilespmem:$0xA040];
	v32, _, _ =	vpop (xrf0)  }
0x14c: {  	s2 =	sadd.s32 s2, s21;
	v9 =	vadd.s32 v31, v32  }
0x14d: {  	v9 =	vadd.s32 s2, v9;
	_ =	sdelay $0x2  }
0x14e: {  	v7 =	vsub.s32 v7, v0;
	v8 =	vshll.u32 v8, $0xD  }
0x14f: {  	v7 =	vor.u32 v8, v7  }
0x150: {  	[tilespmem:v9+s30+$0x0] =	vst.idx.msk vm1, v7  }
0x151: {  	(v2sf) =	vpush v32, $0xF;
	v7 =	vld [tilespmem:$0xA290];
	_ =	sdelay $0x2  }
0x152: {  	s21 =	sadd.s32 $0x140, s13  }
0x153: {  	p0 =	slt.u32 s21, $0x50910;
	vm1 =	vmmov vm0  }
0x154: {  	vm1 =	vmneg @p0 vm1;
	vm2 =	vge.s32 v7, v0  }
0x155: {  	vm1 =	vmand vm1, vm2;
	vm2 =	vlt.s32 v7, v1  }
0x156: {  	vm1 =	vmand vm2, vm1  }
0x157: {  	v8 =	vsel vm1, $0x1, v2  }
0x158: {  	(xrf0) =	vadd.scan.msk.s32 $0xffff, v8;
	_ =	sdelay $0x5  }
0x159: {  	s21 =	spop (v2sf);
	v33 =	vsel vm1, $0xFFFFFFFF, v2;
	v8 =	vld [tilespmem:$0xA050];
	v34, _, _ =	vpop (xrf0)  }
0x15a: {  	s2 =	sadd.s32 s2, s21;
	v9 =	vadd.s32 v33, v34  }
0x15b: {  	v9 =	vadd.s32 s2, v9;
	_ =	sdelay $0x2  }
0x15c: {  	v7 =	vsub.s32 v7, v0;
	v8 =	vshll.u32 v8, $0xD  }
0x15d: {  	v7 =	vor.u32 v8, v7  }
0x15e: {  	[tilespmem:v9+s30+$0x0] =	vst.idx.msk vm1, v7  }
0x15f: {  	(v2sf) =	vpush v34, $0xF;
	v7 =	vld [tilespmem:$0xA2A0];
	_ =	sdelay $0x2  }
0x160: {  	s21 =	sadd.s32 $0x150, s13  }
0x161: {  	p0 =	slt.u32 s21, $0x50910;
	vm1 =	vmmov vm0  }
0x162: {  	vm1 =	vmneg @p0 vm1;
	vm2 =	vge.s32 v7, v0  }
0x163: {  	vm1 =	vmand vm1, vm2;
	vm2 =	vlt.s32 v7, v1  }
0x164: {  	vm1 =	vmand vm2, vm1  }
0x165: {  	v8 =	vsel vm1, $0x1, v2  }
0x166: {  	(xrf0) =	vadd.scan.msk.s32 $0xffff, v8;
	_ =	sdelay $0x5  }
0x167: {  	s21 =	spop (v2sf);
	v35 =	vsel vm1, $0xFFFFFFFF, v2;
	v8 =	vld [tilespmem:$0xA060];
	v36, _, _ =	vpop (xrf0)  }
0x168: {  	s2 =	sadd.s32 s2, s21;
	v9 =	vadd.s32 v35, v36  }
0x169: {  	v9 =	vadd.s32 s2, v9;
	_ =	sdelay $0x2  }
0x16a: {  	v7 =	vsub.s32 v7, v0;
	v8 =	vshll.u32 v8, $0xD  }
0x16b: {  	v7 =	vor.u32 v8, v7  }
0x16c: {  	[tilespmem:v9+s30+$0x0] =	vst.idx.msk vm1, v7  }
0x16d: {  	(v2sf) =	vpush v36, $0xF;
	v7 =	vld [tilespmem:$0xA2B0];
	_ =	sdelay $0x2  }
0x16e: {  	s21 =	sadd.s32 $0x160, s13  }
0x16f: {  	p0 =	slt.u32 s21, $0x50910;
	vm1 =	vmmov vm0  }
0x170: {  	vm1 =	vmneg @p0 vm1;
	vm2 =	vge.s32 v7, v0  }
0x171: {  	vm1 =	vmand vm1, vm2;
	vm2 =	vlt.s32 v7, v1  }
0x172: {  	vm1 =	vmand vm2, vm1  }
0x173: {  	v8 =	vsel vm1, $0x1, v2  }
0x174: {  	(xrf0) =	vadd.scan.msk.s32 $0xffff, v8;
	_ =	sdelay $0x5  }
0x175: {  	s21 =	spop (v2sf);
	v37 =	vsel vm1, $0xFFFFFFFF, v2;
	v8 =	vld [tilespmem:$0xA070];
	v38, _, _ =	vpop (xrf0)  }
0x176: {  	s2 =	sadd.s32 s2, s21;
	v9 =	vadd.s32 v37, v38  }
0x177: {  	v9 =	vadd.s32 s2, v9;
	_ =	sdelay $0x2  }
0x178: {  	v7 =	vsub.s32 v7, v0;
	v8 =	vshll.u32 v8, $0xD  }
0x179: {  	v7 =	vor.u32 v8, v7  }
0x17a: {  	[tilespmem:v9+s30+$0x0] =	vst.idx.msk vm1, v7  }
0x17b: {  	(v2sf) =	vpush v38, $0xF;
	v7 =	vld [tilespmem:$0xA2C0];
	_ =	sdelay $0x2  }
0x17c: {  	s21 =	sadd.s32 $0x170, s13  }
0x17d: {  	p0 =	slt.u32 s21, $0x50910;
	vm1 =	vmmov vm0  }
0x17e: {  	vm1 =	vmneg @p0 vm1;
	vm2 =	vge.s32 v7, v0  }
0x17f: {  	vm1 =	vmand vm1, vm2;
	vm2 =	vlt.s32 v7, v1  }
0x180: {  	vm1 =	vmand vm2, vm1  }
0x181: {  	v8 =	vsel vm1, $0x1, v2  }
0x182: {  	(xrf0) =	vadd.scan.msk.s32 $0xffff, v8;
	_ =	sdelay $0x5  }
0x183: {  	s21 =	spop (v2sf);
	v39 =	vsel vm1, $0xFFFFFFFF, v2;
	v8 =	vld [tilespmem:$0xA080];
	v40, _, _ =	vpop (xrf0)  }
0x184: {  	s2 =	sadd.s32 s2, s21;
	v9 =	vadd.s32 v39, v40  }
0x185: {  	v9 =	vadd.s32 s2, v9;
	_ =	sdelay $0x2  }
0x186: {  	v7 =	vsub.s32 v7, v0;
	v8 =	vshll.u32 v8, $0xD  }
0x187: {  	v7 =	vor.u32 v8, v7  }
0x188: {  	[tilespmem:v9+s30+$0x0] =	vst.idx.msk vm1, v7  }
0x189: {  	(v2sf) =	vpush v40, $0xF;
	v7 =	vld [tilespmem:$0xA2D0];
	_ =	sdelay $0x2  }
0x18a: {  	s21 =	sadd.s32 $0x180, s13  }
0x18b: {  	p0 =	slt.u32 s21, $0x50910;
	vm1 =	vmmov vm0  }
0x18c: {  	vm1 =	vmneg @p0 vm1;
	vm2 =	vge.s32 v7, v0  }
0x18d: {  	vm1 =	vmand vm1, vm2;
	vm2 =	vlt.s32 v7, v1  }
0x18e: {  	vm1 =	vmand vm2, vm1  }
0x18f: {  	v8 =	vsel vm1, $0x1, v2  }
0x190: {  	(xrf0) =	vadd.scan.msk.s32 $0xffff, v8;
	_ =	sdelay $0x5  }
0x191: {  	s21 =	spop (v2sf);
	v41 =	vsel vm1, $0xFFFFFFFF, v2;
	v8 =	vld [tilespmem:$0xA090];
	v42, _, _ =	vpop (xrf0)  }
0x192: {  	s2 =	sadd.s32 s2, s21;
	v9 =	vadd.s32 v41, v42  }
0x193: {  	v9 =	vadd.s32 s2, v9;
	_ =	sdelay $0x2  }
0x194: {  	v7 =	vsub.s32 v7, v0;
	v8 =	vshll.u32 v8, $0xD  }
0x195: {  	v7 =	vor.u32 v8, v7  }
0x196: {  	[tilespmem:v9+s30+$0x0] =	vst.idx.msk vm1, v7  }
0x197: {  	(v2sf) =	vpush v42, $0xF;
	v7 =	vld [tilespmem:$0xA2E0];
	_ =	sdelay $0x2  }
0x198: {  	s21 =	sadd.s32 $0x190, s13  }
0x199: {  	p0 =	slt.u32 s21, $0x50910;
	vm1 =	vmmov vm0  }
0x19a: {  	vm1 =	vmneg @p0 vm1;
	vm2 =	vge.s32 v7, v0  }
0x19b: {  	vm1 =	vmand vm1, vm2;
	vm2 =	vlt.s32 v7, v1  }
0x19c: {  	vm1 =	vmand vm2, vm1  }
0x19d: {  	v8 =	vsel vm1, $0x1, v2  }
0x19e: {  	(xrf0) =	vadd.scan.msk.s32 $0xffff, v8;
	_ =	sdelay $0x5  }
0x19f: {  	s21 =	spop (v2sf);
	v43 =	vsel vm1, $0xFFFFFFFF, v2;
	v8 =	vld [tilespmem:$0xA0A0];
	v44, _, _ =	vpop (xrf0)  }
0x1a0: {  	s2 =	sadd.s32 s2, s21;
	v9 =	vadd.s32 v43, v44  }
0x1a1: {  	v9 =	vadd.s32 s2, v9;
	_ =	sdelay $0x2  }
0x1a2: {  	v7 =	vsub.s32 v7, v0;
	v8 =	vshll.u32 v8, $0xD  }
0x1a3: {  	v7 =	vor.u32 v8, v7  }
0x1a4: {  	[tilespmem:v9+s30+$0x0] =	vst.idx.msk vm1, v7  }
0x1a5: {  	(v2sf) =	vpush v44, $0xF;
	v7 =	vld [tilespmem:$0xA2F0];
	_ =	sdelay $0x2  }
0x1a6: {  	s21 =	sadd.s32 $0x1A0, s13  }
0x1a7: {  	p0 =	slt.u32 s21, $0x50910;
	vm1 =	vmmov vm0  }
0x1a8: {  	vm1 =	vmneg @p0 vm1;
	vm2 =	vge.s32 v7, v0  }
0x1a9: {  	vm1 =	vmand vm1, vm2;
	vm2 =	vlt.s32 v7, v1  }
0x1aa: {  	vm1 =	vmand vm2, vm1  }
0x1ab: {  	v8 =	vsel vm1, $0x1, v2  }
0x1ac: {  	(xrf0) =	vadd.scan.msk.s32 $0xffff, v8;
	_ =	sdelay $0x5  }
0x1ad: {  	s21 =	spop (v2sf);
	v45 =	vsel vm1, $0xFFFFFFFF, v2;
	v8 =	vld [tilespmem:$0xA0B0];
	v46, _, _ =	vpop (xrf0)  }
0x1ae: {  	s2 =	sadd.s32 s2, s21;
	v9 =	vadd.s32 v45, v46  }
0x1af: {  	v9 =	vadd.s32 s2, v9;
	_ =	sdelay $0x2  }
0x1b0: {  	v7 =	vsub.s32 v7, v0;
	v8 =	vshll.u32 v8, $0xD  }
0x1b1: {  	v7 =	vor.u32 v8, v7  }
0x1b2: {  	[tilespmem:v9+s30+$0x0] =	vst.idx.msk vm1, v7  }
0x1b3: {  	(v2sf) =	vpush v46, $0xF;
	v7 =	vld [tilespmem:$0xA300];
	_ =	sdelay $0x2  }
0x1b4: {  	s21 =	sadd.s32 $0x1B0, s13  }
0x1b5: {  	p0 =	slt.u32 s21, $0x50910;
	vm1 =	vmmov vm0  }
0x1b6: {  	vm1 =	vmneg @p0 vm1;
	vm2 =	vge.s32 v7, v0  }
0x1b7: {  	vm1 =	vmand vm1, vm2;
	vm2 =	vlt.s32 v7, v1  }
0x1b8: {  	vm1 =	vmand vm2, vm1  }
0x1b9: {  	v8 =	vsel vm1, $0x1, v2  }
0x1ba: {  	(xrf0) =	vadd.scan.msk.s32 $0xffff, v8;
	_ =	sdelay $0x5  }
0x1bb: {  	s21 =	spop (v2sf);
	v47 =	vsel vm1, $0xFFFFFFFF, v2;
	v8 =	vld [tilespmem:$0xA0C0];
	v48, _, _ =	vpop (xrf0)  }
0x1bc: {  	s2 =	sadd.s32 s2, s21;
	v9 =	vadd.s32 v47, v48  }
0x1bd: {  	v9 =	vadd.s32 s2, v9;
	_ =	sdelay $0x2  }
0x1be: {  	v7 =	vsub.s32 v7, v0;
	v8 =	vshll.u32 v8, $0xD  }
0x1bf: {  	v7 =	vor.u32 v8, v7  }
0x1c0: {  	[tilespmem:v9+s30+$0x0] =	vst.idx.msk vm1, v7  }
0x1c1: {  	(v2sf) =	vpush v48, $0xF;
	v7 =	vld [tilespmem:$0xA310];
	_ =	sdelay $0x2  }
0x1c2: {  	s21 =	sadd.s32 $0x1C0, s13  }
0x1c3: {  	p0 =	slt.u32 s21, $0x50910;
	vm1 =	vmmov vm0  }
0x1c4: {  	vm1 =	vmneg @p0 vm1;
	vm2 =	vge.s32 v7, v0  }
0x1c5: {  	vm1 =	vmand vm1, vm2;
	vm2 =	vlt.s32 v7, v1  }
0x1c6: {  	vm1 =	vmand vm2, vm1  }
0x1c7: {  	v8 =	vsel vm1, $0x1, v2  }
0x1c8: {  	(xrf0) =	vadd.scan.msk.s32 $0xffff, v8;
	_ =	sdelay $0x5  }
0x1c9: {  	s21 =	spop (v2sf);
	v49 =	vsel vm1, $0xFFFFFFFF, v2;
	v8 =	vld [tilespmem:$0xA0D0];
	v50, _, _ =	vpop (xrf0)  }
0x1ca: {  	s2 =	sadd.s32 s2, s21;
	v9 =	vadd.s32 v49, v50  }
0x1cb: {  	v9 =	vadd.s32 s2, v9;
	_ =	sdelay $0x2  }
0x1cc: {  	v7 =	vsub.s32 v7, v0;
	v8 =	vshll.u32 v8, $0xD  }
0x1cd: {  	v7 =	vor.u32 v8, v7  }
0x1ce: {  	[tilespmem:v9+s30+$0x0] =	vst.idx.msk vm1, v7  }
0x1cf: {  	(v2sf) =	vpush v50, $0xF;
	v7 =	vld [tilespmem:$0xA320];
	_ =	sdelay $0x2  }
0x1d0: {  	s21 =	sadd.s32 $0x1D0, s13  }
0x1d1: {  	p0 =	slt.u32 s21, $0x50910;
	vm1 =	vmmov vm0  }
0x1d2: {  	vm1 =	vmneg @p0 vm1;
	vm2 =	vge.s32 v7, v0  }
0x1d3: {  	vm1 =	vmand vm1, vm2;
	vm2 =	vlt.s32 v7, v1  }
0x1d4: {  	vm1 =	vmand vm2, vm1  }
0x1d5: {  	v8 =	vsel vm1, $0x1, v2  }
0x1d6: {  	(xrf0) =	vadd.scan.msk.s32 $0xffff, v8;
	_ =	sdelay $0x5  }
0x1d7: {  	s21 =	spop (v2sf);
	v51 =	vsel vm1, $0xFFFFFFFF, v2;
	v8 =	vld [tilespmem:$0xA0E0];
	v52, _, _ =	vpop (xrf0)  }
0x1d8: {  	s2 =	sadd.s32 s2, s21;
	v9 =	vadd.s32 v51, v52  }
0x1d9: {  	v9 =	vadd.s32 s2, v9;
	_ =	sdelay $0x2  }
0x1da: {  	v7 =	vsub.s32 v7, v0;
	v8 =	vshll.u32 v8, $0xD  }
0x1db: {  	v7 =	vor.u32 v8, v7  }
0x1dc: {  	[tilespmem:v9+s30+$0x0] =	vst.idx.msk vm1, v7  }
0x1dd: {  	(v2sf) =	vpush v52, $0xF;
	v7 =	vld [tilespmem:$0xA330];
	_ =	sdelay $0x2  }
0x1de: {  	s21 =	sadd.s32 $0x1E0, s13  }
0x1df: {  	p0 =	slt.u32 s21, $0x50910;
	vm1 =	vmmov vm0  }
0x1e0: {  	vm1 =	vmneg @p0 vm1;
	vm2 =	vge.s32 v7, v0  }
0x1e1: {  	vm1 =	vmand vm1, vm2;
	vm2 =	vlt.s32 v7, v1  }
0x1e2: {  	vm1 =	vmand vm2, vm1  }
0x1e3: {  	v8 =	vsel vm1, $0x1, v2  }
0x1e4: {  	(xrf0) =	vadd.scan.msk.s32 $0xffff, v8;
	_ =	sdelay $0x5  }
0x1e5: {  	s21 =	spop (v2sf);
	v53 =	vsel vm1, $0xFFFFFFFF, v2;
	v8 =	vld [tilespmem:$0xA0F0];
	v54, _, _ =	vpop (xrf0)  }
0x1e6: {  	s2 =	sadd.s32 s2, s21;
	v9 =	vadd.s32 v53, v54  }
0x1e7: {  	v9 =	vadd.s32 s2, v9;
	_ =	sdelay $0x2  }
0x1e8: {  	v7 =	vsub.s32 v7, v0;
	v8 =	vshll.u32 v8, $0xD  }
0x1e9: {  	v7 =	vor.u32 v8, v7  }
0x1ea: {  	[tilespmem:v9+s30+$0x0] =	vst.idx.msk vm1, v7  }
0x1eb: {  	(v2sf) =	vpush v54, $0xF;
	v7 =	vld [tilespmem:$0xA340];
	_ =	sdelay $0x2  }
0x1ec: {  	s21 =	sadd.s32 $0x1F0, s13  }
0x1ed: {  	p0 =	slt.u32 s21, $0x50910;
	vm1 =	vmmov vm0  }
0x1ee: {  	vm1 =	vmneg @p0 vm1;
	vm2 =	vge.s32 v7, v0  }
0x1ef: {  	vm1 =	vmand vm1, vm2;
	vm2 =	vlt.s32 v7, v1  }
0x1f0: {  	vm1 =	vmand vm2, vm1  }
0x1f1: {  	v8 =	vsel vm1, $0x1, v2  }
0x1f2: {  	(xrf0) =	vadd.scan.msk.s32 $0xffff, v8;
	_ =	sdelay $0x5  }
0x1f3: {  	s21 =	spop (v2sf);
	v55 =	vsel vm1, $0xFFFFFFFF, v2;
	v8 =	vld [tilespmem:$0xA100];
	v56, _, _ =	vpop (xrf0)  }
0x1f4: {  	s2 =	sadd.s32 s2, s21;
	v9 =	vadd.s32 v55, v56  }
0x1f5: {  	v9 =	vadd.s32 s2, v9;
	_ =	sdelay $0x2  }
0x1f6: {  	v7 =	vsub.s32 v7, v0;
	v8 =	vshll.u32 v8, $0xD  }
0x1f7: {  	v7 =	vor.u32 v8, v7  }
0x1f8: {  	[tilespmem:v9+s30+$0x0] =	vst.idx.msk vm1, v7  }
0x1f9: {  	(v2sf) =	vpush v56, $0xF;
	v7 =	vld [tilespmem:$0xA350];
	_ =	sdelay $0x2  }
0x1fa: {  	s21 =	sadd.s32 $0x200, s13  }
0x1fb: {  	p0 =	slt.u32 s21, $0x50910;
	vm1 =	vmmov vm0  }
0x1fc: {  	vm1 =	vmneg @p0 vm1;
	vm2 =	vge.s32 v7, v0  }
0x1fd: {  	vm1 =	vmand vm1, vm2;
	vm2 =	vlt.s32 v7, v1  }
0x1fe: {  	vm1 =	vmand vm2, vm1  }
0x1ff: {  	v8 =	vsel vm1, $0x1, v2  }
0x200: {  	(xrf0) =	vadd.scan.msk.s32 $0xffff, v8;
	_ =	sdelay $0x5  }
0x201: {  	s21 =	spop (v2sf);
	v57 =	vsel vm1, $0xFFFFFFFF, v2;
	v8 =	vld [tilespmem:$0xA110];
	v58, _, _ =	vpop (xrf0)  }
0x202: {  	s2 =	sadd.s32 s2, s21;
	v9 =	vadd.s32 v57, v58  }
0x203: {  	v9 =	vadd.s32 s2, v9;
	_ =	sdelay $0x2  }
0x204: {  	v7 =	vsub.s32 v7, v0;
	v8 =	vshll.u32 v8, $0xD  }
0x205: {  	v7 =	vor.u32 v8, v7  }
0x206: {  	[tilespmem:v9+s30+$0x0] =	vst.idx.msk vm1, v7  }
0x207: {  	(v2sf) =	vpush v58, $0xF;
	v7 =	vld [tilespmem:$0xA360];
	_ =	sdelay $0x2  }
0x208: {  	s21 =	sadd.s32 $0x210, s13  }
0x209: {  	p0 =	slt.u32 s21, $0x50910;
	vm1 =	vmmov vm0  }
0x20a: {  	vm1 =	vmneg @p0 vm1;
	vm2 =	vge.s32 v7, v0  }
0x20b: {  	vm1 =	vmand vm1, vm2;
	vm2 =	vlt.s32 v7, v1  }
0x20c: {  	vm1 =	vmand vm2, vm1  }
0x20d: {  	v8 =	vsel vm1, $0x1, v2  }
0x20e: {  	(xrf0) =	vadd.scan.msk.s32 $0xffff, v8;
	_ =	sdelay $0x5  }
0x20f: {  	s21 =	spop (v2sf);
	v59 =	vsel vm1, $0xFFFFFFFF, v2;
	v8 =	vld [tilespmem:$0xA120];
	v60, _, _ =	vpop (xrf0)  }
0x210: {  	s2 =	sadd.s32 s2, s21;
	v9 =	vadd.s32 v59, v60  }
0x211: {  	v9 =	vadd.s32 s2, v9;
	_ =	sdelay $0x2  }
0x212: {  	v7 =	vsub.s32 v7, v0;
	v8 =	vshll.u32 v8, $0xD  }
0x213: {  	v7 =	vor.u32 v8, v7  }
0x214: {  	[tilespmem:v9+s30+$0x0] =	vst.idx.msk vm1, v7  }
0x215: {  	(v2sf) =	vpush v60, $0xF;
	v7 =	vld [tilespmem:$0xA370];
	_ =	sdelay $0x2  }
0x216: {  	s21 =	sadd.s32 $0x220, s13  }
0x217: {  	p0 =	slt.u32 s21, $0x50910;
	vm1 =	vmmov vm0  }
0x218: {  	vm1 =	vmneg @p0 vm1;
	vm2 =	vge.s32 v7, v0  }
0x219: {  	vm1 =	vmand vm1, vm2;
	vm2 =	vlt.s32 v7, v1  }
0x21a: {  	vm1 =	vmand vm2, vm1  }
0x21b: {  	v8 =	vsel vm1, $0x1, v2  }
0x21c: {  	(xrf0) =	vadd.scan.msk.s32 $0xffff, v8;
	_ =	sdelay $0x5  }
0x21d: {  	s21 =	spop (v2sf);
	v61 =	vsel vm1, $0xFFFFFFFF, v2;
	v8 =	vld [tilespmem:$0xA130];
	v62, _, _ =	vpop (xrf0)  }
0x21e: {  	s2 =	sadd.s32 s2, s21;
	v9 =	vadd.s32 v61, v62  }
0x21f: {  	v9 =	vadd.s32 s2, v9;
	_ =	sdelay $0x2  }
0x220: {  	v7 =	vsub.s32 v7, v0;
	v8 =	vshll.u32 v8, $0xD  }
0x221: {  	v7 =	vor.u32 v8, v7  }
0x222: {  	[tilespmem:v9+s30+$0x0] =	vst.idx.msk vm1, v7  }
0x223: {  	v7 =	vld [tilespmem:$0xA380];
	_ =	sdelay $0x2  }
0x224: {  	s21 =	sadd.s32 $0x230, s13  }
0x225: {  	p0 =	slt.u32 s21, $0x50910;
	vm1 =	vmmov vm0  }
0x226: {  	vm1 =	vmneg @p0 vm1;
	vm2 =	vge.s32 v7, v0  }
0x227: {  	vm1 =	vmand vm1, vm2;
	vm2 =	vlt.s32 v7, v1  }
0x228: {  	vm1 =	vmand vm2, vm1  }
0x229: {  	v8 =	vsel vm1, $0x1, v2  }
0x22a: {  	(xrf0) =	vadd.scan.msk.s32 $0xffff, v8;
	_ =	sdelay $0x5  }
0x22b: {  	(v2sf) =	vpush v62, $0xF;
	v8, _, _ =	vpop (xrf0)  }
0x22c: {  	(v2sf) =	vpush v8, $0xF;
	_ =	sdelay $0xd  }
0x22d: {  	s13 =	spop (v2sf)  }
0x22e: {  	v9 =	vld [tilespmem:$0xA140];
	v63 =	vsel vm1, $0xFFFFFFFF, v2;
	s2 =	sadd.s32 s2, s13;
	s21 =	spop (v2sf)  }
0x22f: {  	v8 =	vadd.s32 v63, v8;
	s21 =	sadd.s32 s2, s21  }
0x230: {  	v8 =	vadd.s32 s2, v8;
	p0 =	slt.s32 s21, $0x240  }
.Ltmp4:
0x231: {  	_ = 	snop;
	(pc) =	sbr.rel @p0 .LBB2_4-.Ltmp4, $4  }
0x232: {  	_ = 	snop  }
0x233: {  	v9 =	vshll.u32 v9, $0xD;
	v7 =	vsub.s32 v7, v0  }
0x234: {  	v7 =	vor.u32 v9, v7  }
0x235: {  	[tilespmem:v8+s30+$0x0] =	vst.idx.msk vm1, v7  }
0x236: {  	s2 =	sadd.s32 s8, s24  }
0x237: {  	s2 =	sshrl.u32 s2, $0x3  }
0x238: {  	s2 =	sadd.s32 s2, s1  }
0x239: {  	[hbm4b:s2+s22] =	stream.linear.scatter [tilespmem:s30], [sflag:$0x7], $0x240, $0x38;
	[tilespmem:$0x1F790] =	vst v63  }
0x23a: {  	_ =	swait.ge [sflag:s28], $0x240  }
0x23b: {  	[sflag:s28] =	ssyncset.done $0x0  }
0x23c: {  	[sflag:s28] =	ssyncadd.s32 $0xFFFFFDC0  }
0x23d: {  	v7 =	vld [tilespmem:$0x9CC0]  }
0x23e: {  	v8 =	vld [tilespmem:$0x9CD0]  }
0x23f: {  	v9 =	vld [tilespmem:$0x9CE0]  }
0x240: {  	v10 =	vld [tilespmem:$0x9CF0]  }
0x241: {  	v11 =	vld [tilespmem:$0x9D00]  }
0x242: {  	[tilespmem:$0x9A80] =	vst v7;
	v7 =	vld [tilespmem:$0x9D10]  }
0x243: {  	v46 =	vld [tilespmem:$0x9D30];
	[tilespmem:$0x9A90] =	vst v8  }
0x244: {  	v47 =	vld [tilespmem:$0x9D40];
	[tilespmem:$0x9AA0] =	vst v9  }
0x245: {  	v48 =	vld [tilespmem:$0x9D50];
	[tilespmem:$0x9AB0] =	vst v10  }
0x246: {  	v8 =	vld [tilespmem:$0x9D20];
	[tilespmem:$0x9AC0] =	vst v11  }
0x247: {  	[tilespmem:$0x9AD0] =	vst v7;
	v7 =	vld [tilespmem:$0x9D60]  }
0x248: {  	v49 =	vld [tilespmem:$0x9D80];
	[tilespmem:$0x9AF0] =	vst v46  }
0x249: {  	v50 =	vld [tilespmem:$0x9D90];
	[tilespmem:$0x9B00] =	vst v47  }
0x24a: {  	v51 =	vld [tilespmem:$0x9DA0];
	[tilespmem:$0x9B10] =	vst v48  }
0x24b: {  	[tilespmem:$0x9AE0] =	vst v8;
	v8 =	vld [tilespmem:$0x9D70]  }
0x24c: {  	[tilespmem:$0x9B20] =	vst v7;
	v7 =	vld [tilespmem:$0x9DB0]  }
0x24d: {  	v52 =	vld [tilespmem:$0x9DD0];
	[tilespmem:$0x9B40] =	vst v49  }
0x24e: {  	v53 =	vld [tilespmem:$0x9DE0];
	[tilespmem:$0x9B50] =	vst v50  }
0x24f: {  	v54 =	vld [tilespmem:$0x9DF0];
	[tilespmem:$0x9B60] =	vst v51  }
0x250: {  	[tilespmem:$0x9B30] =	vst v8;
	v8 =	vld [tilespmem:$0x9DC0]  }
0x251: {  	[tilespmem:$0x9B70] =	vst v7;
	v7 =	vld [tilespmem:$0x9E00]  }
0x252: {  	v55 =	vld [tilespmem:$0x9E20];
	[tilespmem:$0x9B90] =	vst v52  }
0x253: {  	v56 =	vld [tilespmem:$0x9E30];
	[tilespmem:$0x9BA0] =	vst v53  }
0x254: {  	v57 =	vld [tilespmem:$0x9E40];
	[tilespmem:$0x9BB0] =	vst v54  }
0x255: {  	[tilespmem:$0x9B80] =	vst v8;
	v8 =	vld [tilespmem:$0x9E10]  }
0x256: {  	[tilespmem:$0x9BC0] =	vst v7;
	v7 =	vld [tilespmem:$0x9E50]  }
0x257: {  	v58 =	vld [tilespmem:$0x9E70];
	[tilespmem:$0x9BE0] =	vst v55  }
0x258: {  	v59 =	vld [tilespmem:$0x9E80];
	[tilespmem:$0x9BF0] =	vst v56  }
0x259: {  	v60 =	vld [tilespmem:$0x9E90];
	[tilespmem:$0x9C00] =	vst v57  }
0x25a: {  	[tilespmem:$0x9BD0] =	vst v8;
	v8 =	vld [tilespmem:$0x9E60]  }
0x25b: {  	[tilespmem:$0x9C10] =	vst v7;
	v7 =	vld [tilespmem:$0x9EA0]  }
0x25c: {  	v61 =	vld [tilespmem:$0x9EC0];
	[tilespmem:$0x9C30] =	vst v58  }
0x25d: {  	v62 =	vld [tilespmem:$0x9ED0];
	[tilespmem:$0x9C40] =	vst v59  }
0x25e: {  	v63 =	vld [tilespmem:$0x9EE0];
	[tilespmem:$0x9C50] =	vst v60  }
0x25f: {  	[tilespmem:$0x9C20] =	vst v8;
	v8 =	vld [tilespmem:$0x9EB0]  }
0x260: {  	[tilespmem:$0x9C60] =	vst v7;
	v7 =	vld [tilespmem:$0x9EF0]  }
.Ltmp5:
0x261: {  	[tilespmem:$0x9C80] =	vst v61;
	(pc) =	sbr.rel .LBB2_4-.Ltmp5, $4  }
0x262: {  	[tilespmem:$0x9C90] =	vst v62  }
0x263: {  	[tilespmem:$0x9CA0] =	vst v63  }
0x264: {  	[tilespmem:$0x9C70] =	vst v8  }
0x265: {  	[tilespmem:$0x9CB0] =	vst v7  }
.LBB2_5:
0x266: {  	v8 =	vld [tilespmem:$0x9A80]  }
0x267: {  	v9 =	vld [tilespmem:$0x9A90]  }
0x268: {  	v10 =	vld [tilespmem:$0x9AA0]  }
0x269: {  	v7 =	vmov s21;
	v11 =	vld [tilespmem:$0x9AB0]  }
0x26a: {  	v12 =	vor.u32 $0x10, v3;
	v13 =	vld [tilespmem:$0x9AC0];
	vm1 =	vgt.s32 v7, v3  }
0x26b: {  	v45 =	vor.u32 $0x20, v3;
	v14 =	vld [tilespmem:$0x9AD0];
	v8 =	vnsel vm1, $0x13FF, v8;
	vm1 =	vgt.s32 v7, v12  }
0x26c: {  	v46 =	vor.u32 $0x30, v3;
	v47 =	vld [tilespmem:$0x9AE0];
	[tilespmem:$0x9A80] =	vst v8;
	v8 =	vnsel vm1, $0x13FF, v9;
	vm1 =	vgt.s32 v7, v45  }
0x26d: {  	v48 =	vor.u32 $0x40, v3;
	v49 =	vld [tilespmem:$0x9AF0];
	[tilespmem:$0x9A90] =	vst v8;
	v8 =	vnsel vm1, $0x13FF, v10;
	vm1 =	vgt.s32 v7, v46  }
0x26e: {  	v50 =	vor.u32 $0x50, v3;
	v51 =	vld [tilespmem:$0x9B00];
	[tilespmem:$0x9AA0] =	vst v8;
	v8 =	vnsel vm1, $0x13FF, v11;
	vm1 =	vgt.s32 v7, v48  }
0x26f: {  	v52 =	vor.u32 $0x60, v3;
	v53 =	vld [tilespmem:$0x9B10];
	[tilespmem:$0x9AB0] =	vst v8;
	v8 =	vnsel vm1, $0x13FF, v13;
	vm1 =	vgt.s32 v7, v50  }
0x270: {  	v54 =	vor.u32 $0x70, v3;
	v55 =	vld [tilespmem:$0x9B20];
	[tilespmem:$0x9AC0] =	vst v8;
	v8 =	vnsel vm1, $0x13FF, v14;
	vm1 =	vgt.s32 v7, v52  }
0x271: {  	v56 =	vor.u32 $0x80, v3;
	v57 =	vld [tilespmem:$0x9B30];
	[tilespmem:$0x9AD0] =	vst v8;
	v8 =	vnsel vm1, $0x13FF, v47;
	vm1 =	vgt.s32 v7, v54  }
0x272: {  	v58 =	vor.u32 $0x90, v3;
	v59 =	vld [tilespmem:$0x9B40];
	[tilespmem:$0x9AE0] =	vst v8;
	v8 =	vnsel vm1, $0x13FF, v49;
	vm1 =	vgt.s32 v7, v56  }
0x273: {  	v60 =	vor.u32 $0xA0, v3;
	v61 =	vld [tilespmem:$0x9B50];
	[tilespmem:$0x9AF0] =	vst v8;
	v8 =	vnsel vm1, $0x13FF, v51;
	vm1 =	vgt.s32 v7, v58  }
0x274: {  	v62 =	vor.u32 $0xB0, v3;
	v63 =	vld [tilespmem:$0x9B60];
	[tilespmem:$0x9B00] =	vst v8;
	v8 =	vnsel vm1, $0x13FF, v53;
	vm1 =	vgt.s32 v7, v60  }
0x275: {  	v16 =	vor.u32 $0xC0, v3;
	v17 =	vld [tilespmem:$0x9B70];
	[tilespmem:$0x9B10] =	vst v8;
	v8 =	vnsel vm1, $0x13FF, v55;
	vm1 =	vgt.s32 v7, v62  }
0x276: {  	v18 =	vor.u32 $0xD0, v3;
	v19 =	vld [tilespmem:$0x9B80];
	[tilespmem:$0x9B20] =	vst v8;
	v8 =	vnsel vm1, $0x13FF, v57;
	vm1 =	vgt.s32 v7, v16  }
0x277: {  	v20 =	vor.u32 $0xE0, v3;
	v21 =	vld [tilespmem:$0x9B90];
	[tilespmem:$0x9B30] =	vst v8;
	v8 =	vnsel vm1, $0x13FF, v59;
	vm1 =	vgt.s32 v7, v18  }
0x278: {  	v22 =	vor.u32 $0xF0, v3;
	v23 =	vld [tilespmem:$0x9BA0];
	[tilespmem:$0x9B40] =	vst v8;
	v8 =	vnsel vm1, $0x13FF, v61;
	vm1 =	vgt.s32 v7, v20  }
0x279: {  	v24 =	vor.u32 $0x100, v3;
	v25 =	vld [tilespmem:$0x9BB0];
	[tilespmem:$0x9B50] =	vst v8;
	v8 =	vnsel vm1, $0x13FF, v63;
	vm1 =	vgt.s32 v7, v22  }
0x27a: {  	v26 =	vor.u32 $0x110, v3;
	v27 =	vld [tilespmem:$0x9BC0];
	[tilespmem:$0x9B60] =	vst v8;
	v8 =	vnsel vm1, $0x13FF, v17;
	vm1 =	vgt.s32 v7, v24  }
0x27b: {  	v28 =	vor.u32 $0x120, v3;
	v29 =	vld [tilespmem:$0x9BD0];
	[tilespmem:$0x9B70] =	vst v8;
	v8 =	vnsel vm1, $0x13FF, v19;
	vm1 =	vgt.s32 v7, v26  }
0x27c: {  	v30 =	vor.u32 $0x130, v3;
	v31 =	vld [tilespmem:$0x9BE0];
	[tilespmem:$0x9B80] =	vst v8;
	v8 =	vnsel vm1, $0x13FF, v21;
	vm1 =	vgt.s32 v7, v28  }
0x27d: {  	v32 =	vor.u32 $0x140, v3;
	v33 =	vld [tilespmem:$0x9BF0];
	[tilespmem:$0x9B90] =	vst v8;
	v8 =	vnsel vm1, $0x13FF, v23;
	vm1 =	vgt.s32 v7, v30  }
0x27e: {  	v34 =	vor.u32 $0x150, v3;
	v35 =	vld [tilespmem:$0x9C00];
	[tilespmem:$0x9BA0] =	vst v8;
	v8 =	vnsel vm1, $0x13FF, v25;
	vm1 =	vgt.s32 v7, v32  }
0x27f: {  	v36 =	vor.u32 $0x160, v3;
	v37 =	vld [tilespmem:$0x9C10];
	[tilespmem:$0x9BB0] =	vst v8;
	v8 =	vnsel vm1, $0x13FF, v27;
	vm1 =	vgt.s32 v7, v34  }
0x280: {  	v38 =	vor.u32 $0x170, v3;
	v39 =	vld [tilespmem:$0x9C20];
	[tilespmem:$0x9BC0] =	vst v8;
	v8 =	vnsel vm1, $0x13FF, v29;
	vm1 =	vgt.s32 v7, v36  }
0x281: {  	v40 =	vor.u32 $0x180, v3;
	v41 =	vld [tilespmem:$0x9C30];
	[tilespmem:$0x9BD0] =	vst v8;
	v8 =	vnsel vm1, $0x13FF, v31;
	vm1 =	vgt.s32 v7, v38  }
0x282: {  	v42 =	vor.u32 $0x190, v3;
	v43 =	vld [tilespmem:$0x9C40];
	[tilespmem:$0x9BE0] =	vst v8;
	v8 =	vnsel vm1, $0x13FF, v33;
	vm1 =	vgt.s32 v7, v40  }
0x283: {  	v44 =	vor.u32 $0x1A0, v3;
	v45 =	vld [tilespmem:$0x9C50];
	[tilespmem:$0x9BF0] =	vst v8;
	v8 =	vnsel vm1, $0x13FF, v35;
	vm1 =	vgt.s32 v7, v42  }
0x284: {  	v46 =	vor.u32 $0x1B0, v3;
	v47 =	vld [tilespmem:$0x9C60];
	[tilespmem:$0x9C00] =	vst v8;
	v8 =	vnsel vm1, $0x13FF, v37;
	vm1 =	vgt.s32 v7, v44  }
0x285: {  	v48 =	vor.u32 $0x1C0, v3;
	v49 =	vld [tilespmem:$0x9C70];
	[tilespmem:$0x9C10] =	vst v8;
	v8 =	vnsel vm1, $0x13FF, v39;
	vm1 =	vgt.s32 v7, v46  }
0x286: {  	v50 =	vor.u32 $0x1D0, v3;
	v51 =	vld [tilespmem:$0x9C80];
	[tilespmem:$0x9C20] =	vst v8;
	v8 =	vnsel vm1, $0x13FF, v41;
	vm1 =	vgt.s32 v7, v48  }
0x287: {  	v52 =	vor.u32 $0x1E0, v3;
	v53 =	vld [tilespmem:$0x9C90];
	[tilespmem:$0x9C30] =	vst v8;
	v8 =	vnsel vm1, $0x13FF, v43;
	vm1 =	vgt.s32 v7, v50  }
0x288: {  	v54 =	vor.u32 $0x1F0, v3;
	v55 =	vld [tilespmem:$0x9CA0];
	[tilespmem:$0x9C40] =	vst v8;
	v8 =	vnsel vm1, $0x13FF, v45;
	vm1 =	vgt.s32 v7, v52  }
0x289: {  	v56 =	vor.u32 $0x200, v3;
	v57 =	vld [tilespmem:$0x9CB0];
	[tilespmem:$0x9C50] =	vst v8;
	v8 =	vnsel vm1, $0x13FF, v47;
	vm1 =	vgt.s32 v7, v54  }
0x28a: {  	v58 =	vor.u32 $0x210, v3;
	v59 =	vld [tilespmem:$0x9CC0];
	[tilespmem:$0x9C60] =	vst v8;
	v8 =	vnsel vm1, $0x13FF, v49;
	vm1 =	vgt.s32 v7, v56  }
0x28b: {  	v60 =	vor.u32 $0x220, v3;
	[tilespmem:$0x9C70] =	vst v8;
	v8 =	vnsel vm1, $0x13FF, v51;
	vm1 =	vgt.s32 v7, v58  }
0x28c: {  	v61 =	vor.u32 $0x230, v3;
	[tilespmem:$0x9C80] =	vst v8;
	v8 =	vnsel vm1, $0x13FF, v53;
	vm1 =	vgt.s32 v7, v60  }
0x28d: {  	v62 =	vor.u32 $0x240, v3;
	[tilespmem:$0x9C90] =	vst v8;
	v8 =	vnsel vm1, $0x13FF, v55;
	vm1 =	vgt.s32 v7, v61  }
0x28e: {  	s2 =	sadd.s32 s8, s24;
	v63 =	vnsel vm1, $0x13FF, v57;
	vm1 =	vgt.s32 v7, v62;
	[tilespmem:$0x9CA0] =	vst v8  }
0x28f: {  	s5 =	sshrl.u32 s2, $0x3;
	[tilespmem:$0x9CB0] =	vst v63;
	v7 =	vnsel vm1, $0x13FF, v59  }
0x290: {  	s5 =	sadd.s32 s5, s1;
	[tilespmem:$0x9CC0] =	vst v7  }
0x291: {  	[hbm4b:s5+s22] =	stream.linear.scatter [tilespmem:s30], [sflag:$0x7], $0x248, $0x38;
	[tilespmem:$0x1F790] =	vst v63  }
0x292: {  	_ =	swait.ge [sflag:s28], $0x248  }
0x293: {  	[sflag:s28] =	ssyncset.done $0x0;
	s5 =	sld [smem:$0x7FF]  }
0x294: {  	s10 =	sand.u32 $0x7, s24;
	[sflag:s28] =	ssyncadd.s32 $0xFFFFFDB8  }
0x295: {  	p0 =	seq.s32 s10, $0x0;
	[tilespmem:$0x9A80] =	vst v4  }
0x296: {  	[tilespmem:$0x9A90] =	vst v4;
	p1 =	sne.s32 @!p0 s5, $0x1  }
0x297: {  	s12 =	rddreg [dreg:$0x7];
	[tilespmem:$0x9AA0] =	vst v4;
	p1 =	por !p1, p0  }
0x298: {  	[tilespmem:$0x9AB0] =	vst v4;
	s5 =	sor.u32 @!p1 $0x100000, s12  }
0x299: {  	[tilespmem:$0x9AC0] =	vst v4;
	[smem:s5], [sflag:$0x0] =	smem.add.s32 @!p1 $0x510;
	s5 =	simm.s32 @!p1 $0x0  }
0x29a: {  	s10 =	simm.s32 @!p1 $0x1;
	_ =	swait.done @!p1 [sflag:s5]  }
0x29b: {  	s11 =	sadd.s32 $0x248, s2;
	[smem:$0x7FF] =	sst @!p1 s10  }
0x29c: {  	s25 =	sshrl.u32 s11, $0x3;
	_ =	sint @!p1 $0x2  }
0x29d: {  	s10 =	sadd.s32 s25, s1;
	_ =	swait.notdone @!p1 [sflag:s5]  }
0x29e: {  	[hbm4b:s10+s22] =	stream.linear.scatter [tilespmem:s30], [sflag:$0x7], $0x40, $0x38;
	[tilespmem:$0x1F790] =	vst v63  }
0x29f: {  	_ =	swait.ge [sflag:s28], $0x40  }
0x2a0: {  	s5 =	sld [smem:$0x7FF];
	_ =	sdelay $0x2  }
0x2a1: {  	p1 =	sne.s32 @!p0 s5, $0x1  }
0x2a2: {  	[sflag:s28] =	ssyncset.done $0x0;
	p0 =	por !p1, p0  }
0x2a3: {  	[sflag:s28] =	ssyncadd.s32 $0xFFFFFFC0;
	s5 =	sor.u32 @!p0 $0x100000, s12  }
0x2a4: {  	[smem:s5], [sflag:$0x0] =	smem.add.s32 @!p0 $0x515;
	s5 =	simm.s32 @!p0 $0x0  }
0x2a5: {  	s10 =	simm.s32 @!p0 $0x1;
	_ =	swait.done @!p0 [sflag:s5]  }
0x2a6: {  	s2 =	sadd.s32 $0x288, s2;
	[smem:$0x7FF] =	sst @!p0 s10  }
0x2a7: {  	s2 =	sshrl.u32 s2, $0x3;
	s11 =	sadd.s32 s21, s24;
	_ =	sint @!p0 $0x2  }
0x2a8: {  	s2 =	sadd.s32 s2, s1;
	s25 =	simm.s32 $0x0;
	_ =	swait.notdone @!p0 [sflag:s5]  }
0x2a9: {  	[hbm4b:s2+s25] =	stream.linear.scatter [tilespmem:s30], [sflag:$0x7], $0x40, $0x38;
	[tilespmem:$0x1F790] =	vst v63  }
0x2aa: {  	s2 =	sadd.s32 $0x3F, s11  }
0x2ab: {  	s12 =	sand.u32 $0x3F, s2  }
0x2ac: {  	s13 =	sshra.s32 s2, $0x1F;
	p3 =	slt.s32 s2, $0x1;
	p4 =	sne.s32 s12, $0x0  }
0x2ad: {  	s21 =	sshrl.u32 s13, $0x1A;
	p0 =	por !p3, !p4  }
0x2ae: {  	s5 =	simm.s32 $0x1;
	s2 =	sadd.s32 s21, s2;
	p0 =	por !p0, !p0  }
0x2af: {  	s2 =	sshra.s32 s2, $0x6;
	s5 =	simm.s32 @!p0 $0x0  }
0x2b0: {  	s5 =	ssub.s32 s2, s5  }
0x2b1: {  	s2 =	sadd.s32 $0x1, s5  }
0x2b2: {  	s22 =	sand.u32 $0x1, s2  }
0x2b3: {  	p5 =	slt.s32 s5, $0x0;
	p6 =	seq.s32 s22, $0x1  }
.Ltmp6:
0x2b4: {  	s24 =	sshrl.u32 s2, $0x1F;
	p0 =	por !p5, !p6;
	(pc) =	sbr.rel .LBB2_6-.Ltmp6, $4  }
0x2b5: {  	s10 =	simm.s32 $0x1;
	s2 =	sadd.s32 s24, s2;
	p0 =	por !p0, !p0  }
0x2b6: {  	_ =	swait.ge [sflag:s28], $0x40;
	s2 =	sshra.s32 s2, $0x1;
	s10 =	simm.s32 @!p0 $0x0  }
0x2b7: {  	[sflag:s28] =	ssyncset.done $0x0;
	s10 =	ssub.s32 s2, s10  }
0x2b8: {  	p2 =	por $0x1, $0x1;
	[sflag:s28] =	ssyncadd.s32 $0xFFFFFFC0;
	p0 =	slt.s32 s10, $0x1  }
.LBB2_15:
0x2b9: {  	s2 =	simm.s32 $0x1  }
0x2ba: {  	_ =	swait.ge [sflag:s2], $0x4400  }
0x2bb: {  	[sflag:s2] =	ssyncset.done $0x0  }
0x2bc: {  	[sflag:s2] =	ssyncadd.s32 $0xFFFFBC00  }
0x2bd: {  	_ =	swait.ge [sflag:s17], $0x400  }
0x2be: {  	[sflag:s17] =	ssyncset.done $0x0  }
0x2bf: {  	[sflag:s17] =	ssyncadd.s32 $0xFFFFFC00  }
0x2c0: {  	_ =	swait.ge [sflag:s18], $0x400  }
0x2c1: {  	s12 =	smul.u32 $0x2800, s25;
	[sflag:s18] =	ssyncset.done $0x0  }
0x2c2: {  	s11 =	rddreg [dreg:$0x9];
	[sflag:s18] =	ssyncadd.s32 $0xFFFFFC00  }
0x2c3: {  	s13 =	stileid.u32;
	s2 =	sadd.s32 s12, s11;
	[bflag:$0x0] =	sbarrier.arrive $0xFFFF  }
0x2c4: {  	s2 =	smul.u32 $0x22, s2;
	s12 =	rddreg [dreg:$0x6]  }
0x2c5: {  	s11 =	sshll.u32 s13, $0x6;
	s13 =	rddreg [dreg:$0x8]  }
0x2c6: {  	s11 =	sor.u32 $0x1C07, s11;
	s12 =	sadd.s32 s12, s2;
	s13 =	sshrl.u32 s13, $0x3  }
0x2c7: {  	[hbm:s12], [sflag:s11] =	dma.local [spmem:s13], $0x880  }
0x2c8: {  	_ =	swait.ge [sflag:s28], $0x880  }
0x2c9: {  	s21 =	rddreg [dreg:$0xd]  }
0x2ca: {  	[sflag:s28] =	ssyncset.done $0x0;
	s22 =	rddreg [dreg:$0xa]  }
0x2cb: {  	[sflag:s28] =	ssyncadd.s32 $0xFFFFF780;
	s12 =	sadd.s32 s21, s2;
	s13 =	sshrl.u32 s22, $0x3  }
0x2cc: {  	[hbm:s12], [sflag:s11] =	dma.local [spmem:s13], $0x880  }
0x2cd: {  	_ =	swait.ge [sflag:s28], $0x880  }
0x2ce: {  	s24 =	rddreg [dreg:$0xe]  }
0x2cf: {  	[sflag:s28] =	ssyncset.done $0x0;
	s25 =	rddreg [dreg:$0xb]  }
0x2d0: {  	[sflag:s28] =	ssyncadd.s32 $0xFFFFF780;
	s12 =	sadd.s32 s24, s2;
	s13 =	sshrl.u32 s25, $0x3  }
0x2d1: {  	[hbm:s12], [sflag:s11] =	dma.local [spmem:s13], $0x880  }
0x2d2: {  	_ =	swait.ge [sflag:s28], $0x880  }
0x2d3: {  	s21 =	rddreg [dreg:$0x10]  }
0x2d4: {  	[sflag:s28] =	ssyncset.done $0x0;
	s22 =	rddreg [dreg:$0x14]  }
0x2d5: {  	[sflag:s28] =	ssyncadd.s32 $0xFFFFF780;
	s12 =	sadd.s32 s21, s2;
	s13 =	sshrl.u32 s22, $0x3  }
0x2d6: {  	[hbm:s12], [sflag:s11] =	dma.local [spmem:s13], $0x880  }
0x2d7: {  	_ =	swait.ge [sflag:s28], $0x880  }
0x2d8: {  	s24 =	rddreg [dreg:$0x11]  }
0x2d9: {  	[sflag:s28] =	ssyncset.done $0x0;
	s25 =	rddreg [dreg:$0x15]  }
0x2da: {  	[sflag:s28] =	ssyncadd.s32 $0xFFFFF780;
	s2 =	sadd.s32 s24, s2;
	s12 =	sshrl.u32 s25, $0x3  }
0x2db: {  	[hbm:s2], [sflag:s11] =	dma.local [spmem:s12], $0x880  }
.Ltmp7:
0x2dc: {  	_ =	swait.ge [sflag:s28], $0x880;
	(pc) =	sbr.rel @!p1 .LBB2_16-.Ltmp7, $4  }
0x2dd: {  	[sflag:s28] =	ssyncset.done $0x0  }
0x2de: {  	[sflag:s28] =	ssyncadd.s32 $0xFFFFF780  }
0x2df: {  	[bflag:$0x0] =	sbarrier.arrive $0xFFFF  }
0x2e0: {  	p2 =	por $0x0, $0x0;
	s25 =	simm.s32 $0x1  }
.LBB2_6:
0x2e1: {  	p1 =	por p2, p2;
	s2 =	simm.s32 $0x0;
	s11 =	simm.s32 $0x440  }
.LBB2_7:
0x2e2: {  	p2 =	sne.s32 s11, $0x10BC0;
	[tilespmem:s2+$0x1380] =	vst v5  }
0x2e3: {  	[tilespmem:s2+$0x1280] =	vst v5  }
0x2e4: {  	[tilespmem:s2+$0x1290] =	vst v5  }
0x2e5: {  	[tilespmem:s2+$0x12A0] =	vst v5  }
0x2e6: {  	[tilespmem:s2+$0x12B0] =	vst v5  }
0x2e7: {  	[tilespmem:s2+$0x12C0] =	vst v5  }
0x2e8: {  	[tilespmem:s2+$0x12D0] =	vst v5  }
0x2e9: {  	[tilespmem:s2+$0x12E0] =	vst v5  }
0x2ea: {  	[tilespmem:s2+$0x12F0] =	vst v5  }
0x2eb: {  	[tilespmem:s2+$0x1300] =	vst v5  }
0x2ec: {  	[tilespmem:s2+$0x1310] =	vst v5  }
0x2ed: {  	[tilespmem:s2+$0x1320] =	vst v5  }
.Ltmp8:
0x2ee: {  	[tilespmem:s2+$0x1330] =	vst v5;
	(pc) =	sbr.rel @p2 .LBB2_7-.Ltmp8, $4  }
0x2ef: {  	[tilespmem:s2+$0x1340] =	vst v5  }
0x2f0: {  	[tilespmem:s2+$0x1350] =	vst v5  }
0x2f1: {  	[tilespmem:s2+$0x1360] =	vst v5  }
0x2f2: {  	[tilespmem:s2+$0x1370] =	vst v5;
	s2 =	sshra.s32 s11, $0x2;
	s11 =	sadd.s32 $0x440, s11  }
0x2f3: {  	[tilespmem:s2+$0x1380] =	vst v5  }
0x2f4: {  	[tilespmem:s2+$0x1280] =	vst v5  }
0x2f5: {  	[tilespmem:s2+$0x1290] =	vst v5  }
0x2f6: {  	[tilespmem:s2+$0x12A0] =	vst v5  }
0x2f7: {  	[tilespmem:s2+$0x12B0] =	vst v5  }
0x2f8: {  	[tilespmem:s2+$0x12C0] =	vst v5  }
0x2f9: {  	[tilespmem:s2+$0x12D0] =	vst v5  }
0x2fa: {  	[tilespmem:s2+$0x12E0] =	vst v5  }
0x2fb: {  	[tilespmem:s2+$0x12F0] =	vst v5  }
0x2fc: {  	[tilespmem:s2+$0x1300] =	vst v5  }
0x2fd: {  	[tilespmem:s2+$0x1310] =	vst v5  }
0x2fe: {  	[tilespmem:s2+$0x1320] =	vst v5  }
0x2ff: {  	[tilespmem:s2+$0x1330] =	vst v5  }
0x300: {  	[tilespmem:s2+$0x1340] =	vst v5  }
0x301: {  	[tilespmem:s2+$0x1350] =	vst v5  }
0x302: {  	[tilespmem:s2+$0x1360] =	vst v5  }
0x303: {  	[tilespmem:s2+$0x1370] =	vst v5;
	s24 =	rddreg [dreg:$0x8]  }
0x304: {  	[spmem:s24] =	stream.linear.scatter [tilespmem:s0], [sflag:$0x7], $0x4400, $0x38;
	[tilespmem:$0x1F790] =	vst v63  }
0x305: {  	_ =	swait.ge [sflag:s28], $0x4400  }
0x306: {  	[sflag:s28] =	ssyncset.done $0x0  }
0x307: {  	s11 =	rddreg [dreg:$0xa];
	[sflag:s28] =	ssyncadd.s32 $0xFFFFBC00  }
0x308: {  	[spmem:s11] =	stream.linear.scatter [tilespmem:s0], [sflag:$0x7], $0x4400, $0x38;
	[tilespmem:$0x1F790] =	vst v63  }
0x309: {  	_ =	swait.ge [sflag:s28], $0x4400  }
0x30a: {  	[sflag:s28] =	ssyncset.done $0x0  }
0x30b: {  	s12 =	rddreg [dreg:$0xb];
	[sflag:s28] =	ssyncadd.s32 $0xFFFFBC00  }
0x30c: {  	[spmem:s12] =	stream.linear.scatter [tilespmem:s0], [sflag:$0x7], $0x4400, $0x38;
	[tilespmem:$0x1F790] =	vst v63  }
0x30d: {  	_ =	swait.ge [sflag:s28], $0x4400  }
0x30e: {  	[sflag:s28] =	ssyncset.done $0x0  }
0x30f: {  	s13 =	rddreg [dreg:$0x14];
	[sflag:s28] =	ssyncadd.s32 $0xFFFFBC00  }
0x310: {  	[spmem:s13] =	stream.linear.scatter [tilespmem:s0], [sflag:$0x7], $0x4400, $0x38;
	[tilespmem:$0x1F790] =	vst v63  }
0x311: {  	_ =	swait.ge [sflag:s28], $0x4400  }
0x312: {  	[sflag:s28] =	ssyncset.done $0x0  }
0x313: {  	s21 =	rddreg [dreg:$0x15];
	[sflag:s28] =	ssyncadd.s32 $0xFFFFBC00  }
0x314: {  	[spmem:s21] =	stream.linear.scatter [tilespmem:s0], [sflag:$0x7], $0x4400, $0x38;
	[tilespmem:$0x1F790] =	vst v63  }
0x315: {  	_ =	swait.ge [sflag:s28], $0x4400  }
0x316: {  	[sflag:s28] =	ssyncset.done $0x0  }
0x317: {  	[sflag:s28] =	ssyncadd.s32 $0xFFFFBC00  }
0x318: {  	[bflag:$0x0] =	sbarrier.arrive $0xFFFF  }
0x319: {  	s13 =	simm.s32 $0x0;
	s22 =	rddreg [dreg:$0x13]  }
0x31a: {  	[tilespmem:s13], [sflag:$0x7] =	stream.linear.gather [hbm4b:s22+s13], $0x40, $0x38;
	[tilespmem:$0x1F790] =	vst v63  }
0x31b: {  	_ =	swait.ge [sflag:s28], $0x40  }
0x31c: {  	[sflag:s28] =	ssyncset.done $0x0  }
0x31d: {  	[sflag:s28] =	ssyncadd.s32 $0xFFFFFFC0  }
0x31e: {  	v7 =	vld [tilespmem:$0x0]  }
0x31f: {  	v8 =	vld [tilespmem:$0x10]  }
0x320: {  	v61 =	vld [tilespmem:$0x30];
	_ =	sdelay $0x2  }
0x321: {  	v9 =	vand.u32 $0x1FFF, v7  }
0x322: {  	s2 =	smul.u32 $0x2710, s25;
	v59 =	vld [tilespmem:$0x20];
	v11 =	vand.u32 $0x1FFF, v8;
	[tilespmem:$0x180] =	vst v9  }
0x323: {  	v7 =	vshra.s32 v7, $0xD;
	v63 =	vand.u32 $0x1FFF, v61;
	[tilespmem:$0x190] =	vst v11  }
0x324: {  	v8 =	vshra.s32 v8, $0xD;
	v7 =	vadd.s32 s2, v7;
	[tilespmem:$0x1B0] =	vst v63  }
0x325: {  	vm1 =	veq.s32 v9, $0x13FF;
	v8 =	vadd.s32 s2, v8;
	[tilespmem:$0x100] =	vst v7  }
0x326: {  	v10 =	vsel vm1, $0x0, v6;
	[tilespmem:$0x110] =	vst v8  }
0x327: {  	v7 =	vadd.s32 s2, v0;
	v8 =	vand.u32 $0x1FFF, v59;
	[tilespmem:$0x200] =	vst v10  }
0x328: {  	vm1 =	veq.s32 v11, $0x13FF;
	v9 =	vadd.s32 v9, v7;
	[tilespmem:$0x1A0] =	vst v8  }
0x329: {  	v60 =	vsel vm1, $0x0, v6;
	[tilespmem:$0x80] =	vst v9  }
0x32a: {  	v11 =	vadd.s32 v11, v7;
	[tilespmem:$0x210] =	vst v60  }
0x32b: {  	vm1 =	veq.s32 v8, $0x13FF;
	v8 =	vadd.s32 v8, v7;
	[tilespmem:$0x90] =	vst v11  }
0x32c: {  	v10 =	vshra.s32 v59, $0xD;
	v62 =	vsel vm1, $0x0, v6;
	[tilespmem:$0xA0] =	vst v8  }
0x32d: {  	v10 =	vadd.s32 s2, v10;
	vm1 =	veq.s32 v63, $0x13FF;
	[tilespmem:$0x220] =	vst v62  }
0x32e: {  	v9 =	vshra.s32 v61, $0xD;
	[tilespmem:$0x120] =	vst v10;
	v8 =	vsel vm1, $0x0, v6  }
0x32f: {  	[tilespmem:$0x230] =	vst v8;
	v8 =	vadd.s32 s2, v9  }
0x330: {  	[tilespmem:$0x130] =	vst v8;
	v8 =	vadd.s32 v63, v7  }
0x331: {  	[tilespmem:$0xB0] =	vst v8  }
0x332: {  	[tilespmem:s0], [sflag:$0x1] =	stream.indirect.gather [hbm4b:s9+s16], $0x110, s19, s16, $0xb8;
	[tilespmem:$0x1F790] =	vst v63  }
.Ltmp9:
0x333: {  	_ = 	snop;
	(pc) =	sbr.rel @p0 .LBB2_15-.Ltmp9, $4  }
0x334: {  	s11 =	simm.s32 $0x280  }
0x335: {  	[tilespmem:s11], [sflag:$0x3] =	stream.indirect.gather [hbm4b:s6+s16], $0x10, s19, s16, $0xb8;
	[tilespmem:$0x1F790] =	vst v63  }
0x336: {  	s24 =	simm.s32 $0x80;
	s12 =	simm.s32 $0xA80  }
0x337: {  	[tilespmem:s12], [sflag:$0x5] =	stream.indirect.gather [hbm4b:s7+s16], $0x10, s24, s16, $0xb8;
	[tilespmem:$0x1F790] =	vst v63  }
0x338: {  	v8 =	vmov s2;
	s24 =	simm.s32 $0x0  }
.LBB2_10:
0x339: {  	s2 =	sshllo.u32 s24, $0x1  }
0x33a: {  	s11 =	smov.u32 s5;
	p2 =	slt.s32 s2, s5  }
0x33b: {  	s11 =	smov.u32 @p2 s2  }
0x33c: {  	s2 =	sshll.u32 s11, $0x6  }
0x33d: {  	s2 =	sadd.s32 s8, s2  }
0x33e: {  	s2 =	sshrl.u32 s2, $0x3  }
0x33f: {  	s2 =	sadd.s32 s1, s2  }
0x340: {  	[tilespmem:s16], [sflag:$0x7] =	stream.linear.gather [hbm4b:s2+s13], $0x40, $0x38;
	[tilespmem:$0x1F790] =	vst v63  }
0x341: {  	_ =	swait.ge [sflag:s28], $0x40  }
0x342: {  	[sflag:s28] =	ssyncset.done $0x0  }
0x343: {  	[sflag:s28] =	ssyncadd.s32 $0xFFFFFFC0  }
0x344: {  	v9 =	vld [tilespmem:$0x40]  }
0x345: {  	v10 =	vld [tilespmem:$0x50];
	_ =	sdelay $0x3  }
0x346: {  	v11 =	vand.u32 $0x1FFF, v9  }
0x347: {  	v9 =	vshra.s32 v9, $0xD;
	v13 =	vand.u32 $0x1FFF, v10;
	[tilespmem:$0x1C0] =	vst v11  }
0x348: {  	v51 =	vld [tilespmem:$0x60];
	v10 =	vshra.s32 v10, $0xD;
	v9 =	vadd.s32 v8, v9;
	[tilespmem:$0x1D0] =	vst v13  }
0x349: {  	vm1 =	veq.s32 v11, $0x13FF;
	v10 =	vadd.s32 v8, v10;
	[tilespmem:$0x140] =	vst v9  }
0x34a: {  	v12 =	vsel vm1, $0x0, v6;
	[tilespmem:$0x150] =	vst v10  }
0x34b: {  	v9 =	vadd.s32 v11, v7;
	vm1 =	veq.s32 v13, $0x13FF;
	[tilespmem:$0x240] =	vst v12  }
0x34c: {  	[tilespmem:$0xC0] =	vst v9;
	v9 =	vsel vm1, $0x0, v6  }
0x34d: {  	v11 =	vand.u32 $0x1FFF, v51;
	v10 =	vadd.s32 v13, v7;
	[tilespmem:$0x250] =	vst v9;
	v9 =	vld [tilespmem:$0x70]  }
0x34e: {  	vm1 =	veq.s32 v11, $0x13FF;
	[tilespmem:$0xD0] =	vst v10  }
0x34f: {  	v12 =	vshra.s32 v51, $0xD;
	[tilespmem:$0x1E0] =	vst v11;
	v10 =	vsel vm1, $0x0, v6  }
0x350: {  	[tilespmem:$0x260] =	vst v10;
	v10 =	vadd.s32 v8, v12  }
0x351: {  	[tilespmem:$0x160] =	vst v10;
	v10 =	vadd.s32 v11, v7  }
0x352: {  	[tilespmem:$0xE0] =	vst v10;
	v52 =	vand.u32 $0x1FFF, v9;
	v9 =	vshra.s32 v9, $0xD  }
0x353: {  	vm1 =	veq.s32 v52, $0x13FF;
	[tilespmem:$0x1F0] =	vst v52;
	v9 =	vadd.s32 v8, v9  }
0x354: {  	v10 =	vsel vm1, $0x0, v6;
	[tilespmem:$0x170] =	vst v9  }
0x355: {  	v9 =	vadd.s32 v52, v7;
	[tilespmem:$0x270] =	vst v10  }
0x356: {  	[tilespmem:$0xF0] =	vst v9  }
0x357: {  	[tilespmem:s29], [sflag:$0x2] =	stream.indirect.gather [hbm4b:s9+s16], $0x110, s26, s16, $0xb8;
	[tilespmem:$0x1F790] =	vst v63  }
0x358: {  	s22 =	simm.s32 $0x680  }
0x359: {  	[tilespmem:s22], [sflag:$0x4] =	stream.indirect.gather [hbm4b:s6+s16], $0x10, s26, s16, $0xb8;
	[tilespmem:$0x1F790] =	vst v63  }
0x35a: {  	s12 =	simm.s32 $0xE80;
	s11 =	simm.s32 $0xC0  }
0x35b: {  	[tilespmem:s12], [sflag:$0x6] =	stream.indirect.gather [hbm4b:s7+s16], $0x10, s11, s16, $0xb8;
	[tilespmem:$0x1F790] =	vst v63  }
0x35c: {  	_ =	swait.ge [sflag:s31], $0x4400  }
0x35d: {  	[sflag:s31] =	ssyncset.done $0x0  }
0x35e: {  	[sflag:s31] =	ssyncadd.s32 $0xFFFFBC00  }
0x35f: {  	_ =	swait.ge [sflag:s17], $0x400  }
0x360: {  	[sflag:s17] =	ssyncset.done $0x0  }
0x361: {  	[sflag:s17] =	ssyncadd.s32 $0xFFFFFC00  }
0x362: {  	_ =	swait.ge [sflag:s18], $0x400  }
0x363: {  	[sflag:s18] =	ssyncset.done $0x0  }
0x364: {  	s21 =	simm.s32 $0xA80;
	[sflag:s18] =	ssyncadd.s32 $0xFFFFFC00  }
0x365: {  	s22 =	simm.s32 $0x280;
	v9 =	vld [tilespmem:s21+$0x0]  }
0x366: {  	v10 =	vld [tilespmem:s22+$0x0];
	_ =	sdelay $0x4  }
0x367: {  	v9 =	vadd.f32 v9, v10;
	_ =	sdelay $0x1  }
0x368: {  	v10 =	vmul.f32 $2.000000030e-01, v9  }
0x369: {  	vm1 =	vge.f32 v9, $0.0e+00  }
0x36a: {  	v9 =	vsel vm1, v9, v10  }
0x36b: {  	v9 =	vmul.f32 $1.442695020e+00, v9;
	_ =	sdelay $0x1  }
0x36c: {  	v10 =	vmov s13;
	(erf) = vpow2.f32 v9;
	_ =	sdelay $0x2  }
0x36d: {  	s21 =	simm.s32 $0x1300  }
0x36e: {  	v11 =	vld [tilespmem:s21+$0x70]  }
0x36f: {  	v9 =	vld.idx.msk [tilespmem:v10+s20+$0x0], $0xffff  }
0x370: {  	v53 =	vld [tilespmem:s21+$0x60]  }
0x371: {  	v10 =	vld [tilespmem:s21+$0x80]  }
0x372: {  	v14 =	vld [tilespmem:s21+$0x50]  }
0x373: {  	v55 =	vld [tilespmem:s21+$0x40];
	v54 =	vpop (erf)  }
0x374: {  	v15 =	vld [tilespmem:s21+$0x30];
	v9 =	vmul.f32 v54, v9  }
0x375: {  	v16 =	vld [tilespmem:s21+$0x20]  }
0x376: {  	v17 =	vld [tilespmem:s21+$0x10];
	v10 =	vmul.f32 v10, v9  }
0x377: {  	v56 =	vld [tilespmem:s21+$0xFFFFFFE0];
	v11 =	vmul.f32 v11, v9  }
0x378: {  	v12 =	vmul.f32 v53, v9;
	[tilespmem:s21+$0x80] =	vst v10;
	v10 =	vld [tilespmem:s21+$0x0]  }
0x379: {  	v57 =	vld [tilespmem:s21+$0xFFFFFFD0];
	v14 =	vmul.f32 v14, v9;
	[tilespmem:s21+$0x70] =	vst v11  }
0x37a: {  	v59 =	vld [tilespmem:s21+$0xFFFFFFB0];
	v13 =	vmul.f32 v55, v9;
	[tilespmem:s21+$0x60] =	vst v12  }
0x37b: {  	v15 =	vmul.f32 v15, v9;
	v11 =	vld [tilespmem:s21+$0xFFFFFFF0];
	[tilespmem:s21+$0x50] =	vst v14  }
0x37c: {  	v60 =	vld [tilespmem:s21+$0xFFFFFFA0];
	v16 =	vmul.f32 v16, v9;
	[tilespmem:s21+$0x40] =	vst v13  }
0x37d: {  	v58 =	vld [tilespmem:s21+$0xFFFFFFC0];
	[tilespmem:s21+$0x30] =	vst v15;
	v10 =	vmul.f32 v10, v9  }
0x37e: {  	v61 =	vld [tilespmem:s21+$0xFFFFFF90];
	v17 =	vmul.f32 v17, v9;
	[tilespmem:s21+$0x20] =	vst v16  }
0x37f: {  	v62 =	vmul.f32 v59, v9;
	[tilespmem:s21+$0x0] =	vst v10;
	v10 =	vld [tilespmem:s21+$0xFFFFFF80]  }
0x380: {  	[tilespmem:s21+$0x10] =	vst v17;
	v11 =	vmul.f32 v11, v9  }
0x381: {  	v63 =	vmul.f32 v9, v60;
	[tilespmem:s21+$0xFFFFFFB0] =	vst v62  }
0x382: {  	[tilespmem:s21+$0xFFFFFFF0] =	vst v11;
	v11 =	vmul.f32 v58, v9  }
0x383: {  	v12 =	vmul.f32 v56, v9;
	v14 =	vmul.f32 v57, v9;
	[tilespmem:s21+$0xFFFFFFA0] =	vst v63  }
0x384: {  	[tilespmem:s21+$0xFFFFFFC0] =	vst v11;
	v11 =	vmul.f32 v9, v61;
	v9 =	vmul.f32 v9, v10  }
0x385: {  	s2 =	simm.s32 $0x1;
	[tilespmem:s21+$0xFFFFFFE0] =	vst v12  }
0x386: {  	[tilespmem:s21+$0xFFFFFF80] =	vst v9;
	v9 =	vmov s2  }
0x387: {  	[tilespmem:s21+$0xFFFFFFD0] =	vst v14  }
0x388: {  	s22 =	simm.s32 $0xA90;
	[tilespmem:s21+$0xFFFFFF90] =	vst v11  }
0x389: {  	s11 =	simm.s32 $0x290;
	v10 =	vld [tilespmem:s22+$0x0]  }
0x38a: {  	s12 =	sshll.u32 s24, $0x1;
	s2 =	simm.s32 $0x2;
	v11 =	vld [tilespmem:s11+$0x0]  }
.LBB2_11:
0x38b: {  	p2 =	sne.s32 s2, $0x3F;
	v9 =	vld.idx.msk [tilespmem:v9+s20+$0x0], $0xffff;
	_ =	sdelay $0x3  }
0x38c: {  	v10 =	vadd.f32 v10, v11;
	_ =	sdelay $0x1  }
0x38d: {  	v11 =	vmul.f32 $2.000000030e-01, v10  }
0x38e: {  	vm1 =	vge.f32 v10, $0.0e+00  }
0x38f: {  	v10 =	vsel vm1, v10, v11  }
0x390: {  	s21 =	sadd.s32 $0x110, s21;
	v10 =	vmul.f32 $1.442695020e+00, v10  }
0x391: {  	v11 =	vld [tilespmem:s21+$0xFFFFFFF0]  }
0x392: {  	v12 =	vld [tilespmem:s21+$0x80];
	(erf) = vpow2.f32 v10  }
0x393: {  	v10 =	vld [tilespmem:s21+$0x70]  }
0x394: {  	v13 =	vld [tilespmem:s21+$0x60]  }
0x395: {  	v14 =	vld [tilespmem:s21+$0x50]  }
0x396: {  	v15 =	vld [tilespmem:s21+$0x40]  }
0x397: {  	v16 =	vld [tilespmem:s21+$0x30]  }
0x398: {  	v17 =	vld [tilespmem:s21+$0x20]  }
0x399: {  	v18 =	vld [tilespmem:s21+$0x10]  }
0x39a: {  	v19 =	vld [tilespmem:s21+$0x0]  }
0x39b: {  	v20 =	vld [tilespmem:s21+$0xFFFFFFE0];
	v21 =	vpop (erf)  }
0x39c: {  	v9 =	vmul.f32 v21, v9;
	v21 =	vld [tilespmem:s21+$0xFFFFFFD0]  }
0x39d: {  	v22 =	vld [tilespmem:s21+$0xFFFFFFC0]  }
0x39e: {  	v23 =	vld [tilespmem:s21+$0xFFFFFFB0];
	v10 =	vmul.f32 v10, v9;
	v12 =	vmul.f32 v12, v9  }
0x39f: {  	v14 =	vmul.f32 v14, v9;
	v13 =	vmul.f32 v13, v9;
	v24 =	vld [tilespmem:s21+$0xFFFFFFA0]  }
0x3a0: {  	v16 =	vmul.f32 v16, v9;
	v15 =	vmul.f32 v15, v9;
	v25 =	vld [tilespmem:s21+$0xFFFFFF90];
	[tilespmem:s21+$0x80] =	vst v12  }
0x3a1: {  	v18 =	vmul.f32 v18, v9;
	v17 =	vmul.f32 v17, v9;
	v12 =	vld [tilespmem:s21+$0xFFFFFF80];
	[tilespmem:s21+$0x70] =	vst v10  }
0x3a2: {  	v10 =	vmul.f32 v11, v9;
	v11 =	vmul.f32 v19, v9;
	[tilespmem:s21+$0x60] =	vst v13  }
0x3a3: {  	v19 =	vmul.f32 v20, v9;
	v13 =	vmul.f32 v21, v9;
	[tilespmem:s21+$0x50] =	vst v14  }
0x3a4: {  	v20 =	vmul.f32 v22, v9;
	v14 =	vmul.f32 v23, v9;
	[tilespmem:s21+$0x40] =	vst v15  }
0x3a5: {  	v21 =	vmul.f32 v9, v24;
	v15 =	vmul.f32 v9, v25;
	[tilespmem:s21+$0x30] =	vst v16  }
0x3a6: {  	v12 =	vmul.f32 v9, v12;
	[tilespmem:s21+$0x20] =	vst v17  }
0x3a7: {  	[tilespmem:s21+$0x10] =	vst v18  }
0x3a8: {  	[tilespmem:s21+$0x0] =	vst v11  }
0x3a9: {  	[tilespmem:s21+$0xFFFFFFF0] =	vst v10  }
0x3aa: {  	[tilespmem:s21+$0xFFFFFFE0] =	vst v19  }
0x3ab: {  	[tilespmem:s21+$0xFFFFFFD0] =	vst v13  }
0x3ac: {  	[tilespmem:s21+$0xFFFFFFC0] =	vst v20  }
0x3ad: {  	[tilespmem:s21+$0xFFFFFFB0] =	vst v14  }
.Ltmp10:
0x3ae: {  	v9 =	vmov s2;
	[tilespmem:s21+$0xFFFFFFA0] =	vst v21;
	(pc) =	sbr.rel @p2 .LBB2_11-.Ltmp10, $4  }
0x3af: {  	[tilespmem:s21+$0xFFFFFF90] =	vst v15  }
0x3b0: {  	s22 =	sadd.s32 $0x10, s22;
	[tilespmem:s21+$0xFFFFFF80] =	vst v12  }
0x3b1: {  	s11 =	sadd.s32 $0x10, s11;
	v10 =	vld [tilespmem:s22+$0x0]  }
0x3b2: {  	s2 =	sadd.s32 $0x1, s2;
	v11 =	vld [tilespmem:s11+$0x0]  }
0x3b3: {  	_ =	sdelay $0x3  }
0x3b4: {  	v10 =	vadd.f32 v10, v11;
	_ =	sdelay $0x1  }
0x3b5: {  	v11 =	vmul.f32 $2.000000030e-01, v10  }
0x3b6: {  	vm1 =	vge.f32 v10, $0.0e+00  }
0x3b7: {  	v10 =	vsel vm1, v10, v11  }
0x3b8: {  	v10 =	vmul.f32 $1.442695020e+00, v10;
	_ =	sdelay $0x1  }
0x3b9: {  	(erf) = vpow2.f32 v10;
	_ =	sdelay $0x4  }
0x3ba: {  	v9 =	vld.idx.msk [tilespmem:v9+s20+$0x0], $0xffff  }
0x3bb: {  	s2 =	sadd.s32 $0x110, s21  }
0x3bc: {  	v10 =	vld [tilespmem:s2+$0x80]  }
0x3bd: {  	v11 =	vld [tilespmem:s2+$0x70]  }
0x3be: {  	v12 =	vld [tilespmem:s2+$0x60];
	v13 =	vpop (erf)  }
0x3bf: {  	v14 =	vld [tilespmem:s2+$0x50];
	v9 =	vmul.f32 v13, v9  }
0x3c0: {  	v36 =	vld [tilespmem:s2+$0x40]  }
0x3c1: {  	v15 =	vld [tilespmem:s2+$0x30];
	v10 =	vmul.f32 v10, v9  }
0x3c2: {  	v16 =	vld [tilespmem:s2+$0x20];
	v11 =	vmul.f32 v11, v9  }
0x3c3: {  	v17 =	vld [tilespmem:s2+$0x10];
	v12 =	vmul.f32 v12, v9;
	[tilespmem:s2+$0x80] =	vst v10  }
0x3c4: {  	v40 =	vld [tilespmem:s2+$0xFFFFFFB0];
	v14 =	vmul.f32 v14, v9;
	[tilespmem:s2+$0x70] =	vst v11  }
0x3c5: {  	v13 =	vmul.f32 v36, v9;
	v10 =	vld [tilespmem:s2+$0x0];
	[tilespmem:s2+$0x60] =	vst v12  }
0x3c6: {  	v41 =	vld [tilespmem:s2+$0xFFFFFFA0];
	v15 =	vmul.f32 v15, v9;
	[tilespmem:s2+$0x50] =	vst v14  }
0x3c7: {  	v16 =	vmul.f32 v16, v9;
	v11 =	vld [tilespmem:s2+$0xFFFFFFF0];
	[tilespmem:s2+$0x40] =	vst v13  }
0x3c8: {  	v37 =	vld [tilespmem:s2+$0xFFFFFFE0];
	v17 =	vmul.f32 v17, v9;
	[tilespmem:s2+$0x30] =	vst v15  }
0x3c9: {  	v39 =	vld [tilespmem:s2+$0xFFFFFFC0];
	v43 =	vmul.f32 v40, v9;
	[tilespmem:s2+$0x20] =	vst v16  }
0x3ca: {  	v38 =	vld [tilespmem:s2+$0xFFFFFFD0];
	[tilespmem:s2+$0x10] =	vst v17;
	v10 =	vmul.f32 v10, v9  }
0x3cb: {  	v42 =	vld [tilespmem:s2+$0xFFFFFF90];
	v44 =	vmul.f32 v9, v41;
	[tilespmem:s2+$0xFFFFFFB0] =	vst v43  }
0x3cc: {  	v11 =	vmul.f32 v11, v9;
	[tilespmem:s2+$0x0] =	vst v10;
	v10 =	vld [tilespmem:s2+$0xFFFFFF80]  }
0x3cd: {  	v12 =	vmul.f32 v37, v9;
	[tilespmem:s2+$0xFFFFFFA0] =	vst v44  }
0x3ce: {  	[tilespmem:s2+$0xFFFFFFF0] =	vst v11;
	v11 =	vmul.f32 v39, v9  }
0x3cf: {  	v14 =	vmul.f32 v38, v9;
	[tilespmem:s2+$0xFFFFFFE0] =	vst v12  }
0x3d0: {  	[tilespmem:s2+$0xFFFFFFC0] =	vst v11;
	v11 =	vmul.f32 v9, v42  }
0x3d1: {  	[tilespmem:s2+$0xFFFFFFD0] =	vst v14;
	v9 =	vmul.f32 v9, v10  }
0x3d2: {  	[tilespmem:s2+$0xFFFFFF90] =	vst v11  }
0x3d3: {  	s21 =	simm.s32 $0x180;
	[tilespmem:s2+$0xFFFFFF80] =	vst v9;
	s2 =	sadd.s32 $0x2, s12  }
0x3d4: {  	[spmem:s3] =	stream.indirect.scatter.add.f32 [tilespmem:s0], [sflag:$0x7], $0x110, s21, s16, $0xb8;
	[tilespmem:$0x1F790] =	vst v63  }
0x3d5: {  	s11 =	smov.u32 s5;
	p2 =	slt.s32 s2, s5  }
0x3d6: {  	s11 =	smov.u32 @p2 s2  }
0x3d7: {  	s2 =	sshll.u32 s11, $0x6  }
0x3d8: {  	_ =	swait.ge [sflag:s28], $0x4400;
	s2 =	sadd.s32 s8, s2  }
0x3d9: {  	[sflag:s28] =	ssyncset.done $0x0;
	s2 =	sshrl.u32 s2, $0x3  }
0x3da: {  	[sflag:s28] =	ssyncadd.s32 $0xFFFFBC00;
	s22 =	sadd.s32 s1, s2;
	s2 =	simm.s32 $0x0  }
0x3db: {  	[tilespmem:s2], [sflag:$0x7] =	stream.linear.gather [hbm4b:s22+s2], $0x40, $0x38;
	[tilespmem:$0x1F790] =	vst v63  }
0x3dc: {  	_ =	swait.ge [sflag:s28], $0x40  }
0x3dd: {  	[sflag:s28] =	ssyncset.done $0x0  }
0x3de: {  	[sflag:s28] =	ssyncadd.s32 $0xFFFFFFC0  }
0x3df: {  	v9 =	vld [tilespmem:$0x0]  }
0x3e0: {  	v10 =	vld [tilespmem:$0x10];
	_ =	sdelay $0x3  }
0x3e1: {  	v11 =	vand.u32 $0x1FFF, v9  }
0x3e2: {  	v9 =	vshra.s32 v9, $0xD;
	v47 =	vand.u32 $0x1FFF, v10;
	[tilespmem:$0x180] =	vst v11  }
0x3e3: {  	v46 =	vld [tilespmem:$0x20];
	v10 =	vshra.s32 v10, $0xD;
	v9 =	vadd.s32 v8, v9;
	[tilespmem:$0x190] =	vst v47  }
0x3e4: {  	vm1 =	veq.s32 v11, $0x13FF;
	v10 =	vadd.s32 v8, v10;
	[tilespmem:$0x100] =	vst v9  }
0x3e5: {  	v45 =	vsel vm1, $0x0, v6;
	[tilespmem:$0x110] =	vst v10  }
0x3e6: {  	v9 =	vadd.s32 v11, v7;
	vm1 =	veq.s32 v47, $0x13FF;
	[tilespmem:$0x200] =	vst v45  }
0x3e7: {  	[tilespmem:$0x80] =	vst v9;
	v9 =	vsel vm1, $0x0, v6  }
0x3e8: {  	v11 =	vand.u32 $0x1FFF, v46;
	v10 =	vadd.s32 v47, v7;
	[tilespmem:$0x210] =	vst v9;
	v9 =	vld [tilespmem:$0x30]  }
0x3e9: {  	vm1 =	veq.s32 v11, $0x13FF;
	[tilespmem:$0x90] =	vst v10  }
0x3ea: {  	v12 =	vshra.s32 v46, $0xD;
	[tilespmem:$0x1A0] =	vst v11;
	v10 =	vsel vm1, $0x0, v6  }
0x3eb: {  	[tilespmem:$0x220] =	vst v10;
	v10 =	vadd.s32 v8, v12  }
0x3ec: {  	[tilespmem:$0x120] =	vst v10;
	v10 =	vadd.s32 v11, v7  }
0x3ed: {  	[tilespmem:$0xA0] =	vst v10;
	v48 =	vand.u32 $0x1FFF, v9;
	v9 =	vshra.s32 v9, $0xD  }
0x3ee: {  	vm1 =	veq.s32 v48, $0x13FF;
	[tilespmem:$0x1B0] =	vst v48;
	v9 =	vadd.s32 v8, v9  }
0x3ef: {  	v10 =	vsel vm1, $0x0, v6;
	[tilespmem:$0x130] =	vst v9  }
0x3f0: {  	v9 =	vadd.s32 v48, v7;
	[tilespmem:$0x230] =	vst v10  }
0x3f1: {  	[tilespmem:$0xB0] =	vst v9  }
0x3f2: {  	[tilespmem:s0], [sflag:$0x1] =	stream.indirect.gather [hbm4b:s9+s16], $0x110, s19, s16, $0xb8;
	[tilespmem:$0x1F790] =	vst v63  }
0x3f3: {  	s12 =	simm.s32 $0x280  }
0x3f4: {  	[tilespmem:s12], [sflag:$0x3] =	stream.indirect.gather [hbm4b:s6+s16], $0x10, s19, s16, $0xb8;
	[tilespmem:$0x1F790] =	vst v63  }
0x3f5: {  	s21 =	simm.s32 $0x80;
	s22 =	simm.s32 $0xA80  }
0x3f6: {  	[tilespmem:s22], [sflag:$0x5] =	stream.indirect.gather [hbm4b:s7+s16], $0x10, s21, s16, $0xb8;
	[tilespmem:$0x1F790] =	vst v63  }
0x3f7: {  	_ =	swait.ge [sflag:s23], $0x4400  }
0x3f8: {  	[sflag:s23] =	ssyncset.done $0x0  }
0x3f9: {  	[sflag:s23] =	ssyncadd.s32 $0xFFFFBC00  }
0x3fa: {  	_ =	swait.ge [sflag:s4], $0x400  }
0x3fb: {  	[sflag:s4] =	ssyncset.done $0x0  }
0x3fc: {  	[sflag:s4] =	ssyncadd.s32 $0xFFFFFC00  }
0x3fd: {  	_ =	swait.ge [sflag:s14], $0x400  }
0x3fe: {  	[sflag:s14] =	ssyncset.done $0x0  }
0x3ff: {  	s12 =	simm.s32 $0xE80;
	[sflag:s14] =	ssyncadd.s32 $0xFFFFFC00  }
0x400: {  	s21 =	simm.s32 $0x680;
	v9 =	vld [tilespmem:s12+$0x0]  }
0x401: {  	v10 =	vld [tilespmem:s21+$0x0];
	_ =	sdelay $0x4  }
0x402: {  	v9 =	vadd.f32 v9, v10;
	_ =	sdelay $0x1  }
0x403: {  	v10 =	vmul.f32 $2.000000030e-01, v9  }
0x404: {  	vm1 =	vge.f32 v9, $0.0e+00  }
0x405: {  	v9 =	vsel vm1, v9, v10  }
0x406: {  	v9 =	vmul.f32 $1.442695020e+00, v9;
	_ =	sdelay $0x1  }
0x407: {  	v10 =	vmov s2;
	(erf) = vpow2.f32 v9;
	_ =	sdelay $0x2  }
0x408: {  	s21 =	simm.s32 $0x5700  }
0x409: {  	v11 =	vld [tilespmem:s21+$0x70]  }
0x40a: {  	v9 =	vld.idx.msk [tilespmem:v10+s15+$0x0], $0xffff  }
0x40b: {  	v49 =	vld [tilespmem:s21+$0x60]  }
0x40c: {  	v10 =	vld [tilespmem:s21+$0x80]  }
0x40d: {  	v51 =	vld [tilespmem:s21+$0x50]  }
0x40e: {  	v52 =	vld [tilespmem:s21+$0x40];
	v50 =	vpop (erf)  }
0x40f: {  	v53 =	vld [tilespmem:s21+$0x30];
	v9 =	vmul.f32 v50, v9  }
0x410: {  	v54 =	vld [tilespmem:s21+$0x20]  }
0x411: {  	v55 =	vld [tilespmem:s21+$0x10];
	v10 =	vmul.f32 v10, v9  }
0x412: {  	v56 =	vld [tilespmem:s21+$0xFFFFFFE0];
	v11 =	vmul.f32 v11, v9  }
0x413: {  	v12 =	vmul.f32 v49, v9;
	[tilespmem:s21+$0x80] =	vst v10;
	v10 =	vld [tilespmem:s21+$0x0]  }
0x414: {  	v57 =	vld [tilespmem:s21+$0xFFFFFFD0];
	v14 =	vmul.f32 v51, v9;
	[tilespmem:s21+$0x70] =	vst v11  }
0x415: {  	v59 =	vld [tilespmem:s21+$0xFFFFFFB0];
	v13 =	vmul.f32 v52, v9;
	[tilespmem:s21+$0x60] =	vst v12  }
0x416: {  	v15 =	vmul.f32 v53, v9;
	v11 =	vld [tilespmem:s21+$0xFFFFFFF0];
	[tilespmem:s21+$0x50] =	vst v14  }
0x417: {  	v60 =	vld [tilespmem:s21+$0xFFFFFFA0];
	v16 =	vmul.f32 v54, v9;
	[tilespmem:s21+$0x40] =	vst v13  }
0x418: {  	v58 =	vld [tilespmem:s21+$0xFFFFFFC0];
	[tilespmem:s21+$0x30] =	vst v15;
	v10 =	vmul.f32 v10, v9  }
0x419: {  	v61 =	vld [tilespmem:s21+$0xFFFFFF90];
	v17 =	vmul.f32 v55, v9;
	[tilespmem:s21+$0x20] =	vst v16  }
0x41a: {  	v62 =	vmul.f32 v59, v9;
	[tilespmem:s21+$0x0] =	vst v10;
	v10 =	vld [tilespmem:s21+$0xFFFFFF80]  }
0x41b: {  	[tilespmem:s21+$0x10] =	vst v17;
	v11 =	vmul.f32 v11, v9  }
0x41c: {  	v63 =	vmul.f32 v9, v60;
	[tilespmem:s21+$0xFFFFFFB0] =	vst v62  }
0x41d: {  	[tilespmem:s21+$0xFFFFFFF0] =	vst v11;
	v11 =	vmul.f32 v58, v9  }
0x41e: {  	v12 =	vmul.f32 v56, v9;
	v14 =	vmul.f32 v57, v9;
	[tilespmem:s21+$0xFFFFFFA0] =	vst v63  }
0x41f: {  	[tilespmem:s21+$0xFFFFFFC0] =	vst v11;
	v11 =	vmul.f32 v9, v61;
	v9 =	vmul.f32 v9, v10  }
0x420: {  	s22 =	simm.s32 $0x1;
	[tilespmem:s21+$0xFFFFFFE0] =	vst v12  }
0x421: {  	[tilespmem:s21+$0xFFFFFF80] =	vst v9;
	v9 =	vmov s22  }
0x422: {  	[tilespmem:s21+$0xFFFFFFD0] =	vst v14  }
0x423: {  	s12 =	simm.s32 $0xE90;
	[tilespmem:s21+$0xFFFFFF90] =	vst v11  }
0x424: {  	s11 =	simm.s32 $0x690;
	v10 =	vld [tilespmem:s12+$0x0]  }
0x425: {  	s2 =	simm.s32 $0x2;
	v11 =	vld [tilespmem:s11+$0x0]  }
.LBB2_13:
0x426: {  	p2 =	sne.s32 s2, $0x3F;
	v9 =	vld.idx.msk [tilespmem:v9+s15+$0x0], $0xffff;
	_ =	sdelay $0x3  }
0x427: {  	v10 =	vadd.f32 v10, v11;
	_ =	sdelay $0x1  }
0x428: {  	v11 =	vmul.f32 $2.000000030e-01, v10  }
0x429: {  	vm1 =	vge.f32 v10, $0.0e+00  }
0x42a: {  	v10 =	vsel vm1, v10, v11  }
0x42b: {  	s21 =	sadd.s32 $0x110, s21;
	v10 =	vmul.f32 $1.442695020e+00, v10  }
0x42c: {  	v11 =	vld [tilespmem:s21+$0xFFFFFFF0]  }
0x42d: {  	v12 =	vld [tilespmem:s21+$0x80];
	(erf) = vpow2.f32 v10  }
0x42e: {  	v10 =	vld [tilespmem:s21+$0x70]  }
0x42f: {  	v13 =	vld [tilespmem:s21+$0x60]  }
0x430: {  	v14 =	vld [tilespmem:s21+$0x50]  }
0x431: {  	v15 =	vld [tilespmem:s21+$0x40]  }
0x432: {  	v16 =	vld [tilespmem:s21+$0x30]  }
0x433: {  	v17 =	vld [tilespmem:s21+$0x20]  }
0x434: {  	v18 =	vld [tilespmem:s21+$0x10]  }
0x435: {  	v19 =	vld [tilespmem:s21+$0x0]  }
0x436: {  	v20 =	vld [tilespmem:s21+$0xFFFFFFE0];
	v21 =	vpop (erf)  }
0x437: {  	v9 =	vmul.f32 v21, v9;
	v21 =	vld [tilespmem:s21+$0xFFFFFFD0]  }
0x438: {  	v22 =	vld [tilespmem:s21+$0xFFFFFFC0]  }
0x439: {  	v23 =	vld [tilespmem:s21+$0xFFFFFFB0];
	v10 =	vmul.f32 v10, v9;
	v12 =	vmul.f32 v12, v9  }
0x43a: {  	v14 =	vmul.f32 v14, v9;
	v13 =	vmul.f32 v13, v9;
	v24 =	vld [tilespmem:s21+$0xFFFFFFA0]  }
0x43b: {  	v16 =	vmul.f32 v16, v9;
	v15 =	vmul.f32 v15, v9;
	v25 =	vld [tilespmem:s21+$0xFFFFFF90];
	[tilespmem:s21+$0x80] =	vst v12  }
0x43c: {  	v18 =	vmul.f32 v18, v9;
	v17 =	vmul.f32 v17, v9;
	v12 =	vld [tilespmem:s21+$0xFFFFFF80];
	[tilespmem:s21+$0x70] =	vst v10  }
0x43d: {  	v10 =	vmul.f32 v11, v9;
	v11 =	vmul.f32 v19, v9;
	[tilespmem:s21+$0x60] =	vst v13  }
0x43e: {  	v19 =	vmul.f32 v20, v9;
	v13 =	vmul.f32 v21, v9;
	[tilespmem:s21+$0x50] =	vst v14  }
0x43f: {  	v20 =	vmul.f32 v22, v9;
	v14 =	vmul.f32 v23, v9;
	[tilespmem:s21+$0x40] =	vst v15  }
0x440: {  	v21 =	vmul.f32 v9, v24;
	v15 =	vmul.f32 v9, v25;
	[tilespmem:s21+$0x30] =	vst v16  }
0x441: {  	v12 =	vmul.f32 v9, v12;
	[tilespmem:s21+$0x20] =	vst v17  }
0x442: {  	[tilespmem:s21+$0x10] =	vst v18  }
0x443: {  	[tilespmem:s21+$0x0] =	vst v11  }
0x444: {  	[tilespmem:s21+$0xFFFFFFF0] =	vst v10  }
0x445: {  	[tilespmem:s21+$0xFFFFFFE0] =	vst v19  }
0x446: {  	[tilespmem:s21+$0xFFFFFFD0] =	vst v13  }
0x447: {  	[tilespmem:s21+$0xFFFFFFC0] =	vst v20  }
0x448: {  	[tilespmem:s21+$0xFFFFFFB0] =	vst v14  }
.Ltmp11:
0x449: {  	v9 =	vmov s2;
	[tilespmem:s21+$0xFFFFFFA0] =	vst v21;
	(pc) =	sbr.rel @p2 .LBB2_13-.Ltmp11, $4  }
0x44a: {  	[tilespmem:s21+$0xFFFFFF90] =	vst v15  }
0x44b: {  	s12 =	sadd.s32 $0x10, s12;
	[tilespmem:s21+$0xFFFFFF80] =	vst v12  }
0x44c: {  	s11 =	sadd.s32 $0x10, s11;
	v10 =	vld [tilespmem:s12+$0x0]  }
0x44d: {  	s2 =	sadd.s32 $0x1, s2;
	v11 =	vld [tilespmem:s11+$0x0]  }
0x44e: {  	_ =	sdelay $0x3  }
0x44f: {  	v10 =	vadd.f32 v10, v11;
	_ =	sdelay $0x1  }
0x450: {  	v11 =	vmul.f32 $2.000000030e-01, v10  }
0x451: {  	vm1 =	vge.f32 v10, $0.0e+00  }
0x452: {  	v10 =	vsel vm1, v10, v11  }
0x453: {  	v10 =	vmul.f32 $1.442695020e+00, v10;
	_ =	sdelay $0x1  }
0x454: {  	(erf) = vpow2.f32 v10;
	_ =	sdelay $0x4  }
0x455: {  	v9 =	vld.idx.msk [tilespmem:v9+s15+$0x0], $0xffff  }
0x456: {  	s2 =	sadd.s32 $0x110, s21  }
0x457: {  	v10 =	vld [tilespmem:s2+$0x80]  }
0x458: {  	v11 =	vld [tilespmem:s2+$0x70]  }
0x459: {  	v12 =	vld [tilespmem:s2+$0x60];
	v13 =	vpop (erf)  }
0x45a: {  	v14 =	vld [tilespmem:s2+$0x50];
	v9 =	vmul.f32 v13, v9  }
0x45b: {  	v55 =	vld [tilespmem:s2+$0x40]  }
0x45c: {  	v15 =	vld [tilespmem:s2+$0x30];
	v10 =	vmul.f32 v10, v9  }
0x45d: {  	v16 =	vld [tilespmem:s2+$0x20];
	v11 =	vmul.f32 v11, v9  }
0x45e: {  	v17 =	vld [tilespmem:s2+$0x10];
	v12 =	vmul.f32 v12, v9;
	[tilespmem:s2+$0x80] =	vst v10  }
0x45f: {  	v59 =	vld [tilespmem:s2+$0xFFFFFFB0];
	v14 =	vmul.f32 v14, v9;
	[tilespmem:s2+$0x70] =	vst v11  }
0x460: {  	v13 =	vmul.f32 v55, v9;
	v10 =	vld [tilespmem:s2+$0x0];
	[tilespmem:s2+$0x60] =	vst v12  }
0x461: {  	v60 =	vld [tilespmem:s2+$0xFFFFFFA0];
	v15 =	vmul.f32 v15, v9;
	[tilespmem:s2+$0x50] =	vst v14  }
0x462: {  	v16 =	vmul.f32 v16, v9;
	v11 =	vld [tilespmem:s2+$0xFFFFFFF0];
	[tilespmem:s2+$0x40] =	vst v13  }
0x463: {  	v56 =	vld [tilespmem:s2+$0xFFFFFFE0];
	v17 =	vmul.f32 v17, v9;
	[tilespmem:s2+$0x30] =	vst v15  }
0x464: {  	v58 =	vld [tilespmem:s2+$0xFFFFFFC0];
	v62 =	vmul.f32 v59, v9;
	[tilespmem:s2+$0x20] =	vst v16  }
0x465: {  	v57 =	vld [tilespmem:s2+$0xFFFFFFD0];
	[tilespmem:s2+$0x10] =	vst v17;
	v10 =	vmul.f32 v10, v9  }
0x466: {  	v61 =	vld [tilespmem:s2+$0xFFFFFF90];
	v63 =	vmul.f32 v9, v60;
	[tilespmem:s2+$0xFFFFFFB0] =	vst v62  }
0x467: {  	v11 =	vmul.f32 v11, v9;
	[tilespmem:s2+$0x0] =	vst v10;
	v10 =	vld [tilespmem:s2+$0xFFFFFF80]  }
0x468: {  	v12 =	vmul.f32 v56, v9;
	[tilespmem:s2+$0xFFFFFFA0] =	vst v63  }
0x469: {  	[tilespmem:s2+$0xFFFFFFF0] =	vst v11;
	v11 =	vmul.f32 v58, v9  }
0x46a: {  	v14 =	vmul.f32 v57, v9;
	[tilespmem:s2+$0xFFFFFFE0] =	vst v12  }
0x46b: {  	[tilespmem:s2+$0xFFFFFFC0] =	vst v11;
	v11 =	vmul.f32 v9, v61  }
0x46c: {  	[tilespmem:s2+$0xFFFFFFD0] =	vst v14;
	v9 =	vmul.f32 v9, v10  }
0x46d: {  	s24 =	sadd.s32 $0x1, s24;
	[tilespmem:s2+$0xFFFFFF90] =	vst v11  }
0x46e: {  	s22 =	simm.s32 $0x1C0;
	p2 =	sne.s32 s24, s10;
	[tilespmem:s2+$0xFFFFFF80] =	vst v9  }
0x46f: {  	[spmem:s3] =	stream.indirect.scatter.add.f32 [tilespmem:s29], [sflag:$0x7], $0x110, s22, s16, $0xb8;
	[tilespmem:$0x1F790] =	vst v63  }
.Ltmp12:
0x470: {  	_ = 	snop;
	(pc) =	sbr.rel @p2 .LBB2_10-.Ltmp12, $4  }
.Ltmp13:
0x471: {  	_ = 	snop;
	(pc) =	sbr.rel @!p2 .LBB2_15-.Ltmp13, $4  }
0x472: {  	_ =	swait.ge [sflag:s28], $0x4400  }
0x473: {  	[sflag:s28] =	ssyncset.done $0x0  }
0x474: {  	[sflag:s28] =	ssyncadd.s32 $0xFFFFBC00  }
0x475: {  	_ = 	snop  }
.LBB2_17:
0x476: {  	_ =	sfence.sel $0x180000  }
0x477: {  	[bflag:$0x0] =	sbarrier.arrive $0xFFFF  }
0x478: {  	_ =	strace $0x90000047  }
0x479: {  	s0 =	stileid.u32;
	[bflag:$0x2] =	sbarrier.arrive $0xFFFF  }
0x47a: {  	p0 =	sne.s32 s0, $0x0;
	s0 =	rddreg [dreg:$0x4]  }
0x47b: {  	s0 =	sadd.s32 @!p0 $0x100000, s0  }
0x47c: {  	[sflag:s0] =	ssyncadd.tile.s32 @!p0 $0x1;
	_ =	shalt  }
.Lfunc_end2:
_tile_overlayer_lowered:
.L_overlay_start_2:
0x47d: {  	(tag) =	ssettag $0x2  }
0x47e: {  	s0 =	rddreg [dreg:$0x0];
	s2 =	stileid.u32  }
0x47f: {  	s1 =	rddreg [dreg:$0x1];
	p0 =	sne.s32 s2, $0x0  }
0x480: {  	s3 =	rddreg [dreg:$0x2];
	[bflag:$0x3] =	sbarrier.arrive $0xFFFF;
	s2 =	simm.s32 @!p0 $0x1C07  }
0x481: {  	[timem:s3], [sflag:s2] =	dma.local @!p0 [hbm:s0], s1  }
0x482: {  	s0 =	simm.s32 @!p0 $0x7  }
0x483: {  	_ =	swait.ge @!p0 [sflag:s0], s1  }
0x484: {  	s1 =	ssub.s32 @!p0 $0x0, s1;
	[sflag:s0] =	ssyncset.done @!p0 $0x0  }
0x485: {  	[sflag:s0] =	ssyncadd.s32 @!p0 s1  }
0x486: {  	[bflag:$0x3] =	sbarrier.arrive $0xFFFF  }
0x487: {  	_ =	shalt  }

</sc_bundles>
